<compile_context>
chip_gen: v7x
topology: tpu7x:2x2x1
jax: 0.10.2.dev20260603
libtpu: 0.0.44.dev20260713+nightly
codegen_flags: <defaults>
</compile_context>

<pallas_src>
import functools

import jax
import jax.numpy as jnp
from jax import lax
from jax.experimental import pallas as pl
from jax.experimental.pallas import tpu as pltpu
from jax.experimental.pallas import tpu_sc as plsc

_N = 10000
_D = 128
_E = 320000
_L = 3

_NP = 10112
_NW = 32
_CH = 64
_RB = 5
_NCH = 160
_EPW = _CH * _NCH
_EP = _NW * _EPW
_NG = _NCH // _RB
_RPT = _NP // 16

_mesh = plsc.VectorSubcoreMesh(core_axis_name="c", subcore_axis_name="s")


@functools.partial(
    pl.kernel,
    mesh=_mesh,
    out_type=[jax.ShapeDtypeStruct((_NP, _D), jnp.float32),
              jax.ShapeDtypeStruct((_NP, _D), jnp.float32)],
    scratch_types=[
        pltpu.VMEM_SHARED((_NP, _D), jnp.float32),
    ]
    + [pltpu.VMEM((1, _CH), jnp.int32)] * _RB
    + [pltpu.VMEM((1, _CH), jnp.int32)] * _RB
    + [pltpu.VMEM((_CH, _D), jnp.float32)] * _RB
    + [pltpu.SemaphoreType.DMA] * (4 * _RB),
)
def _segsum(h_hbm, src_hbm, dst_hbm, zeros_hbm, out0_hbm, out1_hbm,
            acc, *bufs_and_sems):
    srcb = bufs_and_sems[0 * _RB:1 * _RB]
    dstb = bufs_and_sems[1 * _RB:2 * _RB]
    rows = bufs_and_sems[2 * _RB:3 * _RB]
    isem = bufs_and_sems[3 * _RB:4 * _RB]
    dsem = bufs_and_sems[4 * _RB:5 * _RB]
    gsem = bufs_and_sems[5 * _RB:6 * _RB]
    ssem = bufs_and_sems[6 * _RB:]
    c = lax.axis_index("c")
    s = lax.axis_index("s")
    base = (c * 16 + s) * _NCH

    def fire_src(j, b):
        pltpu.async_copy(src_hbm.at[pl.ds(base + j, 1)], srcb[b], isem[b])

    def fire_dst(j, b):
        pltpu.async_copy(dst_hbm.at[pl.ds(base + j, 1)], dstb[b], dsem[b])

    for b in range(_RB):
        fire_src(b, b)
        fire_dst(b, b)
    pltpu.sync_copy(zeros_hbm.at[pl.ds(s * _RPT, _RPT)],
                    acc.at[pl.ds(s * _RPT, _RPT)])
    plsc.subcore_barrier()

    def round_body(g, carry):
        gat = []
        for b in range(_RB):
            j = g * _RB + b

            def _drain(b=b, j=j):
                pltpu.make_async_copy(rows[b], acc.at[dstb[b].at[0]],
                                      ssem[b]).wait()
                fire_dst(j, b)

            pl.when(g > 0)(_drain)
            pltpu.make_async_copy(src_hbm.at[pl.ds(base + j, 1)], srcb[b],
                                  isem[b]).wait()
            gat.append(pltpu.async_copy(h_hbm.at[srcb[b].at[0]], rows[b],
                                        gsem[b]))
        for b in range(_RB):
            j = g * _RB + b
            gat[b].wait()
            pltpu.make_async_copy(dst_hbm.at[pl.ds(base + j, 1)], dstb[b],
                                  dsem[b]).wait()
            pltpu.async_copy(rows[b], acc.at[dstb[b].at[0]], ssem[b],
                             add=True)

            def _fire(b=b):
                fire_src((g + 1) * _RB + b, b)

            pl.when(g + 1 < _NG)(_fire)
        return carry

    lax.fori_loop(0, _NG, round_body, 0)
    for b in range(_RB):
        pltpu.make_async_copy(rows[b], acc.at[dstb[b].at[0]], ssem[b]).wait()

    plsc.subcore_barrier()

    def _wb0():
        pltpu.sync_copy(acc.at[pl.ds(s * _RPT, _RPT)],
                        out0_hbm.at[pl.ds(s * _RPT, _RPT)])

    def _wb1():
        pltpu.sync_copy(acc.at[pl.ds(s * _RPT, _RPT)],
                        out1_hbm.at[pl.ds(s * _RPT, _RPT)])

    pl.when(c == 0)(_wb0)
    pl.when(c == 1)(_wb1)


_BLK = 1264


def _gru_body(g0_ref, g1_ref, h_ref, w_ref, wz_ref, uz_ref, wr_ref, ur_ref,
              wh_ref, uh_ref, out_ref):
    f32 = jnp.float32
    g = g0_ref[...] + g1_ref[...]
    h = h_ref[...]
    agg = jnp.dot(g, w_ref[...], preferred_element_type=f32)
    z = jax.nn.sigmoid(jnp.dot(agg, wz_ref[...], preferred_element_type=f32)
                       + jnp.dot(h, uz_ref[...], preferred_element_type=f32))
    r = jax.nn.sigmoid(jnp.dot(agg, wr_ref[...], preferred_element_type=f32)
                       + jnp.dot(h, ur_ref[...], preferred_element_type=f32))
    hh = jnp.tanh(jnp.dot(agg, wh_ref[...], preferred_element_type=f32)
                  + jnp.dot(r * h, uh_ref[...], preferred_element_type=f32))
    out_ref[...] = (1.0 - z) * h + z * hh


def _gru_cat_body(x_ref, g0_ref, g1_ref, h_ref, w_ref, wz_ref, uz_ref,
                  wr_ref, ur_ref, wh_ref, uh_ref, out_ref):
    f32 = jnp.float32
    g = g0_ref[...] + g1_ref[...]
    h = h_ref[...]
    agg = jnp.dot(g, w_ref[...], preferred_element_type=f32)
    z = jax.nn.sigmoid(jnp.dot(agg, wz_ref[...], preferred_element_type=f32)
                       + jnp.dot(h, uz_ref[...], preferred_element_type=f32))
    r = jax.nn.sigmoid(jnp.dot(agg, wr_ref[...], preferred_element_type=f32)
                       + jnp.dot(h, ur_ref[...], preferred_element_type=f32))
    hh = jnp.tanh(jnp.dot(agg, wh_ref[...], preferred_element_type=f32)
                  + jnp.dot(r * h, uh_ref[...], preferred_element_type=f32))
    hn = (1.0 - z) * h + z * hh
    out_ref[...] = jnp.concatenate([x_ref[...], hn], axis=-1)


_row_spec = pl.BlockSpec((_BLK, _D), lambda i: (i, 0))
_w_spec = pl.BlockSpec((_D, _D), lambda i: (0, 0))

_gru = pl.pallas_call(
    _gru_body,
    grid=(_NP // _BLK,),
    in_specs=[_row_spec, _row_spec, _row_spec] + [_w_spec] * 7,
    out_specs=_row_spec,
    out_shape=jax.ShapeDtypeStruct((_NP, _D), jnp.float32),
)

_FBLK = 1000

_frow_spec = pl.BlockSpec((_FBLK, _D), lambda i: (i, 0))

_gru_cat = pl.pallas_call(
    _gru_cat_body,
    grid=(_N // _FBLK,),
    in_specs=[_frow_spec] * 4 + [_w_spec] * 7,
    out_specs=pl.BlockSpec((_FBLK, 2 * _D), lambda i: (i, 0)),
    out_shape=jax.ShapeDtypeStruct((_N, 2 * _D), jnp.float32),
)


def kernel(x, W, Wz, Uz, Wr, Ur, Wh, Uh, edge_index):
    pad_src = jnp.arange(_EP - _E, dtype=jnp.int32) * 13 % _N
    pad_dst = _N + jnp.arange(_EP - _E, dtype=jnp.int32) % (_NP - _N)
    src = jnp.concatenate([edge_index[0].astype(jnp.int32), pad_src]
                          ).reshape(_EP // _CH, _CH)
    dst = jnp.concatenate([edge_index[1].astype(jnp.int32), pad_dst]
                          ).reshape(_EP // _CH, _CH)
    zeros = jnp.zeros((_NP, _D), jnp.float32)
    h = jnp.pad(x, ((0, _NP - _N), (0, 0)))
    for l in range(_L - 1):
        g0, g1 = _segsum(h, src, dst, zeros)
        h = _gru(g0, g1, h, W[l], Wz, Uz, Wr, Ur, Wh, Uh)
    g0, g1 = _segsum(h, src, dst, zeros)
    return _gru_cat(x, g0, g1, h, W[_L - 1], Wz, Uz, Wr, Ur, Wh, Uh)

# --- scband reference (transcript-rebuilt; emitter-appended) ---
"""Pipeline reference for scband-trace-graph-conv-22058952032947 (READ-ONLY COPY).

The authoritative reference and input builder live on the scoring server;
editing this copy changes nothing except your own understanding.
"""

import jax, jax.numpy as jnp
import numpy as np

N = 10000
D = 128
E = 320000
L = 3


def setup_inputs(seed: int = 0) -> dict:
    key = jax.random.key(seed)
    ks = jax.random.split(key, 10)
    x = jax.random.normal(ks[0], (N, D), dtype=jnp.float32)
    edge_index = jax.random.randint(ks[1], (2, E), 0, N)
    # per-layer message weights (GGCN propagation matrices)
    W = jax.random.normal(ks[2], (L, D, D), dtype=jnp.float32) * 0.05
    # shared GRU update-cell weights (as in Gated Graph Conv)
    Wz = jax.random.normal(ks[3], (D, D), dtype=jnp.float32) * 0.05
    Uz = jax.random.normal(ks[4], (D, D), dtype=jnp.float32) * 0.05
    Wr = jax.random.normal(ks[5], (D, D), dtype=jnp.float32) * 0.05
    Ur = jax.random.normal(ks[6], (D, D), dtype=jnp.float32) * 0.05
    Wh = jax.random.normal(ks[7], (D, D), dtype=jnp.float32) * 0.05
    Uh = jax.random.normal(ks[8], (D, D), dtype=jnp.float32) * 0.05
    return {"x": x, "W": W, "Wz": Wz, "Uz": Uz, "Wr": Wr, "Ur": Ur,
            "Wh": Wh, "Uh": Uh, "edge_index": edge_index}


def reference(x, W, Wz, Uz, Wr, Ur, Wh, Uh, edge_index):
    # Core of TraceGraphConv: flattened program+trace vertices run through a
    # GGCN (gated graph conv) over the trace-graph edges, then the updated
    # vertex states are concatenated with the original embeddings (out dim 2*D).
    src = edge_index[0]
    dst = edge_index[1]
    h = x
    for l in range(L):
        msg = jnp.take(h, src, axis=0) @ W[l]           # gather + transform
        agg = jax.ops.segment_sum(msg, dst, num_segments=N)  # scatter-add
        z = jax.nn.sigmoid(agg @ Wz + h @ Uz)
        r = jax.nn.sigmoid(agg @ Wr + h @ Ur)
        hh = jnp.tanh(agg @ Wh + (r * h) @ Uh)
        h = (1.0 - z) * h + z * hh
    out = jnp.concatenate([x, h], axis=-1)
    return out

if __name__ == "__main__":
    import jax
    _d = setup_inputs()
    print(jax.jit(kernel)(*tuple(_d.values())))

</pallas_src>

<mosaic_0001>
#map = affine_map<(d0, d1) -> (0, 0)>
module attributes {stable_mosaic.version = 14 : i64} {
  func.func @_segsum(%arg0: i32, %arg1: i32, %arg2: memref<10112x128xf32, #tpu.memory_space<hbm>>, %arg3: memref<5120x64xi32, #tpu.memory_space<hbm>>, %arg4: memref<5120x64xi32, #tpu.memory_space<hbm>>, %arg5: memref<10112x128xf32, #tpu.memory_space<hbm>>, %arg6: memref<10112x128xf32, #tpu.memory_space<hbm>>, %arg7: memref<10112x128xf32, #tpu.memory_space<hbm>>, %arg8: memref<10112x128xf32, #tpu.memory_space<vmem_shared>>, %arg9: memref<1x64xi32, #tpu.memory_space<vmem>>, %arg10: memref<1x64xi32, #tpu.memory_space<vmem>>, %arg11: memref<1x64xi32, #tpu.memory_space<vmem>>, %arg12: memref<1x64xi32, #tpu.memory_space<vmem>>, %arg13: memref<1x64xi32, #tpu.memory_space<vmem>>, %arg14: memref<1x64xi32, #tpu.memory_space<vmem>>, %arg15: memref<1x64xi32, #tpu.memory_space<vmem>>, %arg16: memref<1x64xi32, #tpu.memory_space<vmem>>, %arg17: memref<1x64xi32, #tpu.memory_space<vmem>>, %arg18: memref<1x64xi32, #tpu.memory_space<vmem>>, %arg19: memref<64x128xf32, #tpu.memory_space<vmem>>, %arg20: memref<64x128xf32, #tpu.memory_space<vmem>>, %arg21: memref<64x128xf32, #tpu.memory_space<vmem>>, %arg22: memref<64x128xf32, #tpu.memory_space<vmem>>, %arg23: memref<64x128xf32, #tpu.memory_space<vmem>>, %arg24: memref<!tpu.dma_semaphore, #tpu.memory_space<semaphore_mem>>, %arg25: memref<!tpu.dma_semaphore, #tpu.memory_space<semaphore_mem>>, %arg26: memref<!tpu.dma_semaphore, #tpu.memory_space<semaphore_mem>>, %arg27: memref<!tpu.dma_semaphore, #tpu.memory_space<semaphore_mem>>, %arg28: memref<!tpu.dma_semaphore, #tpu.memory_space<semaphore_mem>>, %arg29: memref<!tpu.dma_semaphore, #tpu.memory_space<semaphore_mem>>, %arg30: memref<!tpu.dma_semaphore, #tpu.memory_space<semaphore_mem>>, %arg31: memref<!tpu.dma_semaphore, #tpu.memory_space<semaphore_mem>>, %arg32: memref<!tpu.dma_semaphore, #tpu.memory_space<semaphore_mem>>, %arg33: memref<!tpu.dma_semaphore, #tpu.memory_space<semaphore_mem>>, %arg34: memref<!tpu.dma_semaphore, #tpu.memory_space<semaphore_mem>>, %arg35: memref<!tpu.dma_semaphore, #tpu.memory_space<semaphore_mem>>, %arg36: memref<!tpu.dma_semaphore, #tpu.memory_space<semaphore_mem>>, %arg37: memref<!tpu.dma_semaphore, #tpu.memory_space<semaphore_mem>>, %arg38: memref<!tpu.dma_semaphore, #tpu.memory_space<semaphore_mem>>, %arg39: memref<!tpu.dma_semaphore, #tpu.memory_space<semaphore_mem>>, %arg40: memref<!tpu.dma_semaphore, #tpu.memory_space<semaphore_mem>>, %arg41: memref<!tpu.dma_semaphore, #tpu.memory_space<semaphore_mem>>, %arg42: memref<!tpu.dma_semaphore, #tpu.memory_space<semaphore_mem>>, %arg43: memref<!tpu.dma_semaphore, #tpu.memory_space<semaphore_mem>>) attributes {dimension_semantics = [#tpu.dimension_semantics<core_parallel>, #tpu.dimension_semantics<subcore_parallel>], iteration_bounds = array<i64: 2, 16>, scalar_prefetch = 0 : i64, scratch_operands = 36 : i64, tpu.core_type = #tpu.core_type<sc_vector_subcore>, window_params = [{transform_indices = #map}, {transform_indices = #map}, {transform_indices = #map}, {transform_indices = #map}, {transform_indices = #map}, {transform_indices = #map}]} {
    %mul3A = arith.constant 16 : i32
    %mul3A_0 = arith.muli %arg0, %mul3A : i32
    %add3A = arith.addi %mul3A_0, %arg1 : i32
    %mul3A_1 = arith.constant 160 : i32
    %mul3A_2 = arith.muli %add3A, %mul3A_1 : i32
    %add3A_3 = arith.constant 0 : i32
    %add3A_4 = arith.addi %mul3A_2, %add3A_3 : i32
    %dma_start3A = arith.constant 0 : i32
    %dma_start3A_5 = tpu.memref_slice %arg3[%add3A_4, %dma_start3A] : memref<5120x64xi32, #tpu.memory_space<hbm>> -> memref<1x64xi32, #tpu.memory_space<hbm>>
    %dma_start3A_6 = arith.constant 0 : i32
    %dma_start3A_7 = tpu.memref_slice %arg3[%add3A_4, %dma_start3A_6] : memref<5120x64xi32, #tpu.memory_space<hbm>> -> memref<1x64xi32, #tpu.memory_space<hbm>>
    tpu.enqueue_dma source(%dma_start3A_7 : memref<1x64xi32, #tpu.memory_space<hbm>>) target(%arg9 : memref<1x64xi32, #tpu.memory_space<vmem>>) target_semaphore(%arg24 : memref<!tpu.dma_semaphore, #tpu.memory_space<semaphore_mem>>)
    %add3A_8 = arith.constant 0 : i32
    %add3A_9 = arith.addi %mul3A_2, %add3A_8 : i32
    %dma_start3A_10 = arith.constant 0 : i32
    %dma_start3A_11 = tpu.memref_slice %arg4[%add3A_9, %dma_start3A_10] : memref<5120x64xi32, #tpu.memory_space<hbm>> -> memref<1x64xi32, #tpu.memory_space<hbm>>
    %dma_start3A_12 = arith.constant 0 : i32
    %dma_start3A_13 = tpu.memref_slice %arg4[%add3A_9, %dma_start3A_12] : memref<5120x64xi32, #tpu.memory_space<hbm>> -> memref<1x64xi32, #tpu.memory_space<hbm>>
    tpu.enqueue_dma source(%dma_start3A_13 : memref<1x64xi32, #tpu.memory_space<hbm>>) target(%arg14 : memref<1x64xi32, #tpu.memory_space<vmem>>) target_semaphore(%arg29 : memref<!tpu.dma_semaphore, #tpu.memory_space<semaphore_mem>>)
    %add3A_14 = arith.constant 1 : i32
    %add3A_15 = arith.addi %mul3A_2, %add3A_14 : i32
    %dma_start3A_16 = arith.constant 0 : i32
    %dma_start3A_17 = tpu.memref_slice %arg3[%add3A_15, %dma_start3A_16] : memref<5120x64xi32, #tpu.memory_space<hbm>> -> memref<1x64xi32, #tpu.memory_space<hbm>>
    %dma_start3A_18 = arith.constant 0 : i32
    %dma_start3A_19 = tpu.memref_slice %arg3[%add3A_15, %dma_start3A_18] : memref<5120x64xi32, #tpu.memory_space<hbm>> -> memref<1x64xi32, #tpu.memory_space<hbm>>
    tpu.enqueue_dma source(%dma_start3A_19 : memref<1x64xi32, #tpu.memory_space<hbm>>) target(%arg10 : memref<1x64xi32, #tpu.memory_space<vmem>>) target_semaphore(%arg25 : memref<!tpu.dma_semaphore, #tpu.memory_space<semaphore_mem>>)
    %add3A_20 = arith.constant 1 : i32
    %add3A_21 = arith.addi %mul3A_2, %add3A_20 : i32
    %dma_start3A_22 = arith.constant 0 : i32
    %dma_start3A_23 = tpu.memref_slice %arg4[%add3A_21, %dma_start3A_22] : memref<5120x64xi32, #tpu.memory_space<hbm>> -> memref<1x64xi32, #tpu.memory_space<hbm>>
    %dma_start3A_24 = arith.constant 0 : i32
    %dma_start3A_25 = tpu.memref_slice %arg4[%add3A_21, %dma_start3A_24] : memref<5120x64xi32, #tpu.memory_space<hbm>> -> memref<1x64xi32, #tpu.memory_space<hbm>>
    tpu.enqueue_dma source(%dma_start3A_25 : memref<1x64xi32, #tpu.memory_space<hbm>>) target(%arg15 : memref<1x64xi32, #tpu.memory_space<vmem>>) target_semaphore(%arg30 : memref<!tpu.dma_semaphore, #tpu.memory_space<semaphore_mem>>)
    %add3A_26 = arith.constant 2 : i32
    %add3A_27 = arith.addi %mul3A_2, %add3A_26 : i32
    %dma_start3A_28 = arith.constant 0 : i32
    %dma_start3A_29 = tpu.memref_slice %arg3[%add3A_27, %dma_start3A_28] : memref<5120x64xi32, #tpu.memory_space<hbm>> -> memref<1x64xi32, #tpu.memory_space<hbm>>
    %dma_start3A_30 = arith.constant 0 : i32
    %dma_start3A_31 = tpu.memref_slice %arg3[%add3A_27, %dma_start3A_30] : memref<5120x64xi32, #tpu.memory_space<hbm>> -> memref<1x64xi32, #tpu.memory_space<hbm>>
    tpu.enqueue_dma source(%dma_start3A_31 : memref<1x64xi32, #tpu.memory_space<hbm>>) target(%arg11 : memref<1x64xi32, #tpu.memory_space<vmem>>) target_semaphore(%arg26 : memref<!tpu.dma_semaphore, #tpu.memory_space<semaphore_mem>>)
    %add3A_32 = arith.constant 2 : i32
    %add3A_33 = arith.addi %mul3A_2, %add3A_32 : i32
    %dma_start3A_34 = arith.constant 0 : i32
    %dma_start3A_35 = tpu.memref_slice %arg4[%add3A_33, %dma_start3A_34] : memref<5120x64xi32, #tpu.memory_space<hbm>> -> memref<1x64xi32, #tpu.memory_space<hbm>>
    %dma_start3A_36 = arith.constant 0 : i32
    %dma_start3A_37 = tpu.memref_slice %arg4[%add3A_33, %dma_start3A_36] : memref<5120x64xi32, #tpu.memory_space<hbm>> -> memref<1x64xi32, #tpu.memory_space<hbm>>
    tpu.enqueue_dma source(%dma_start3A_37 : memref<1x64xi32, #tpu.memory_space<hbm>>) target(%arg16 : memref<1x64xi32, #tpu.memory_space<vmem>>) target_semaphore(%arg31 : memref<!tpu.dma_semaphore, #tpu.memory_space<semaphore_mem>>)
    %add3A_38 = arith.constant 3 : i32
    %add3A_39 = arith.addi %mul3A_2, %add3A_38 : i32
    %dma_start3A_40 = arith.constant 0 : i32
    %dma_start3A_41 = tpu.memref_slice %arg3[%add3A_39, %dma_start3A_40] : memref<5120x64xi32, #tpu.memory_space<hbm>> -> memref<1x64xi32, #tpu.memory_space<hbm>>
    %dma_start3A_42 = arith.constant 0 : i32
    %dma_start3A_43 = tpu.memref_slice %arg3[%add3A_39, %dma_start3A_42] : memref<5120x64xi32, #tpu.memory_space<hbm>> -> memref<1x64xi32, #tpu.memory_space<hbm>>
    tpu.enqueue_dma source(%dma_start3A_43 : memref<1x64xi32, #tpu.memory_space<hbm>>) target(%arg12 : memref<1x64xi32, #tpu.memory_space<vmem>>) target_semaphore(%arg27 : memref<!tpu.dma_semaphore, #tpu.memory_space<semaphore_mem>>)
    %add3A_44 = arith.constant 3 : i32
    %add3A_45 = arith.addi %mul3A_2, %add3A_44 : i32
    %dma_start3A_46 = arith.constant 0 : i32
    %dma_start3A_47 = tpu.memref_slice %arg4[%add3A_45, %dma_start3A_46] : memref<5120x64xi32, #tpu.memory_space<hbm>> -> memref<1x64xi32, #tpu.memory_space<hbm>>
    %dma_start3A_48 = arith.constant 0 : i32
    %dma_start3A_49 = tpu.memref_slice %arg4[%add3A_45, %dma_start3A_48] : memref<5120x64xi32, #tpu.memory_space<hbm>> -> memref<1x64xi32, #tpu.memory_space<hbm>>
    tpu.enqueue_dma source(%dma_start3A_49 : memref<1x64xi32, #tpu.memory_space<hbm>>) target(%arg17 : memref<1x64xi32, #tpu.memory_space<vmem>>) target_semaphore(%arg32 : memref<!tpu.dma_semaphore, #tpu.memory_space<semaphore_mem>>)
    %add3A_50 = arith.constant 4 : i32
    %add3A_51 = arith.addi %mul3A_2, %add3A_50 : i32
    %dma_start3A_52 = arith.constant 0 : i32
    %dma_start3A_53 = tpu.memref_slice %arg3[%add3A_51, %dma_start3A_52] : memref<5120x64xi32, #tpu.memory_space<hbm>> -> memref<1x64xi32, #tpu.memory_space<hbm>>
    %dma_start3A_54 = arith.constant 0 : i32
    %dma_start3A_55 = tpu.memref_slice %arg3[%add3A_51, %dma_start3A_54] : memref<5120x64xi32, #tpu.memory_space<hbm>> -> memref<1x64xi32, #tpu.memory_space<hbm>>
    tpu.enqueue_dma source(%dma_start3A_55 : memref<1x64xi32, #tpu.memory_space<hbm>>) target(%arg13 : memref<1x64xi32, #tpu.memory_space<vmem>>) target_semaphore(%arg28 : memref<!tpu.dma_semaphore, #tpu.memory_space<semaphore_mem>>)
    %add3A_56 = arith.constant 4 : i32
    %add3A_57 = arith.addi %mul3A_2, %add3A_56 : i32
    %dma_start3A_58 = arith.constant 0 : i32
    %dma_start3A_59 = tpu.memref_slice %arg4[%add3A_57, %dma_start3A_58] : memref<5120x64xi32, #tpu.memory_space<hbm>> -> memref<1x64xi32, #tpu.memory_space<hbm>>
    %dma_start3A_60 = arith.constant 0 : i32
    %dma_start3A_61 = tpu.memref_slice %arg4[%add3A_57, %dma_start3A_60] : memref<5120x64xi32, #tpu.memory_space<hbm>> -> memref<1x64xi32, #tpu.memory_space<hbm>>
    tpu.enqueue_dma source(%dma_start3A_61 : memref<1x64xi32, #tpu.memory_space<hbm>>) target(%arg18 : memref<1x64xi32, #tpu.memory_space<vmem>>) target_semaphore(%arg33 : memref<!tpu.dma_semaphore, #tpu.memory_space<semaphore_mem>>)
    %mul3A_62 = arith.constant 632 : i32
    %mul3A_63 = arith.muli %arg1, %mul3A_62 : i32
    %mul3A_64 = arith.constant 632 : i32
    %mul3A_65 = arith.muli %arg1, %mul3A_64 : i32
    "tpu.region"() ({
      %run_scoped3A = tpu.sem_alloc : memref<!tpu.dma_semaphore, #tpu.memory_space<semaphore_mem>>
      %dma_start3A_113 = arith.constant 0 : i32
      %dma_start3A_114 = tpu.memref_slice %arg8[%mul3A_65, %dma_start3A_113] : memref<10112x128xf32, #tpu.memory_space<vmem_shared>> -> memref<632x128xf32, #tpu.memory_space<vmem_shared>>
      %dma_start3A_115 = arith.constant 0 : i32
      %dma_start3A_116 = tpu.memref_slice %arg5[%mul3A_63, %dma_start3A_115] : memref<10112x128xf32, #tpu.memory_space<hbm>> -> memref<632x128xf32, #tpu.memory_space<hbm>>
      tpu.enqueue_dma source(%dma_start3A_116 : memref<632x128xf32, #tpu.memory_space<hbm>>) target(%dma_start3A_114 : memref<632x128xf32, #tpu.memory_space<vmem_shared>>) target_semaphore(%run_scoped3A : memref<!tpu.dma_semaphore, #tpu.memory_space<semaphore_mem>>)
      %dma_wait3A_117 = arith.constant 0 : i32
      %dma_wait3A_118 = tpu.memref_slice %arg8[%mul3A_65, %dma_wait3A_117] : memref<10112x128xf32, #tpu.memory_space<vmem_shared>> -> memref<632x128xf32, #tpu.memory_space<vmem_shared>>
      %dma_wait3A_119 = arith.constant 0 : i32
      %dma_wait3A_120 = tpu.memref_slice %arg5[%mul3A_63, %dma_wait3A_119] : memref<10112x128xf32, #tpu.memory_space<hbm>> -> memref<632x128xf32, #tpu.memory_space<hbm>>
      tpu.wait_dma2 semaphore(%run_scoped3A : memref<!tpu.dma_semaphore, #tpu.memory_space<semaphore_mem>>) src(%dma_wait3A_120 : memref<632x128xf32, #tpu.memory_space<hbm>>) dst(%dma_wait3A_118 : memref<632x128xf32, #tpu.memory_space<vmem_shared>>)
      tpu.yield
    }) : () -> ()
    %barrier3A = arith.constant 0 : index
    tpu.barrier barrier_id(%barrier3A)
    %scan3A = arith.constant 0 : i32
    %scan3A_66 = arith.constant 0 : i32
    %scan3A_67 = arith.constant 32 : i32
    %scan3A_68 = arith.addi %scan3A_66, %scan3A_67 : i32
    %scan3A_69 = arith.constant 1 : i32
    scf.for %scan3A_113 = %scan3A_66 to %scan3A_68 step %scan3A_69  : i32 {
      %mul3A_114 = arith.constant 5 : i32
      %mul3A_115 = arith.muli %scan3A_113, %mul3A_114 : i32
      %add3A_116 = arith.constant 0 : i32
      %add3A_117 = arith.addi %mul3A_115, %add3A_116 : i32
      %gt3A = arith.constant 0 : i32
      %gt3A_118 = arith.cmpi sgt, %scan3A_113, %gt3A : i32
      %convert_element_type3A_119 = arith.extui %gt3A_118 : i1 to i32
      %cond3A_120 = arith.constant 0 : i32
      %cond3A_121 = arith.cmpi ne, %convert_element_type3A_119, %cond3A_120 : i32
      scf.if %cond3A_121 {
        %dma_wait3A_367 = arith.constant 0 : i32
        %dma_wait3A_368 = arith.constant 0 : i32
        %dma_wait3A_369 = tpu.memref_slice %arg14[%dma_wait3A_367, %dma_wait3A_368] : memref<1x64xi32, #tpu.memory_space<vmem>> -> memref<1x64xi32, #tpu.memory_space<vmem>>
        %dma_wait3A_370 = tpu.memref_squeeze %dma_wait3A_369 : memref<1x64xi32, #tpu.memory_space<vmem>> -> memref<64xi32, #tpu.memory_space<vmem>>
        %dma_wait3A_371 = arith.constant 0 : i32
        %dma_wait3A_372 = arith.constant 0 : i32
        %dma_wait3A_373 = tpu.memref_slice %arg8[%dma_wait3A_371, %dma_wait3A_372] : memref<10112x128xf32, #tpu.memory_space<vmem_shared>> -> memref<10112x128xf32, #tpu.memory_space<vmem_shared>>
        tpu.wait_indirect_dma semaphore(%arg39 : memref<!tpu.dma_semaphore, #tpu.memory_space<semaphore_mem>>) src(%arg19 : memref<64x128xf32, #tpu.memory_space<vmem>>) dst(%dma_wait3A_373 : memref<10112x128xf32, #tpu.memory_space<vmem_shared>>)
        %add3A_374 = arith.addi %mul3A_2, %add3A_117 : i32
        %dma_start3A_375 = arith.constant 0 : i32
        %dma_start3A_376 = tpu.memref_slice %arg4[%add3A_374, %dma_start3A_375] : memref<5120x64xi32, #tpu.memory_space<hbm>> -> memref<1x64xi32, #tpu.memory_space<hbm>>
        %dma_start3A_377 = arith.constant 0 : i32
        %dma_start3A_378 = tpu.memref_slice %arg4[%add3A_374, %dma_start3A_377] : memref<5120x64xi32, #tpu.memory_space<hbm>> -> memref<1x64xi32, #tpu.memory_space<hbm>>
        tpu.enqueue_dma source(%dma_start3A_378 : memref<1x64xi32, #tpu.memory_space<hbm>>) target(%arg14 : memref<1x64xi32, #tpu.memory_space<vmem>>) target_semaphore(%arg29 : memref<!tpu.dma_semaphore, #tpu.memory_space<semaphore_mem>>)
      } else {
      }
      %add3A_122 = arith.addi %mul3A_2, %add3A_117 : i32
      %dma_wait3A_123 = arith.constant 0 : i32
      %dma_wait3A_124 = tpu.memref_slice %arg3[%add3A_122, %dma_wait3A_123] : memref<5120x64xi32, #tpu.memory_space<hbm>> -> memref<1x64xi32, #tpu.memory_space<hbm>>
      %dma_wait3A_125 = arith.constant 0 : i32
      %dma_wait3A_126 = tpu.memref_slice %arg3[%add3A_122, %dma_wait3A_125] : memref<5120x64xi32, #tpu.memory_space<hbm>> -> memref<1x64xi32, #tpu.memory_space<hbm>>
      tpu.wait_dma2 semaphore(%arg24 : memref<!tpu.dma_semaphore, #tpu.memory_space<semaphore_mem>>) src(%dma_wait3A_126 : memref<1x64xi32, #tpu.memory_space<hbm>>) dst(%arg9 : memref<1x64xi32, #tpu.memory_space<vmem>>)
      %dma_start3A_127 = arith.constant 0 : i32
      %dma_start3A_128 = arith.constant 0 : i32
      %dma_start3A_129 = tpu.memref_slice %arg9[%dma_start3A_127, %dma_start3A_128] : memref<1x64xi32, #tpu.memory_space<vmem>> -> memref<1x64xi32, #tpu.memory_space<vmem>>
      %dma_start3A_130 = tpu.memref_squeeze %dma_start3A_129 : memref<1x64xi32, #tpu.memory_space<vmem>> -> memref<64xi32, #tpu.memory_space<vmem>>
      %dma_start3A_131 = arith.constant 0 : i32
      %dma_start3A_132 = arith.constant 0 : i32
      %dma_start3A_133 = tpu.memref_slice %arg2[%dma_start3A_131, %dma_start3A_132] : memref<10112x128xf32, #tpu.memory_space<hbm>> -> memref<10112x128xf32, #tpu.memory_space<hbm>>
      tpu.enqueue_indirect_dma source(%dma_start3A_133 : memref<10112x128xf32, #tpu.memory_space<hbm>>) target(%arg19 : memref<64x128xf32, #tpu.memory_space<vmem>>) offsets(%dma_start3A_130 : memref<64xi32, #tpu.memory_space<vmem>>) semaphore(%arg34 : memref<!tpu.dma_semaphore, #tpu.memory_space<semaphore_mem>>)
      %mul3A_134 = arith.constant 5 : i32
      %mul3A_135 = arith.muli %scan3A_113, %mul3A_134 : i32
      %add3A_136 = arith.constant 1 : i32
      %add3A_137 = arith.addi %mul3A_135, %add3A_136 : i32
      %gt3A_138 = arith.constant 0 : i32
      %gt3A_139 = arith.cmpi sgt, %scan3A_113, %gt3A_138 : i32
      %convert_element_type3A_140 = arith.extui %gt3A_139 : i1 to i32
      %cond3A_141 = arith.constant 0 : i32
      %cond3A_142 = arith.cmpi ne, %convert_element_type3A_140, %cond3A_141 : i32
      scf.if %cond3A_142 {
        %dma_wait3A_367 = arith.constant 0 : i32
        %dma_wait3A_368 = arith.constant 0 : i32
        %dma_wait3A_369 = tpu.memref_slice %arg15[%dma_wait3A_367, %dma_wait3A_368] : memref<1x64xi32, #tpu.memory_space<vmem>> -> memref<1x64xi32, #tpu.memory_space<vmem>>
        %dma_wait3A_370 = tpu.memref_squeeze %dma_wait3A_369 : memref<1x64xi32, #tpu.memory_space<vmem>> -> memref<64xi32, #tpu.memory_space<vmem>>
        %dma_wait3A_371 = arith.constant 0 : i32
        %dma_wait3A_372 = arith.constant 0 : i32
        %dma_wait3A_373 = tpu.memref_slice %arg8[%dma_wait3A_371, %dma_wait3A_372] : memref<10112x128xf32, #tpu.memory_space<vmem_shared>> -> memref<10112x128xf32, #tpu.memory_space<vmem_shared>>
        tpu.wait_indirect_dma semaphore(%arg40 : memref<!tpu.dma_semaphore, #tpu.memory_space<semaphore_mem>>) src(%arg20 : memref<64x128xf32, #tpu.memory_space<vmem>>) dst(%dma_wait3A_373 : memref<10112x128xf32, #tpu.memory_space<vmem_shared>>)
        %add3A_374 = arith.addi %mul3A_2, %add3A_137 : i32
        %dma_start3A_375 = arith.constant 0 : i32
        %dma_start3A_376 = tpu.memref_slice %arg4[%add3A_374, %dma_start3A_375] : memref<5120x64xi32, #tpu.memory_space<hbm>> -> memref<1x64xi32, #tpu.memory_space<hbm>>
        %dma_start3A_377 = arith.constant 0 : i32
        %dma_start3A_378 = tpu.memref_slice %arg4[%add3A_374, %dma_start3A_377] : memref<5120x64xi32, #tpu.memory_space<hbm>> -> memref<1x64xi32, #tpu.memory_space<hbm>>
        tpu.enqueue_dma source(%dma_start3A_378 : memref<1x64xi32, #tpu.memory_space<hbm>>) target(%arg15 : memref<1x64xi32, #tpu.memory_space<vmem>>) target_semaphore(%arg30 : memref<!tpu.dma_semaphore, #tpu.memory_space<semaphore_mem>>)
      } else {
      }
      %add3A_143 = arith.addi %mul3A_2, %add3A_137 : i32
      %dma_wait3A_144 = arith.constant 0 : i32
      %dma_wait3A_145 = tpu.memref_slice %arg3[%add3A_143, %dma_wait3A_144] : memref<5120x64xi32, #tpu.memory_space<hbm>> -> memref<1x64xi32, #tpu.memory_space<hbm>>
      %dma_wait3A_146 = arith.constant 0 : i32
      %dma_wait3A_147 = tpu.memref_slice %arg3[%add3A_143, %dma_wait3A_146] : memref<5120x64xi32, #tpu.memory_space<hbm>> -> memref<1x64xi32, #tpu.memory_space<hbm>>
      tpu.wait_dma2 semaphore(%arg25 : memref<!tpu.dma_semaphore, #tpu.memory_space<semaphore_mem>>) src(%dma_wait3A_147 : memref<1x64xi32, #tpu.memory_space<hbm>>) dst(%arg10 : memref<1x64xi32, #tpu.memory_space<vmem>>)
      %dma_start3A_148 = arith.constant 0 : i32
      %dma_start3A_149 = arith.constant 0 : i32
      %dma_start3A_150 = tpu.memref_slice %arg10[%dma_start3A_148, %dma_start3A_149] : memref<1x64xi32, #tpu.memory_space<vmem>> -> memref<1x64xi32, #tpu.memory_space<vmem>>
      %dma_start3A_151 = tpu.memref_squeeze %dma_start3A_150 : memref<1x64xi32, #tpu.memory_space<vmem>> -> memref<64xi32, #tpu.memory_space<vmem>>
      %dma_start3A_152 = arith.constant 0 : i32
      %dma_start3A_153 = arith.constant 0 : i32
      %dma_start3A_154 = tpu.memref_slice %arg2[%dma_start3A_152, %dma_start3A_153] : memref<10112x128xf32, #tpu.memory_space<hbm>> -> memref<10112x128xf32, #tpu.memory_space<hbm>>
      tpu.enqueue_indirect_dma source(%dma_start3A_154 : memref<10112x128xf32, #tpu.memory_space<hbm>>) target(%arg20 : memref<64x128xf32, #tpu.memory_space<vmem>>) offsets(%dma_start3A_151 : memref<64xi32, #tpu.memory_space<vmem>>) semaphore(%arg35 : memref<!tpu.dma_semaphore, #tpu.memory_space<semaphore_mem>>)
      %mul3A_155 = arith.constant 5 : i32
      %mul3A_156 = arith.muli %scan3A_113, %mul3A_155 : i32
      %add3A_157 = arith.constant 2 : i32
      %add3A_158 = arith.addi %mul3A_156, %add3A_157 : i32
      %gt3A_159 = arith.constant 0 : i32
      %gt3A_160 = arith.cmpi sgt, %scan3A_113, %gt3A_159 : i32
      %convert_element_type3A_161 = arith.extui %gt3A_160 : i1 to i32
      %cond3A_162 = arith.constant 0 : i32
      %cond3A_163 = arith.cmpi ne, %convert_element_type3A_161, %cond3A_162 : i32
      scf.if %cond3A_163 {
        %dma_wait3A_367 = arith.constant 0 : i32
        %dma_wait3A_368 = arith.constant 0 : i32
        %dma_wait3A_369 = tpu.memref_slice %arg16[%dma_wait3A_367, %dma_wait3A_368] : memref<1x64xi32, #tpu.memory_space<vmem>> -> memref<1x64xi32, #tpu.memory_space<vmem>>
        %dma_wait3A_370 = tpu.memref_squeeze %dma_wait3A_369 : memref<1x64xi32, #tpu.memory_space<vmem>> -> memref<64xi32, #tpu.memory_space<vmem>>
        %dma_wait3A_371 = arith.constant 0 : i32
        %dma_wait3A_372 = arith.constant 0 : i32
        %dma_wait3A_373 = tpu.memref_slice %arg8[%dma_wait3A_371, %dma_wait3A_372] : memref<10112x128xf32, #tpu.memory_space<vmem_shared>> -> memref<10112x128xf32, #tpu.memory_space<vmem_shared>>
        tpu.wait_indirect_dma semaphore(%arg41 : memref<!tpu.dma_semaphore, #tpu.memory_space<semaphore_mem>>) src(%arg21 : memref<64x128xf32, #tpu.memory_space<vmem>>) dst(%dma_wait3A_373 : memref<10112x128xf32, #tpu.memory_space<vmem_shared>>)
        %add3A_374 = arith.addi %mul3A_2, %add3A_158 : i32
        %dma_start3A_375 = arith.constant 0 : i32
        %dma_start3A_376 = tpu.memref_slice %arg4[%add3A_374, %dma_start3A_375] : memref<5120x64xi32, #tpu.memory_space<hbm>> -> memref<1x64xi32, #tpu.memory_space<hbm>>
        %dma_start3A_377 = arith.constant 0 : i32
        %dma_start3A_378 = tpu.memref_slice %arg4[%add3A_374, %dma_start3A_377] : memref<5120x64xi32, #tpu.memory_space<hbm>> -> memref<1x64xi32, #tpu.memory_space<hbm>>
        tpu.enqueue_dma source(%dma_start3A_378 : memref<1x64xi32, #tpu.memory_space<hbm>>) target(%arg16 : memref<1x64xi32, #tpu.memory_space<vmem>>) target_semaphore(%arg31 : memref<!tpu.dma_semaphore, #tpu.memory_space<semaphore_mem>>)
      } else {
      }
      %add3A_164 = arith.addi %mul3A_2, %add3A_158 : i32
      %dma_wait3A_165 = arith.constant 0 : i32
      %dma_wait3A_166 = tpu.memref_slice %arg3[%add3A_164, %dma_wait3A_165] : memref<5120x64xi32, #tpu.memory_space<hbm>> -> memref<1x64xi32, #tpu.memory_space<hbm>>
      %dma_wait3A_167 = arith.constant 0 : i32
      %dma_wait3A_168 = tpu.memref_slice %arg3[%add3A_164, %dma_wait3A_167] : memref<5120x64xi32, #tpu.memory_space<hbm>> -> memref<1x64xi32, #tpu.memory_space<hbm>>
      tpu.wait_dma2 semaphore(%arg26 : memref<!tpu.dma_semaphore, #tpu.memory_space<semaphore_mem>>) src(%dma_wait3A_168 : memref<1x64xi32, #tpu.memory_space<hbm>>) dst(%arg11 : memref<1x64xi32, #tpu.memory_space<vmem>>)
      %dma_start3A_169 = arith.constant 0 : i32
      %dma_start3A_170 = arith.constant 0 : i32
      %dma_start3A_171 = tpu.memref_slice %arg11[%dma_start3A_169, %dma_start3A_170] : memref<1x64xi32, #tpu.memory_space<vmem>> -> memref<1x64xi32, #tpu.memory_space<vmem>>
      %dma_start3A_172 = tpu.memref_squeeze %dma_start3A_171 : memref<1x64xi32, #tpu.memory_space<vmem>> -> memref<64xi32, #tpu.memory_space<vmem>>
      %dma_start3A_173 = arith.constant 0 : i32
      %dma_start3A_174 = arith.constant 0 : i32
      %dma_start3A_175 = tpu.memref_slice %arg2[%dma_start3A_173, %dma_start3A_174] : memref<10112x128xf32, #tpu.memory_space<hbm>> -> memref<10112x128xf32, #tpu.memory_space<hbm>>
      tpu.enqueue_indirect_dma source(%dma_start3A_175 : memref<10112x128xf32, #tpu.memory_space<hbm>>) target(%arg21 : memref<64x128xf32, #tpu.memory_space<vmem>>) offsets(%dma_start3A_172 : memref<64xi32, #tpu.memory_space<vmem>>) semaphore(%arg36 : memref<!tpu.dma_semaphore, #tpu.memory_space<semaphore_mem>>)
      %mul3A_176 = arith.constant 5 : i32
      %mul3A_177 = arith.muli %scan3A_113, %mul3A_176 : i32
      %add3A_178 = arith.constant 3 : i32
      %add3A_179 = arith.addi %mul3A_177, %add3A_178 : i32
      %gt3A_180 = arith.constant 0 : i32
      %gt3A_181 = arith.cmpi sgt, %scan3A_113, %gt3A_180 : i32
      %convert_element_type3A_182 = arith.extui %gt3A_181 : i1 to i32
      %cond3A_183 = arith.constant 0 : i32
      %cond3A_184 = arith.cmpi ne, %convert_element_type3A_182, %cond3A_183 : i32
      scf.if %cond3A_184 {
        %dma_wait3A_367 = arith.constant 0 : i32
        %dma_wait3A_368 = arith.constant 0 : i32
        %dma_wait3A_369 = tpu.memref_slice %arg17[%dma_wait3A_367, %dma_wait3A_368] : memref<1x64xi32, #tpu.memory_space<vmem>> -> memref<1x64xi32, #tpu.memory_space<vmem>>
        %dma_wait3A_370 = tpu.memref_squeeze %dma_wait3A_369 : memref<1x64xi32, #tpu.memory_space<vmem>> -> memref<64xi32, #tpu.memory_space<vmem>>
        %dma_wait3A_371 = arith.constant 0 : i32
        %dma_wait3A_372 = arith.constant 0 : i32
        %dma_wait3A_373 = tpu.memref_slice %arg8[%dma_wait3A_371, %dma_wait3A_372] : memref<10112x128xf32, #tpu.memory_space<vmem_shared>> -> memref<10112x128xf32, #tpu.memory_space<vmem_shared>>
        tpu.wait_indirect_dma semaphore(%arg42 : memref<!tpu.dma_semaphore, #tpu.memory_space<semaphore_mem>>) src(%arg22 : memref<64x128xf32, #tpu.memory_space<vmem>>) dst(%dma_wait3A_373 : memref<10112x128xf32, #tpu.memory_space<vmem_shared>>)
        %add3A_374 = arith.addi %mul3A_2, %add3A_179 : i32
        %dma_start3A_375 = arith.constant 0 : i32
        %dma_start3A_376 = tpu.memref_slice %arg4[%add3A_374, %dma_start3A_375] : memref<5120x64xi32, #tpu.memory_space<hbm>> -> memref<1x64xi32, #tpu.memory_space<hbm>>
        %dma_start3A_377 = arith.constant 0 : i32
        %dma_start3A_378 = tpu.memref_slice %arg4[%add3A_374, %dma_start3A_377] : memref<5120x64xi32, #tpu.memory_space<hbm>> -> memref<1x64xi32, #tpu.memory_space<hbm>>
        tpu.enqueue_dma source(%dma_start3A_378 : memref<1x64xi32, #tpu.memory_space<hbm>>) target(%arg17 : memref<1x64xi32, #tpu.memory_space<vmem>>) target_semaphore(%arg32 : memref<!tpu.dma_semaphore, #tpu.memory_space<semaphore_mem>>)
      } else {
      }
      %add3A_185 = arith.addi %mul3A_2, %add3A_179 : i32
      %dma_wait3A_186 = arith.constant 0 : i32
      %dma_wait3A_187 = tpu.memref_slice %arg3[%add3A_185, %dma_wait3A_186] : memref<5120x64xi32, #tpu.memory_space<hbm>> -> memref<1x64xi32, #tpu.memory_space<hbm>>
      %dma_wait3A_188 = arith.constant 0 : i32
      %dma_wait3A_189 = tpu.memref_slice %arg3[%add3A_185, %dma_wait3A_188] : memref<5120x64xi32, #tpu.memory_space<hbm>> -> memref<1x64xi32, #tpu.memory_space<hbm>>
      tpu.wait_dma2 semaphore(%arg27 : memref<!tpu.dma_semaphore, #tpu.memory_space<semaphore_mem>>) src(%dma_wait3A_189 : memref<1x64xi32, #tpu.memory_space<hbm>>) dst(%arg12 : memref<1x64xi32, #tpu.memory_space<vmem>>)
      %dma_start3A_190 = arith.constant 0 : i32
      %dma_start3A_191 = arith.constant 0 : i32
      %dma_start3A_192 = tpu.memref_slice %arg12[%dma_start3A_190, %dma_start3A_191] : memref<1x64xi32, #tpu.memory_space<vmem>> -> memref<1x64xi32, #tpu.memory_space<vmem>>
      %dma_start3A_193 = tpu.memref_squeeze %dma_start3A_192 : memref<1x64xi32, #tpu.memory_space<vmem>> -> memref<64xi32, #tpu.memory_space<vmem>>
      %dma_start3A_194 = arith.constant 0 : i32
      %dma_start3A_195 = arith.constant 0 : i32
      %dma_start3A_196 = tpu.memref_slice %arg2[%dma_start3A_194, %dma_start3A_195] : memref<10112x128xf32, #tpu.memory_space<hbm>> -> memref<10112x128xf32, #tpu.memory_space<hbm>>
      tpu.enqueue_indirect_dma source(%dma_start3A_196 : memref<10112x128xf32, #tpu.memory_space<hbm>>) target(%arg22 : memref<64x128xf32, #tpu.memory_space<vmem>>) offsets(%dma_start3A_193 : memref<64xi32, #tpu.memory_space<vmem>>) semaphore(%arg37 : memref<!tpu.dma_semaphore, #tpu.memory_space<semaphore_mem>>)
      %mul3A_197 = arith.constant 5 : i32
      %mul3A_198 = arith.muli %scan3A_113, %mul3A_197 : i32
      %add3A_199 = arith.constant 4 : i32
      %add3A_200 = arith.addi %mul3A_198, %add3A_199 : i32
      %gt3A_201 = arith.constant 0 : i32
      %gt3A_202 = arith.cmpi sgt, %scan3A_113, %gt3A_201 : i32
      %convert_element_type3A_203 = arith.extui %gt3A_202 : i1 to i32
      %cond3A_204 = arith.constant 0 : i32
      %cond3A_205 = arith.cmpi ne, %convert_element_type3A_203, %cond3A_204 : i32
      scf.if %cond3A_205 {
        %dma_wait3A_367 = arith.constant 0 : i32
        %dma_wait3A_368 = arith.constant 0 : i32
        %dma_wait3A_369 = tpu.memref_slice %arg18[%dma_wait3A_367, %dma_wait3A_368] : memref<1x64xi32, #tpu.memory_space<vmem>> -> memref<1x64xi32, #tpu.memory_space<vmem>>
        %dma_wait3A_370 = tpu.memref_squeeze %dma_wait3A_369 : memref<1x64xi32, #tpu.memory_space<vmem>> -> memref<64xi32, #tpu.memory_space<vmem>>
        %dma_wait3A_371 = arith.constant 0 : i32
        %dma_wait3A_372 = arith.constant 0 : i32
        %dma_wait3A_373 = tpu.memref_slice %arg8[%dma_wait3A_371, %dma_wait3A_372] : memref<10112x128xf32, #tpu.memory_space<vmem_shared>> -> memref<10112x128xf32, #tpu.memory_space<vmem_shared>>
        tpu.wait_indirect_dma semaphore(%arg43 : memref<!tpu.dma_semaphore, #tpu.memory_space<semaphore_mem>>) src(%arg23 : memref<64x128xf32, #tpu.memory_space<vmem>>) dst(%dma_wait3A_373 : memref<10112x128xf32, #tpu.memory_space<vmem_shared>>)
        %add3A_374 = arith.addi %mul3A_2, %add3A_200 : i32
        %dma_start3A_375 = arith.constant 0 : i32
        %dma_start3A_376 = tpu.memref_slice %arg4[%add3A_374, %dma_start3A_375] : memref<5120x64xi32, #tpu.memory_space<hbm>> -> memref<1x64xi32, #tpu.memory_space<hbm>>
        %dma_start3A_377 = arith.constant 0 : i32
        %dma_start3A_378 = tpu.memref_slice %arg4[%add3A_374, %dma_start3A_377] : memref<5120x64xi32, #tpu.memory_space<hbm>> -> memref<1x64xi32, #tpu.memory_space<hbm>>
        tpu.enqueue_dma source(%dma_start3A_378 : memref<1x64xi32, #tpu.memory_space<hbm>>) target(%arg18 : memref<1x64xi32, #tpu.memory_space<vmem>>) target_semaphore(%arg33 : memref<!tpu.dma_semaphore, #tpu.memory_space<semaphore_mem>>)
      } else {
      }
      %add3A_206 = arith.addi %mul3A_2, %add3A_200 : i32
      %dma_wait3A_207 = arith.constant 0 : i32
      %dma_wait3A_208 = tpu.memref_slice %arg3[%add3A_206, %dma_wait3A_207] : memref<5120x64xi32, #tpu.memory_space<hbm>> -> memref<1x64xi32, #tpu.memory_space<hbm>>
      %dma_wait3A_209 = arith.constant 0 : i32
      %dma_wait3A_210 = tpu.memref_slice %arg3[%add3A_206, %dma_wait3A_209] : memref<5120x64xi32, #tpu.memory_space<hbm>> -> memref<1x64xi32, #tpu.memory_space<hbm>>
      tpu.wait_dma2 semaphore(%arg28 : memref<!tpu.dma_semaphore, #tpu.memory_space<semaphore_mem>>) src(%dma_wait3A_210 : memref<1x64xi32, #tpu.memory_space<hbm>>) dst(%arg13 : memref<1x64xi32, #tpu.memory_space<vmem>>)
      %dma_start3A_211 = arith.constant 0 : i32
      %dma_start3A_212 = arith.constant 0 : i32
      %dma_start3A_213 = tpu.memref_slice %arg13[%dma_start3A_211, %dma_start3A_212] : memref<1x64xi32, #tpu.memory_space<vmem>> -> memref<1x64xi32, #tpu.memory_space<vmem>>
      %dma_start3A_214 = tpu.memref_squeeze %dma_start3A_213 : memref<1x64xi32, #tpu.memory_space<vmem>> -> memref<64xi32, #tpu.memory_space<vmem>>
      %dma_start3A_215 = arith.constant 0 : i32
      %dma_start3A_216 = arith.constant 0 : i32
      %dma_start3A_217 = tpu.memref_slice %arg2[%dma_start3A_215, %dma_start3A_216] : memref<10112x128xf32, #tpu.memory_space<hbm>> -> memref<10112x128xf32, #tpu.memory_space<hbm>>
      tpu.enqueue_indirect_dma source(%dma_start3A_217 : memref<10112x128xf32, #tpu.memory_space<hbm>>) target(%arg23 : memref<64x128xf32, #tpu.memory_space<vmem>>) offsets(%dma_start3A_214 : memref<64xi32, #tpu.memory_space<vmem>>) semaphore(%arg38 : memref<!tpu.dma_semaphore, #tpu.memory_space<semaphore_mem>>)
      %mul3A_218 = arith.constant 5 : i32
      %mul3A_219 = arith.muli %scan3A_113, %mul3A_218 : i32
      %add3A_220 = arith.constant 0 : i32
      %add3A_221 = arith.addi %mul3A_219, %add3A_220 : i32
      %dma_wait3A_222 = arith.constant 0 : i32
      %dma_wait3A_223 = arith.constant 0 : i32
      %dma_wait3A_224 = tpu.memref_slice %arg9[%dma_wait3A_222, %dma_wait3A_223] : memref<1x64xi32, #tpu.memory_space<vmem>> -> memref<1x64xi32, #tpu.memory_space<vmem>>
      %dma_wait3A_225 = tpu.memref_squeeze %dma_wait3A_224 : memref<1x64xi32, #tpu.memory_space<vmem>> -> memref<64xi32, #tpu.memory_space<vmem>>
      %dma_wait3A_226 = arith.constant 0 : i32
      %dma_wait3A_227 = arith.constant 0 : i32
      %dma_wait3A_228 = tpu.memref_slice %arg2[%dma_wait3A_226, %dma_wait3A_227] : memref<10112x128xf32, #tpu.memory_space<hbm>> -> memref<10112x128xf32, #tpu.memory_space<hbm>>
      tpu.wait_indirect_dma semaphore(%arg34 : memref<!tpu.dma_semaphore, #tpu.memory_space<semaphore_mem>>) src(%dma_wait3A_228 : memref<10112x128xf32, #tpu.memory_space<hbm>>) dst(%arg19 : memref<64x128xf32, #tpu.memory_space<vmem>>)
      %add3A_229 = arith.addi %mul3A_2, %add3A_221 : i32
      %dma_wait3A_230 = arith.constant 0 : i32
      %dma_wait3A_231 = tpu.memref_slice %arg4[%add3A_229, %dma_wait3A_230] : memref<5120x64xi32, #tpu.memory_space<hbm>> -> memref<1x64xi32, #tpu.memory_space<hbm>>
      %dma_wait3A_232 = arith.constant 0 : i32
      %dma_wait3A_233 = tpu.memref_slice %arg4[%add3A_229, %dma_wait3A_232] : memref<5120x64xi32, #tpu.memory_space<hbm>> -> memref<1x64xi32, #tpu.memory_space<hbm>>
      tpu.wait_dma2 semaphore(%arg29 : memref<!tpu.dma_semaphore, #tpu.memory_space<semaphore_mem>>) src(%dma_wait3A_233 : memref<1x64xi32, #tpu.memory_space<hbm>>) dst(%arg14 : memref<1x64xi32, #tpu.memory_space<vmem>>)
      %dma_start3A_234 = arith.constant 0 : i32
      %dma_start3A_235 = arith.constant 0 : i32
      %dma_start3A_236 = tpu.memref_slice %arg14[%dma_start3A_234, %dma_start3A_235] : memref<1x64xi32, #tpu.memory_space<vmem>> -> memref<1x64xi32, #tpu.memory_space<vmem>>
      %dma_start3A_237 = tpu.memref_squeeze %dma_start3A_236 : memref<1x64xi32, #tpu.memory_space<vmem>> -> memref<64xi32, #tpu.memory_space<vmem>>
      %dma_start3A_238 = arith.constant 0 : i32
      %dma_start3A_239 = arith.constant 0 : i32
      %dma_start3A_240 = tpu.memref_slice %arg8[%dma_start3A_238, %dma_start3A_239] : memref<10112x128xf32, #tpu.memory_space<vmem_shared>> -> memref<10112x128xf32, #tpu.memory_space<vmem_shared>>
      tpu.enqueue_indirect_dma source(%arg19 : memref<64x128xf32, #tpu.memory_space<vmem>>) target(%dma_start3A_240 : memref<10112x128xf32, #tpu.memory_space<vmem_shared>>) offsets(%dma_start3A_237 : memref<64xi32, #tpu.memory_space<vmem>>) semaphore(%arg39 : memref<!tpu.dma_semaphore, #tpu.memory_space<semaphore_mem>>) {add = true}
      %add3A_241 = arith.constant 1 : i32
      %add3A_242 = arith.addi %scan3A_113, %add3A_241 : i32
      %lt3A = arith.constant 32 : i32
      %lt3A_243 = arith.cmpi slt, %add3A_242, %lt3A : i32
      %convert_element_type3A_244 = arith.extui %lt3A_243 : i1 to i32
      %cond3A_245 = arith.constant 0 : i32
      %cond3A_246 = arith.cmpi ne, %convert_element_type3A_244, %cond3A_245 : i32
      scf.if %cond3A_246 {
        %add3A_367 = arith.constant 1 : i32
        %add3A_368 = arith.addi %scan3A_113, %add3A_367 : i32
        %mul3A_369 = arith.constant 5 : i32
        %mul3A_370 = arith.muli %add3A_368, %mul3A_369 : i32
        %add3A_371 = arith.constant 0 : i32
        %add3A_372 = arith.addi %mul3A_370, %add3A_371 : i32
        %add3A_373 = arith.addi %mul3A_2, %add3A_372 : i32
        %dma_start3A_374 = arith.constant 0 : i32
        %dma_start3A_375 = tpu.memref_slice %arg3[%add3A_373, %dma_start3A_374] : memref<5120x64xi32, #tpu.memory_space<hbm>> -> memref<1x64xi32, #tpu.memory_space<hbm>>
        %dma_start3A_376 = arith.constant 0 : i32
        %dma_start3A_377 = tpu.memref_slice %arg3[%add3A_373, %dma_start3A_376] : memref<5120x64xi32, #tpu.memory_space<hbm>> -> memref<1x64xi32, #tpu.memory_space<hbm>>
        tpu.enqueue_dma source(%dma_start3A_377 : memref<1x64xi32, #tpu.memory_space<hbm>>) target(%arg9 : memref<1x64xi32, #tpu.memory_space<vmem>>) target_semaphore(%arg24 : memref<!tpu.dma_semaphore, #tpu.memory_space<semaphore_mem>>)
      } else {
      }
      %mul3A_247 = arith.constant 5 : i32
      %mul3A_248 = arith.muli %scan3A_113, %mul3A_247 : i32
      %add3A_249 = arith.constant 1 : i32
      %add3A_250 = arith.addi %mul3A_248, %add3A_249 : i32
      %dma_wait3A_251 = arith.constant 0 : i32
      %dma_wait3A_252 = arith.constant 0 : i32
      %dma_wait3A_253 = tpu.memref_slice %arg10[%dma_wait3A_251, %dma_wait3A_252] : memref<1x64xi32, #tpu.memory_space<vmem>> -> memref<1x64xi32, #tpu.memory_space<vmem>>
      %dma_wait3A_254 = tpu.memref_squeeze %dma_wait3A_253 : memref<1x64xi32, #tpu.memory_space<vmem>> -> memref<64xi32, #tpu.memory_space<vmem>>
      %dma_wait3A_255 = arith.constant 0 : i32
      %dma_wait3A_256 = arith.constant 0 : i32
      %dma_wait3A_257 = tpu.memref_slice %arg2[%dma_wait3A_255, %dma_wait3A_256] : memref<10112x128xf32, #tpu.memory_space<hbm>> -> memref<10112x128xf32, #tpu.memory_space<hbm>>
      tpu.wait_indirect_dma semaphore(%arg35 : memref<!tpu.dma_semaphore, #tpu.memory_space<semaphore_mem>>) src(%dma_wait3A_257 : memref<10112x128xf32, #tpu.memory_space<hbm>>) dst(%arg20 : memref<64x128xf32, #tpu.memory_space<vmem>>)
      %add3A_258 = arith.addi %mul3A_2, %add3A_250 : i32
      %dma_wait3A_259 = arith.constant 0 : i32
      %dma_wait3A_260 = tpu.memref_slice %arg4[%add3A_258, %dma_wait3A_259] : memref<5120x64xi32, #tpu.memory_space<hbm>> -> memref<1x64xi32, #tpu.memory_space<hbm>>
      %dma_wait3A_261 = arith.constant 0 : i32
      %dma_wait3A_262 = tpu.memref_slice %arg4[%add3A_258, %dma_wait3A_261] : memref<5120x64xi32, #tpu.memory_space<hbm>> -> memref<1x64xi32, #tpu.memory_space<hbm>>
      tpu.wait_dma2 semaphore(%arg30 : memref<!tpu.dma_semaphore, #tpu.memory_space<semaphore_mem>>) src(%dma_wait3A_262 : memref<1x64xi32, #tpu.memory_space<hbm>>) dst(%arg15 : memref<1x64xi32, #tpu.memory_space<vmem>>)
      %dma_start3A_263 = arith.constant 0 : i32
      %dma_start3A_264 = arith.constant 0 : i32
      %dma_start3A_265 = tpu.memref_slice %arg15[%dma_start3A_263, %dma_start3A_264] : memref<1x64xi32, #tpu.memory_space<vmem>> -> memref<1x64xi32, #tpu.memory_space<vmem>>
      %dma_start3A_266 = tpu.memref_squeeze %dma_start3A_265 : memref<1x64xi32, #tpu.memory_space<vmem>> -> memref<64xi32, #tpu.memory_space<vmem>>
      %dma_start3A_267 = arith.constant 0 : i32
      %dma_start3A_268 = arith.constant 0 : i32
      %dma_start3A_269 = tpu.memref_slice %arg8[%dma_start3A_267, %dma_start3A_268] : memref<10112x128xf32, #tpu.memory_space<vmem_shared>> -> memref<10112x128xf32, #tpu.memory_space<vmem_shared>>
      tpu.enqueue_indirect_dma source(%arg20 : memref<64x128xf32, #tpu.memory_space<vmem>>) target(%dma_start3A_269 : memref<10112x128xf32, #tpu.memory_space<vmem_shared>>) offsets(%dma_start3A_266 : memref<64xi32, #tpu.memory_space<vmem>>) semaphore(%arg40 : memref<!tpu.dma_semaphore, #tpu.memory_space<semaphore_mem>>) {add = true}
      %add3A_270 = arith.constant 1 : i32
      %add3A_271 = arith.addi %scan3A_113, %add3A_270 : i32
      %lt3A_272 = arith.constant 32 : i32
      %lt3A_273 = arith.cmpi slt, %add3A_271, %lt3A_272 : i32
      %convert_element_type3A_274 = arith.extui %lt3A_273 : i1 to i32
      %cond3A_275 = arith.constant 0 : i32
      %cond3A_276 = arith.cmpi ne, %convert_element_type3A_274, %cond3A_275 : i32
      scf.if %cond3A_276 {
        %add3A_367 = arith.constant 1 : i32
        %add3A_368 = arith.addi %scan3A_113, %add3A_367 : i32
        %mul3A_369 = arith.constant 5 : i32
        %mul3A_370 = arith.muli %add3A_368, %mul3A_369 : i32
        %add3A_371 = arith.constant 1 : i32
        %add3A_372 = arith.addi %mul3A_370, %add3A_371 : i32
        %add3A_373 = arith.addi %mul3A_2, %add3A_372 : i32
        %dma_start3A_374 = arith.constant 0 : i32
        %dma_start3A_375 = tpu.memref_slice %arg3[%add3A_373, %dma_start3A_374] : memref<5120x64xi32, #tpu.memory_space<hbm>> -> memref<1x64xi32, #tpu.memory_space<hbm>>
        %dma_start3A_376 = arith.constant 0 : i32
        %dma_start3A_377 = tpu.memref_slice %arg3[%add3A_373, %dma_start3A_376] : memref<5120x64xi32, #tpu.memory_space<hbm>> -> memref<1x64xi32, #tpu.memory_space<hbm>>
        tpu.enqueue_dma source(%dma_start3A_377 : memref<1x64xi32, #tpu.memory_space<hbm>>) target(%arg10 : memref<1x64xi32, #tpu.memory_space<vmem>>) target_semaphore(%arg25 : memref<!tpu.dma_semaphore, #tpu.memory_space<semaphore_mem>>)
      } else {
      }
      %mul3A_277 = arith.constant 5 : i32
      %mul3A_278 = arith.muli %scan3A_113, %mul3A_277 : i32
      %add3A_279 = arith.constant 2 : i32
      %add3A_280 = arith.addi %mul3A_278, %add3A_279 : i32
      %dma_wait3A_281 = arith.constant 0 : i32
      %dma_wait3A_282 = arith.constant 0 : i32
      %dma_wait3A_283 = tpu.memref_slice %arg11[%dma_wait3A_281, %dma_wait3A_282] : memref<1x64xi32, #tpu.memory_space<vmem>> -> memref<1x64xi32, #tpu.memory_space<vmem>>
      %dma_wait3A_284 = tpu.memref_squeeze %dma_wait3A_283 : memref<1x64xi32, #tpu.memory_space<vmem>> -> memref<64xi32, #tpu.memory_space<vmem>>
      %dma_wait3A_285 = arith.constant 0 : i32
      %dma_wait3A_286 = arith.constant 0 : i32
      %dma_wait3A_287 = tpu.memref_slice %arg2[%dma_wait3A_285, %dma_wait3A_286] : memref<10112x128xf32, #tpu.memory_space<hbm>> -> memref<10112x128xf32, #tpu.memory_space<hbm>>
      tpu.wait_indirect_dma semaphore(%arg36 : memref<!tpu.dma_semaphore, #tpu.memory_space<semaphore_mem>>) src(%dma_wait3A_287 : memref<10112x128xf32, #tpu.memory_space<hbm>>) dst(%arg21 : memref<64x128xf32, #tpu.memory_space<vmem>>)
      %add3A_288 = arith.addi %mul3A_2, %add3A_280 : i32
      %dma_wait3A_289 = arith.constant 0 : i32
      %dma_wait3A_290 = tpu.memref_slice %arg4[%add3A_288, %dma_wait3A_289] : memref<5120x64xi32, #tpu.memory_space<hbm>> -> memref<1x64xi32, #tpu.memory_space<hbm>>
      %dma_wait3A_291 = arith.constant 0 : i32
      %dma_wait3A_292 = tpu.memref_slice %arg4[%add3A_288, %dma_wait3A_291] : memref<5120x64xi32, #tpu.memory_space<hbm>> -> memref<1x64xi32, #tpu.memory_space<hbm>>
      tpu.wait_dma2 semaphore(%arg31 : memref<!tpu.dma_semaphore, #tpu.memory_space<semaphore_mem>>) src(%dma_wait3A_292 : memref<1x64xi32, #tpu.memory_space<hbm>>) dst(%arg16 : memref<1x64xi32, #tpu.memory_space<vmem>>)
      %dma_start3A_293 = arith.constant 0 : i32
      %dma_start3A_294 = arith.constant 0 : i32
      %dma_start3A_295 = tpu.memref_slice %arg16[%dma_start3A_293, %dma_start3A_294] : memref<1x64xi32, #tpu.memory_space<vmem>> -> memref<1x64xi32, #tpu.memory_space<vmem>>
      %dma_start3A_296 = tpu.memref_squeeze %dma_start3A_295 : memref<1x64xi32, #tpu.memory_space<vmem>> -> memref<64xi32, #tpu.memory_space<vmem>>
      %dma_start3A_297 = arith.constant 0 : i32
      %dma_start3A_298 = arith.constant 0 : i32
      %dma_start3A_299 = tpu.memref_slice %arg8[%dma_start3A_297, %dma_start3A_298] : memref<10112x128xf32, #tpu.memory_space<vmem_shared>> -> memref<10112x128xf32, #tpu.memory_space<vmem_shared>>
      tpu.enqueue_indirect_dma source(%arg21 : memref<64x128xf32, #tpu.memory_space<vmem>>) target(%dma_start3A_299 : memref<10112x128xf32, #tpu.memory_space<vmem_shared>>) offsets(%dma_start3A_296 : memref<64xi32, #tpu.memory_space<vmem>>) semaphore(%arg41 : memref<!tpu.dma_semaphore, #tpu.memory_space<semaphore_mem>>) {add = true}
      %add3A_300 = arith.constant 1 : i32
      %add3A_301 = arith.addi %scan3A_113, %add3A_300 : i32
      %lt3A_302 = arith.constant 32 : i32
      %lt3A_303 = arith.cmpi slt, %add3A_301, %lt3A_302 : i32
      %convert_element_type3A_304 = arith.extui %lt3A_303 : i1 to i32
      %cond3A_305 = arith.constant 0 : i32
      %cond3A_306 = arith.cmpi ne, %convert_element_type3A_304, %cond3A_305 : i32
      scf.if %cond3A_306 {
        %add3A_367 = arith.constant 1 : i32
        %add3A_368 = arith.addi %scan3A_113, %add3A_367 : i32
        %mul3A_369 = arith.constant 5 : i32
        %mul3A_370 = arith.muli %add3A_368, %mul3A_369 : i32
        %add3A_371 = arith.constant 2 : i32
        %add3A_372 = arith.addi %mul3A_370, %add3A_371 : i32
        %add3A_373 = arith.addi %mul3A_2, %add3A_372 : i32
        %dma_start3A_374 = arith.constant 0 : i32
        %dma_start3A_375 = tpu.memref_slice %arg3[%add3A_373, %dma_start3A_374] : memref<5120x64xi32, #tpu.memory_space<hbm>> -> memref<1x64xi32, #tpu.memory_space<hbm>>
        %dma_start3A_376 = arith.constant 0 : i32
        %dma_start3A_377 = tpu.memref_slice %arg3[%add3A_373, %dma_start3A_376] : memref<5120x64xi32, #tpu.memory_space<hbm>> -> memref<1x64xi32, #tpu.memory_space<hbm>>
        tpu.enqueue_dma source(%dma_start3A_377 : memref<1x64xi32, #tpu.memory_space<hbm>>) target(%arg11 : memref<1x64xi32, #tpu.memory_space<vmem>>) target_semaphore(%arg26 : memref<!tpu.dma_semaphore, #tpu.memory_space<semaphore_mem>>)
      } else {
      }
      %mul3A_307 = arith.constant 5 : i32
      %mul3A_308 = arith.muli %scan3A_113, %mul3A_307 : i32
      %add3A_309 = arith.constant 3 : i32
      %add3A_310 = arith.addi %mul3A_308, %add3A_309 : i32
      %dma_wait3A_311 = arith.constant 0 : i32
      %dma_wait3A_312 = arith.constant 0 : i32
      %dma_wait3A_313 = tpu.memref_slice %arg12[%dma_wait3A_311, %dma_wait3A_312] : memref<1x64xi32, #tpu.memory_space<vmem>> -> memref<1x64xi32, #tpu.memory_space<vmem>>
      %dma_wait3A_314 = tpu.memref_squeeze %dma_wait3A_313 : memref<1x64xi32, #tpu.memory_space<vmem>> -> memref<64xi32, #tpu.memory_space<vmem>>
      %dma_wait3A_315 = arith.constant 0 : i32
      %dma_wait3A_316 = arith.constant 0 : i32
      %dma_wait3A_317 = tpu.memref_slice %arg2[%dma_wait3A_315, %dma_wait3A_316] : memref<10112x128xf32, #tpu.memory_space<hbm>> -> memref<10112x128xf32, #tpu.memory_space<hbm>>
      tpu.wait_indirect_dma semaphore(%arg37 : memref<!tpu.dma_semaphore, #tpu.memory_space<semaphore_mem>>) src(%dma_wait3A_317 : memref<10112x128xf32, #tpu.memory_space<hbm>>) dst(%arg22 : memref<64x128xf32, #tpu.memory_space<vmem>>)
      %add3A_318 = arith.addi %mul3A_2, %add3A_310 : i32
      %dma_wait3A_319 = arith.constant 0 : i32
      %dma_wait3A_320 = tpu.memref_slice %arg4[%add3A_318, %dma_wait3A_319] : memref<5120x64xi32, #tpu.memory_space<hbm>> -> memref<1x64xi32, #tpu.memory_space<hbm>>
      %dma_wait3A_321 = arith.constant 0 : i32
      %dma_wait3A_322 = tpu.memref_slice %arg4[%add3A_318, %dma_wait3A_321] : memref<5120x64xi32, #tpu.memory_space<hbm>> -> memref<1x64xi32, #tpu.memory_space<hbm>>
      tpu.wait_dma2 semaphore(%arg32 : memref<!tpu.dma_semaphore, #tpu.memory_space<semaphore_mem>>) src(%dma_wait3A_322 : memref<1x64xi32, #tpu.memory_space<hbm>>) dst(%arg17 : memref<1x64xi32, #tpu.memory_space<vmem>>)
      %dma_start3A_323 = arith.constant 0 : i32
      %dma_start3A_324 = arith.constant 0 : i32
      %dma_start3A_325 = tpu.memref_slice %arg17[%dma_start3A_323, %dma_start3A_324] : memref<1x64xi32, #tpu.memory_space<vmem>> -> memref<1x64xi32, #tpu.memory_space<vmem>>
      %dma_start3A_326 = tpu.memref_squeeze %dma_start3A_325 : memref<1x64xi32, #tpu.memory_space<vmem>> -> memref<64xi32, #tpu.memory_space<vmem>>
      %dma_start3A_327 = arith.constant 0 : i32
      %dma_start3A_328 = arith.constant 0 : i32
      %dma_start3A_329 = tpu.memref_slice %arg8[%dma_start3A_327, %dma_start3A_328] : memref<10112x128xf32, #tpu.memory_space<vmem_shared>> -> memref<10112x128xf32, #tpu.memory_space<vmem_shared>>
      tpu.enqueue_indirect_dma source(%arg22 : memref<64x128xf32, #tpu.memory_space<vmem>>) target(%dma_start3A_329 : memref<10112x128xf32, #tpu.memory_space<vmem_shared>>) offsets(%dma_start3A_326 : memref<64xi32, #tpu.memory_space<vmem>>) semaphore(%arg42 : memref<!tpu.dma_semaphore, #tpu.memory_space<semaphore_mem>>) {add = true}
      %add3A_330 = arith.constant 1 : i32
      %add3A_331 = arith.addi %scan3A_113, %add3A_330 : i32
      %lt3A_332 = arith.constant 32 : i32
      %lt3A_333 = arith.cmpi slt, %add3A_331, %lt3A_332 : i32
      %convert_element_type3A_334 = arith.extui %lt3A_333 : i1 to i32
      %cond3A_335 = arith.constant 0 : i32
      %cond3A_336 = arith.cmpi ne, %convert_element_type3A_334, %cond3A_335 : i32
      scf.if %cond3A_336 {
        %add3A_367 = arith.constant 1 : i32
        %add3A_368 = arith.addi %scan3A_113, %add3A_367 : i32
        %mul3A_369 = arith.constant 5 : i32
        %mul3A_370 = arith.muli %add3A_368, %mul3A_369 : i32
        %add3A_371 = arith.constant 3 : i32
        %add3A_372 = arith.addi %mul3A_370, %add3A_371 : i32
        %add3A_373 = arith.addi %mul3A_2, %add3A_372 : i32
        %dma_start3A_374 = arith.constant 0 : i32
        %dma_start3A_375 = tpu.memref_slice %arg3[%add3A_373, %dma_start3A_374] : memref<5120x64xi32, #tpu.memory_space<hbm>> -> memref<1x64xi32, #tpu.memory_space<hbm>>
        %dma_start3A_376 = arith.constant 0 : i32
        %dma_start3A_377 = tpu.memref_slice %arg3[%add3A_373, %dma_start3A_376] : memref<5120x64xi32, #tpu.memory_space<hbm>> -> memref<1x64xi32, #tpu.memory_space<hbm>>
        tpu.enqueue_dma source(%dma_start3A_377 : memref<1x64xi32, #tpu.memory_space<hbm>>) target(%arg12 : memref<1x64xi32, #tpu.memory_space<vmem>>) target_semaphore(%arg27 : memref<!tpu.dma_semaphore, #tpu.memory_space<semaphore_mem>>)
      } else {
      }
      %mul3A_337 = arith.constant 5 : i32
      %mul3A_338 = arith.muli %scan3A_113, %mul3A_337 : i32
      %add3A_339 = arith.constant 4 : i32
      %add3A_340 = arith.addi %mul3A_338, %add3A_339 : i32
      %dma_wait3A_341 = arith.constant 0 : i32
      %dma_wait3A_342 = arith.constant 0 : i32
      %dma_wait3A_343 = tpu.memref_slice %arg13[%dma_wait3A_341, %dma_wait3A_342] : memref<1x64xi32, #tpu.memory_space<vmem>> -> memref<1x64xi32, #tpu.memory_space<vmem>>
      %dma_wait3A_344 = tpu.memref_squeeze %dma_wait3A_343 : memref<1x64xi32, #tpu.memory_space<vmem>> -> memref<64xi32, #tpu.memory_space<vmem>>
      %dma_wait3A_345 = arith.constant 0 : i32
      %dma_wait3A_346 = arith.constant 0 : i32
      %dma_wait3A_347 = tpu.memref_slice %arg2[%dma_wait3A_345, %dma_wait3A_346] : memref<10112x128xf32, #tpu.memory_space<hbm>> -> memref<10112x128xf32, #tpu.memory_space<hbm>>
      tpu.wait_indirect_dma semaphore(%arg38 : memref<!tpu.dma_semaphore, #tpu.memory_space<semaphore_mem>>) src(%dma_wait3A_347 : memref<10112x128xf32, #tpu.memory_space<hbm>>) dst(%arg23 : memref<64x128xf32, #tpu.memory_space<vmem>>)
      %add3A_348 = arith.addi %mul3A_2, %add3A_340 : i32
      %dma_wait3A_349 = arith.constant 0 : i32
      %dma_wait3A_350 = tpu.memref_slice %arg4[%add3A_348, %dma_wait3A_349] : memref<5120x64xi32, #tpu.memory_space<hbm>> -> memref<1x64xi32, #tpu.memory_space<hbm>>
      %dma_wait3A_351 = arith.constant 0 : i32
      %dma_wait3A_352 = tpu.memref_slice %arg4[%add3A_348, %dma_wait3A_351] : memref<5120x64xi32, #tpu.memory_space<hbm>> -> memref<1x64xi32, #tpu.memory_space<hbm>>
      tpu.wait_dma2 semaphore(%arg33 : memref<!tpu.dma_semaphore, #tpu.memory_space<semaphore_mem>>) src(%dma_wait3A_352 : memref<1x64xi32, #tpu.memory_space<hbm>>) dst(%arg18 : memref<1x64xi32, #tpu.memory_space<vmem>>)
      %dma_start3A_353 = arith.constant 0 : i32
      %dma_start3A_354 = arith.constant 0 : i32
      %dma_start3A_355 = tpu.memref_slice %arg18[%dma_start3A_353, %dma_start3A_354] : memref<1x64xi32, #tpu.memory_space<vmem>> -> memref<1x64xi32, #tpu.memory_space<vmem>>
      %dma_start3A_356 = tpu.memref_squeeze %dma_start3A_355 : memref<1x64xi32, #tpu.memory_space<vmem>> -> memref<64xi32, #tpu.memory_space<vmem>>
      %dma_start3A_357 = arith.constant 0 : i32
      %dma_start3A_358 = arith.constant 0 : i32
      %dma_start3A_359 = tpu.memref_slice %arg8[%dma_start3A_357, %dma_start3A_358] : memref<10112x128xf32, #tpu.memory_space<vmem_shared>> -> memref<10112x128xf32, #tpu.memory_space<vmem_shared>>
      tpu.enqueue_indirect_dma source(%arg23 : memref<64x128xf32, #tpu.memory_space<vmem>>) target(%dma_start3A_359 : memref<10112x128xf32, #tpu.memory_space<vmem_shared>>) offsets(%dma_start3A_356 : memref<64xi32, #tpu.memory_space<vmem>>) semaphore(%arg43 : memref<!tpu.dma_semaphore, #tpu.memory_space<semaphore_mem>>) {add = true}
      %add3A_360 = arith.constant 1 : i32
      %add3A_361 = arith.addi %scan3A_113, %add3A_360 : i32
      %lt3A_362 = arith.constant 32 : i32
      %lt3A_363 = arith.cmpi slt, %add3A_361, %lt3A_362 : i32
      %convert_element_type3A_364 = arith.extui %lt3A_363 : i1 to i32
      %cond3A_365 = arith.constant 0 : i32
      %cond3A_366 = arith.cmpi ne, %convert_element_type3A_364, %cond3A_365 : i32
      scf.if %cond3A_366 {
        %add3A_367 = arith.constant 1 : i32
        %add3A_368 = arith.addi %scan3A_113, %add3A_367 : i32
        %mul3A_369 = arith.constant 5 : i32
        %mul3A_370 = arith.muli %add3A_368, %mul3A_369 : i32
        %add3A_371 = arith.constant 4 : i32
        %add3A_372 = arith.addi %mul3A_370, %add3A_371 : i32
        %add3A_373 = arith.addi %mul3A_2, %add3A_372 : i32
        %dma_start3A_374 = arith.constant 0 : i32
        %dma_start3A_375 = tpu.memref_slice %arg3[%add3A_373, %dma_start3A_374] : memref<5120x64xi32, #tpu.memory_space<hbm>> -> memref<1x64xi32, #tpu.memory_space<hbm>>
        %dma_start3A_376 = arith.constant 0 : i32
        %dma_start3A_377 = tpu.memref_slice %arg3[%add3A_373, %dma_start3A_376] : memref<5120x64xi32, #tpu.memory_space<hbm>> -> memref<1x64xi32, #tpu.memory_space<hbm>>
        tpu.enqueue_dma source(%dma_start3A_377 : memref<1x64xi32, #tpu.memory_space<hbm>>) target(%arg13 : memref<1x64xi32, #tpu.memory_space<vmem>>) target_semaphore(%arg28 : memref<!tpu.dma_semaphore, #tpu.memory_space<semaphore_mem>>)
      } else {
      }
    }
    %scan3A_70 = arith.constant 32 : i32
    %dma_wait3A = arith.constant 0 : i32
    %dma_wait3A_71 = arith.constant 0 : i32
    %dma_wait3A_72 = tpu.memref_slice %arg14[%dma_wait3A, %dma_wait3A_71] : memref<1x64xi32, #tpu.memory_space<vmem>> -> memref<1x64xi32, #tpu.memory_space<vmem>>
    %dma_wait3A_73 = tpu.memref_squeeze %dma_wait3A_72 : memref<1x64xi32, #tpu.memory_space<vmem>> -> memref<64xi32, #tpu.memory_space<vmem>>
    %dma_wait3A_74 = arith.constant 0 : i32
    %dma_wait3A_75 = arith.constant 0 : i32
    %dma_wait3A_76 = tpu.memref_slice %arg8[%dma_wait3A_74, %dma_wait3A_75] : memref<10112x128xf32, #tpu.memory_space<vmem_shared>> -> memref<10112x128xf32, #tpu.memory_space<vmem_shared>>
    tpu.wait_indirect_dma semaphore(%arg39 : memref<!tpu.dma_semaphore, #tpu.memory_space<semaphore_mem>>) src(%arg19 : memref<64x128xf32, #tpu.memory_space<vmem>>) dst(%dma_wait3A_76 : memref<10112x128xf32, #tpu.memory_space<vmem_shared>>)
    %dma_wait3A_77 = arith.constant 0 : i32
    %dma_wait3A_78 = arith.constant 0 : i32
    %dma_wait3A_79 = tpu.memref_slice %arg15[%dma_wait3A_77, %dma_wait3A_78] : memref<1x64xi32, #tpu.memory_space<vmem>> -> memref<1x64xi32, #tpu.memory_space<vmem>>
    %dma_wait3A_80 = tpu.memref_squeeze %dma_wait3A_79 : memref<1x64xi32, #tpu.memory_space<vmem>> -> memref<64xi32, #tpu.memory_space<vmem>>
    %dma_wait3A_81 = arith.constant 0 : i32
    %dma_wait3A_82 = arith.constant 0 : i32
    %dma_wait3A_83 = tpu.memref_slice %arg8[%dma_wait3A_81, %dma_wait3A_82] : memref<10112x128xf32, #tpu.memory_space<vmem_shared>> -> memref<10112x128xf32, #tpu.memory_space<vmem_shared>>
    tpu.wait_indirect_dma semaphore(%arg40 : memref<!tpu.dma_semaphore, #tpu.memory_space<semaphore_mem>>) src(%arg20 : memref<64x128xf32, #tpu.memory_space<vmem>>) dst(%dma_wait3A_83 : memref<10112x128xf32, #tpu.memory_space<vmem_shared>>)
    %dma_wait3A_84 = arith.constant 0 : i32
    %dma_wait3A_85 = arith.constant 0 : i32
    %dma_wait3A_86 = tpu.memref_slice %arg16[%dma_wait3A_84, %dma_wait3A_85] : memref<1x64xi32, #tpu.memory_space<vmem>> -> memref<1x64xi32, #tpu.memory_space<vmem>>
    %dma_wait3A_87 = tpu.memref_squeeze %dma_wait3A_86 : memref<1x64xi32, #tpu.memory_space<vmem>> -> memref<64xi32, #tpu.memory_space<vmem>>
    %dma_wait3A_88 = arith.constant 0 : i32
    %dma_wait3A_89 = arith.constant 0 : i32
    %dma_wait3A_90 = tpu.memref_slice %arg8[%dma_wait3A_88, %dma_wait3A_89] : memref<10112x128xf32, #tpu.memory_space<vmem_shared>> -> memref<10112x128xf32, #tpu.memory_space<vmem_shared>>
    tpu.wait_indirect_dma semaphore(%arg41 : memref<!tpu.dma_semaphore, #tpu.memory_space<semaphore_mem>>) src(%arg21 : memref<64x128xf32, #tpu.memory_space<vmem>>) dst(%dma_wait3A_90 : memref<10112x128xf32, #tpu.memory_space<vmem_shared>>)
    %dma_wait3A_91 = arith.constant 0 : i32
    %dma_wait3A_92 = arith.constant 0 : i32
    %dma_wait3A_93 = tpu.memref_slice %arg17[%dma_wait3A_91, %dma_wait3A_92] : memref<1x64xi32, #tpu.memory_space<vmem>> -> memref<1x64xi32, #tpu.memory_space<vmem>>
    %dma_wait3A_94 = tpu.memref_squeeze %dma_wait3A_93 : memref<1x64xi32, #tpu.memory_space<vmem>> -> memref<64xi32, #tpu.memory_space<vmem>>
    %dma_wait3A_95 = arith.constant 0 : i32
    %dma_wait3A_96 = arith.constant 0 : i32
    %dma_wait3A_97 = tpu.memref_slice %arg8[%dma_wait3A_95, %dma_wait3A_96] : memref<10112x128xf32, #tpu.memory_space<vmem_shared>> -> memref<10112x128xf32, #tpu.memory_space<vmem_shared>>
    tpu.wait_indirect_dma semaphore(%arg42 : memref<!tpu.dma_semaphore, #tpu.memory_space<semaphore_mem>>) src(%arg22 : memref<64x128xf32, #tpu.memory_space<vmem>>) dst(%dma_wait3A_97 : memref<10112x128xf32, #tpu.memory_space<vmem_shared>>)
    %dma_wait3A_98 = arith.constant 0 : i32
    %dma_wait3A_99 = arith.constant 0 : i32
    %dma_wait3A_100 = tpu.memref_slice %arg18[%dma_wait3A_98, %dma_wait3A_99] : memref<1x64xi32, #tpu.memory_space<vmem>> -> memref<1x64xi32, #tpu.memory_space<vmem>>
    %dma_wait3A_101 = tpu.memref_squeeze %dma_wait3A_100 : memref<1x64xi32, #tpu.memory_space<vmem>> -> memref<64xi32, #tpu.memory_space<vmem>>
    %dma_wait3A_102 = arith.constant 0 : i32
    %dma_wait3A_103 = arith.constant 0 : i32
    %dma_wait3A_104 = tpu.memref_slice %arg8[%dma_wait3A_102, %dma_wait3A_103] : memref<10112x128xf32, #tpu.memory_space<vmem_shared>> -> memref<10112x128xf32, #tpu.memory_space<vmem_shared>>
    tpu.wait_indirect_dma semaphore(%arg43 : memref<!tpu.dma_semaphore, #tpu.memory_space<semaphore_mem>>) src(%arg23 : memref<64x128xf32, #tpu.memory_space<vmem>>) dst(%dma_wait3A_104 : memref<10112x128xf32, #tpu.memory_space<vmem_shared>>)
    %barrier3A_105 = arith.constant 0 : index
    tpu.barrier barrier_id(%barrier3A_105)
    %eq3A = arith.constant 0 : i32
    %eq3A_106 = arith.cmpi eq, %arg0, %eq3A : i32
    %convert_element_type3A = arith.extui %eq3A_106 : i1 to i32
    %cond3A = arith.constant 0 : i32
    %cond3A_107 = arith.cmpi ne, %convert_element_type3A, %cond3A : i32
    scf.if %cond3A_107 {
      %mul3A_113 = arith.constant 632 : i32
      %mul3A_114 = arith.muli %arg1, %mul3A_113 : i32
      %mul3A_115 = arith.constant 632 : i32
      %mul3A_116 = arith.muli %arg1, %mul3A_115 : i32
      "tpu.region"() ({
        %run_scoped3A = tpu.sem_alloc : memref<!tpu.dma_semaphore, #tpu.memory_space<semaphore_mem>>
        %dma_start3A_117 = arith.constant 0 : i32
        %dma_start3A_118 = tpu.memref_slice %arg6[%mul3A_116, %dma_start3A_117] : memref<10112x128xf32, #tpu.memory_space<hbm>> -> memref<632x128xf32, #tpu.memory_space<hbm>>
        %dma_start3A_119 = arith.constant 0 : i32
        %dma_start3A_120 = tpu.memref_slice %arg8[%mul3A_114, %dma_start3A_119] : memref<10112x128xf32, #tpu.memory_space<vmem_shared>> -> memref<632x128xf32, #tpu.memory_space<vmem_shared>>
        tpu.enqueue_dma source(%dma_start3A_120 : memref<632x128xf32, #tpu.memory_space<vmem_shared>>) target(%dma_start3A_118 : memref<632x128xf32, #tpu.memory_space<hbm>>) target_semaphore(%run_scoped3A : memref<!tpu.dma_semaphore, #tpu.memory_space<semaphore_mem>>)
        %dma_wait3A_121 = arith.constant 0 : i32
        %dma_wait3A_122 = tpu.memref_slice %arg6[%mul3A_116, %dma_wait3A_121] : memref<10112x128xf32, #tpu.memory_space<hbm>> -> memref<632x128xf32, #tpu.memory_space<hbm>>
        %dma_wait3A_123 = arith.constant 0 : i32
        %dma_wait3A_124 = tpu.memref_slice %arg8[%mul3A_114, %dma_wait3A_123] : memref<10112x128xf32, #tpu.memory_space<vmem_shared>> -> memref<632x128xf32, #tpu.memory_space<vmem_shared>>
        tpu.wait_dma2 semaphore(%run_scoped3A : memref<!tpu.dma_semaphore, #tpu.memory_space<semaphore_mem>>) src(%dma_wait3A_124 : memref<632x128xf32, #tpu.memory_space<vmem_shared>>) dst(%dma_wait3A_122 : memref<632x128xf32, #tpu.memory_space<hbm>>)
        tpu.yield
      }) : () -> ()
    } else {
    }
    %eq3A_108 = arith.constant 1 : i32
    %eq3A_109 = arith.cmpi eq, %arg0, %eq3A_108 : i32
    %convert_element_type3A_110 = arith.extui %eq3A_109 : i1 to i32
    %cond3A_111 = arith.constant 0 : i32
    %cond3A_112 = arith.cmpi ne, %convert_element_type3A_110, %cond3A_111 : i32
    scf.if %cond3A_112 {
      %mul3A_113 = arith.constant 632 : i32
      %mul3A_114 = arith.muli %arg1, %mul3A_113 : i32
      %mul3A_115 = arith.constant 632 : i32
      %mul3A_116 = arith.muli %arg1, %mul3A_115 : i32
      "tpu.region"() ({
        %run_scoped3A = tpu.sem_alloc : memref<!tpu.dma_semaphore, #tpu.memory_space<semaphore_mem>>
        %dma_start3A_117 = arith.constant 0 : i32
        %dma_start3A_118 = tpu.memref_slice %arg7[%mul3A_116, %dma_start3A_117] : memref<10112x128xf32, #tpu.memory_space<hbm>> -> memref<632x128xf32, #tpu.memory_space<hbm>>
        %dma_start3A_119 = arith.constant 0 : i32
        %dma_start3A_120 = tpu.memref_slice %arg8[%mul3A_114, %dma_start3A_119] : memref<10112x128xf32, #tpu.memory_space<vmem_shared>> -> memref<632x128xf32, #tpu.memory_space<vmem_shared>>
        tpu.enqueue_dma source(%dma_start3A_120 : memref<632x128xf32, #tpu.memory_space<vmem_shared>>) target(%dma_start3A_118 : memref<632x128xf32, #tpu.memory_space<hbm>>) target_semaphore(%run_scoped3A : memref<!tpu.dma_semaphore, #tpu.memory_space<semaphore_mem>>)
        %dma_wait3A_121 = arith.constant 0 : i32
        %dma_wait3A_122 = tpu.memref_slice %arg7[%mul3A_116, %dma_wait3A_121] : memref<10112x128xf32, #tpu.memory_space<hbm>> -> memref<632x128xf32, #tpu.memory_space<hbm>>
        %dma_wait3A_123 = arith.constant 0 : i32
        %dma_wait3A_124 = tpu.memref_slice %arg8[%mul3A_114, %dma_wait3A_123] : memref<10112x128xf32, #tpu.memory_space<vmem_shared>> -> memref<632x128xf32, #tpu.memory_space<vmem_shared>>
        tpu.wait_dma2 semaphore(%run_scoped3A : memref<!tpu.dma_semaphore, #tpu.memory_space<semaphore_mem>>) src(%dma_wait3A_124 : memref<632x128xf32, #tpu.memory_space<vmem_shared>>) dst(%dma_wait3A_122 : memref<632x128xf32, #tpu.memory_space<hbm>>)
        tpu.yield
      }) : () -> ()
    } else {
    }
    return
  }
}

#map = affine_map<(d0, d1) -> (0, 0)>
module attributes {stable_mosaic.version = 14 : i64} {
  func.func @_segsum(%arg0: i32, %arg1: i32, %arg2: memref<10112x128xf32, #tpu.memory_space<hbm>>, %arg3: memref<5120x64xi32, #tpu.memory_space<hbm>>, %arg4: memref<5120x64xi32, #tpu.memory_space<hbm>>, %arg5: memref<10112x128xf32, #tpu.memory_space<hbm>>, %arg6: memref<10112x128xf32, #tpu.memory_space<hbm>>, %arg7: memref<10112x128xf32, #tpu.memory_space<hbm>>, %arg8: memref<10112x128xf32, #tpu.memory_space<vmem_shared>>, %arg9: memref<1x64xi32, #tpu.memory_space<vmem>>, %arg10: memref<1x64xi32, #tpu.memory_space<vmem>>, %arg11: memref<1x64xi32, #tpu.memory_space<vmem>>, %arg12: memref<1x64xi32, #tpu.memory_space<vmem>>, %arg13: memref<1x64xi32, #tpu.memory_space<vmem>>, %arg14: memref<1x64xi32, #tpu.memory_space<vmem>>, %arg15: memref<1x64xi32, #tpu.memory_space<vmem>>, %arg16: memref<1x64xi32, #tpu.memory_space<vmem>>, %arg17: memref<1x64xi32, #tpu.memory_space<vmem>>, %arg18: memref<1x64xi32, #tpu.memory_space<vmem>>, %arg19: memref<64x128xf32, #tpu.memory_space<vmem>>, %arg20: memref<64x128xf32, #tpu.memory_space<vmem>>, %arg21: memref<64x128xf32, #tpu.memory_space<vmem>>, %arg22: memref<64x128xf32, #tpu.memory_space<vmem>>, %arg23: memref<64x128xf32, #tpu.memory_space<vmem>>, %arg24: memref<!tpu.dma_semaphore, #tpu.memory_space<semaphore_mem>>, %arg25: memref<!tpu.dma_semaphore, #tpu.memory_space<semaphore_mem>>, %arg26: memref<!tpu.dma_semaphore, #tpu.memory_space<semaphore_mem>>, %arg27: memref<!tpu.dma_semaphore, #tpu.memory_space<semaphore_mem>>, %arg28: memref<!tpu.dma_semaphore, #tpu.memory_space<semaphore_mem>>, %arg29: memref<!tpu.dma_semaphore, #tpu.memory_space<semaphore_mem>>, %arg30: memref<!tpu.dma_semaphore, #tpu.memory_space<semaphore_mem>>, %arg31: memref<!tpu.dma_semaphore, #tpu.memory_space<semaphore_mem>>, %arg32: memref<!tpu.dma_semaphore, #tpu.memory_space<semaphore_mem>>, %arg33: memref<!tpu.dma_semaphore, #tpu.memory_space<semaphore_mem>>, %arg34: memref<!tpu.dma_semaphore, #tpu.memory_space<semaphore_mem>>, %arg35: memref<!tpu.dma_semaphore, #tpu.memory_space<semaphore_mem>>, %arg36: memref<!tpu.dma_semaphore, #tpu.memory_space<semaphore_mem>>, %arg37: memref<!tpu.dma_semaphore, #tpu.memory_space<semaphore_mem>>, %arg38: memref<!tpu.dma_semaphore, #tpu.memory_space<semaphore_mem>>, %arg39: memref<!tpu.dma_semaphore, #tpu.memory_space<semaphore_mem>>, %arg40: memref<!tpu.dma_semaphore, #tpu.memory_space<semaphore_mem>>, %arg41: memref<!tpu.dma_semaphore, #tpu.memory_space<semaphore_mem>>, %arg42: memref<!tpu.dma_semaphore, #tpu.memory_space<semaphore_mem>>, %arg43: memref<!tpu.dma_semaphore, #tpu.memory_space<semaphore_mem>>) attributes {dimension_semantics = [#tpu.dimension_semantics<core_parallel>, #tpu.dimension_semantics<subcore_parallel>], iteration_bounds = array<i64: 2, 16>, scalar_prefetch = 0 : i64, scratch_operands = 36 : i64, tpu.core_type = #tpu.core_type<sc_vector_subcore>, window_params = [{transform_indices = #map}, {transform_indices = #map}, {transform_indices = #map}, {transform_indices = #map}, {transform_indices = #map}, {transform_indices = #map}]} {
    %mul3A = arith.constant 16 : i32
    %mul3A_0 = arith.muli %arg0, %mul3A : i32
    %add3A = arith.addi %mul3A_0, %arg1 : i32
    %mul3A_1 = arith.constant 160 : i32
    %mul3A_2 = arith.muli %add3A, %mul3A_1 : i32
    %add3A_3 = arith.constant 0 : i32
    %add3A_4 = arith.addi %mul3A_2, %add3A_3 : i32
    %dma_start3A = arith.constant 0 : i32
    %dma_start3A_5 = tpu.memref_slice %arg3[%add3A_4, %dma_start3A] : memref<5120x64xi32, #tpu.memory_space<hbm>> -> memref<1x64xi32, #tpu.memory_space<hbm>>
    %dma_start3A_6 = arith.constant 0 : i32
    %dma_start3A_7 = tpu.memref_slice %arg3[%add3A_4, %dma_start3A_6] : memref<5120x64xi32, #tpu.memory_space<hbm>> -> memref<1x64xi32, #tpu.memory_space<hbm>>
    tpu.enqueue_dma source(%dma_start3A_7 : memref<1x64xi32, #tpu.memory_space<hbm>>) target(%arg9 : memref<1x64xi32, #tpu.memory_space<vmem>>) target_semaphore(%arg24 : memref<!tpu.dma_semaphore, #tpu.memory_space<semaphore_mem>>)
    %add3A_8 = arith.constant 0 : i32
    %add3A_9 = arith.addi %mul3A_2, %add3A_8 : i32
    %dma_start3A_10 = arith.constant 0 : i32
    %dma_start3A_11 = tpu.memref_slice %arg4[%add3A_9, %dma_start3A_10] : memref<5120x64xi32, #tpu.memory_space<hbm>> -> memref<1x64xi32, #tpu.memory_space<hbm>>
    %dma_start3A_12 = arith.constant 0 : i32
    %dma_start3A_13 = tpu.memref_slice %arg4[%add3A_9, %dma_start3A_12] : memref<5120x64xi32, #tpu.memory_space<hbm>> -> memref<1x64xi32, #tpu.memory_space<hbm>>
    tpu.enqueue_dma source(%dma_start3A_13 : memref<1x64xi32, #tpu.memory_space<hbm>>) target(%arg14 : memref<1x64xi32, #tpu.memory_space<vmem>>) target_semaphore(%arg29 : memref<!tpu.dma_semaphore, #tpu.memory_space<semaphore_mem>>)
    %add3A_14 = arith.constant 1 : i32
    %add3A_15 = arith.addi %mul3A_2, %add3A_14 : i32
    %dma_start3A_16 = arith.constant 0 : i32
    %dma_start3A_17 = tpu.memref_slice %arg3[%add3A_15, %dma_start3A_16] : memref<5120x64xi32, #tpu.memory_space<hbm>> -> memref<1x64xi32, #tpu.memory_space<hbm>>
    %dma_start3A_18 = arith.constant 0 : i32
    %dma_start3A_19 = tpu.memref_slice %arg3[%add3A_15, %dma_start3A_18] : memref<5120x64xi32, #tpu.memory_space<hbm>> -> memref<1x64xi32, #tpu.memory_space<hbm>>
    tpu.enqueue_dma source(%dma_start3A_19 : memref<1x64xi32, #tpu.memory_space<hbm>>) target(%arg10 : memref<1x64xi32, #tpu.memory_space<vmem>>) target_semaphore(%arg25 : memref<!tpu.dma_semaphore, #tpu.memory_space<semaphore_mem>>)
    %add3A_20 = arith.constant 1 : i32
    %add3A_21 = arith.addi %mul3A_2, %add3A_20 : i32
    %dma_start3A_22 = arith.constant 0 : i32
    %dma_start3A_23 = tpu.memref_slice %arg4[%add3A_21, %dma_start3A_22] : memref<5120x64xi32, #tpu.memory_space<hbm>> -> memref<1x64xi32, #tpu.memory_space<hbm>>
    %dma_start3A_24 = arith.constant 0 : i32
    %dma_start3A_25 = tpu.memref_slice %arg4[%add3A_21, %dma_start3A_24] : memref<5120x64xi32, #tpu.memory_space<hbm>> -> memref<1x64xi32, #tpu.memory_space<hbm>>
    tpu.enqueue_dma source(%dma_start3A_25 : memref<1x64xi32, #tpu.memory_space<hbm>>) target(%arg15 : memref<1x64xi32, #tpu.memory_space<vmem>>) target_semaphore(%arg30 : memref<!tpu.dma_semaphore, #tpu.memory_space<semaphore_mem>>)
    %add3A_26 = arith.constant 2 : i32
    %add3A_27 = arith.addi %mul3A_2, %add3A_26 : i32
    %dma_start3A_28 = arith.constant 0 : i32
    %dma_start3A_29 = tpu.memref_slice %arg3[%add3A_27, %dma_start3A_28] : memref<5120x64xi32, #tpu.memory_space<hbm>> -> memref<1x64xi32, #tpu.memory_space<hbm>>
    %dma_start3A_30 = arith.constant 0 : i32
    %dma_start3A_31 = tpu.memref_slice %arg3[%add3A_27, %dma_start3A_30] : memref<5120x64xi32, #tpu.memory_space<hbm>> -> memref<1x64xi32, #tpu.memory_space<hbm>>
    tpu.enqueue_dma source(%dma_start3A_31 : memref<1x64xi32, #tpu.memory_space<hbm>>) target(%arg11 : memref<1x64xi32, #tpu.memory_space<vmem>>) target_semaphore(%arg26 : memref<!tpu.dma_semaphore, #tpu.memory_space<semaphore_mem>>)
    %add3A_32 = arith.constant 2 : i32
    %add3A_33 = arith.addi %mul3A_2, %add3A_32 : i32
    %dma_start3A_34 = arith.constant 0 : i32
    %dma_start3A_35 = tpu.memref_slice %arg4[%add3A_33, %dma_start3A_34] : memref<5120x64xi32, #tpu.memory_space<hbm>> -> memref<1x64xi32, #tpu.memory_space<hbm>>
    %dma_start3A_36 = arith.constant 0 : i32
    %dma_start3A_37 = tpu.memref_slice %arg4[%add3A_33, %dma_start3A_36] : memref<5120x64xi32, #tpu.memory_space<hbm>> -> memref<1x64xi32, #tpu.memory_space<hbm>>
    tpu.enqueue_dma source(%dma_start3A_37 : memref<1x64xi32, #tpu.memory_space<hbm>>) target(%arg16 : memref<1x64xi32, #tpu.memory_space<vmem>>) target_semaphore(%arg31 : memref<!tpu.dma_semaphore, #tpu.memory_space<semaphore_mem>>)
    %add3A_38 = arith.constant 3 : i32
    %add3A_39 = arith.addi %mul3A_2, %add3A_38 : i32
    %dma_start3A_40 = arith.constant 0 : i32
    %dma_start3A_41 = tpu.memref_slice %arg3[%add3A_39, %dma_start3A_40] : memref<5120x64xi32, #tpu.memory_space<hbm>> -> memref<1x64xi32, #tpu.memory_space<hbm>>
    %dma_start3A_42 = arith.constant 0 : i32
    %dma_start3A_43 = tpu.memref_slice %arg3[%add3A_39, %dma_start3A_42] : memref<5120x64xi32, #tpu.memory_space<hbm>> -> memref<1x64xi32, #tpu.memory_space<hbm>>
    tpu.enqueue_dma source(%dma_start3A_43 : memref<1x64xi32, #tpu.memory_space<hbm>>) target(%arg12 : memref<1x64xi32, #tpu.memory_space<vmem>>) target_semaphore(%arg27 : memref<!tpu.dma_semaphore, #tpu.memory_space<semaphore_mem>>)
    %add3A_44 = arith.constant 3 : i32
    %add3A_45 = arith.addi %mul3A_2, %add3A_44 : i32
    %dma_start3A_46 = arith.constant 0 : i32
    %dma_start3A_47 = tpu.memref_slice %arg4[%add3A_45, %dma_start3A_46] : memref<5120x64xi32, #tpu.memory_space<hbm>> -> memref<1x64xi32, #tpu.memory_space<hbm>>
    %dma_start3A_48 = arith.constant 0 : i32
    %dma_start3A_49 = tpu.memref_slice %arg4[%add3A_45, %dma_start3A_48] : memref<5120x64xi32, #tpu.memory_space<hbm>> -> memref<1x64xi32, #tpu.memory_space<hbm>>
    tpu.enqueue_dma source(%dma_start3A_49 : memref<1x64xi32, #tpu.memory_space<hbm>>) target(%arg17 : memref<1x64xi32, #tpu.memory_space<vmem>>) target_semaphore(%arg32 : memref<!tpu.dma_semaphore, #tpu.memory_space<semaphore_mem>>)
    %add3A_50 = arith.constant 4 : i32
    %add3A_51 = arith.addi %mul3A_2, %add3A_50 : i32
    %dma_start3A_52 = arith.constant 0 : i32
    %dma_start3A_53 = tpu.memref_slice %arg3[%add3A_51, %dma_start3A_52] : memref<5120x64xi32, #tpu.memory_space<hbm>> -> memref<1x64xi32, #tpu.memory_space<hbm>>
    %dma_start3A_54 = arith.constant 0 : i32
    %dma_start3A_55 = tpu.memref_slice %arg3[%add3A_51, %dma_start3A_54] : memref<5120x64xi32, #tpu.memory_space<hbm>> -> memref<1x64xi32, #tpu.memory_space<hbm>>
    tpu.enqueue_dma source(%dma_start3A_55 : memref<1x64xi32, #tpu.memory_space<hbm>>) target(%arg13 : memref<1x64xi32, #tpu.memory_space<vmem>>) target_semaphore(%arg28 : memref<!tpu.dma_semaphore, #tpu.memory_space<semaphore_mem>>)
    %add3A_56 = arith.constant 4 : i32
    %add3A_57 = arith.addi %mul3A_2, %add3A_56 : i32
    %dma_start3A_58 = arith.constant 0 : i32
    %dma_start3A_59 = tpu.memref_slice %arg4[%add3A_57, %dma_start3A_58] : memref<5120x64xi32, #tpu.memory_space<hbm>> -> memref<1x64xi32, #tpu.memory_space<hbm>>
    %dma_start3A_60 = arith.constant 0 : i32
    %dma_start3A_61 = tpu.memref_slice %arg4[%add3A_57, %dma_start3A_60] : memref<5120x64xi32, #tpu.memory_space<hbm>> -> memref<1x64xi32, #tpu.memory_space<hbm>>
    tpu.enqueue_dma source(%dma_start3A_61 : memref<1x64xi32, #tpu.memory_space<hbm>>) target(%arg18 : memref<1x64xi32, #tpu.memory_space<vmem>>) target_semaphore(%arg33 : memref<!tpu.dma_semaphore, #tpu.memory_space<semaphore_mem>>)
    %mul3A_62 = arith.constant 632 : i32
    %mul3A_63 = arith.muli %arg1, %mul3A_62 : i32
    %mul3A_64 = arith.constant 632 : i32
    %mul3A_65 = arith.muli %arg1, %mul3A_64 : i32
    "tpu.region"() ({
      %run_scoped3A = tpu.sem_alloc : memref<!tpu.dma_semaphore, #tpu.memory_space<semaphore_mem>>
      %dma_start3A_113 = arith.constant 0 : i32
      %dma_start3A_114 = tpu.memref_slice %arg8[%mul3A_65, %dma_start3A_113] : memref<10112x128xf32, #tpu.memory_space<vmem_shared>> -> memref<632x128xf32, #tpu.memory_space<vmem_shared>>
      %dma_start3A_115 = arith.constant 0 : i32
      %dma_start3A_116 = tpu.memref_slice %arg5[%mul3A_63, %dma_start3A_115] : memref<10112x128xf32, #tpu.memory_space<hbm>> -> memref<632x128xf32, #tpu.memory_space<hbm>>
      tpu.enqueue_dma source(%dma_start3A_116 : memref<632x128xf32, #tpu.memory_space<hbm>>) target(%dma_start3A_114 : memref<632x128xf32, #tpu.memory_space<vmem_shared>>) target_semaphore(%run_scoped3A : memref<!tpu.dma_semaphore, #tpu.memory_space<semaphore_mem>>)
      %dma_wait3A_117 = arith.constant 0 : i32
      %dma_wait3A_118 = tpu.memref_slice %arg8[%mul3A_65, %dma_wait3A_117] : memref<10112x128xf32, #tpu.memory_space<vmem_shared>> -> memref<632x128xf32, #tpu.memory_space<vmem_shared>>
      %dma_wait3A_119 = arith.constant 0 : i32
      %dma_wait3A_120 = tpu.memref_slice %arg5[%mul3A_63, %dma_wait3A_119] : memref<10112x128xf32, #tpu.memory_space<hbm>> -> memref<632x128xf32, #tpu.memory_space<hbm>>
      tpu.wait_dma2 semaphore(%run_scoped3A : memref<!tpu.dma_semaphore, #tpu.memory_space<semaphore_mem>>) src(%dma_wait3A_120 : memref<632x128xf32, #tpu.memory_space<hbm>>) dst(%dma_wait3A_118 : memref<632x128xf32, #tpu.memory_space<vmem_shared>>)
      tpu.yield
    }) : () -> ()
    %barrier3A = arith.constant 0 : index
    tpu.barrier barrier_id(%barrier3A)
    %scan3A = arith.constant 0 : i32
    %scan3A_66 = arith.constant 0 : i32
    %scan3A_67 = arith.constant 32 : i32
    %scan3A_68 = arith.addi %scan3A_66, %scan3A_67 : i32
    %scan3A_69 = arith.constant 1 : i32
    scf.for %scan3A_113 = %scan3A_66 to %scan3A_68 step %scan3A_69  : i32 {
      %mul3A_114 = arith.constant 5 : i32
      %mul3A_115 = arith.muli %scan3A_113, %mul3A_114 : i32
      %add3A_116 = arith.constant 0 : i32
      %add3A_117 = arith.addi %mul3A_115, %add3A_116 : i32
      %gt3A = arith.constant 0 : i32
      %gt3A_118 = arith.cmpi sgt, %scan3A_113, %gt3A : i32
      %convert_element_type3A_119 = arith.extui %gt3A_118 : i1 to i32
      %cond3A_120 = arith.constant 0 : i32
      %cond3A_121 = arith.cmpi ne, %convert_element_type3A_119, %cond3A_120 : i32
      scf.if %cond3A_121 {
        %dma_wait3A_367 = arith.constant 0 : i32
        %dma_wait3A_368 = arith.constant 0 : i32
        %dma_wait3A_369 = tpu.memref_slice %arg14[%dma_wait3A_367, %dma_wait3A_368] : memref<1x64xi32, #tpu.memory_space<vmem>> -> memref<1x64xi32, #tpu.memory_space<vmem>>
        %dma_wait3A_370 = tpu.memref_squeeze %dma_wait3A_369 : memref<1x64xi32, #tpu.memory_space<vmem>> -> memref<64xi32, #tpu.memory_space<vmem>>
        %dma_wait3A_371 = arith.constant 0 : i32
        %dma_wait3A_372 = arith.constant 0 : i32
        %dma_wait3A_373 = tpu.memref_slice %arg8[%dma_wait3A_371, %dma_wait3A_372] : memref<10112x128xf32, #tpu.memory_space<vmem_shared>> -> memref<10112x128xf32, #tpu.memory_space<vmem_shared>>
        tpu.wait_indirect_dma semaphore(%arg39 : memref<!tpu.dma_semaphore, #tpu.memory_space<semaphore_mem>>) src(%arg19 : memref<64x128xf32, #tpu.memory_space<vmem>>) dst(%dma_wait3A_373 : memref<10112x128xf32, #tpu.memory_space<vmem_shared>>)
        %add3A_374 = arith.addi %mul3A_2, %add3A_117 : i32
        %dma_start3A_375 = arith.constant 0 : i32
        %dma_start3A_376 = tpu.memref_slice %arg4[%add3A_374, %dma_start3A_375] : memref<5120x64xi32, #tpu.memory_space<hbm>> -> memref<1x64xi32, #tpu.memory_space<hbm>>
        %dma_start3A_377 = arith.constant 0 : i32
        %dma_start3A_378 = tpu.memref_slice %arg4[%add3A_374, %dma_start3A_377] : memref<5120x64xi32, #tpu.memory_space<hbm>> -> memref<1x64xi32, #tpu.memory_space<hbm>>
        tpu.enqueue_dma source(%dma_start3A_378 : memref<1x64xi32, #tpu.memory_space<hbm>>) target(%arg14 : memref<1x64xi32, #tpu.memory_space<vmem>>) target_semaphore(%arg29 : memref<!tpu.dma_semaphore, #tpu.memory_space<semaphore_mem>>)
      } else {
      }
      %add3A_122 = arith.addi %mul3A_2, %add3A_117 : i32
      %dma_wait3A_123 = arith.constant 0 : i32
      %dma_wait3A_124 = tpu.memref_slice %arg3[%add3A_122, %dma_wait3A_123] : memref<5120x64xi32, #tpu.memory_space<hbm>> -> memref<1x64xi32, #tpu.memory_space<hbm>>
      %dma_wait3A_125 = arith.constant 0 : i32
      %dma_wait3A_126 = tpu.memref_slice %arg3[%add3A_122, %dma_wait3A_125] : memref<5120x64xi32, #tpu.memory_space<hbm>> -> memref<1x64xi32, #tpu.memory_space<hbm>>
      tpu.wait_dma2 semaphore(%arg24 : memref<!tpu.dma_semaphore, #tpu.memory_space<semaphore_mem>>) src(%dma_wait3A_126 : memref<1x64xi32, #tpu.memory_space<hbm>>) dst(%arg9 : memref<1x64xi32, #tpu.memory_space<vmem>>)
      %dma_start3A_127 = arith.constant 0 : i32
      %dma_start3A_128 = arith.constant 0 : i32
      %dma_start3A_129 = tpu.memref_slice %arg9[%dma_start3A_127, %dma_start3A_128] : memref<1x64xi32, #tpu.memory_space<vmem>> -> memref<1x64xi32, #tpu.memory_space<vmem>>
      %dma_start3A_130 = tpu.memref_squeeze %dma_start3A_129 : memref<1x64xi32, #tpu.memory_space<vmem>> -> memref<64xi32, #tpu.memory_space<vmem>>
      %dma_start3A_131 = arith.constant 0 : i32
      %dma_start3A_132 = arith.constant 0 : i32
      %dma_start3A_133 = tpu.memref_slice %arg2[%dma_start3A_131, %dma_start3A_132] : memref<10112x128xf32, #tpu.memory_space<hbm>> -> memref<10112x128xf32, #tpu.memory_space<hbm>>
      tpu.enqueue_indirect_dma source(%dma_start3A_133 : memref<10112x128xf32, #tpu.memory_space<hbm>>) target(%arg19 : memref<64x128xf32, #tpu.memory_space<vmem>>) offsets(%dma_start3A_130 : memref<64xi32, #tpu.memory_space<vmem>>) semaphore(%arg34 : memref<!tpu.dma_semaphore, #tpu.memory_space<semaphore_mem>>)
      %mul3A_134 = arith.constant 5 : i32
      %mul3A_135 = arith.muli %scan3A_113, %mul3A_134 : i32
      %add3A_136 = arith.constant 1 : i32
      %add3A_137 = arith.addi %mul3A_135, %add3A_136 : i32
      %gt3A_138 = arith.constant 0 : i32
      %gt3A_139 = arith.cmpi sgt, %scan3A_113, %gt3A_138 : i32
      %convert_element_type3A_140 = arith.extui %gt3A_139 : i1 to i32
      %cond3A_141 = arith.constant 0 : i32
      %cond3A_142 = arith.cmpi ne, %convert_element_type3A_140, %cond3A_141 : i32
      scf.if %cond3A_142 {
        %dma_wait3A_367 = arith.constant 0 : i32
        %dma_wait3A_368 = arith.constant 0 : i32
        %dma_wait3A_369 = tpu.memref_slice %arg15[%dma_wait3A_367, %dma_wait3A_368] : memref<1x64xi32, #tpu.memory_space<vmem>> -> memref<1x64xi32, #tpu.memory_space<vmem>>
        %dma_wait3A_370 = tpu.memref_squeeze %dma_wait3A_369 : memref<1x64xi32, #tpu.memory_space<vmem>> -> memref<64xi32, #tpu.memory_space<vmem>>
        %dma_wait3A_371 = arith.constant 0 : i32
        %dma_wait3A_372 = arith.constant 0 : i32
        %dma_wait3A_373 = tpu.memref_slice %arg8[%dma_wait3A_371, %dma_wait3A_372] : memref<10112x128xf32, #tpu.memory_space<vmem_shared>> -> memref<10112x128xf32, #tpu.memory_space<vmem_shared>>
        tpu.wait_indirect_dma semaphore(%arg40 : memref<!tpu.dma_semaphore, #tpu.memory_space<semaphore_mem>>) src(%arg20 : memref<64x128xf32, #tpu.memory_space<vmem>>) dst(%dma_wait3A_373 : memref<10112x128xf32, #tpu.memory_space<vmem_shared>>)
        %add3A_374 = arith.addi %mul3A_2, %add3A_137 : i32
        %dma_start3A_375 = arith.constant 0 : i32
        %dma_start3A_376 = tpu.memref_slice %arg4[%add3A_374, %dma_start3A_375] : memref<5120x64xi32, #tpu.memory_space<hbm>> -> memref<1x64xi32, #tpu.memory_space<hbm>>
        %dma_start3A_377 = arith.constant 0 : i32
        %dma_start3A_378 = tpu.memref_slice %arg4[%add3A_374, %dma_start3A_377] : memref<5120x64xi32, #tpu.memory_space<hbm>> -> memref<1x64xi32, #tpu.memory_space<hbm>>
        tpu.enqueue_dma source(%dma_start3A_378 : memref<1x64xi32, #tpu.memory_space<hbm>>) target(%arg15 : memref<1x64xi32, #tpu.memory_space<vmem>>) target_semaphore(%arg30 : memref<!tpu.dma_semaphore, #tpu.memory_space<semaphore_mem>>)
      } else {
      }
      %add3A_143 = arith.addi %mul3A_2, %add3A_137 : i32
      %dma_wait3A_144 = arith.constant 0 : i32
      %dma_wait3A_145 = tpu.memref_slice %arg3[%add3A_143, %dma_wait3A_144] : memref<5120x64xi32, #tpu.memory_space<hbm>> -> memref<1x64xi32, #tpu.memory_space<hbm>>
      %dma_wait3A_146 = arith.constant 0 : i32
      %dma_wait3A_147 = tpu.memref_slice %arg3[%add3A_143, %dma_wait3A_146] : memref<5120x64xi32, #tpu.memory_space<hbm>> -> memref<1x64xi32, #tpu.memory_space<hbm>>
      tpu.wait_dma2 semaphore(%arg25 : memref<!tpu.dma_semaphore, #tpu.memory_space<semaphore_mem>>) src(%dma_wait3A_147 : memref<1x64xi32, #tpu.memory_space<hbm>>) dst(%arg10 : memref<1x64xi32, #tpu.memory_space<vmem>>)
      %dma_start3A_148 = arith.constant 0 : i32
      %dma_start3A_149 = arith.constant 0 : i32
      %dma_start3A_150 = tpu.memref_slice %arg10[%dma_start3A_148, %dma_start3A_149] : memref<1x64xi32, #tpu.memory_space<vmem>> -> memref<1x64xi32, #tpu.memory_space<vmem>>
      %dma_start3A_151 = tpu.memref_squeeze %dma_start3A_150 : memref<1x64xi32, #tpu.memory_space<vmem>> -> memref<64xi32, #tpu.memory_space<vmem>>
      %dma_start3A_152 = arith.constant 0 : i32
      %dma_start3A_153 = arith.constant 0 : i32
      %dma_start3A_154 = tpu.memref_slice %arg2[%dma_start3A_152, %dma_start3A_153] : memref<10112x128xf32, #tpu.memory_space<hbm>> -> memref<10112x128xf32, #tpu.memory_space<hbm>>
      tpu.enqueue_indirect_dma source(%dma_start3A_154 : memref<10112x128xf32, #tpu.memory_space<hbm>>) target(%arg20 : memref<64x128xf32, #tpu.memory_space<vmem>>) offsets(%dma_start3A_151 : memref<64xi32, #tpu.memory_space<vmem>>) semaphore(%arg35 : memref<!tpu.dma_semaphore, #tpu.memory_space<semaphore_mem>>)
      %mul3A_155 = arith.constant 5 : i32
      %mul3A_156 = arith.muli %scan3A_113, %mul3A_155 : i32
      %add3A_157 = arith.constant 2 : i32
      %add3A_158 = arith.addi %mul3A_156, %add3A_157 : i32
      %gt3A_159 = arith.constant 0 : i32
      %gt3A_160 = arith.cmpi sgt, %scan3A_113, %gt3A_159 : i32
      %convert_element_type3A_161 = arith.extui %gt3A_160 : i1 to i32
      %cond3A_162 = arith.constant 0 : i32
      %cond3A_163 = arith.cmpi ne, %convert_element_type3A_161, %cond3A_162 : i32
      scf.if %cond3A_163 {
        %dma_wait3A_367 = arith.constant 0 : i32
        %dma_wait3A_368 = arith.constant 0 : i32
        %dma_wait3A_369 = tpu.memref_slice %arg16[%dma_wait3A_367, %dma_wait3A_368] : memref<1x64xi32, #tpu.memory_space<vmem>> -> memref<1x64xi32, #tpu.memory_space<vmem>>
        %dma_wait3A_370 = tpu.memref_squeeze %dma_wait3A_369 : memref<1x64xi32, #tpu.memory_space<vmem>> -> memref<64xi32, #tpu.memory_space<vmem>>
        %dma_wait3A_371 = arith.constant 0 : i32
        %dma_wait3A_372 = arith.constant 0 : i32
        %dma_wait3A_373 = tpu.memref_slice %arg8[%dma_wait3A_371, %dma_wait3A_372] : memref<10112x128xf32, #tpu.memory_space<vmem_shared>> -> memref<10112x128xf32, #tpu.memory_space<vmem_shared>>
        tpu.wait_indirect_dma semaphore(%arg41 : memref<!tpu.dma_semaphore, #tpu.memory_space<semaphore_mem>>) src(%arg21 : memref<64x128xf32, #tpu.memory_space<vmem>>) dst(%dma_wait3A_373 : memref<10112x128xf32, #tpu.memory_space<vmem_shared>>)
        %add3A_374 = arith.addi %mul3A_2, %add3A_158 : i32
        %dma_start3A_375 = arith.constant 0 : i32
        %dma_start3A_376 = tpu.memref_slice %arg4[%add3A_374, %dma_start3A_375] : memref<5120x64xi32, #tpu.memory_space<hbm>> -> memref<1x64xi32, #tpu.memory_space<hbm>>
        %dma_start3A_377 = arith.constant 0 : i32
        %dma_start3A_378 = tpu.memref_slice %arg4[%add3A_374, %dma_start3A_377] : memref<5120x64xi32, #tpu.memory_space<hbm>> -> memref<1x64xi32, #tpu.memory_space<hbm>>
        tpu.enqueue_dma source(%dma_start3A_378 : memref<1x64xi32, #tpu.memory_space<hbm>>) target(%arg16 : memref<1x64xi32, #tpu.memory_space<vmem>>) target_semaphore(%arg31 : memref<!tpu.dma_semaphore, #tpu.memory_space<semaphore_mem>>)
      } else {
      }
      %add3A_164 = arith.addi %mul3A_2, %add3A_158 : i32
      %dma_wait3A_165 = arith.constant 0 : i32
      %dma_wait3A_166 = tpu.memref_slice %arg3[%add3A_164, %dma_wait3A_165] : memref<5120x64xi32, #tpu.memory_space<hbm>> -> memref<1x64xi32, #tpu.memory_space<hbm>>
      %dma_wait3A_167 = arith.constant 0 : i32
      %dma_wait3A_168 = tpu.memref_slice %arg3[%add3A_164, %dma_wait3A_167] : memref<5120x64xi32, #tpu.memory_space<hbm>> -> memref<1x64xi32, #tpu.memory_space<hbm>>
      tpu.wait_dma2 semaphore(%arg26 : memref<!tpu.dma_semaphore, #tpu.memory_space<semaphore_mem>>) src(%dma_wait3A_168 : memref<1x64xi32, #tpu.memory_space<hbm>>) dst(%arg11 : memref<1x64xi32, #tpu.memory_space<vmem>>)
      %dma_start3A_169 = arith.constant 0 : i32
      %dma_start3A_170 = arith.constant 0 : i32
      %dma_start3A_171 = tpu.memref_slice %arg11[%dma_start3A_169, %dma_start3A_170] : memref<1x64xi32, #tpu.memory_space<vmem>> -> memref<1x64xi32, #tpu.memory_space<vmem>>
      %dma_start3A_172 = tpu.memref_squeeze %dma_start3A_171 : memref<1x64xi32, #tpu.memory_space<vmem>> -> memref<64xi32, #tpu.memory_space<vmem>>
      %dma_start3A_173 = arith.constant 0 : i32
      %dma_start3A_174 = arith.constant 0 : i32
      %dma_start3A_175 = tpu.memref_slice %arg2[%dma_start3A_173, %dma_start3A_174] : memref<10112x128xf32, #tpu.memory_space<hbm>> -> memref<10112x128xf32, #tpu.memory_space<hbm>>
      tpu.enqueue_indirect_dma source(%dma_start3A_175 : memref<10112x128xf32, #tpu.memory_space<hbm>>) target(%arg21 : memref<64x128xf32, #tpu.memory_space<vmem>>) offsets(%dma_start3A_172 : memref<64xi32, #tpu.memory_space<vmem>>) semaphore(%arg36 : memref<!tpu.dma_semaphore, #tpu.memory_space<semaphore_mem>>)
      %mul3A_176 = arith.constant 5 : i32
      %mul3A_177 = arith.muli %scan3A_113, %mul3A_176 : i32
      %add3A_178 = arith.constant 3 : i32
      %add3A_179 = arith.addi %mul3A_177, %add3A_178 : i32
      %gt3A_180 = arith.constant 0 : i32
      %gt3A_181 = arith.cmpi sgt, %scan3A_113, %gt3A_180 : i32
      %convert_element_type3A_182 = arith.extui %gt3A_181 : i1 to i32
      %cond3A_183 = arith.constant 0 : i32
      %cond3A_184 = arith.cmpi ne, %convert_element_type3A_182, %cond3A_183 : i32
      scf.if %cond3A_184 {
        %dma_wait3A_367 = arith.constant 0 : i32
        %dma_wait3A_368 = arith.constant 0 : i32
        %dma_wait3A_369 = tpu.memref_slice %arg17[%dma_wait3A_367, %dma_wait3A_368] : memref<1x64xi32, #tpu.memory_space<vmem>> -> memref<1x64xi32, #tpu.memory_space<vmem>>
        %dma_wait3A_370 = tpu.memref_squeeze %dma_wait3A_369 : memref<1x64xi32, #tpu.memory_space<vmem>> -> memref<64xi32, #tpu.memory_space<vmem>>
        %dma_wait3A_371 = arith.constant 0 : i32
        %dma_wait3A_372 = arith.constant 0 : i32
        %dma_wait3A_373 = tpu.memref_slice %arg8[%dma_wait3A_371, %dma_wait3A_372] : memref<10112x128xf32, #tpu.memory_space<vmem_shared>> -> memref<10112x128xf32, #tpu.memory_space<vmem_shared>>
        tpu.wait_indirect_dma semaphore(%arg42 : memref<!tpu.dma_semaphore, #tpu.memory_space<semaphore_mem>>) src(%arg22 : memref<64x128xf32, #tpu.memory_space<vmem>>) dst(%dma_wait3A_373 : memref<10112x128xf32, #tpu.memory_space<vmem_shared>>)
        %add3A_374 = arith.addi %mul3A_2, %add3A_179 : i32
        %dma_start3A_375 = arith.constant 0 : i32
        %dma_start3A_376 = tpu.memref_slice %arg4[%add3A_374, %dma_start3A_375] : memref<5120x64xi32, #tpu.memory_space<hbm>> -> memref<1x64xi32, #tpu.memory_space<hbm>>
        %dma_start3A_377 = arith.constant 0 : i32
        %dma_start3A_378 = tpu.memref_slice %arg4[%add3A_374, %dma_start3A_377] : memref<5120x64xi32, #tpu.memory_space<hbm>> -> memref<1x64xi32, #tpu.memory_space<hbm>>
        tpu.enqueue_dma source(%dma_start3A_378 : memref<1x64xi32, #tpu.memory_space<hbm>>) target(%arg17 : memref<1x64xi32, #tpu.memory_space<vmem>>) target_semaphore(%arg32 : memref<!tpu.dma_semaphore, #tpu.memory_space<semaphore_mem>>)
      } else {
      }
      %add3A_185 = arith.addi %mul3A_2, %add3A_179 : i32
      %dma_wait3A_186 = arith.constant 0 : i32
      %dma_wait3A_187 = tpu.memref_slice %arg3[%add3A_185, %dma_wait3A_186] : memref<5120x64xi32, #tpu.memory_space<hbm>> -> memref<1x64xi32, #tpu.memory_space<hbm>>
      %dma_wait3A_188 = arith.constant 0 : i32
      %dma_wait3A_189 = tpu.memref_slice %arg3[%add3A_185, %dma_wait3A_188] : memref<5120x64xi32, #tpu.memory_space<hbm>> -> memref<1x64xi32, #tpu.memory_space<hbm>>
      tpu.wait_dma2 semaphore(%arg27 : memref<!tpu.dma_semaphore, #tpu.memory_space<semaphore_mem>>) src(%dma_wait3A_189 : memref<1x64xi32, #tpu.memory_space<hbm>>) dst(%arg12 : memref<1x64xi32, #tpu.memory_space<vmem>>)
      %dma_start3A_190 = arith.constant 0 : i32
      %dma_start3A_191 = arith.constant 0 : i32
      %dma_start3A_192 = tpu.memref_slice %arg12[%dma_start3A_190, %dma_start3A_191] : memref<1x64xi32, #tpu.memory_space<vmem>> -> memref<1x64xi32, #tpu.memory_space<vmem>>
      %dma_start3A_193 = tpu.memref_squeeze %dma_start3A_192 : memref<1x64xi32, #tpu.memory_space<vmem>> -> memref<64xi32, #tpu.memory_space<vmem>>
      %dma_start3A_194 = arith.constant 0 : i32
      %dma_start3A_195 = arith.constant 0 : i32
      %dma_start3A_196 = tpu.memref_slice %arg2[%dma_start3A_194, %dma_start3A_195] : memref<10112x128xf32, #tpu.memory_space<hbm>> -> memref<10112x128xf32, #tpu.memory_space<hbm>>
      tpu.enqueue_indirect_dma source(%dma_start3A_196 : memref<10112x128xf32, #tpu.memory_space<hbm>>) target(%arg22 : memref<64x128xf32, #tpu.memory_space<vmem>>) offsets(%dma_start3A_193 : memref<64xi32, #tpu.memory_space<vmem>>) semaphore(%arg37 : memref<!tpu.dma_semaphore, #tpu.memory_space<semaphore_mem>>)
      %mul3A_197 = arith.constant 5 : i32
      %mul3A_198 = arith.muli %scan3A_113, %mul3A_197 : i32
      %add3A_199 = arith.constant 4 : i32
      %add3A_200 = arith.addi %mul3A_198, %add3A_199 : i32
      %gt3A_201 = arith.constant 0 : i32
      %gt3A_202 = arith.cmpi sgt, %scan3A_113, %gt3A_201 : i32
      %convert_element_type3A_203 = arith.extui %gt3A_202 : i1 to i32
      %cond3A_204 = arith.constant 0 : i32
      %cond3A_205 = arith.cmpi ne, %convert_element_type3A_203, %cond3A_204 : i32
      scf.if %cond3A_205 {
        %dma_wait3A_367 = arith.constant 0 : i32
        %dma_wait3A_368 = arith.constant 0 : i32
        %dma_wait3A_369 = tpu.memref_slice %arg18[%dma_wait3A_367, %dma_wait3A_368] : memref<1x64xi32, #tpu.memory_space<vmem>> -> memref<1x64xi32, #tpu.memory_space<vmem>>
        %dma_wait3A_370 = tpu.memref_squeeze %dma_wait3A_369 : memref<1x64xi32, #tpu.memory_space<vmem>> -> memref<64xi32, #tpu.memory_space<vmem>>
        %dma_wait3A_371 = arith.constant 0 : i32
        %dma_wait3A_372 = arith.constant 0 : i32
        %dma_wait3A_373 = tpu.memref_slice %arg8[%dma_wait3A_371, %dma_wait3A_372] : memref<10112x128xf32, #tpu.memory_space<vmem_shared>> -> memref<10112x128xf32, #tpu.memory_space<vmem_shared>>
        tpu.wait_indirect_dma semaphore(%arg43 : memref<!tpu.dma_semaphore, #tpu.memory_space<semaphore_mem>>) src(%arg23 : memref<64x128xf32, #tpu.memory_space<vmem>>) dst(%dma_wait3A_373 : memref<10112x128xf32, #tpu.memory_space<vmem_shared>>)
        %add3A_374 = arith.addi %mul3A_2, %add3A_200 : i32
        %dma_start3A_375 = arith.constant 0 : i32
        %dma_start3A_376 = tpu.memref_slice %arg4[%add3A_374, %dma_start3A_375] : memref<5120x64xi32, #tpu.memory_space<hbm>> -> memref<1x64xi32, #tpu.memory_space<hbm>>
        %dma_start3A_377 = arith.constant 0 : i32
        %dma_start3A_378 = tpu.memref_slice %arg4[%add3A_374, %dma_start3A_377] : memref<5120x64xi32, #tpu.memory_space<hbm>> -> memref<1x64xi32, #tpu.memory_space<hbm>>
        tpu.enqueue_dma source(%dma_start3A_378 : memref<1x64xi32, #tpu.memory_space<hbm>>) target(%arg18 : memref<1x64xi32, #tpu.memory_space<vmem>>) target_semaphore(%arg33 : memref<!tpu.dma_semaphore, #tpu.memory_space<semaphore_mem>>)
      } else {
      }
      %add3A_206 = arith.addi %mul3A_2, %add3A_200 : i32
      %dma_wait3A_207 = arith.constant 0 : i32
      %dma_wait3A_208 = tpu.memref_slice %arg3[%add3A_206, %dma_wait3A_207] : memref<5120x64xi32, #tpu.memory_space<hbm>> -> memref<1x64xi32, #tpu.memory_space<hbm>>
      %dma_wait3A_209 = arith.constant 0 : i32
      %dma_wait3A_210 = tpu.memref_slice %arg3[%add3A_206, %dma_wait3A_209] : memref<5120x64xi32, #tpu.memory_space<hbm>> -> memref<1x64xi32, #tpu.memory_space<hbm>>
      tpu.wait_dma2 semaphore(%arg28 : memref<!tpu.dma_semaphore, #tpu.memory_space<semaphore_mem>>) src(%dma_wait3A_210 : memref<1x64xi32, #tpu.memory_space<hbm>>) dst(%arg13 : memref<1x64xi32, #tpu.memory_space<vmem>>)
      %dma_start3A_211 = arith.constant 0 : i32
      %dma_start3A_212 = arith.constant 0 : i32
      %dma_start3A_213 = tpu.memref_slice %arg13[%dma_start3A_211, %dma_start3A_212] : memref<1x64xi32, #tpu.memory_space<vmem>> -> memref<1x64xi32, #tpu.memory_space<vmem>>
      %dma_start3A_214 = tpu.memref_squeeze %dma_start3A_213 : memref<1x64xi32, #tpu.memory_space<vmem>> -> memref<64xi32, #tpu.memory_space<vmem>>
      %dma_start3A_215 = arith.constant 0 : i32
      %dma_start3A_216 = arith.constant 0 : i32
      %dma_start3A_217 = tpu.memref_slice %arg2[%dma_start3A_215, %dma_start3A_216] : memref<10112x128xf32, #tpu.memory_space<hbm>> -> memref<10112x128xf32, #tpu.memory_space<hbm>>
      tpu.enqueue_indirect_dma source(%dma_start3A_217 : memref<10112x128xf32, #tpu.memory_space<hbm>>) target(%arg23 : memref<64x128xf32, #tpu.memory_space<vmem>>) offsets(%dma_start3A_214 : memref<64xi32, #tpu.memory_space<vmem>>) semaphore(%arg38 : memref<!tpu.dma_semaphore, #tpu.memory_space<semaphore_mem>>)
      %mul3A_218 = arith.constant 5 : i32
      %mul3A_219 = arith.muli %scan3A_113, %mul3A_218 : i32
      %add3A_220 = arith.constant 0 : i32
      %add3A_221 = arith.addi %mul3A_219, %add3A_220 : i32
      %dma_wait3A_222 = arith.constant 0 : i32
      %dma_wait3A_223 = arith.constant 0 : i32
      %dma_wait3A_224 = tpu.memref_slice %arg9[%dma_wait3A_222, %dma_wait3A_223] : memref<1x64xi32, #tpu.memory_space<vmem>> -> memref<1x64xi32, #tpu.memory_space<vmem>>
      %dma_wait3A_225 = tpu.memref_squeeze %dma_wait3A_224 : memref<1x64xi32, #tpu.memory_space<vmem>> -> memref<64xi32, #tpu.memory_space<vmem>>
      %dma_wait3A_226 = arith.constant 0 : i32
      %dma_wait3A_227 = arith.constant 0 : i32
      %dma_wait3A_228 = tpu.memref_slice %arg2[%dma_wait3A_226, %dma_wait3A_227] : memref<10112x128xf32, #tpu.memory_space<hbm>> -> memref<10112x128xf32, #tpu.memory_space<hbm>>
      tpu.wait_indirect_dma semaphore(%arg34 : memref<!tpu.dma_semaphore, #tpu.memory_space<semaphore_mem>>) src(%dma_wait3A_228 : memref<10112x128xf32, #tpu.memory_space<hbm>>) dst(%arg19 : memref<64x128xf32, #tpu.memory_space<vmem>>)
      %add3A_229 = arith.addi %mul3A_2, %add3A_221 : i32
      %dma_wait3A_230 = arith.constant 0 : i32
      %dma_wait3A_231 = tpu.memref_slice %arg4[%add3A_229, %dma_wait3A_230] : memref<5120x64xi32, #tpu.memory_space<hbm>> -> memref<1x64xi32, #tpu.memory_space<hbm>>
      %dma_wait3A_232 = arith.constant 0 : i32
      %dma_wait3A_233 = tpu.memref_slice %arg4[%add3A_229, %dma_wait3A_232] : memref<5120x64xi32, #tpu.memory_space<hbm>> -> memref<1x64xi32, #tpu.memory_space<hbm>>
      tpu.wait_dma2 semaphore(%arg29 : memref<!tpu.dma_semaphore, #tpu.memory_space<semaphore_mem>>) src(%dma_wait3A_233 : memref<1x64xi32, #tpu.memory_space<hbm>>) dst(%arg14 : memref<1x64xi32, #tpu.memory_space<vmem>>)
      %dma_start3A_234 = arith.constant 0 : i32
      %dma_start3A_235 = arith.constant 0 : i32
      %dma_start3A_236 = tpu.memref_slice %arg14[%dma_start3A_234, %dma_start3A_235] : memref<1x64xi32, #tpu.memory_space<vmem>> -> memref<1x64xi32, #tpu.memory_space<vmem>>
      %dma_start3A_237 = tpu.memref_squeeze %dma_start3A_236 : memref<1x64xi32, #tpu.memory_space<vmem>> -> memref<64xi32, #tpu.memory_space<vmem>>
      %dma_start3A_238 = arith.constant 0 : i32
      %dma_start3A_239 = arith.constant 0 : i32
      %dma_start3A_240 = tpu.memref_slice %arg8[%dma_start3A_238, %dma_start3A_239] : memref<10112x128xf32, #tpu.memory_space<vmem_shared>> -> memref<10112x128xf32, #tpu.memory_space<vmem_shared>>
      tpu.enqueue_indirect_dma source(%arg19 : memref<64x128xf32, #tpu.memory_space<vmem>>) target(%dma_start3A_240 : memref<10112x128xf32, #tpu.memory_space<vmem_shared>>) offsets(%dma_start3A_237 : memref<64xi32, #tpu.memory_space<vmem>>) semaphore(%arg39 : memref<!tpu.dma_semaphore, #tpu.memory_space<semaphore_mem>>) {add = true}
      %add3A_241 = arith.constant 1 : i32
      %add3A_242 = arith.addi %scan3A_113, %add3A_241 : i32
      %lt3A = arith.constant 32 : i32
      %lt3A_243 = arith.cmpi slt, %add3A_242, %lt3A : i32
      %convert_element_type3A_244 = arith.extui %lt3A_243 : i1 to i32
      %cond3A_245 = arith.constant 0 : i32
      %cond3A_246 = arith.cmpi ne, %convert_element_type3A_244, %cond3A_245 : i32
      scf.if %cond3A_246 {
        %add3A_367 = arith.constant 1 : i32
        %add3A_368 = arith.addi %scan3A_113, %add3A_367 : i32
        %mul3A_369 = arith.constant 5 : i32
        %mul3A_370 = arith.muli %add3A_368, %mul3A_369 : i32
        %add3A_371 = arith.constant 0 : i32
        %add3A_372 = arith.addi %mul3A_370, %add3A_371 : i32
        %add3A_373 = arith.addi %mul3A_2, %add3A_372 : i32
        %dma_start3A_374 = arith.constant 0 : i32
        %dma_start3A_375 = tpu.memref_slice %arg3[%add3A_373, %dma_start3A_374] : memref<5120x64xi32, #tpu.memory_space<hbm>> -> memref<1x64xi32, #tpu.memory_space<hbm>>
        %dma_start3A_376 = arith.constant 0 : i32
        %dma_start3A_377 = tpu.memref_slice %arg3[%add3A_373, %dma_start3A_376] : memref<5120x64xi32, #tpu.memory_space<hbm>> -> memref<1x64xi32, #tpu.memory_space<hbm>>
        tpu.enqueue_dma source(%dma_start3A_377 : memref<1x64xi32, #tpu.memory_space<hbm>>) target(%arg9 : memref<1x64xi32, #tpu.memory_space<vmem>>) target_semaphore(%arg24 : memref<!tpu.dma_semaphore, #tpu.memory_space<semaphore_mem>>)
      } else {
      }
      %mul3A_247 = arith.constant 5 : i32
      %mul3A_248 = arith.muli %scan3A_113, %mul3A_247 : i32
      %add3A_249 = arith.constant 1 : i32
      %add3A_250 = arith.addi %mul3A_248, %add3A_249 : i32
      %dma_wait3A_251 = arith.constant 0 : i32
      %dma_wait3A_252 = arith.constant 0 : i32
      %dma_wait3A_253 = tpu.memref_slice %arg10[%dma_wait3A_251, %dma_wait3A_252] : memref<1x64xi32, #tpu.memory_space<vmem>> -> memref<1x64xi32, #tpu.memory_space<vmem>>
      %dma_wait3A_254 = tpu.memref_squeeze %dma_wait3A_253 : memref<1x64xi32, #tpu.memory_space<vmem>> -> memref<64xi32, #tpu.memory_space<vmem>>
      %dma_wait3A_255 = arith.constant 0 : i32
      %dma_wait3A_256 = arith.constant 0 : i32
      %dma_wait3A_257 = tpu.memref_slice %arg2[%dma_wait3A_255, %dma_wait3A_256] : memref<10112x128xf32, #tpu.memory_space<hbm>> -> memref<10112x128xf32, #tpu.memory_space<hbm>>
      tpu.wait_indirect_dma semaphore(%arg35 : memref<!tpu.dma_semaphore, #tpu.memory_space<semaphore_mem>>) src(%dma_wait3A_257 : memref<10112x128xf32, #tpu.memory_space<hbm>>) dst(%arg20 : memref<64x128xf32, #tpu.memory_space<vmem>>)
      %add3A_258 = arith.addi %mul3A_2, %add3A_250 : i32
      %dma_wait3A_259 = arith.constant 0 : i32
      %dma_wait3A_260 = tpu.memref_slice %arg4[%add3A_258, %dma_wait3A_259] : memref<5120x64xi32, #tpu.memory_space<hbm>> -> memref<1x64xi32, #tpu.memory_space<hbm>>
      %dma_wait3A_261 = arith.constant 0 : i32
      %dma_wait3A_262 = tpu.memref_slice %arg4[%add3A_258, %dma_wait3A_261] : memref<5120x64xi32, #tpu.memory_space<hbm>> -> memref<1x64xi32, #tpu.memory_space<hbm>>
      tpu.wait_dma2 semaphore(%arg30 : memref<!tpu.dma_semaphore, #tpu.memory_space<semaphore_mem>>) src(%dma_wait3A_262 : memref<1x64xi32, #tpu.memory_space<hbm>>) dst(%arg15 : memref<1x64xi32, #tpu.memory_space<vmem>>)
      %dma_start3A_263 = arith.constant 0 : i32
      %dma_start3A_264 = arith.constant 0 : i32
      %dma_start3A_265 = tpu.memref_slice %arg15[%dma_start3A_263, %dma_start3A_264] : memref<1x64xi32, #tpu.memory_space<vmem>> -> memref<1x64xi32, #tpu.memory_space<vmem>>
      %dma_start3A_266 = tpu.memref_squeeze %dma_start3A_265 : memref<1x64xi32, #tpu.memory_space<vmem>> -> memref<64xi32, #tpu.memory_space<vmem>>
      %dma_start3A_267 = arith.constant 0 : i32
      %dma_start3A_268 = arith.constant 0 : i32
      %dma_start3A_269 = tpu.memref_slice %arg8[%dma_start3A_267, %dma_start3A_268] : memref<10112x128xf32, #tpu.memory_space<vmem_shared>> -> memref<10112x128xf32, #tpu.memory_space<vmem_shared>>
      tpu.enqueue_indirect_dma source(%arg20 : memref<64x128xf32, #tpu.memory_space<vmem>>) target(%dma_start3A_269 : memref<10112x128xf32, #tpu.memory_space<vmem_shared>>) offsets(%dma_start3A_266 : memref<64xi32, #tpu.memory_space<vmem>>) semaphore(%arg40 : memref<!tpu.dma_semaphore, #tpu.memory_space<semaphore_mem>>) {add = true}
      %add3A_270 = arith.constant 1 : i32
      %add3A_271 = arith.addi %scan3A_113, %add3A_270 : i32
      %lt3A_272 = arith.constant 32 : i32
      %lt3A_273 = arith.cmpi slt, %add3A_271, %lt3A_272 : i32
      %convert_element_type3A_274 = arith.extui %lt3A_273 : i1 to i32
      %cond3A_275 = arith.constant 0 : i32
      %cond3A_276 = arith.cmpi ne, %convert_element_type3A_274, %cond3A_275 : i32
      scf.if %cond3A_276 {
        %add3A_367 = arith.constant 1 : i32
        %add3A_368 = arith.addi %scan3A_113, %add3A_367 : i32
        %mul3A_369 = arith.constant 5 : i32
        %mul3A_370 = arith.muli %add3A_368, %mul3A_369 : i32
        %add3A_371 = arith.constant 1 : i32
        %add3A_372 = arith.addi %mul3A_370, %add3A_371 : i32
        %add3A_373 = arith.addi %mul3A_2, %add3A_372 : i32
        %dma_start3A_374 = arith.constant 0 : i32
        %dma_start3A_375 = tpu.memref_slice %arg3[%add3A_373, %dma_start3A_374] : memref<5120x64xi32, #tpu.memory_space<hbm>> -> memref<1x64xi32, #tpu.memory_space<hbm>>
        %dma_start3A_376 = arith.constant 0 : i32
        %dma_start3A_377 = tpu.memref_slice %arg3[%add3A_373, %dma_start3A_376] : memref<5120x64xi32, #tpu.memory_space<hbm>> -> memref<1x64xi32, #tpu.memory_space<hbm>>
        tpu.enqueue_dma source(%dma_start3A_377 : memref<1x64xi32, #tpu.memory_space<hbm>>) target(%arg10 : memref<1x64xi32, #tpu.memory_space<vmem>>) target_semaphore(%arg25 : memref<!tpu.dma_semaphore, #tpu.memory_space<semaphore_mem>>)
      } else {
      }
      %mul3A_277 = arith.constant 5 : i32
      %mul3A_278 = arith.muli %scan3A_113, %mul3A_277 : i32
      %add3A_279 = arith.constant 2 : i32
      %add3A_280 = arith.addi %mul3A_278, %add3A_279 : i32
      %dma_wait3A_281 = arith.constant 0 : i32
      %dma_wait3A_282 = arith.constant 0 : i32
      %dma_wait3A_283 = tpu.memref_slice %arg11[%dma_wait3A_281, %dma_wait3A_282] : memref<1x64xi32, #tpu.memory_space<vmem>> -> memref<1x64xi32, #tpu.memory_space<vmem>>
      %dma_wait3A_284 = tpu.memref_squeeze %dma_wait3A_283 : memref<1x64xi32, #tpu.memory_space<vmem>> -> memref<64xi32, #tpu.memory_space<vmem>>
      %dma_wait3A_285 = arith.constant 0 : i32
      %dma_wait3A_286 = arith.constant 0 : i32
      %dma_wait3A_287 = tpu.memref_slice %arg2[%dma_wait3A_285, %dma_wait3A_286] : memref<10112x128xf32, #tpu.memory_space<hbm>> -> memref<10112x128xf32, #tpu.memory_space<hbm>>
      tpu.wait_indirect_dma semaphore(%arg36 : memref<!tpu.dma_semaphore, #tpu.memory_space<semaphore_mem>>) src(%dma_wait3A_287 : memref<10112x128xf32, #tpu.memory_space<hbm>>) dst(%arg21 : memref<64x128xf32, #tpu.memory_space<vmem>>)
      %add3A_288 = arith.addi %mul3A_2, %add3A_280 : i32
      %dma_wait3A_289 = arith.constant 0 : i32
      %dma_wait3A_290 = tpu.memref_slice %arg4[%add3A_288, %dma_wait3A_289] : memref<5120x64xi32, #tpu.memory_space<hbm>> -> memref<1x64xi32, #tpu.memory_space<hbm>>
      %dma_wait3A_291 = arith.constant 0 : i32
      %dma_wait3A_292 = tpu.memref_slice %arg4[%add3A_288, %dma_wait3A_291] : memref<5120x64xi32, #tpu.memory_space<hbm>> -> memref<1x64xi32, #tpu.memory_space<hbm>>
      tpu.wait_dma2 semaphore(%arg31 : memref<!tpu.dma_semaphore, #tpu.memory_space<semaphore_mem>>) src(%dma_wait3A_292 : memref<1x64xi32, #tpu.memory_space<hbm>>) dst(%arg16 : memref<1x64xi32, #tpu.memory_space<vmem>>)
      %dma_start3A_293 = arith.constant 0 : i32
      %dma_start3A_294 = arith.constant 0 : i32
      %dma_start3A_295 = tpu.memref_slice %arg16[%dma_start3A_293, %dma_start3A_294] : memref<1x64xi32, #tpu.memory_space<vmem>> -> memref<1x64xi32, #tpu.memory_space<vmem>>
      %dma_start3A_296 = tpu.memref_squeeze %dma_start3A_295 : memref<1x64xi32, #tpu.memory_space<vmem>> -> memref<64xi32, #tpu.memory_space<vmem>>
      %dma_start3A_297 = arith.constant 0 : i32
      %dma_start3A_298 = arith.constant 0 : i32
      %dma_start3A_299 = tpu.memref_slice %arg8[%dma_start3A_297, %dma_start3A_298] : memref<10112x128xf32, #tpu.memory_space<vmem_shared>> -> memref<10112x128xf32, #tpu.memory_space<vmem_shared>>
      tpu.enqueue_indirect_dma source(%arg21 : memref<64x128xf32, #tpu.memory_space<vmem>>) target(%dma_start3A_299 : memref<10112x128xf32, #tpu.memory_space<vmem_shared>>) offsets(%dma_start3A_296 : memref<64xi32, #tpu.memory_space<vmem>>) semaphore(%arg41 : memref<!tpu.dma_semaphore, #tpu.memory_space<semaphore_mem>>) {add = true}
      %add3A_300 = arith.constant 1 : i32
      %add3A_301 = arith.addi %scan3A_113, %add3A_300 : i32
      %lt3A_302 = arith.constant 32 : i32
      %lt3A_303 = arith.cmpi slt, %add3A_301, %lt3A_302 : i32
      %convert_element_type3A_304 = arith.extui %lt3A_303 : i1 to i32
      %cond3A_305 = arith.constant 0 : i32
      %cond3A_306 = arith.cmpi ne, %convert_element_type3A_304, %cond3A_305 : i32
      scf.if %cond3A_306 {
        %add3A_367 = arith.constant 1 : i32
        %add3A_368 = arith.addi %scan3A_113, %add3A_367 : i32
        %mul3A_369 = arith.constant 5 : i32
        %mul3A_370 = arith.muli %add3A_368, %mul3A_369 : i32
        %add3A_371 = arith.constant 2 : i32
        %add3A_372 = arith.addi %mul3A_370, %add3A_371 : i32
        %add3A_373 = arith.addi %mul3A_2, %add3A_372 : i32
        %dma_start3A_374 = arith.constant 0 : i32
        %dma_start3A_375 = tpu.memref_slice %arg3[%add3A_373, %dma_start3A_374] : memref<5120x64xi32, #tpu.memory_space<hbm>> -> memref<1x64xi32, #tpu.memory_space<hbm>>
        %dma_start3A_376 = arith.constant 0 : i32
        %dma_start3A_377 = tpu.memref_slice %arg3[%add3A_373, %dma_start3A_376] : memref<5120x64xi32, #tpu.memory_space<hbm>> -> memref<1x64xi32, #tpu.memory_space<hbm>>
        tpu.enqueue_dma source(%dma_start3A_377 : memref<1x64xi32, #tpu.memory_space<hbm>>) target(%arg11 : memref<1x64xi32, #tpu.memory_space<vmem>>) target_semaphore(%arg26 : memref<!tpu.dma_semaphore, #tpu.memory_space<semaphore_mem>>)
      } else {
      }
      %mul3A_307 = arith.constant 5 : i32
      %mul3A_308 = arith.muli %scan3A_113, %mul3A_307 : i32
      %add3A_309 = arith.constant 3 : i32
      %add3A_310 = arith.addi %mul3A_308, %add3A_309 : i32
      %dma_wait3A_311 = arith.constant 0 : i32
      %dma_wait3A_312 = arith.constant 0 : i32
      %dma_wait3A_313 = tpu.memref_slice %arg12[%dma_wait3A_311, %dma_wait3A_312] : memref<1x64xi32, #tpu.memory_space<vmem>> -> memref<1x64xi32, #tpu.memory_space<vmem>>
      %dma_wait3A_314 = tpu.memref_squeeze %dma_wait3A_313 : memref<1x64xi32, #tpu.memory_space<vmem>> -> memref<64xi32, #tpu.memory_space<vmem>>
      %dma_wait3A_315 = arith.constant 0 : i32
      %dma_wait3A_316 = arith.constant 0 : i32
      %dma_wait3A_317 = tpu.memref_slice %arg2[%dma_wait3A_315, %dma_wait3A_316] : memref<10112x128xf32, #tpu.memory_space<hbm>> -> memref<10112x128xf32, #tpu.memory_space<hbm>>
      tpu.wait_indirect_dma semaphore(%arg37 : memref<!tpu.dma_semaphore, #tpu.memory_space<semaphore_mem>>) src(%dma_wait3A_317 : memref<10112x128xf32, #tpu.memory_space<hbm>>) dst(%arg22 : memref<64x128xf32, #tpu.memory_space<vmem>>)
      %add3A_318 = arith.addi %mul3A_2, %add3A_310 : i32
      %dma_wait3A_319 = arith.constant 0 : i32
      %dma_wait3A_320 = tpu.memref_slice %arg4[%add3A_318, %dma_wait3A_319] : memref<5120x64xi32, #tpu.memory_space<hbm>> -> memref<1x64xi32, #tpu.memory_space<hbm>>
      %dma_wait3A_321 = arith.constant 0 : i32
      %dma_wait3A_322 = tpu.memref_slice %arg4[%add3A_318, %dma_wait3A_321] : memref<5120x64xi32, #tpu.memory_space<hbm>> -> memref<1x64xi32, #tpu.memory_space<hbm>>
      tpu.wait_dma2 semaphore(%arg32 : memref<!tpu.dma_semaphore, #tpu.memory_space<semaphore_mem>>) src(%dma_wait3A_322 : memref<1x64xi32, #tpu.memory_space<hbm>>) dst(%arg17 : memref<1x64xi32, #tpu.memory_space<vmem>>)
      %dma_start3A_323 = arith.constant 0 : i32
      %dma_start3A_324 = arith.constant 0 : i32
      %dma_start3A_325 = tpu.memref_slice %arg17[%dma_start3A_323, %dma_start3A_324] : memref<1x64xi32, #tpu.memory_space<vmem>> -> memref<1x64xi32, #tpu.memory_space<vmem>>
      %dma_start3A_326 = tpu.memref_squeeze %dma_start3A_325 : memref<1x64xi32, #tpu.memory_space<vmem>> -> memref<64xi32, #tpu.memory_space<vmem>>
      %dma_start3A_327 = arith.constant 0 : i32
      %dma_start3A_328 = arith.constant 0 : i32
      %dma_start3A_329 = tpu.memref_slice %arg8[%dma_start3A_327, %dma_start3A_328] : memref<10112x128xf32, #tpu.memory_space<vmem_shared>> -> memref<10112x128xf32, #tpu.memory_space<vmem_shared>>
      tpu.enqueue_indirect_dma source(%arg22 : memref<64x128xf32, #tpu.memory_space<vmem>>) target(%dma_start3A_329 : memref<10112x128xf32, #tpu.memory_space<vmem_shared>>) offsets(%dma_start3A_326 : memref<64xi32, #tpu.memory_space<vmem>>) semaphore(%arg42 : memref<!tpu.dma_semaphore, #tpu.memory_space<semaphore_mem>>) {add = true}
      %add3A_330 = arith.constant 1 : i32
      %add3A_331 = arith.addi %scan3A_113, %add3A_330 : i32
      %lt3A_332 = arith.constant 32 : i32
      %lt3A_333 = arith.cmpi slt, %add3A_331, %lt3A_332 : i32
      %convert_element_type3A_334 = arith.extui %lt3A_333 : i1 to i32
      %cond3A_335 = arith.constant 0 : i32
      %cond3A_336 = arith.cmpi ne, %convert_element_type3A_334, %cond3A_335 : i32
      scf.if %cond3A_336 {
        %add3A_367 = arith.constant 1 : i32
        %add3A_368 = arith.addi %scan3A_113, %add3A_367 : i32
        %mul3A_369 = arith.constant 5 : i32
        %mul3A_370 = arith.muli %add3A_368, %mul3A_369 : i32
        %add3A_371 = arith.constant 3 : i32
        %add3A_372 = arith.addi %mul3A_370, %add3A_371 : i32
        %add3A_373 = arith.addi %mul3A_2, %add3A_372 : i32
        %dma_start3A_374 = arith.constant 0 : i32
        %dma_start3A_375 = tpu.memref_slice %arg3[%add3A_373, %dma_start3A_374] : memref<5120x64xi32, #tpu.memory_space<hbm>> -> memref<1x64xi32, #tpu.memory_space<hbm>>
        %dma_start3A_376 = arith.constant 0 : i32
        %dma_start3A_377 = tpu.memref_slice %arg3[%add3A_373, %dma_start3A_376] : memref<5120x64xi32, #tpu.memory_space<hbm>> -> memref<1x64xi32, #tpu.memory_space<hbm>>
        tpu.enqueue_dma source(%dma_start3A_377 : memref<1x64xi32, #tpu.memory_space<hbm>>) target(%arg12 : memref<1x64xi32, #tpu.memory_space<vmem>>) target_semaphore(%arg27 : memref<!tpu.dma_semaphore, #tpu.memory_space<semaphore_mem>>)
      } else {
      }
      %mul3A_337 = arith.constant 5 : i32
      %mul3A_338 = arith.muli %scan3A_113, %mul3A_337 : i32
      %add3A_339 = arith.constant 4 : i32
      %add3A_340 = arith.addi %mul3A_338, %add3A_339 : i32
      %dma_wait3A_341 = arith.constant 0 : i32
      %dma_wait3A_342 = arith.constant 0 : i32
      %dma_wait3A_343 = tpu.memref_slice %arg13[%dma_wait3A_341, %dma_wait3A_342] : memref<1x64xi32, #tpu.memory_space<vmem>> -> memref<1x64xi32, #tpu.memory_space<vmem>>
      %dma_wait3A_344 = tpu.memref_squeeze %dma_wait3A_343 : memref<1x64xi32, #tpu.memory_space<vmem>> -> memref<64xi32, #tpu.memory_space<vmem>>
      %dma_wait3A_345 = arith.constant 0 : i32
      %dma_wait3A_346 = arith.constant 0 : i32
      %dma_wait3A_347 = tpu.memref_slice %arg2[%dma_wait3A_345, %dma_wait3A_346] : memref<10112x128xf32, #tpu.memory_space<hbm>> -> memref<10112x128xf32, #tpu.memory_space<hbm>>
      tpu.wait_indirect_dma semaphore(%arg38 : memref<!tpu.dma_semaphore, #tpu.memory_space<semaphore_mem>>) src(%dma_wait3A_347 : memref<10112x128xf32, #tpu.memory_space<hbm>>) dst(%arg23 : memref<64x128xf32, #tpu.memory_space<vmem>>)
      %add3A_348 = arith.addi %mul3A_2, %add3A_340 : i32
      %dma_wait3A_349 = arith.constant 0 : i32
      %dma_wait3A_350 = tpu.memref_slice %arg4[%add3A_348, %dma_wait3A_349] : memref<5120x64xi32, #tpu.memory_space<hbm>> -> memref<1x64xi32, #tpu.memory_space<hbm>>
      %dma_wait3A_351 = arith.constant 0 : i32
      %dma_wait3A_352 = tpu.memref_slice %arg4[%add3A_348, %dma_wait3A_351] : memref<5120x64xi32, #tpu.memory_space<hbm>> -> memref<1x64xi32, #tpu.memory_space<hbm>>
      tpu.wait_dma2 semaphore(%arg33 : memref<!tpu.dma_semaphore, #tpu.memory_space<semaphore_mem>>) src(%dma_wait3A_352 : memref<1x64xi32, #tpu.memory_space<hbm>>) dst(%arg18 : memref<1x64xi32, #tpu.memory_space<vmem>>)
      %dma_start3A_353 = arith.constant 0 : i32
      %dma_start3A_354 = arith.constant 0 : i32
      %dma_start3A_355 = tpu.memref_slice %arg18[%dma_start3A_353, %dma_start3A_354] : memref<1x64xi32, #tpu.memory_space<vmem>> -> memref<1x64xi32, #tpu.memory_space<vmem>>
      %dma_start3A_356 = tpu.memref_squeeze %dma_start3A_355 : memref<1x64xi32, #tpu.memory_space<vmem>> -> memref<64xi32, #tpu.memory_space<vmem>>
      %dma_start3A_357 = arith.constant 0 : i32
      %dma_start3A_358 = arith.constant 0 : i32
      %dma_start3A_359 = tpu.memref_slice %arg8[%dma_start3A_357, %dma_start3A_358] : memref<10112x128xf32, #tpu.memory_space<vmem_shared>> -> memref<10112x128xf32, #tpu.memory_space<vmem_shared>>
      tpu.enqueue_indirect_dma source(%arg23 : memref<64x128xf32, #tpu.memory_space<vmem>>) target(%dma_start3A_359 : memref<10112x128xf32, #tpu.memory_space<vmem_shared>>) offsets(%dma_start3A_356 : memref<64xi32, #tpu.memory_space<vmem>>) semaphore(%arg43 : memref<!tpu.dma_semaphore, #tpu.memory_space<semaphore_mem>>) {add = true}
      %add3A_360 = arith.constant 1 : i32
      %add3A_361 = arith.addi %scan3A_113, %add3A_360 : i32
      %lt3A_362 = arith.constant 32 : i32
      %lt3A_363 = arith.cmpi slt, %add3A_361, %lt3A_362 : i32
      %convert_element_type3A_364 = arith.extui %lt3A_363 : i1 to i32
      %cond3A_365 = arith.constant 0 : i32
      %cond3A_366 = arith.cmpi ne, %convert_element_type3A_364, %cond3A_365 : i32
      scf.if %cond3A_366 {
        %add3A_367 = arith.constant 1 : i32
        %add3A_368 = arith.addi %scan3A_113, %add3A_367 : i32
        %mul3A_369 = arith.constant 5 : i32
        %mul3A_370 = arith.muli %add3A_368, %mul3A_369 : i32
        %add3A_371 = arith.constant 4 : i32
        %add3A_372 = arith.addi %mul3A_370, %add3A_371 : i32
        %add3A_373 = arith.addi %mul3A_2, %add3A_372 : i32
        %dma_start3A_374 = arith.constant 0 : i32
        %dma_start3A_375 = tpu.memref_slice %arg3[%add3A_373, %dma_start3A_374] : memref<5120x64xi32, #tpu.memory_space<hbm>> -> memref<1x64xi32, #tpu.memory_space<hbm>>
        %dma_start3A_376 = arith.constant 0 : i32
        %dma_start3A_377 = tpu.memref_slice %arg3[%add3A_373, %dma_start3A_376] : memref<5120x64xi32, #tpu.memory_space<hbm>> -> memref<1x64xi32, #tpu.memory_space<hbm>>
        tpu.enqueue_dma source(%dma_start3A_377 : memref<1x64xi32, #tpu.memory_space<hbm>>) target(%arg13 : memref<1x64xi32, #tpu.memory_space<vmem>>) target_semaphore(%arg28 : memref<!tpu.dma_semaphore, #tpu.memory_space<semaphore_mem>>)
      } else {
      }
    }
    %scan3A_70 = arith.constant 32 : i32
    %dma_wait3A = arith.constant 0 : i32
    %dma_wait3A_71 = arith.constant 0 : i32
    %dma_wait3A_72 = tpu.memref_slice %arg14[%dma_wait3A, %dma_wait3A_71] : memref<1x64xi32, #tpu.memory_space<vmem>> -> memref<1x64xi32, #tpu.memory_space<vmem>>
    %dma_wait3A_73 = tpu.memref_squeeze %dma_wait3A_72 : memref<1x64xi32, #tpu.memory_space<vmem>> -> memref<64xi32, #tpu.memory_space<vmem>>
    %dma_wait3A_74 = arith.constant 0 : i32
    %dma_wait3A_75 = arith.constant 0 : i32
    %dma_wait3A_76 = tpu.memref_slice %arg8[%dma_wait3A_74, %dma_wait3A_75] : memref<10112x128xf32, #tpu.memory_space<vmem_shared>> -> memref<10112x128xf32, #tpu.memory_space<vmem_shared>>
    tpu.wait_indirect_dma semaphore(%arg39 : memref<!tpu.dma_semaphore, #tpu.memory_space<semaphore_mem>>) src(%arg19 : memref<64x128xf32, #tpu.memory_space<vmem>>) dst(%dma_wait3A_76 : memref<10112x128xf32, #tpu.memory_space<vmem_shared>>)
    %dma_wait3A_77 = arith.constant 0 : i32
    %dma_wait3A_78 = arith.constant 0 : i32
    %dma_wait3A_79 = tpu.memref_slice %arg15[%dma_wait3A_77, %dma_wait3A_78] : memref<1x64xi32, #tpu.memory_space<vmem>> -> memref<1x64xi32, #tpu.memory_space<vmem>>
    %dma_wait3A_80 = tpu.memref_squeeze %dma_wait3A_79 : memref<1x64xi32, #tpu.memory_space<vmem>> -> memref<64xi32, #tpu.memory_space<vmem>>
    %dma_wait3A_81 = arith.constant 0 : i32
    %dma_wait3A_82 = arith.constant 0 : i32
    %dma_wait3A_83 = tpu.memref_slice %arg8[%dma_wait3A_81, %dma_wait3A_82] : memref<10112x128xf32, #tpu.memory_space<vmem_shared>> -> memref<10112x128xf32, #tpu.memory_space<vmem_shared>>
    tpu.wait_indirect_dma semaphore(%arg40 : memref<!tpu.dma_semaphore, #tpu.memory_space<semaphore_mem>>) src(%arg20 : memref<64x128xf32, #tpu.memory_space<vmem>>) dst(%dma_wait3A_83 : memref<10112x128xf32, #tpu.memory_space<vmem_shared>>)
    %dma_wait3A_84 = arith.constant 0 : i32
    %dma_wait3A_85 = arith.constant 0 : i32
    %dma_wait3A_86 = tpu.memref_slice %arg16[%dma_wait3A_84, %dma_wait3A_85] : memref<1x64xi32, #tpu.memory_space<vmem>> -> memref<1x64xi32, #tpu.memory_space<vmem>>
    %dma_wait3A_87 = tpu.memref_squeeze %dma_wait3A_86 : memref<1x64xi32, #tpu.memory_space<vmem>> -> memref<64xi32, #tpu.memory_space<vmem>>
    %dma_wait3A_88 = arith.constant 0 : i32
    %dma_wait3A_89 = arith.constant 0 : i32
    %dma_wait3A_90 = tpu.memref_slice %arg8[%dma_wait3A_88, %dma_wait3A_89] : memref<10112x128xf32, #tpu.memory_space<vmem_shared>> -> memref<10112x128xf32, #tpu.memory_space<vmem_shared>>
    tpu.wait_indirect_dma semaphore(%arg41 : memref<!tpu.dma_semaphore, #tpu.memory_space<semaphore_mem>>) src(%arg21 : memref<64x128xf32, #tpu.memory_space<vmem>>) dst(%dma_wait3A_90 : memref<10112x128xf32, #tpu.memory_space<vmem_shared>>)
    %dma_wait3A_91 = arith.constant 0 : i32
    %dma_wait3A_92 = arith.constant 0 : i32
    %dma_wait3A_93 = tpu.memref_slice %arg17[%dma_wait3A_91, %dma_wait3A_92] : memref<1x64xi32, #tpu.memory_space<vmem>> -> memref<1x64xi32, #tpu.memory_space<vmem>>
    %dma_wait3A_94 = tpu.memref_squeeze %dma_wait3A_93 : memref<1x64xi32, #tpu.memory_space<vmem>> -> memref<64xi32, #tpu.memory_space<vmem>>
    %dma_wait3A_95 = arith.constant 0 : i32
    %dma_wait3A_96 = arith.constant 0 : i32
    %dma_wait3A_97 = tpu.memref_slice %arg8[%dma_wait3A_95, %dma_wait3A_96] : memref<10112x128xf32, #tpu.memory_space<vmem_shared>> -> memref<10112x128xf32, #tpu.memory_space<vmem_shared>>
    tpu.wait_indirect_dma semaphore(%arg42 : memref<!tpu.dma_semaphore, #tpu.memory_space<semaphore_mem>>) src(%arg22 : memref<64x128xf32, #tpu.memory_space<vmem>>) dst(%dma_wait3A_97 : memref<10112x128xf32, #tpu.memory_space<vmem_shared>>)
    %dma_wait3A_98 = arith.constant 0 : i32
    %dma_wait3A_99 = arith.constant 0 : i32
    %dma_wait3A_100 = tpu.memref_slice %arg18[%dma_wait3A_98, %dma_wait3A_99] : memref<1x64xi32, #tpu.memory_space<vmem>> -> memref<1x64xi32, #tpu.memory_space<vmem>>
    %dma_wait3A_101 = tpu.memref_squeeze %dma_wait3A_100 : memref<1x64xi32, #tpu.memory_space<vmem>> -> memref<64xi32, #tpu.memory_space<vmem>>
    %dma_wait3A_102 = arith.constant 0 : i32
    %dma_wait3A_103 = arith.constant 0 : i32
    %dma_wait3A_104 = tpu.memref_slice %arg8[%dma_wait3A_102, %dma_wait3A_103] : memref<10112x128xf32, #tpu.memory_space<vmem_shared>> -> memref<10112x128xf32, #tpu.memory_space<vmem_shared>>
    tpu.wait_indirect_dma semaphore(%arg43 : memref<!tpu.dma_semaphore, #tpu.memory_space<semaphore_mem>>) src(%arg23 : memref<64x128xf32, #tpu.memory_space<vmem>>) dst(%dma_wait3A_104 : memref<10112x128xf32, #tpu.memory_space<vmem_shared>>)
    %barrier3A_105 = arith.constant 0 : index
    tpu.barrier barrier_id(%barrier3A_105)
    %eq3A = arith.constant 0 : i32
    %eq3A_106 = arith.cmpi eq, %arg0, %eq3A : i32
    %convert_element_type3A = arith.extui %eq3A_106 : i1 to i32
    %cond3A = arith.constant 0 : i32
    %cond3A_107 = arith.cmpi ne, %convert_element_type3A, %cond3A : i32
    scf.if %cond3A_107 {
      %mul3A_113 = arith.constant 632 : i32
      %mul3A_114 = arith.muli %arg1, %mul3A_113 : i32
      %mul3A_115 = arith.constant 632 : i32
      %mul3A_116 = arith.muli %arg1, %mul3A_115 : i32
      "tpu.region"() ({
        %run_scoped3A = tpu.sem_alloc : memref<!tpu.dma_semaphore, #tpu.memory_space<semaphore_mem>>
        %dma_start3A_117 = arith.constant 0 : i32
        %dma_start3A_118 = tpu.memref_slice %arg6[%mul3A_116, %dma_start3A_117] : memref<10112x128xf32, #tpu.memory_space<hbm>> -> memref<632x128xf32, #tpu.memory_space<hbm>>
        %dma_start3A_119 = arith.constant 0 : i32
        %dma_start3A_120 = tpu.memref_slice %arg8[%mul3A_114, %dma_start3A_119] : memref<10112x128xf32, #tpu.memory_space<vmem_shared>> -> memref<632x128xf32, #tpu.memory_space<vmem_shared>>
        tpu.enqueue_dma source(%dma_start3A_120 : memref<632x128xf32, #tpu.memory_space<vmem_shared>>) target(%dma_start3A_118 : memref<632x128xf32, #tpu.memory_space<hbm>>) target_semaphore(%run_scoped3A : memref<!tpu.dma_semaphore, #tpu.memory_space<semaphore_mem>>)
        %dma_wait3A_121 = arith.constant 0 : i32
        %dma_wait3A_122 = tpu.memref_slice %arg6[%mul3A_116, %dma_wait3A_121] : memref<10112x128xf32, #tpu.memory_space<hbm>> -> memref<632x128xf32, #tpu.memory_space<hbm>>
        %dma_wait3A_123 = arith.constant 0 : i32
        %dma_wait3A_124 = tpu.memref_slice %arg8[%mul3A_114, %dma_wait3A_123] : memref<10112x128xf32, #tpu.memory_space<vmem_shared>> -> memref<632x128xf32, #tpu.memory_space<vmem_shared>>
        tpu.wait_dma2 semaphore(%run_scoped3A : memref<!tpu.dma_semaphore, #tpu.memory_space<semaphore_mem>>) src(%dma_wait3A_124 : memref<632x128xf32, #tpu.memory_space<vmem_shared>>) dst(%dma_wait3A_122 : memref<632x128xf32, #tpu.memory_space<hbm>>)
        tpu.yield
      }) : () -> ()
    } else {
    }
    %eq3A_108 = arith.constant 1 : i32
    %eq3A_109 = arith.cmpi eq, %arg0, %eq3A_108 : i32
    %convert_element_type3A_110 = arith.extui %eq3A_109 : i1 to i32
    %cond3A_111 = arith.constant 0 : i32
    %cond3A_112 = arith.cmpi ne, %convert_element_type3A_110, %cond3A_111 : i32
    scf.if %cond3A_112 {
      %mul3A_113 = arith.constant 632 : i32
      %mul3A_114 = arith.muli %arg1, %mul3A_113 : i32
      %mul3A_115 = arith.constant 632 : i32
      %mul3A_116 = arith.muli %arg1, %mul3A_115 : i32
      "tpu.region"() ({
        %run_scoped3A = tpu.sem_alloc : memref<!tpu.dma_semaphore, #tpu.memory_space<semaphore_mem>>
        %dma_start3A_117 = arith.constant 0 : i32
        %dma_start3A_118 = tpu.memref_slice %arg7[%mul3A_116, %dma_start3A_117] : memref<10112x128xf32, #tpu.memory_space<hbm>> -> memref<632x128xf32, #tpu.memory_space<hbm>>
        %dma_start3A_119 = arith.constant 0 : i32
        %dma_start3A_120 = tpu.memref_slice %arg8[%mul3A_114, %dma_start3A_119] : memref<10112x128xf32, #tpu.memory_space<vmem_shared>> -> memref<632x128xf32, #tpu.memory_space<vmem_shared>>
        tpu.enqueue_dma source(%dma_start3A_120 : memref<632x128xf32, #tpu.memory_space<vmem_shared>>) target(%dma_start3A_118 : memref<632x128xf32, #tpu.memory_space<hbm>>) target_semaphore(%run_scoped3A : memref<!tpu.dma_semaphore, #tpu.memory_space<semaphore_mem>>)
        %dma_wait3A_121 = arith.constant 0 : i32
        %dma_wait3A_122 = tpu.memref_slice %arg7[%mul3A_116, %dma_wait3A_121] : memref<10112x128xf32, #tpu.memory_space<hbm>> -> memref<632x128xf32, #tpu.memory_space<hbm>>
        %dma_wait3A_123 = arith.constant 0 : i32
        %dma_wait3A_124 = tpu.memref_slice %arg8[%mul3A_114, %dma_wait3A_123] : memref<10112x128xf32, #tpu.memory_space<vmem_shared>> -> memref<632x128xf32, #tpu.memory_space<vmem_shared>>
        tpu.wait_dma2 semaphore(%run_scoped3A : memref<!tpu.dma_semaphore, #tpu.memory_space<semaphore_mem>>) src(%dma_wait3A_124 : memref<632x128xf32, #tpu.memory_space<vmem_shared>>) dst(%dma_wait3A_122 : memref<632x128xf32, #tpu.memory_space<hbm>>)
        tpu.yield
      }) : () -> ()
    } else {
    }
    return
  }
}

#map = affine_map<(d0, d1) -> (0, 0)>
module attributes {stable_mosaic.version = 14 : i64} {
  func.func @_segsum(%arg0: i32, %arg1: i32, %arg2: memref<10112x128xf32, #tpu.memory_space<hbm>>, %arg3: memref<5120x64xi32, #tpu.memory_space<hbm>>, %arg4: memref<5120x64xi32, #tpu.memory_space<hbm>>, %arg5: memref<10112x128xf32, #tpu.memory_space<hbm>>, %arg6: memref<10112x128xf32, #tpu.memory_space<hbm>>, %arg7: memref<10112x128xf32, #tpu.memory_space<hbm>>, %arg8: memref<10112x128xf32, #tpu.memory_space<vmem_shared>>, %arg9: memref<1x64xi32, #tpu.memory_space<vmem>>, %arg10: memref<1x64xi32, #tpu.memory_space<vmem>>, %arg11: memref<1x64xi32, #tpu.memory_space<vmem>>, %arg12: memref<1x64xi32, #tpu.memory_space<vmem>>, %arg13: memref<1x64xi32, #tpu.memory_space<vmem>>, %arg14: memref<1x64xi32, #tpu.memory_space<vmem>>, %arg15: memref<1x64xi32, #tpu.memory_space<vmem>>, %arg16: memref<1x64xi32, #tpu.memory_space<vmem>>, %arg17: memref<1x64xi32, #tpu.memory_space<vmem>>, %arg18: memref<1x64xi32, #tpu.memory_space<vmem>>, %arg19: memref<64x128xf32, #tpu.memory_space<vmem>>, %arg20: memref<64x128xf32, #tpu.memory_space<vmem>>, %arg21: memref<64x128xf32, #tpu.memory_space<vmem>>, %arg22: memref<64x128xf32, #tpu.memory_space<vmem>>, %arg23: memref<64x128xf32, #tpu.memory_space<vmem>>, %arg24: memref<!tpu.dma_semaphore, #tpu.memory_space<semaphore_mem>>, %arg25: memref<!tpu.dma_semaphore, #tpu.memory_space<semaphore_mem>>, %arg26: memref<!tpu.dma_semaphore, #tpu.memory_space<semaphore_mem>>, %arg27: memref<!tpu.dma_semaphore, #tpu.memory_space<semaphore_mem>>, %arg28: memref<!tpu.dma_semaphore, #tpu.memory_space<semaphore_mem>>, %arg29: memref<!tpu.dma_semaphore, #tpu.memory_space<semaphore_mem>>, %arg30: memref<!tpu.dma_semaphore, #tpu.memory_space<semaphore_mem>>, %arg31: memref<!tpu.dma_semaphore, #tpu.memory_space<semaphore_mem>>, %arg32: memref<!tpu.dma_semaphore, #tpu.memory_space<semaphore_mem>>, %arg33: memref<!tpu.dma_semaphore, #tpu.memory_space<semaphore_mem>>, %arg34: memref<!tpu.dma_semaphore, #tpu.memory_space<semaphore_mem>>, %arg35: memref<!tpu.dma_semaphore, #tpu.memory_space<semaphore_mem>>, %arg36: memref<!tpu.dma_semaphore, #tpu.memory_space<semaphore_mem>>, %arg37: memref<!tpu.dma_semaphore, #tpu.memory_space<semaphore_mem>>, %arg38: memref<!tpu.dma_semaphore, #tpu.memory_space<semaphore_mem>>, %arg39: memref<!tpu.dma_semaphore, #tpu.memory_space<semaphore_mem>>, %arg40: memref<!tpu.dma_semaphore, #tpu.memory_space<semaphore_mem>>, %arg41: memref<!tpu.dma_semaphore, #tpu.memory_space<semaphore_mem>>, %arg42: memref<!tpu.dma_semaphore, #tpu.memory_space<semaphore_mem>>, %arg43: memref<!tpu.dma_semaphore, #tpu.memory_space<semaphore_mem>>) attributes {dimension_semantics = [#tpu.dimension_semantics<core_parallel>, #tpu.dimension_semantics<subcore_parallel>], iteration_bounds = array<i64: 2, 16>, scalar_prefetch = 0 : i64, scratch_operands = 36 : i64, tpu.core_type = #tpu.core_type<sc_vector_subcore>, window_params = [{transform_indices = #map}, {transform_indices = #map}, {transform_indices = #map}, {transform_indices = #map}, {transform_indices = #map}, {transform_indices = #map}]} {
    %mul3A = arith.constant 16 : i32
    %mul3A_0 = arith.muli %arg0, %mul3A : i32
    %add3A = arith.addi %mul3A_0, %arg1 : i32
    %mul3A_1 = arith.constant 160 : i32
    %mul3A_2 = arith.muli %add3A, %mul3A_1 : i32
    %add3A_3 = arith.constant 0 : i32
    %add3A_4 = arith.addi %mul3A_2, %add3A_3 : i32
    %dma_start3A = arith.constant 0 : i32
    %dma_start3A_5 = tpu.memref_slice %arg3[%add3A_4, %dma_start3A] : memref<5120x64xi32, #tpu.memory_space<hbm>> -> memref<1x64xi32, #tpu.memory_space<hbm>>
    %dma_start3A_6 = arith.constant 0 : i32
    %dma_start3A_7 = tpu.memref_slice %arg3[%add3A_4, %dma_start3A_6] : memref<5120x64xi32, #tpu.memory_space<hbm>> -> memref<1x64xi32, #tpu.memory_space<hbm>>
    tpu.enqueue_dma source(%dma_start3A_7 : memref<1x64xi32, #tpu.memory_space<hbm>>) target(%arg9 : memref<1x64xi32, #tpu.memory_space<vmem>>) target_semaphore(%arg24 : memref<!tpu.dma_semaphore, #tpu.memory_space<semaphore_mem>>)
    %add3A_8 = arith.constant 0 : i32
    %add3A_9 = arith.addi %mul3A_2, %add3A_8 : i32
    %dma_start3A_10 = arith.constant 0 : i32
    %dma_start3A_11 = tpu.memref_slice %arg4[%add3A_9, %dma_start3A_10] : memref<5120x64xi32, #tpu.memory_space<hbm>> -> memref<1x64xi32, #tpu.memory_space<hbm>>
    %dma_start3A_12 = arith.constant 0 : i32
    %dma_start3A_13 = tpu.memref_slice %arg4[%add3A_9, %dma_start3A_12] : memref<5120x64xi32, #tpu.memory_space<hbm>> -> memref<1x64xi32, #tpu.memory_space<hbm>>
    tpu.enqueue_dma source(%dma_start3A_13 : memref<1x64xi32, #tpu.memory_space<hbm>>) target(%arg14 : memref<1x64xi32, #tpu.memory_space<vmem>>) target_semaphore(%arg29 : memref<!tpu.dma_semaphore, #tpu.memory_space<semaphore_mem>>)
    %add3A_14 = arith.constant 1 : i32
    %add3A_15 = arith.addi %mul3A_2, %add3A_14 : i32
    %dma_start3A_16 = arith.constant 0 : i32
    %dma_start3A_17 = tpu.memref_slice %arg3[%add3A_15, %dma_start3A_16] : memref<5120x64xi32, #tpu.memory_space<hbm>> -> memref<1x64xi32, #tpu.memory_space<hbm>>
    %dma_start3A_18 = arith.constant 0 : i32
    %dma_start3A_19 = tpu.memref_slice %arg3[%add3A_15, %dma_start3A_18] : memref<5120x64xi32, #tpu.memory_space<hbm>> -> memref<1x64xi32, #tpu.memory_space<hbm>>
    tpu.enqueue_dma source(%dma_start3A_19 : memref<1x64xi32, #tpu.memory_space<hbm>>) target(%arg10 : memref<1x64xi32, #tpu.memory_space<vmem>>) target_semaphore(%arg25 : memref<!tpu.dma_semaphore, #tpu.memory_space<semaphore_mem>>)
    %add3A_20 = arith.constant 1 : i32
    %add3A_21 = arith.addi %mul3A_2, %add3A_20 : i32
    %dma_start3A_22 = arith.constant 0 : i32
    %dma_start3A_23 = tpu.memref_slice %arg4[%add3A_21, %dma_start3A_22] : memref<5120x64xi32, #tpu.memory_space<hbm>> -> memref<1x64xi32, #tpu.memory_space<hbm>>
    %dma_start3A_24 = arith.constant 0 : i32
    %dma_start3A_25 = tpu.memref_slice %arg4[%add3A_21, %dma_start3A_24] : memref<5120x64xi32, #tpu.memory_space<hbm>> -> memref<1x64xi32, #tpu.memory_space<hbm>>
    tpu.enqueue_dma source(%dma_start3A_25 : memref<1x64xi32, #tpu.memory_space<hbm>>) target(%arg15 : memref<1x64xi32, #tpu.memory_space<vmem>>) target_semaphore(%arg30 : memref<!tpu.dma_semaphore, #tpu.memory_space<semaphore_mem>>)
    %add3A_26 = arith.constant 2 : i32
    %add3A_27 = arith.addi %mul3A_2, %add3A_26 : i32
    %dma_start3A_28 = arith.constant 0 : i32
    %dma_start3A_29 = tpu.memref_slice %arg3[%add3A_27, %dma_start3A_28] : memref<5120x64xi32, #tpu.memory_space<hbm>> -> memref<1x64xi32, #tpu.memory_space<hbm>>
    %dma_start3A_30 = arith.constant 0 : i32
    %dma_start3A_31 = tpu.memref_slice %arg3[%add3A_27, %dma_start3A_30] : memref<5120x64xi32, #tpu.memory_space<hbm>> -> memref<1x64xi32, #tpu.memory_space<hbm>>
    tpu.enqueue_dma source(%dma_start3A_31 : memref<1x64xi32, #tpu.memory_space<hbm>>) target(%arg11 : memref<1x64xi32, #tpu.memory_space<vmem>>) target_semaphore(%arg26 : memref<!tpu.dma_semaphore, #tpu.memory_space<semaphore_mem>>)
    %add3A_32 = arith.constant 2 : i32
    %add3A_33 = arith.addi %mul3A_2, %add3A_32 : i32
    %dma_start3A_34 = arith.constant 0 : i32
    %dma_start3A_35 = tpu.memref_slice %arg4[%add3A_33, %dma_start3A_34] : memref<5120x64xi32, #tpu.memory_space<hbm>> -> memref<1x64xi32, #tpu.memory_space<hbm>>
    %dma_start3A_36 = arith.constant 0 : i32
    %dma_start3A_37 = tpu.memref_slice %arg4[%add3A_33, %dma_start3A_36] : memref<5120x64xi32, #tpu.memory_space<hbm>> -> memref<1x64xi32, #tpu.memory_space<hbm>>
    tpu.enqueue_dma source(%dma_start3A_37 : memref<1x64xi32, #tpu.memory_space<hbm>>) target(%arg16 : memref<1x64xi32, #tpu.memory_space<vmem>>) target_semaphore(%arg31 : memref<!tpu.dma_semaphore, #tpu.memory_space<semaphore_mem>>)
    %add3A_38 = arith.constant 3 : i32
    %add3A_39 = arith.addi %mul3A_2, %add3A_38 : i32
    %dma_start3A_40 = arith.constant 0 : i32
    %dma_start3A_41 = tpu.memref_slice %arg3[%add3A_39, %dma_start3A_40] : memref<5120x64xi32, #tpu.memory_space<hbm>> -> memref<1x64xi32, #tpu.memory_space<hbm>>
    %dma_start3A_42 = arith.constant 0 : i32
    %dma_start3A_43 = tpu.memref_slice %arg3[%add3A_39, %dma_start3A_42] : memref<5120x64xi32, #tpu.memory_space<hbm>> -> memref<1x64xi32, #tpu.memory_space<hbm>>
    tpu.enqueue_dma source(%dma_start3A_43 : memref<1x64xi32, #tpu.memory_space<hbm>>) target(%arg12 : memref<1x64xi32, #tpu.memory_space<vmem>>) target_semaphore(%arg27 : memref<!tpu.dma_semaphore, #tpu.memory_space<semaphore_mem>>)
    %add3A_44 = arith.constant 3 : i32
    %add3A_45 = arith.addi %mul3A_2, %add3A_44 : i32
    %dma_start3A_46 = arith.constant 0 : i32
    %dma_start3A_47 = tpu.memref_slice %arg4[%add3A_45, %dma_start3A_46] : memref<5120x64xi32, #tpu.memory_space<hbm>> -> memref<1x64xi32, #tpu.memory_space<hbm>>
    %dma_start3A_48 = arith.constant 0 : i32
    %dma_start3A_49 = tpu.memref_slice %arg4[%add3A_45, %dma_start3A_48] : memref<5120x64xi32, #tpu.memory_space<hbm>> -> memref<1x64xi32, #tpu.memory_space<hbm>>
    tpu.enqueue_dma source(%dma_start3A_49 : memref<1x64xi32, #tpu.memory_space<hbm>>) target(%arg17 : memref<1x64xi32, #tpu.memory_space<vmem>>) target_semaphore(%arg32 : memref<!tpu.dma_semaphore, #tpu.memory_space<semaphore_mem>>)
    %add3A_50 = arith.constant 4 : i32
    %add3A_51 = arith.addi %mul3A_2, %add3A_50 : i32
    %dma_start3A_52 = arith.constant 0 : i32
    %dma_start3A_53 = tpu.memref_slice %arg3[%add3A_51, %dma_start3A_52] : memref<5120x64xi32, #tpu.memory_space<hbm>> -> memref<1x64xi32, #tpu.memory_space<hbm>>
    %dma_start3A_54 = arith.constant 0 : i32
    %dma_start3A_55 = tpu.memref_slice %arg3[%add3A_51, %dma_start3A_54] : memref<5120x64xi32, #tpu.memory_space<hbm>> -> memref<1x64xi32, #tpu.memory_space<hbm>>
    tpu.enqueue_dma source(%dma_start3A_55 : memref<1x64xi32, #tpu.memory_space<hbm>>) target(%arg13 : memref<1x64xi32, #tpu.memory_space<vmem>>) target_semaphore(%arg28 : memref<!tpu.dma_semaphore, #tpu.memory_space<semaphore_mem>>)
    %add3A_56 = arith.constant 4 : i32
    %add3A_57 = arith.addi %mul3A_2, %add3A_56 : i32
    %dma_start3A_58 = arith.constant 0 : i32
    %dma_start3A_59 = tpu.memref_slice %arg4[%add3A_57, %dma_start3A_58] : memref<5120x64xi32, #tpu.memory_space<hbm>> -> memref<1x64xi32, #tpu.memory_space<hbm>>
    %dma_start3A_60 = arith.constant 0 : i32
    %dma_start3A_61 = tpu.memref_slice %arg4[%add3A_57, %dma_start3A_60] : memref<5120x64xi32, #tpu.memory_space<hbm>> -> memref<1x64xi32, #tpu.memory_space<hbm>>
    tpu.enqueue_dma source(%dma_start3A_61 : memref<1x64xi32, #tpu.memory_space<hbm>>) target(%arg18 : memref<1x64xi32, #tpu.memory_space<vmem>>) target_semaphore(%arg33 : memref<!tpu.dma_semaphore, #tpu.memory_space<semaphore_mem>>)
    %mul3A_62 = arith.constant 632 : i32
    %mul3A_63 = arith.muli %arg1, %mul3A_62 : i32
    %mul3A_64 = arith.constant 632 : i32
    %mul3A_65 = arith.muli %arg1, %mul3A_64 : i32
    "tpu.region"() ({
      %run_scoped3A = tpu.sem_alloc : memref<!tpu.dma_semaphore, #tpu.memory_space<semaphore_mem>>
      %dma_start3A_113 = arith.constant 0 : i32
      %dma_start3A_114 = tpu.memref_slice %arg8[%mul3A_65, %dma_start3A_113] : memref<10112x128xf32, #tpu.memory_space<vmem_shared>> -> memref<632x128xf32, #tpu.memory_space<vmem_shared>>
      %dma_start3A_115 = arith.constant 0 : i32
      %dma_start3A_116 = tpu.memref_slice %arg5[%mul3A_63, %dma_start3A_115] : memref<10112x128xf32, #tpu.memory_space<hbm>> -> memref<632x128xf32, #tpu.memory_space<hbm>>
      tpu.enqueue_dma source(%dma_start3A_116 : memref<632x128xf32, #tpu.memory_space<hbm>>) target(%dma_start3A_114 : memref<632x128xf32, #tpu.memory_space<vmem_shared>>) target_semaphore(%run_scoped3A : memref<!tpu.dma_semaphore, #tpu.memory_space<semaphore_mem>>)
      %dma_wait3A_117 = arith.constant 0 : i32
      %dma_wait3A_118 = tpu.memref_slice %arg8[%mul3A_65, %dma_wait3A_117] : memref<10112x128xf32, #tpu.memory_space<vmem_shared>> -> memref<632x128xf32, #tpu.memory_space<vmem_shared>>
      %dma_wait3A_119 = arith.constant 0 : i32
      %dma_wait3A_120 = tpu.memref_slice %arg5[%mul3A_63, %dma_wait3A_119] : memref<10112x128xf32, #tpu.memory_space<hbm>> -> memref<632x128xf32, #tpu.memory_space<hbm>>
      tpu.wait_dma2 semaphore(%run_scoped3A : memref<!tpu.dma_semaphore, #tpu.memory_space<semaphore_mem>>) src(%dma_wait3A_120 : memref<632x128xf32, #tpu.memory_space<hbm>>) dst(%dma_wait3A_118 : memref<632x128xf32, #tpu.memory_space<vmem_shared>>)
      tpu.yield
    }) : () -> ()
    %barrier3A = arith.constant 0 : index
    tpu.barrier barrier_id(%barrier3A)
    %scan3A = arith.constant 0 : i32
    %scan3A_66 = arith.constant 0 : i32
    %scan3A_67 = arith.constant 32 : i32
    %scan3A_68 = arith.addi %scan3A_66, %scan3A_67 : i32
    %scan3A_69 = arith.constant 1 : i32
    scf.for %scan3A_113 = %scan3A_66 to %scan3A_68 step %scan3A_69  : i32 {
      %mul3A_114 = arith.constant 5 : i32
      %mul3A_115 = arith.muli %scan3A_113, %mul3A_114 : i32
      %add3A_116 = arith.constant 0 : i32
      %add3A_117 = arith.addi %mul3A_115, %add3A_116 : i32
      %gt3A = arith.constant 0 : i32
      %gt3A_118 = arith.cmpi sgt, %scan3A_113, %gt3A : i32
      %convert_element_type3A_119 = arith.extui %gt3A_118 : i1 to i32
      %cond3A_120 = arith.constant 0 : i32
      %cond3A_121 = arith.cmpi ne, %convert_element_type3A_119, %cond3A_120 : i32
      scf.if %cond3A_121 {
        %dma_wait3A_367 = arith.constant 0 : i32
        %dma_wait3A_368 = arith.constant 0 : i32
        %dma_wait3A_369 = tpu.memref_slice %arg14[%dma_wait3A_367, %dma_wait3A_368] : memref<1x64xi32, #tpu.memory_space<vmem>> -> memref<1x64xi32, #tpu.memory_space<vmem>>
        %dma_wait3A_370 = tpu.memref_squeeze %dma_wait3A_369 : memref<1x64xi32, #tpu.memory_space<vmem>> -> memref<64xi32, #tpu.memory_space<vmem>>
        %dma_wait3A_371 = arith.constant 0 : i32
        %dma_wait3A_372 = arith.constant 0 : i32
        %dma_wait3A_373 = tpu.memref_slice %arg8[%dma_wait3A_371, %dma_wait3A_372] : memref<10112x128xf32, #tpu.memory_space<vmem_shared>> -> memref<10112x128xf32, #tpu.memory_space<vmem_shared>>
        tpu.wait_indirect_dma semaphore(%arg39 : memref<!tpu.dma_semaphore, #tpu.memory_space<semaphore_mem>>) src(%arg19 : memref<64x128xf32, #tpu.memory_space<vmem>>) dst(%dma_wait3A_373 : memref<10112x128xf32, #tpu.memory_space<vmem_shared>>)
        %add3A_374 = arith.addi %mul3A_2, %add3A_117 : i32
        %dma_start3A_375 = arith.constant 0 : i32
        %dma_start3A_376 = tpu.memref_slice %arg4[%add3A_374, %dma_start3A_375] : memref<5120x64xi32, #tpu.memory_space<hbm>> -> memref<1x64xi32, #tpu.memory_space<hbm>>
        %dma_start3A_377 = arith.constant 0 : i32
        %dma_start3A_378 = tpu.memref_slice %arg4[%add3A_374, %dma_start3A_377] : memref<5120x64xi32, #tpu.memory_space<hbm>> -> memref<1x64xi32, #tpu.memory_space<hbm>>
        tpu.enqueue_dma source(%dma_start3A_378 : memref<1x64xi32, #tpu.memory_space<hbm>>) target(%arg14 : memref<1x64xi32, #tpu.memory_space<vmem>>) target_semaphore(%arg29 : memref<!tpu.dma_semaphore, #tpu.memory_space<semaphore_mem>>)
      } else {
      }
      %add3A_122 = arith.addi %mul3A_2, %add3A_117 : i32
      %dma_wait3A_123 = arith.constant 0 : i32
      %dma_wait3A_124 = tpu.memref_slice %arg3[%add3A_122, %dma_wait3A_123] : memref<5120x64xi32, #tpu.memory_space<hbm>> -> memref<1x64xi32, #tpu.memory_space<hbm>>
      %dma_wait3A_125 = arith.constant 0 : i32
      %dma_wait3A_126 = tpu.memref_slice %arg3[%add3A_122, %dma_wait3A_125] : memref<5120x64xi32, #tpu.memory_space<hbm>> -> memref<1x64xi32, #tpu.memory_space<hbm>>
      tpu.wait_dma2 semaphore(%arg24 : memref<!tpu.dma_semaphore, #tpu.memory_space<semaphore_mem>>) src(%dma_wait3A_126 : memref<1x64xi32, #tpu.memory_space<hbm>>) dst(%arg9 : memref<1x64xi32, #tpu.memory_space<vmem>>)
      %dma_start3A_127 = arith.constant 0 : i32
      %dma_start3A_128 = arith.constant 0 : i32
      %dma_start3A_129 = tpu.memref_slice %arg9[%dma_start3A_127, %dma_start3A_128] : memref<1x64xi32, #tpu.memory_space<vmem>> -> memref<1x64xi32, #tpu.memory_space<vmem>>
      %dma_start3A_130 = tpu.memref_squeeze %dma_start3A_129 : memref<1x64xi32, #tpu.memory_space<vmem>> -> memref<64xi32, #tpu.memory_space<vmem>>
      %dma_start3A_131 = arith.constant 0 : i32
      %dma_start3A_132 = arith.constant 0 : i32
      %dma_start3A_133 = tpu.memref_slice %arg2[%dma_start3A_131, %dma_start3A_132] : memref<10112x128xf32, #tpu.memory_space<hbm>> -> memref<10112x128xf32, #tpu.memory_space<hbm>>
      tpu.enqueue_indirect_dma source(%dma_start3A_133 : memref<10112x128xf32, #tpu.memory_space<hbm>>) target(%arg19 : memref<64x128xf32, #tpu.memory_space<vmem>>) offsets(%dma_start3A_130 : memref<64xi32, #tpu.memory_space<vmem>>) semaphore(%arg34 : memref<!tpu.dma_semaphore, #tpu.memory_space<semaphore_mem>>)
      %mul3A_134 = arith.constant 5 : i32
      %mul3A_135 = arith.muli %scan3A_113, %mul3A_134 : i32
      %add3A_136 = arith.constant 1 : i32
      %add3A_137 = arith.addi %mul3A_135, %add3A_136 : i32
      %gt3A_138 = arith.constant 0 : i32
      %gt3A_139 = arith.cmpi sgt, %scan3A_113, %gt3A_138 : i32
      %convert_element_type3A_140 = arith.extui %gt3A_139 : i1 to i32
      %cond3A_141 = arith.constant 0 : i32
      %cond3A_142 = arith.cmpi ne, %convert_element_type3A_140, %cond3A_141 : i32
      scf.if %cond3A_142 {
        %dma_wait3A_367 = arith.constant 0 : i32
        %dma_wait3A_368 = arith.constant 0 : i32
        %dma_wait3A_369 = tpu.memref_slice %arg15[%dma_wait3A_367, %dma_wait3A_368] : memref<1x64xi32, #tpu.memory_space<vmem>> -> memref<1x64xi32, #tpu.memory_space<vmem>>
        %dma_wait3A_370 = tpu.memref_squeeze %dma_wait3A_369 : memref<1x64xi32, #tpu.memory_space<vmem>> -> memref<64xi32, #tpu.memory_space<vmem>>
        %dma_wait3A_371 = arith.constant 0 : i32
        %dma_wait3A_372 = arith.constant 0 : i32
        %dma_wait3A_373 = tpu.memref_slice %arg8[%dma_wait3A_371, %dma_wait3A_372] : memref<10112x128xf32, #tpu.memory_space<vmem_shared>> -> memref<10112x128xf32, #tpu.memory_space<vmem_shared>>
        tpu.wait_indirect_dma semaphore(%arg40 : memref<!tpu.dma_semaphore, #tpu.memory_space<semaphore_mem>>) src(%arg20 : memref<64x128xf32, #tpu.memory_space<vmem>>) dst(%dma_wait3A_373 : memref<10112x128xf32, #tpu.memory_space<vmem_shared>>)
        %add3A_374 = arith.addi %mul3A_2, %add3A_137 : i32
        %dma_start3A_375 = arith.constant 0 : i32
        %dma_start3A_376 = tpu.memref_slice %arg4[%add3A_374, %dma_start3A_375] : memref<5120x64xi32, #tpu.memory_space<hbm>> -> memref<1x64xi32, #tpu.memory_space<hbm>>
        %dma_start3A_377 = arith.constant 0 : i32
        %dma_start3A_378 = tpu.memref_slice %arg4[%add3A_374, %dma_start3A_377] : memref<5120x64xi32, #tpu.memory_space<hbm>> -> memref<1x64xi32, #tpu.memory_space<hbm>>
        tpu.enqueue_dma source(%dma_start3A_378 : memref<1x64xi32, #tpu.memory_space<hbm>>) target(%arg15 : memref<1x64xi32, #tpu.memory_space<vmem>>) target_semaphore(%arg30 : memref<!tpu.dma_semaphore, #tpu.memory_space<semaphore_mem>>)
      } else {
      }
      %add3A_143 = arith.addi %mul3A_2, %add3A_137 : i32
      %dma_wait3A_144 = arith.constant 0 : i32
      %dma_wait3A_145 = tpu.memref_slice %arg3[%add3A_143, %dma_wait3A_144] : memref<5120x64xi32, #tpu.memory_space<hbm>> -> memref<1x64xi32, #tpu.memory_space<hbm>>
      %dma_wait3A_146 = arith.constant 0 : i32
      %dma_wait3A_147 = tpu.memref_slice %arg3[%add3A_143, %dma_wait3A_146] : memref<5120x64xi32, #tpu.memory_space<hbm>> -> memref<1x64xi32, #tpu.memory_space<hbm>>
      tpu.wait_dma2 semaphore(%arg25 : memref<!tpu.dma_semaphore, #tpu.memory_space<semaphore_mem>>) src(%dma_wait3A_147 : memref<1x64xi32, #tpu.memory_space<hbm>>) dst(%arg10 : memref<1x64xi32, #tpu.memory_space<vmem>>)
      %dma_start3A_148 = arith.constant 0 : i32
      %dma_start3A_149 = arith.constant 0 : i32
      %dma_start3A_150 = tpu.memref_slice %arg10[%dma_start3A_148, %dma_start3A_149] : memref<1x64xi32, #tpu.memory_space<vmem>> -> memref<1x64xi32, #tpu.memory_space<vmem>>
      %dma_start3A_151 = tpu.memref_squeeze %dma_start3A_150 : memref<1x64xi32, #tpu.memory_space<vmem>> -> memref<64xi32, #tpu.memory_space<vmem>>
      %dma_start3A_152 = arith.constant 0 : i32
      %dma_start3A_153 = arith.constant 0 : i32
      %dma_start3A_154 = tpu.memref_slice %arg2[%dma_start3A_152, %dma_start3A_153] : memref<10112x128xf32, #tpu.memory_space<hbm>> -> memref<10112x128xf32, #tpu.memory_space<hbm>>
      tpu.enqueue_indirect_dma source(%dma_start3A_154 : memref<10112x128xf32, #tpu.memory_space<hbm>>) target(%arg20 : memref<64x128xf32, #tpu.memory_space<vmem>>) offsets(%dma_start3A_151 : memref<64xi32, #tpu.memory_space<vmem>>) semaphore(%arg35 : memref<!tpu.dma_semaphore, #tpu.memory_space<semaphore_mem>>)
      %mul3A_155 = arith.constant 5 : i32
      %mul3A_156 = arith.muli %scan3A_113, %mul3A_155 : i32
      %add3A_157 = arith.constant 2 : i32
      %add3A_158 = arith.addi %mul3A_156, %add3A_157 : i32
      %gt3A_159 = arith.constant 0 : i32
      %gt3A_160 = arith.cmpi sgt, %scan3A_113, %gt3A_159 : i32
      %convert_element_type3A_161 = arith.extui %gt3A_160 : i1 to i32
      %cond3A_162 = arith.constant 0 : i32
      %cond3A_163 = arith.cmpi ne, %convert_element_type3A_161, %cond3A_162 : i32
      scf.if %cond3A_163 {
        %dma_wait3A_367 = arith.constant 0 : i32
        %dma_wait3A_368 = arith.constant 0 : i32
        %dma_wait3A_369 = tpu.memref_slice %arg16[%dma_wait3A_367, %dma_wait3A_368] : memref<1x64xi32, #tpu.memory_space<vmem>> -> memref<1x64xi32, #tpu.memory_space<vmem>>
        %dma_wait3A_370 = tpu.memref_squeeze %dma_wait3A_369 : memref<1x64xi32, #tpu.memory_space<vmem>> -> memref<64xi32, #tpu.memory_space<vmem>>
        %dma_wait3A_371 = arith.constant 0 : i32
        %dma_wait3A_372 = arith.constant 0 : i32
        %dma_wait3A_373 = tpu.memref_slice %arg8[%dma_wait3A_371, %dma_wait3A_372] : memref<10112x128xf32, #tpu.memory_space<vmem_shared>> -> memref<10112x128xf32, #tpu.memory_space<vmem_shared>>
        tpu.wait_indirect_dma semaphore(%arg41 : memref<!tpu.dma_semaphore, #tpu.memory_space<semaphore_mem>>) src(%arg21 : memref<64x128xf32, #tpu.memory_space<vmem>>) dst(%dma_wait3A_373 : memref<10112x128xf32, #tpu.memory_space<vmem_shared>>)
        %add3A_374 = arith.addi %mul3A_2, %add3A_158 : i32
        %dma_start3A_375 = arith.constant 0 : i32
        %dma_start3A_376 = tpu.memref_slice %arg4[%add3A_374, %dma_start3A_375] : memref<5120x64xi32, #tpu.memory_space<hbm>> -> memref<1x64xi32, #tpu.memory_space<hbm>>
        %dma_start3A_377 = arith.constant 0 : i32
        %dma_start3A_378 = tpu.memref_slice %arg4[%add3A_374, %dma_start3A_377] : memref<5120x64xi32, #tpu.memory_space<hbm>> -> memref<1x64xi32, #tpu.memory_space<hbm>>
        tpu.enqueue_dma source(%dma_start3A_378 : memref<1x64xi32, #tpu.memory_space<hbm>>) target(%arg16 : memref<1x64xi32, #tpu.memory_space<vmem>>) target_semaphore(%arg31 : memref<!tpu.dma_semaphore, #tpu.memory_space<semaphore_mem>>)
      } else {
      }
      %add3A_164 = arith.addi %mul3A_2, %add3A_158 : i32
      %dma_wait3A_165 = arith.constant 0 : i32
      %dma_wait3A_166 = tpu.memref_slice %arg3[%add3A_164, %dma_wait3A_165] : memref<5120x64xi32, #tpu.memory_space<hbm>> -> memref<1x64xi32, #tpu.memory_space<hbm>>
      %dma_wait3A_167 = arith.constant 0 : i32
      %dma_wait3A_168 = tpu.memref_slice %arg3[%add3A_164, %dma_wait3A_167] : memref<5120x64xi32, #tpu.memory_space<hbm>> -> memref<1x64xi32, #tpu.memory_space<hbm>>
      tpu.wait_dma2 semaphore(%arg26 : memref<!tpu.dma_semaphore, #tpu.memory_space<semaphore_mem>>) src(%dma_wait3A_168 : memref<1x64xi32, #tpu.memory_space<hbm>>) dst(%arg11 : memref<1x64xi32, #tpu.memory_space<vmem>>)
      %dma_start3A_169 = arith.constant 0 : i32
      %dma_start3A_170 = arith.constant 0 : i32
      %dma_start3A_171 = tpu.memref_slice %arg11[%dma_start3A_169, %dma_start3A_170] : memref<1x64xi32, #tpu.memory_space<vmem>> -> memref<1x64xi32, #tpu.memory_space<vmem>>
      %dma_start3A_172 = tpu.memref_squeeze %dma_start3A_171 : memref<1x64xi32, #tpu.memory_space<vmem>> -> memref<64xi32, #tpu.memory_space<vmem>>
      %dma_start3A_173 = arith.constant 0 : i32
      %dma_start3A_174 = arith.constant 0 : i32
      %dma_start3A_175 = tpu.memref_slice %arg2[%dma_start3A_173, %dma_start3A_174] : memref<10112x128xf32, #tpu.memory_space<hbm>> -> memref<10112x128xf32, #tpu.memory_space<hbm>>
      tpu.enqueue_indirect_dma source(%dma_start3A_175 : memref<10112x128xf32, #tpu.memory_space<hbm>>) target(%arg21 : memref<64x128xf32, #tpu.memory_space<vmem>>) offsets(%dma_start3A_172 : memref<64xi32, #tpu.memory_space<vmem>>) semaphore(%arg36 : memref<!tpu.dma_semaphore, #tpu.memory_space<semaphore_mem>>)
      %mul3A_176 = arith.constant 5 : i32
      %mul3A_177 = arith.muli %scan3A_113, %mul3A_176 : i32
      %add3A_178 = arith.constant 3 : i32
      %add3A_179 = arith.addi %mul3A_177, %add3A_178 : i32
      %gt3A_180 = arith.constant 0 : i32
      %gt3A_181 = arith.cmpi sgt, %scan3A_113, %gt3A_180 : i32
      %convert_element_type3A_182 = arith.extui %gt3A_181 : i1 to i32
      %cond3A_183 = arith.constant 0 : i32
      %cond3A_184 = arith.cmpi ne, %convert_element_type3A_182, %cond3A_183 : i32
      scf.if %cond3A_184 {
        %dma_wait3A_367 = arith.constant 0 : i32
        %dma_wait3A_368 = arith.constant 0 : i32
        %dma_wait3A_369 = tpu.memref_slice %arg17[%dma_wait3A_367, %dma_wait3A_368] : memref<1x64xi32, #tpu.memory_space<vmem>> -> memref<1x64xi32, #tpu.memory_space<vmem>>
        %dma_wait3A_370 = tpu.memref_squeeze %dma_wait3A_369 : memref<1x64xi32, #tpu.memory_space<vmem>> -> memref<64xi32, #tpu.memory_space<vmem>>
        %dma_wait3A_371 = arith.constant 0 : i32
        %dma_wait3A_372 = arith.constant 0 : i32
        %dma_wait3A_373 = tpu.memref_slice %arg8[%dma_wait3A_371, %dma_wait3A_372] : memref<10112x128xf32, #tpu.memory_space<vmem_shared>> -> memref<10112x128xf32, #tpu.memory_space<vmem_shared>>
        tpu.wait_indirect_dma semaphore(%arg42 : memref<!tpu.dma_semaphore, #tpu.memory_space<semaphore_mem>>) src(%arg22 : memref<64x128xf32, #tpu.memory_space<vmem>>) dst(%dma_wait3A_373 : memref<10112x128xf32, #tpu.memory_space<vmem_shared>>)
        %add3A_374 = arith.addi %mul3A_2, %add3A_179 : i32
        %dma_start3A_375 = arith.constant 0 : i32
        %dma_start3A_376 = tpu.memref_slice %arg4[%add3A_374, %dma_start3A_375] : memref<5120x64xi32, #tpu.memory_space<hbm>> -> memref<1x64xi32, #tpu.memory_space<hbm>>
        %dma_start3A_377 = arith.constant 0 : i32
        %dma_start3A_378 = tpu.memref_slice %arg4[%add3A_374, %dma_start3A_377] : memref<5120x64xi32, #tpu.memory_space<hbm>> -> memref<1x64xi32, #tpu.memory_space<hbm>>
        tpu.enqueue_dma source(%dma_start3A_378 : memref<1x64xi32, #tpu.memory_space<hbm>>) target(%arg17 : memref<1x64xi32, #tpu.memory_space<vmem>>) target_semaphore(%arg32 : memref<!tpu.dma_semaphore, #tpu.memory_space<semaphore_mem>>)
      } else {
      }
      %add3A_185 = arith.addi %mul3A_2, %add3A_179 : i32
      %dma_wait3A_186 = arith.constant 0 : i32
      %dma_wait3A_187 = tpu.memref_slice %arg3[%add3A_185, %dma_wait3A_186] : memref<5120x64xi32, #tpu.memory_space<hbm>> -> memref<1x64xi32, #tpu.memory_space<hbm>>
      %dma_wait3A_188 = arith.constant 0 : i32
      %dma_wait3A_189 = tpu.memref_slice %arg3[%add3A_185, %dma_wait3A_188] : memref<5120x64xi32, #tpu.memory_space<hbm>> -> memref<1x64xi32, #tpu.memory_space<hbm>>
      tpu.wait_dma2 semaphore(%arg27 : memref<!tpu.dma_semaphore, #tpu.memory_space<semaphore_mem>>) src(%dma_wait3A_189 : memref<1x64xi32, #tpu.memory_space<hbm>>) dst(%arg12 : memref<1x64xi32, #tpu.memory_space<vmem>>)
      %dma_start3A_190 = arith.constant 0 : i32
      %dma_start3A_191 = arith.constant 0 : i32
      %dma_start3A_192 = tpu.memref_slice %arg12[%dma_start3A_190, %dma_start3A_191] : memref<1x64xi32, #tpu.memory_space<vmem>> -> memref<1x64xi32, #tpu.memory_space<vmem>>
      %dma_start3A_193 = tpu.memref_squeeze %dma_start3A_192 : memref<1x64xi32, #tpu.memory_space<vmem>> -> memref<64xi32, #tpu.memory_space<vmem>>
      %dma_start3A_194 = arith.constant 0 : i32
      %dma_start3A_195 = arith.constant 0 : i32
      %dma_start3A_196 = tpu.memref_slice %arg2[%dma_start3A_194, %dma_start3A_195] : memref<10112x128xf32, #tpu.memory_space<hbm>> -> memref<10112x128xf32, #tpu.memory_space<hbm>>
      tpu.enqueue_indirect_dma source(%dma_start3A_196 : memref<10112x128xf32, #tpu.memory_space<hbm>>) target(%arg22 : memref<64x128xf32, #tpu.memory_space<vmem>>) offsets(%dma_start3A_193 : memref<64xi32, #tpu.memory_space<vmem>>) semaphore(%arg37 : memref<!tpu.dma_semaphore, #tpu.memory_space<semaphore_mem>>)
      %mul3A_197 = arith.constant 5 : i32
      %mul3A_198 = arith.muli %scan3A_113, %mul3A_197 : i32
      %add3A_199 = arith.constant 4 : i32
      %add3A_200 = arith.addi %mul3A_198, %add3A_199 : i32
      %gt3A_201 = arith.constant 0 : i32
      %gt3A_202 = arith.cmpi sgt, %scan3A_113, %gt3A_201 : i32
      %convert_element_type3A_203 = arith.extui %gt3A_202 : i1 to i32
      %cond3A_204 = arith.constant 0 : i32
      %cond3A_205 = arith.cmpi ne, %convert_element_type3A_203, %cond3A_204 : i32
      scf.if %cond3A_205 {
        %dma_wait3A_367 = arith.constant 0 : i32
        %dma_wait3A_368 = arith.constant 0 : i32
        %dma_wait3A_369 = tpu.memref_slice %arg18[%dma_wait3A_367, %dma_wait3A_368] : memref<1x64xi32, #tpu.memory_space<vmem>> -> memref<1x64xi32, #tpu.memory_space<vmem>>
        %dma_wait3A_370 = tpu.memref_squeeze %dma_wait3A_369 : memref<1x64xi32, #tpu.memory_space<vmem>> -> memref<64xi32, #tpu.memory_space<vmem>>
        %dma_wait3A_371 = arith.constant 0 : i32
        %dma_wait3A_372 = arith.constant 0 : i32
        %dma_wait3A_373 = tpu.memref_slice %arg8[%dma_wait3A_371, %dma_wait3A_372] : memref<10112x128xf32, #tpu.memory_space<vmem_shared>> -> memref<10112x128xf32, #tpu.memory_space<vmem_shared>>
        tpu.wait_indirect_dma semaphore(%arg43 : memref<!tpu.dma_semaphore, #tpu.memory_space<semaphore_mem>>) src(%arg23 : memref<64x128xf32, #tpu.memory_space<vmem>>) dst(%dma_wait3A_373 : memref<10112x128xf32, #tpu.memory_space<vmem_shared>>)
        %add3A_374 = arith.addi %mul3A_2, %add3A_200 : i32
        %dma_start3A_375 = arith.constant 0 : i32
        %dma_start3A_376 = tpu.memref_slice %arg4[%add3A_374, %dma_start3A_375] : memref<5120x64xi32, #tpu.memory_space<hbm>> -> memref<1x64xi32, #tpu.memory_space<hbm>>
        %dma_start3A_377 = arith.constant 0 : i32
        %dma_start3A_378 = tpu.memref_slice %arg4[%add3A_374, %dma_start3A_377] : memref<5120x64xi32, #tpu.memory_space<hbm>> -> memref<1x64xi32, #tpu.memory_space<hbm>>
        tpu.enqueue_dma source(%dma_start3A_378 : memref<1x64xi32, #tpu.memory_space<hbm>>) target(%arg18 : memref<1x64xi32, #tpu.memory_space<vmem>>) target_semaphore(%arg33 : memref<!tpu.dma_semaphore, #tpu.memory_space<semaphore_mem>>)
      } else {
      }
      %add3A_206 = arith.addi %mul3A_2, %add3A_200 : i32
      %dma_wait3A_207 = arith.constant 0 : i32
      %dma_wait3A_208 = tpu.memref_slice %arg3[%add3A_206, %dma_wait3A_207] : memref<5120x64xi32, #tpu.memory_space<hbm>> -> memref<1x64xi32, #tpu.memory_space<hbm>>
      %dma_wait3A_209 = arith.constant 0 : i32
      %dma_wait3A_210 = tpu.memref_slice %arg3[%add3A_206, %dma_wait3A_209] : memref<5120x64xi32, #tpu.memory_space<hbm>> -> memref<1x64xi32, #tpu.memory_space<hbm>>
      tpu.wait_dma2 semaphore(%arg28 : memref<!tpu.dma_semaphore, #tpu.memory_space<semaphore_mem>>) src(%dma_wait3A_210 : memref<1x64xi32, #tpu.memory_space<hbm>>) dst(%arg13 : memref<1x64xi32, #tpu.memory_space<vmem>>)
      %dma_start3A_211 = arith.constant 0 : i32
      %dma_start3A_212 = arith.constant 0 : i32
      %dma_start3A_213 = tpu.memref_slice %arg13[%dma_start3A_211, %dma_start3A_212] : memref<1x64xi32, #tpu.memory_space<vmem>> -> memref<1x64xi32, #tpu.memory_space<vmem>>
      %dma_start3A_214 = tpu.memref_squeeze %dma_start3A_213 : memref<1x64xi32, #tpu.memory_space<vmem>> -> memref<64xi32, #tpu.memory_space<vmem>>
      %dma_start3A_215 = arith.constant 0 : i32
      %dma_start3A_216 = arith.constant 0 : i32
      %dma_start3A_217 = tpu.memref_slice %arg2[%dma_start3A_215, %dma_start3A_216] : memref<10112x128xf32, #tpu.memory_space<hbm>> -> memref<10112x128xf32, #tpu.memory_space<hbm>>
      tpu.enqueue_indirect_dma source(%dma_start3A_217 : memref<10112x128xf32, #tpu.memory_space<hbm>>) target(%arg23 : memref<64x128xf32, #tpu.memory_space<vmem>>) offsets(%dma_start3A_214 : memref<64xi32, #tpu.memory_space<vmem>>) semaphore(%arg38 : memref<!tpu.dma_semaphore, #tpu.memory_space<semaphore_mem>>)
      %mul3A_218 = arith.constant 5 : i32
      %mul3A_219 = arith.muli %scan3A_113, %mul3A_218 : i32
      %add3A_220 = arith.constant 0 : i32
      %add3A_221 = arith.addi %mul3A_219, %add3A_220 : i32
      %dma_wait3A_222 = arith.constant 0 : i32
      %dma_wait3A_223 = arith.constant 0 : i32
      %dma_wait3A_224 = tpu.memref_slice %arg9[%dma_wait3A_222, %dma_wait3A_223] : memref<1x64xi32, #tpu.memory_space<vmem>> -> memref<1x64xi32, #tpu.memory_space<vmem>>
      %dma_wait3A_225 = tpu.memref_squeeze %dma_wait3A_224 : memref<1x64xi32, #tpu.memory_space<vmem>> -> memref<64xi32, #tpu.memory_space<vmem>>
      %dma_wait3A_226 = arith.constant 0 : i32
      %dma_wait3A_227 = arith.constant 0 : i32
      %dma_wait3A_228 = tpu.memref_slice %arg2[%dma_wait3A_226, %dma_wait3A_227] : memref<10112x128xf32, #tpu.memory_space<hbm>> -> memref<10112x128xf32, #tpu.memory_space<hbm>>
      tpu.wait_indirect_dma semaphore(%arg34 : memref<!tpu.dma_semaphore, #tpu.memory_space<semaphore_mem>>) src(%dma_wait3A_228 : memref<10112x128xf32, #tpu.memory_space<hbm>>) dst(%arg19 : memref<64x128xf32, #tpu.memory_space<vmem>>)
      %add3A_229 = arith.addi %mul3A_2, %add3A_221 : i32
      %dma_wait3A_230 = arith.constant 0 : i32
      %dma_wait3A_231 = tpu.memref_slice %arg4[%add3A_229, %dma_wait3A_230] : memref<5120x64xi32, #tpu.memory_space<hbm>> -> memref<1x64xi32, #tpu.memory_space<hbm>>
      %dma_wait3A_232 = arith.constant 0 : i32
      %dma_wait3A_233 = tpu.memref_slice %arg4[%add3A_229, %dma_wait3A_232] : memref<5120x64xi32, #tpu.memory_space<hbm>> -> memref<1x64xi32, #tpu.memory_space<hbm>>
      tpu.wait_dma2 semaphore(%arg29 : memref<!tpu.dma_semaphore, #tpu.memory_space<semaphore_mem>>) src(%dma_wait3A_233 : memref<1x64xi32, #tpu.memory_space<hbm>>) dst(%arg14 : memref<1x64xi32, #tpu.memory_space<vmem>>)
      %dma_start3A_234 = arith.constant 0 : i32
      %dma_start3A_235 = arith.constant 0 : i32
      %dma_start3A_236 = tpu.memref_slice %arg14[%dma_start3A_234, %dma_start3A_235] : memref<1x64xi32, #tpu.memory_space<vmem>> -> memref<1x64xi32, #tpu.memory_space<vmem>>
      %dma_start3A_237 = tpu.memref_squeeze %dma_start3A_236 : memref<1x64xi32, #tpu.memory_space<vmem>> -> memref<64xi32, #tpu.memory_space<vmem>>
      %dma_start3A_238 = arith.constant 0 : i32
      %dma_start3A_239 = arith.constant 0 : i32
      %dma_start3A_240 = tpu.memref_slice %arg8[%dma_start3A_238, %dma_start3A_239] : memref<10112x128xf32, #tpu.memory_space<vmem_shared>> -> memref<10112x128xf32, #tpu.memory_space<vmem_shared>>
      tpu.enqueue_indirect_dma source(%arg19 : memref<64x128xf32, #tpu.memory_space<vmem>>) target(%dma_start3A_240 : memref<10112x128xf32, #tpu.memory_space<vmem_shared>>) offsets(%dma_start3A_237 : memref<64xi32, #tpu.memory_space<vmem>>) semaphore(%arg39 : memref<!tpu.dma_semaphore, #tpu.memory_space<semaphore_mem>>) {add = true}
      %add3A_241 = arith.constant 1 : i32
      %add3A_242 = arith.addi %scan3A_113, %add3A_241 : i32
      %lt3A = arith.constant 32 : i32
      %lt3A_243 = arith.cmpi slt, %add3A_242, %lt3A : i32
      %convert_element_type3A_244 = arith.extui %lt3A_243 : i1 to i32
      %cond3A_245 = arith.constant 0 : i32
      %cond3A_246 = arith.cmpi ne, %convert_element_type3A_244, %cond3A_245 : i32
      scf.if %cond3A_246 {
        %add3A_367 = arith.constant 1 : i32
        %add3A_368 = arith.addi %scan3A_113, %add3A_367 : i32
        %mul3A_369 = arith.constant 5 : i32
        %mul3A_370 = arith.muli %add3A_368, %mul3A_369 : i32
        %add3A_371 = arith.constant 0 : i32
        %add3A_372 = arith.addi %mul3A_370, %add3A_371 : i32
        %add3A_373 = arith.addi %mul3A_2, %add3A_372 : i32
        %dma_start3A_374 = arith.constant 0 : i32
        %dma_start3A_375 = tpu.memref_slice %arg3[%add3A_373, %dma_start3A_374] : memref<5120x64xi32, #tpu.memory_space<hbm>> -> memref<1x64xi32, #tpu.memory_space<hbm>>
        %dma_start3A_376 = arith.constant 0 : i32
        %dma_start3A_377 = tpu.memref_slice %arg3[%add3A_373, %dma_start3A_376] : memref<5120x64xi32, #tpu.memory_space<hbm>> -> memref<1x64xi32, #tpu.memory_space<hbm>>
        tpu.enqueue_dma source(%dma_start3A_377 : memref<1x64xi32, #tpu.memory_space<hbm>>) target(%arg9 : memref<1x64xi32, #tpu.memory_space<vmem>>) target_semaphore(%arg24 : memref<!tpu.dma_semaphore, #tpu.memory_space<semaphore_mem>>)
      } else {
      }
      %mul3A_247 = arith.constant 5 : i32
      %mul3A_248 = arith.muli %scan3A_113, %mul3A_247 : i32
      %add3A_249 = arith.constant 1 : i32
      %add3A_250 = arith.addi %mul3A_248, %add3A_249 : i32
      %dma_wait3A_251 = arith.constant 0 : i32
      %dma_wait3A_252 = arith.constant 0 : i32
      %dma_wait3A_253 = tpu.memref_slice %arg10[%dma_wait3A_251, %dma_wait3A_252] : memref<1x64xi32, #tpu.memory_space<vmem>> -> memref<1x64xi32, #tpu.memory_space<vmem>>
      %dma_wait3A_254 = tpu.memref_squeeze %dma_wait3A_253 : memref<1x64xi32, #tpu.memory_space<vmem>> -> memref<64xi32, #tpu.memory_space<vmem>>
      %dma_wait3A_255 = arith.constant 0 : i32
      %dma_wait3A_256 = arith.constant 0 : i32
      %dma_wait3A_257 = tpu.memref_slice %arg2[%dma_wait3A_255, %dma_wait3A_256] : memref<10112x128xf32, #tpu.memory_space<hbm>> -> memref<10112x128xf32, #tpu.memory_space<hbm>>
      tpu.wait_indirect_dma semaphore(%arg35 : memref<!tpu.dma_semaphore, #tpu.memory_space<semaphore_mem>>) src(%dma_wait3A_257 : memref<10112x128xf32, #tpu.memory_space<hbm>>) dst(%arg20 : memref<64x128xf32, #tpu.memory_space<vmem>>)
      %add3A_258 = arith.addi %mul3A_2, %add3A_250 : i32
      %dma_wait3A_259 = arith.constant 0 : i32
      %dma_wait3A_260 = tpu.memref_slice %arg4[%add3A_258, %dma_wait3A_259] : memref<5120x64xi32, #tpu.memory_space<hbm>> -> memref<1x64xi32, #tpu.memory_space<hbm>>
      %dma_wait3A_261 = arith.constant 0 : i32
      %dma_wait3A_262 = tpu.memref_slice %arg4[%add3A_258, %dma_wait3A_261] : memref<5120x64xi32, #tpu.memory_space<hbm>> -> memref<1x64xi32, #tpu.memory_space<hbm>>
      tpu.wait_dma2 semaphore(%arg30 : memref<!tpu.dma_semaphore, #tpu.memory_space<semaphore_mem>>) src(%dma_wait3A_262 : memref<1x64xi32, #tpu.memory_space<hbm>>) dst(%arg15 : memref<1x64xi32, #tpu.memory_space<vmem>>)
      %dma_start3A_263 = arith.constant 0 : i32
      %dma_start3A_264 = arith.constant 0 : i32
      %dma_start3A_265 = tpu.memref_slice %arg15[%dma_start3A_263, %dma_start3A_264] : memref<1x64xi32, #tpu.memory_space<vmem>> -> memref<1x64xi32, #tpu.memory_space<vmem>>
      %dma_start3A_266 = tpu.memref_squeeze %dma_start3A_265 : memref<1x64xi32, #tpu.memory_space<vmem>> -> memref<64xi32, #tpu.memory_space<vmem>>
      %dma_start3A_267 = arith.constant 0 : i32
      %dma_start3A_268 = arith.constant 0 : i32
      %dma_start3A_269 = tpu.memref_slice %arg8[%dma_start3A_267, %dma_start3A_268] : memref<10112x128xf32, #tpu.memory_space<vmem_shared>> -> memref<10112x128xf32, #tpu.memory_space<vmem_shared>>
      tpu.enqueue_indirect_dma source(%arg20 : memref<64x128xf32, #tpu.memory_space<vmem>>) target(%dma_start3A_269 : memref<10112x128xf32, #tpu.memory_space<vmem_shared>>) offsets(%dma_start3A_266 : memref<64xi32, #tpu.memory_space<vmem>>) semaphore(%arg40 : memref<!tpu.dma_semaphore, #tpu.memory_space<semaphore_mem>>) {add = true}
      %add3A_270 = arith.constant 1 : i32
      %add3A_271 = arith.addi %scan3A_113, %add3A_270 : i32
      %lt3A_272 = arith.constant 32 : i32
      %lt3A_273 = arith.cmpi slt, %add3A_271, %lt3A_272 : i32
      %convert_element_type3A_274 = arith.extui %lt3A_273 : i1 to i32
      %cond3A_275 = arith.constant 0 : i32
      %cond3A_276 = arith.cmpi ne, %convert_element_type3A_274, %cond3A_275 : i32
      scf.if %cond3A_276 {
        %add3A_367 = arith.constant 1 : i32
        %add3A_368 = arith.addi %scan3A_113, %add3A_367 : i32
        %mul3A_369 = arith.constant 5 : i32
        %mul3A_370 = arith.muli %add3A_368, %mul3A_369 : i32
        %add3A_371 = arith.constant 1 : i32
        %add3A_372 = arith.addi %mul3A_370, %add3A_371 : i32
        %add3A_373 = arith.addi %mul3A_2, %add3A_372 : i32
        %dma_start3A_374 = arith.constant 0 : i32
        %dma_start3A_375 = tpu.memref_slice %arg3[%add3A_373, %dma_start3A_374] : memref<5120x64xi32, #tpu.memory_space<hbm>> -> memref<1x64xi32, #tpu.memory_space<hbm>>
        %dma_start3A_376 = arith.constant 0 : i32
        %dma_start3A_377 = tpu.memref_slice %arg3[%add3A_373, %dma_start3A_376] : memref<5120x64xi32, #tpu.memory_space<hbm>> -> memref<1x64xi32, #tpu.memory_space<hbm>>
        tpu.enqueue_dma source(%dma_start3A_377 : memref<1x64xi32, #tpu.memory_space<hbm>>) target(%arg10 : memref<1x64xi32, #tpu.memory_space<vmem>>) target_semaphore(%arg25 : memref<!tpu.dma_semaphore, #tpu.memory_space<semaphore_mem>>)
      } else {
      }
      %mul3A_277 = arith.constant 5 : i32
      %mul3A_278 = arith.muli %scan3A_113, %mul3A_277 : i32
      %add3A_279 = arith.constant 2 : i32
      %add3A_280 = arith.addi %mul3A_278, %add3A_279 : i32
      %dma_wait3A_281 = arith.constant 0 : i32
      %dma_wait3A_282 = arith.constant 0 : i32
      %dma_wait3A_283 = tpu.memref_slice %arg11[%dma_wait3A_281, %dma_wait3A_282] : memref<1x64xi32, #tpu.memory_space<vmem>> -> memref<1x64xi32, #tpu.memory_space<vmem>>
      %dma_wait3A_284 = tpu.memref_squeeze %dma_wait3A_283 : memref<1x64xi32, #tpu.memory_space<vmem>> -> memref<64xi32, #tpu.memory_space<vmem>>
      %dma_wait3A_285 = arith.constant 0 : i32
      %dma_wait3A_286 = arith.constant 0 : i32
      %dma_wait3A_287 = tpu.memref_slice %arg2[%dma_wait3A_285, %dma_wait3A_286] : memref<10112x128xf32, #tpu.memory_space<hbm>> -> memref<10112x128xf32, #tpu.memory_space<hbm>>
      tpu.wait_indirect_dma semaphore(%arg36 : memref<!tpu.dma_semaphore, #tpu.memory_space<semaphore_mem>>) src(%dma_wait3A_287 : memref<10112x128xf32, #tpu.memory_space<hbm>>) dst(%arg21 : memref<64x128xf32, #tpu.memory_space<vmem>>)
      %add3A_288 = arith.addi %mul3A_2, %add3A_280 : i32
      %dma_wait3A_289 = arith.constant 0 : i32
      %dma_wait3A_290 = tpu.memref_slice %arg4[%add3A_288, %dma_wait3A_289] : memref<5120x64xi32, #tpu.memory_space<hbm>> -> memref<1x64xi32, #tpu.memory_space<hbm>>
      %dma_wait3A_291 = arith.constant 0 : i32
      %dma_wait3A_292 = tpu.memref_slice %arg4[%add3A_288, %dma_wait3A_291] : memref<5120x64xi32, #tpu.memory_space<hbm>> -> memref<1x64xi32, #tpu.memory_space<hbm>>
      tpu.wait_dma2 semaphore(%arg31 : memref<!tpu.dma_semaphore, #tpu.memory_space<semaphore_mem>>) src(%dma_wait3A_292 : memref<1x64xi32, #tpu.memory_space<hbm>>) dst(%arg16 : memref<1x64xi32, #tpu.memory_space<vmem>>)
      %dma_start3A_293 = arith.constant 0 : i32
      %dma_start3A_294 = arith.constant 0 : i32
      %dma_start3A_295 = tpu.memref_slice %arg16[%dma_start3A_293, %dma_start3A_294] : memref<1x64xi32, #tpu.memory_space<vmem>> -> memref<1x64xi32, #tpu.memory_space<vmem>>
      %dma_start3A_296 = tpu.memref_squeeze %dma_start3A_295 : memref<1x64xi32, #tpu.memory_space<vmem>> -> memref<64xi32, #tpu.memory_space<vmem>>
      %dma_start3A_297 = arith.constant 0 : i32
      %dma_start3A_298 = arith.constant 0 : i32
      %dma_start3A_299 = tpu.memref_slice %arg8[%dma_start3A_297, %dma_start3A_298] : memref<10112x128xf32, #tpu.memory_space<vmem_shared>> -> memref<10112x128xf32, #tpu.memory_space<vmem_shared>>
      tpu.enqueue_indirect_dma source(%arg21 : memref<64x128xf32, #tpu.memory_space<vmem>>) target(%dma_start3A_299 : memref<10112x128xf32, #tpu.memory_space<vmem_shared>>) offsets(%dma_start3A_296 : memref<64xi32, #tpu.memory_space<vmem>>) semaphore(%arg41 : memref<!tpu.dma_semaphore, #tpu.memory_space<semaphore_mem>>) {add = true}
      %add3A_300 = arith.constant 1 : i32
      %add3A_301 = arith.addi %scan3A_113, %add3A_300 : i32
      %lt3A_302 = arith.constant 32 : i32
      %lt3A_303 = arith.cmpi slt, %add3A_301, %lt3A_302 : i32
      %convert_element_type3A_304 = arith.extui %lt3A_303 : i1 to i32
      %cond3A_305 = arith.constant 0 : i32
      %cond3A_306 = arith.cmpi ne, %convert_element_type3A_304, %cond3A_305 : i32
      scf.if %cond3A_306 {
        %add3A_367 = arith.constant 1 : i32
        %add3A_368 = arith.addi %scan3A_113, %add3A_367 : i32
        %mul3A_369 = arith.constant 5 : i32
        %mul3A_370 = arith.muli %add3A_368, %mul3A_369 : i32
        %add3A_371 = arith.constant 2 : i32
        %add3A_372 = arith.addi %mul3A_370, %add3A_371 : i32
        %add3A_373 = arith.addi %mul3A_2, %add3A_372 : i32
        %dma_start3A_374 = arith.constant 0 : i32
        %dma_start3A_375 = tpu.memref_slice %arg3[%add3A_373, %dma_start3A_374] : memref<5120x64xi32, #tpu.memory_space<hbm>> -> memref<1x64xi32, #tpu.memory_space<hbm>>
        %dma_start3A_376 = arith.constant 0 : i32
        %dma_start3A_377 = tpu.memref_slice %arg3[%add3A_373, %dma_start3A_376] : memref<5120x64xi32, #tpu.memory_space<hbm>> -> memref<1x64xi32, #tpu.memory_space<hbm>>
        tpu.enqueue_dma source(%dma_start3A_377 : memref<1x64xi32, #tpu.memory_space<hbm>>) target(%arg11 : memref<1x64xi32, #tpu.memory_space<vmem>>) target_semaphore(%arg26 : memref<!tpu.dma_semaphore, #tpu.memory_space<semaphore_mem>>)
      } else {
      }
      %mul3A_307 = arith.constant 5 : i32
      %mul3A_308 = arith.muli %scan3A_113, %mul3A_307 : i32
      %add3A_309 = arith.constant 3 : i32
      %add3A_310 = arith.addi %mul3A_308, %add3A_309 : i32
      %dma_wait3A_311 = arith.constant 0 : i32
      %dma_wait3A_312 = arith.constant 0 : i32
      %dma_wait3A_313 = tpu.memref_slice %arg12[%dma_wait3A_311, %dma_wait3A_312] : memref<1x64xi32, #tpu.memory_space<vmem>> -> memref<1x64xi32, #tpu.memory_space<vmem>>
      %dma_wait3A_314 = tpu.memref_squeeze %dma_wait3A_313 : memref<1x64xi32, #tpu.memory_space<vmem>> -> memref<64xi32, #tpu.memory_space<vmem>>
      %dma_wait3A_315 = arith.constant 0 : i32
      %dma_wait3A_316 = arith.constant 0 : i32
      %dma_wait3A_317 = tpu.memref_slice %arg2[%dma_wait3A_315, %dma_wait3A_316] : memref<10112x128xf32, #tpu.memory_space<hbm>> -> memref<10112x128xf32, #tpu.memory_space<hbm>>
      tpu.wait_indirect_dma semaphore(%arg37 : memref<!tpu.dma_semaphore, #tpu.memory_space<semaphore_mem>>) src(%dma_wait3A_317 : memref<10112x128xf32, #tpu.memory_space<hbm>>) dst(%arg22 : memref<64x128xf32, #tpu.memory_space<vmem>>)
      %add3A_318 = arith.addi %mul3A_2, %add3A_310 : i32
      %dma_wait3A_319 = arith.constant 0 : i32
      %dma_wait3A_320 = tpu.memref_slice %arg4[%add3A_318, %dma_wait3A_319] : memref<5120x64xi32, #tpu.memory_space<hbm>> -> memref<1x64xi32, #tpu.memory_space<hbm>>
      %dma_wait3A_321 = arith.constant 0 : i32
      %dma_wait3A_322 = tpu.memref_slice %arg4[%add3A_318, %dma_wait3A_321] : memref<5120x64xi32, #tpu.memory_space<hbm>> -> memref<1x64xi32, #tpu.memory_space<hbm>>
      tpu.wait_dma2 semaphore(%arg32 : memref<!tpu.dma_semaphore, #tpu.memory_space<semaphore_mem>>) src(%dma_wait3A_322 : memref<1x64xi32, #tpu.memory_space<hbm>>) dst(%arg17 : memref<1x64xi32, #tpu.memory_space<vmem>>)
      %dma_start3A_323 = arith.constant 0 : i32
      %dma_start3A_324 = arith.constant 0 : i32
      %dma_start3A_325 = tpu.memref_slice %arg17[%dma_start3A_323, %dma_start3A_324] : memref<1x64xi32, #tpu.memory_space<vmem>> -> memref<1x64xi32, #tpu.memory_space<vmem>>
      %dma_start3A_326 = tpu.memref_squeeze %dma_start3A_325 : memref<1x64xi32, #tpu.memory_space<vmem>> -> memref<64xi32, #tpu.memory_space<vmem>>
      %dma_start3A_327 = arith.constant 0 : i32
      %dma_start3A_328 = arith.constant 0 : i32
      %dma_start3A_329 = tpu.memref_slice %arg8[%dma_start3A_327, %dma_start3A_328] : memref<10112x128xf32, #tpu.memory_space<vmem_shared>> -> memref<10112x128xf32, #tpu.memory_space<vmem_shared>>
      tpu.enqueue_indirect_dma source(%arg22 : memref<64x128xf32, #tpu.memory_space<vmem>>) target(%dma_start3A_329 : memref<10112x128xf32, #tpu.memory_space<vmem_shared>>) offsets(%dma_start3A_326 : memref<64xi32, #tpu.memory_space<vmem>>) semaphore(%arg42 : memref<!tpu.dma_semaphore, #tpu.memory_space<semaphore_mem>>) {add = true}
      %add3A_330 = arith.constant 1 : i32
      %add3A_331 = arith.addi %scan3A_113, %add3A_330 : i32
      %lt3A_332 = arith.constant 32 : i32
      %lt3A_333 = arith.cmpi slt, %add3A_331, %lt3A_332 : i32
      %convert_element_type3A_334 = arith.extui %lt3A_333 : i1 to i32
      %cond3A_335 = arith.constant 0 : i32
      %cond3A_336 = arith.cmpi ne, %convert_element_type3A_334, %cond3A_335 : i32
      scf.if %cond3A_336 {
        %add3A_367 = arith.constant 1 : i32
        %add3A_368 = arith.addi %scan3A_113, %add3A_367 : i32
        %mul3A_369 = arith.constant 5 : i32
        %mul3A_370 = arith.muli %add3A_368, %mul3A_369 : i32
        %add3A_371 = arith.constant 3 : i32
        %add3A_372 = arith.addi %mul3A_370, %add3A_371 : i32
        %add3A_373 = arith.addi %mul3A_2, %add3A_372 : i32
        %dma_start3A_374 = arith.constant 0 : i32
        %dma_start3A_375 = tpu.memref_slice %arg3[%add3A_373, %dma_start3A_374] : memref<5120x64xi32, #tpu.memory_space<hbm>> -> memref<1x64xi32, #tpu.memory_space<hbm>>
        %dma_start3A_376 = arith.constant 0 : i32
        %dma_start3A_377 = tpu.memref_slice %arg3[%add3A_373, %dma_start3A_376] : memref<5120x64xi32, #tpu.memory_space<hbm>> -> memref<1x64xi32, #tpu.memory_space<hbm>>
        tpu.enqueue_dma source(%dma_start3A_377 : memref<1x64xi32, #tpu.memory_space<hbm>>) target(%arg12 : memref<1x64xi32, #tpu.memory_space<vmem>>) target_semaphore(%arg27 : memref<!tpu.dma_semaphore, #tpu.memory_space<semaphore_mem>>)
      } else {
      }
      %mul3A_337 = arith.constant 5 : i32
      %mul3A_338 = arith.muli %scan3A_113, %mul3A_337 : i32
      %add3A_339 = arith.constant 4 : i32
      %add3A_340 = arith.addi %mul3A_338, %add3A_339 : i32
      %dma_wait3A_341 = arith.constant 0 : i32
      %dma_wait3A_342 = arith.constant 0 : i32
      %dma_wait3A_343 = tpu.memref_slice %arg13[%dma_wait3A_341, %dma_wait3A_342] : memref<1x64xi32, #tpu.memory_space<vmem>> -> memref<1x64xi32, #tpu.memory_space<vmem>>
      %dma_wait3A_344 = tpu.memref_squeeze %dma_wait3A_343 : memref<1x64xi32, #tpu.memory_space<vmem>> -> memref<64xi32, #tpu.memory_space<vmem>>
      %dma_wait3A_345 = arith.constant 0 : i32
      %dma_wait3A_346 = arith.constant 0 : i32
      %dma_wait3A_347 = tpu.memref_slice %arg2[%dma_wait3A_345, %dma_wait3A_346] : memref<10112x128xf32, #tpu.memory_space<hbm>> -> memref<10112x128xf32, #tpu.memory_space<hbm>>
      tpu.wait_indirect_dma semaphore(%arg38 : memref<!tpu.dma_semaphore, #tpu.memory_space<semaphore_mem>>) src(%dma_wait3A_347 : memref<10112x128xf32, #tpu.memory_space<hbm>>) dst(%arg23 : memref<64x128xf32, #tpu.memory_space<vmem>>)
      %add3A_348 = arith.addi %mul3A_2, %add3A_340 : i32
      %dma_wait3A_349 = arith.constant 0 : i32
      %dma_wait3A_350 = tpu.memref_slice %arg4[%add3A_348, %dma_wait3A_349] : memref<5120x64xi32, #tpu.memory_space<hbm>> -> memref<1x64xi32, #tpu.memory_space<hbm>>
      %dma_wait3A_351 = arith.constant 0 : i32
      %dma_wait3A_352 = tpu.memref_slice %arg4[%add3A_348, %dma_wait3A_351] : memref<5120x64xi32, #tpu.memory_space<hbm>> -> memref<1x64xi32, #tpu.memory_space<hbm>>
      tpu.wait_dma2 semaphore(%arg33 : memref<!tpu.dma_semaphore, #tpu.memory_space<semaphore_mem>>) src(%dma_wait3A_352 : memref<1x64xi32, #tpu.memory_space<hbm>>) dst(%arg18 : memref<1x64xi32, #tpu.memory_space<vmem>>)
      %dma_start3A_353 = arith.constant 0 : i32
      %dma_start3A_354 = arith.constant 0 : i32
      %dma_start3A_355 = tpu.memref_slice %arg18[%dma_start3A_353, %dma_start3A_354] : memref<1x64xi32, #tpu.memory_space<vmem>> -> memref<1x64xi32, #tpu.memory_space<vmem>>
      %dma_start3A_356 = tpu.memref_squeeze %dma_start3A_355 : memref<1x64xi32, #tpu.memory_space<vmem>> -> memref<64xi32, #tpu.memory_space<vmem>>
      %dma_start3A_357 = arith.constant 0 : i32
      %dma_start3A_358 = arith.constant 0 : i32
      %dma_start3A_359 = tpu.memref_slice %arg8[%dma_start3A_357, %dma_start3A_358] : memref<10112x128xf32, #tpu.memory_space<vmem_shared>> -> memref<10112x128xf32, #tpu.memory_space<vmem_shared>>
      tpu.enqueue_indirect_dma source(%arg23 : memref<64x128xf32, #tpu.memory_space<vmem>>) target(%dma_start3A_359 : memref<10112x128xf32, #tpu.memory_space<vmem_shared>>) offsets(%dma_start3A_356 : memref<64xi32, #tpu.memory_space<vmem>>) semaphore(%arg43 : memref<!tpu.dma_semaphore, #tpu.memory_space<semaphore_mem>>) {add = true}
      %add3A_360 = arith.constant 1 : i32
      %add3A_361 = arith.addi %scan3A_113, %add3A_360 : i32
      %lt3A_362 = arith.constant 32 : i32
      %lt3A_363 = arith.cmpi slt, %add3A_361, %lt3A_362 : i32
      %convert_element_type3A_364 = arith.extui %lt3A_363 : i1 to i32
      %cond3A_365 = arith.constant 0 : i32
      %cond3A_366 = arith.cmpi ne, %convert_element_type3A_364, %cond3A_365 : i32
      scf.if %cond3A_366 {
        %add3A_367 = arith.constant 1 : i32
        %add3A_368 = arith.addi %scan3A_113, %add3A_367 : i32
        %mul3A_369 = arith.constant 5 : i32
        %mul3A_370 = arith.muli %add3A_368, %mul3A_369 : i32
        %add3A_371 = arith.constant 4 : i32
        %add3A_372 = arith.addi %mul3A_370, %add3A_371 : i32
        %add3A_373 = arith.addi %mul3A_2, %add3A_372 : i32
        %dma_start3A_374 = arith.constant 0 : i32
        %dma_start3A_375 = tpu.memref_slice %arg3[%add3A_373, %dma_start3A_374] : memref<5120x64xi32, #tpu.memory_space<hbm>> -> memref<1x64xi32, #tpu.memory_space<hbm>>
        %dma_start3A_376 = arith.constant 0 : i32
        %dma_start3A_377 = tpu.memref_slice %arg3[%add3A_373, %dma_start3A_376] : memref<5120x64xi32, #tpu.memory_space<hbm>> -> memref<1x64xi32, #tpu.memory_space<hbm>>
        tpu.enqueue_dma source(%dma_start3A_377 : memref<1x64xi32, #tpu.memory_space<hbm>>) target(%arg13 : memref<1x64xi32, #tpu.memory_space<vmem>>) target_semaphore(%arg28 : memref<!tpu.dma_semaphore, #tpu.memory_space<semaphore_mem>>)
      } else {
      }
    }
    %scan3A_70 = arith.constant 32 : i32
    %dma_wait3A = arith.constant 0 : i32
    %dma_wait3A_71 = arith.constant 0 : i32
    %dma_wait3A_72 = tpu.memref_slice %arg14[%dma_wait3A, %dma_wait3A_71] : memref<1x64xi32, #tpu.memory_space<vmem>> -> memref<1x64xi32, #tpu.memory_space<vmem>>
    %dma_wait3A_73 = tpu.memref_squeeze %dma_wait3A_72 : memref<1x64xi32, #tpu.memory_space<vmem>> -> memref<64xi32, #tpu.memory_space<vmem>>
    %dma_wait3A_74 = arith.constant 0 : i32
    %dma_wait3A_75 = arith.constant 0 : i32
    %dma_wait3A_76 = tpu.memref_slice %arg8[%dma_wait3A_74, %dma_wait3A_75] : memref<10112x128xf32, #tpu.memory_space<vmem_shared>> -> memref<10112x128xf32, #tpu.memory_space<vmem_shared>>
    tpu.wait_indirect_dma semaphore(%arg39 : memref<!tpu.dma_semaphore, #tpu.memory_space<semaphore_mem>>) src(%arg19 : memref<64x128xf32, #tpu.memory_space<vmem>>) dst(%dma_wait3A_76 : memref<10112x128xf32, #tpu.memory_space<vmem_shared>>)
    %dma_wait3A_77 = arith.constant 0 : i32
    %dma_wait3A_78 = arith.constant 0 : i32
    %dma_wait3A_79 = tpu.memref_slice %arg15[%dma_wait3A_77, %dma_wait3A_78] : memref<1x64xi32, #tpu.memory_space<vmem>> -> memref<1x64xi32, #tpu.memory_space<vmem>>
    %dma_wait3A_80 = tpu.memref_squeeze %dma_wait3A_79 : memref<1x64xi32, #tpu.memory_space<vmem>> -> memref<64xi32, #tpu.memory_space<vmem>>
    %dma_wait3A_81 = arith.constant 0 : i32
    %dma_wait3A_82 = arith.constant 0 : i32
    %dma_wait3A_83 = tpu.memref_slice %arg8[%dma_wait3A_81, %dma_wait3A_82] : memref<10112x128xf32, #tpu.memory_space<vmem_shared>> -> memref<10112x128xf32, #tpu.memory_space<vmem_shared>>
    tpu.wait_indirect_dma semaphore(%arg40 : memref<!tpu.dma_semaphore, #tpu.memory_space<semaphore_mem>>) src(%arg20 : memref<64x128xf32, #tpu.memory_space<vmem>>) dst(%dma_wait3A_83 : memref<10112x128xf32, #tpu.memory_space<vmem_shared>>)
    %dma_wait3A_84 = arith.constant 0 : i32
    %dma_wait3A_85 = arith.constant 0 : i32
    %dma_wait3A_86 = tpu.memref_slice %arg16[%dma_wait3A_84, %dma_wait3A_85] : memref<1x64xi32, #tpu.memory_space<vmem>> -> memref<1x64xi32, #tpu.memory_space<vmem>>
    %dma_wait3A_87 = tpu.memref_squeeze %dma_wait3A_86 : memref<1x64xi32, #tpu.memory_space<vmem>> -> memref<64xi32, #tpu.memory_space<vmem>>
    %dma_wait3A_88 = arith.constant 0 : i32
    %dma_wait3A_89 = arith.constant 0 : i32
    %dma_wait3A_90 = tpu.memref_slice %arg8[%dma_wait3A_88, %dma_wait3A_89] : memref<10112x128xf32, #tpu.memory_space<vmem_shared>> -> memref<10112x128xf32, #tpu.memory_space<vmem_shared>>
    tpu.wait_indirect_dma semaphore(%arg41 : memref<!tpu.dma_semaphore, #tpu.memory_space<semaphore_mem>>) src(%arg21 : memref<64x128xf32, #tpu.memory_space<vmem>>) dst(%dma_wait3A_90 : memref<10112x128xf32, #tpu.memory_space<vmem_shared>>)
    %dma_wait3A_91 = arith.constant 0 : i32
    %dma_wait3A_92 = arith.constant 0 : i32
    %dma_wait3A_93 = tpu.memref_slice %arg17[%dma_wait3A_91, %dma_wait3A_92] : memref<1x64xi32, #tpu.memory_space<vmem>> -> memref<1x64xi32, #tpu.memory_space<vmem>>
    %dma_wait3A_94 = tpu.memref_squeeze %dma_wait3A_93 : memref<1x64xi32, #tpu.memory_space<vmem>> -> memref<64xi32, #tpu.memory_space<vmem>>
    %dma_wait3A_95 = arith.constant 0 : i32
    %dma_wait3A_96 = arith.constant 0 : i32
    %dma_wait3A_97 = tpu.memref_slice %arg8[%dma_wait3A_95, %dma_wait3A_96] : memref<10112x128xf32, #tpu.memory_space<vmem_shared>> -> memref<10112x128xf32, #tpu.memory_space<vmem_shared>>
    tpu.wait_indirect_dma semaphore(%arg42 : memref<!tpu.dma_semaphore, #tpu.memory_space<semaphore_mem>>) src(%arg22 : memref<64x128xf32, #tpu.memory_space<vmem>>) dst(%dma_wait3A_97 : memref<10112x128xf32, #tpu.memory_space<vmem_shared>>)
    %dma_wait3A_98 = arith.constant 0 : i32
    %dma_wait3A_99 = arith.constant 0 : i32
    %dma_wait3A_100 = tpu.memref_slice %arg18[%dma_wait3A_98, %dma_wait3A_99] : memref<1x64xi32, #tpu.memory_space<vmem>> -> memref<1x64xi32, #tpu.memory_space<vmem>>
    %dma_wait3A_101 = tpu.memref_squeeze %dma_wait3A_100 : memref<1x64xi32, #tpu.memory_space<vmem>> -> memref<64xi32, #tpu.memory_space<vmem>>
    %dma_wait3A_102 = arith.constant 0 : i32
    %dma_wait3A_103 = arith.constant 0 : i32
    %dma_wait3A_104 = tpu.memref_slice %arg8[%dma_wait3A_102, %dma_wait3A_103] : memref<10112x128xf32, #tpu.memory_space<vmem_shared>> -> memref<10112x128xf32, #tpu.memory_space<vmem_shared>>
    tpu.wait_indirect_dma semaphore(%arg43 : memref<!tpu.dma_semaphore, #tpu.memory_space<semaphore_mem>>) src(%arg23 : memref<64x128xf32, #tpu.memory_space<vmem>>) dst(%dma_wait3A_104 : memref<10112x128xf32, #tpu.memory_space<vmem_shared>>)
    %barrier3A_105 = arith.constant 0 : index
    tpu.barrier barrier_id(%barrier3A_105)
    %eq3A = arith.constant 0 : i32
    %eq3A_106 = arith.cmpi eq, %arg0, %eq3A : i32
    %convert_element_type3A = arith.extui %eq3A_106 : i1 to i32
    %cond3A = arith.constant 0 : i32
    %cond3A_107 = arith.cmpi ne, %convert_element_type3A, %cond3A : i32
    scf.if %cond3A_107 {
      %mul3A_113 = arith.constant 632 : i32
      %mul3A_114 = arith.muli %arg1, %mul3A_113 : i32
      %mul3A_115 = arith.constant 632 : i32
      %mul3A_116 = arith.muli %arg1, %mul3A_115 : i32
      "tpu.region"() ({
        %run_scoped3A = tpu.sem_alloc : memref<!tpu.dma_semaphore, #tpu.memory_space<semaphore_mem>>
        %dma_start3A_117 = arith.constant 0 : i32
        %dma_start3A_118 = tpu.memref_slice %arg6[%mul3A_116, %dma_start3A_117] : memref<10112x128xf32, #tpu.memory_space<hbm>> -> memref<632x128xf32, #tpu.memory_space<hbm>>
        %dma_start3A_119 = arith.constant 0 : i32
        %dma_start3A_120 = tpu.memref_slice %arg8[%mul3A_114, %dma_start3A_119] : memref<10112x128xf32, #tpu.memory_space<vmem_shared>> -> memref<632x128xf32, #tpu.memory_space<vmem_shared>>
        tpu.enqueue_dma source(%dma_start3A_120 : memref<632x128xf32, #tpu.memory_space<vmem_shared>>) target(%dma_start3A_118 : memref<632x128xf32, #tpu.memory_space<hbm>>) target_semaphore(%run_scoped3A : memref<!tpu.dma_semaphore, #tpu.memory_space<semaphore_mem>>)
        %dma_wait3A_121 = arith.constant 0 : i32
        %dma_wait3A_122 = tpu.memref_slice %arg6[%mul3A_116, %dma_wait3A_121] : memref<10112x128xf32, #tpu.memory_space<hbm>> -> memref<632x128xf32, #tpu.memory_space<hbm>>
        %dma_wait3A_123 = arith.constant 0 : i32
        %dma_wait3A_124 = tpu.memref_slice %arg8[%mul3A_114, %dma_wait3A_123] : memref<10112x128xf32, #tpu.memory_space<vmem_shared>> -> memref<632x128xf32, #tpu.memory_space<vmem_shared>>
        tpu.wait_dma2 semaphore(%run_scoped3A : memref<!tpu.dma_semaphore, #tpu.memory_space<semaphore_mem>>) src(%dma_wait3A_124 : memref<632x128xf32, #tpu.memory_space<vmem_shared>>) dst(%dma_wait3A_122 : memref<632x128xf32, #tpu.memory_space<hbm>>)
        tpu.yield
      }) : () -> ()
    } else {
    }
    %eq3A_108 = arith.constant 1 : i32
    %eq3A_109 = arith.cmpi eq, %arg0, %eq3A_108 : i32
    %convert_element_type3A_110 = arith.extui %eq3A_109 : i1 to i32
    %cond3A_111 = arith.constant 0 : i32
    %cond3A_112 = arith.cmpi ne, %convert_element_type3A_110, %cond3A_111 : i32
    scf.if %cond3A_112 {
      %mul3A_113 = arith.constant 632 : i32
      %mul3A_114 = arith.muli %arg1, %mul3A_113 : i32
      %mul3A_115 = arith.constant 632 : i32
      %mul3A_116 = arith.muli %arg1, %mul3A_115 : i32
      "tpu.region"() ({
        %run_scoped3A = tpu.sem_alloc : memref<!tpu.dma_semaphore, #tpu.memory_space<semaphore_mem>>
        %dma_start3A_117 = arith.constant 0 : i32
        %dma_start3A_118 = tpu.memref_slice %arg7[%mul3A_116, %dma_start3A_117] : memref<10112x128xf32, #tpu.memory_space<hbm>> -> memref<632x128xf32, #tpu.memory_space<hbm>>
        %dma_start3A_119 = arith.constant 0 : i32
        %dma_start3A_120 = tpu.memref_slice %arg8[%mul3A_114, %dma_start3A_119] : memref<10112x128xf32, #tpu.memory_space<vmem_shared>> -> memref<632x128xf32, #tpu.memory_space<vmem_shared>>
        tpu.enqueue_dma source(%dma_start3A_120 : memref<632x128xf32, #tpu.memory_space<vmem_shared>>) target(%dma_start3A_118 : memref<632x128xf32, #tpu.memory_space<hbm>>) target_semaphore(%run_scoped3A : memref<!tpu.dma_semaphore, #tpu.memory_space<semaphore_mem>>)
        %dma_wait3A_121 = arith.constant 0 : i32
        %dma_wait3A_122 = tpu.memref_slice %arg7[%mul3A_116, %dma_wait3A_121] : memref<10112x128xf32, #tpu.memory_space<hbm>> -> memref<632x128xf32, #tpu.memory_space<hbm>>
        %dma_wait3A_123 = arith.constant 0 : i32
        %dma_wait3A_124 = tpu.memref_slice %arg8[%mul3A_114, %dma_wait3A_123] : memref<10112x128xf32, #tpu.memory_space<vmem_shared>> -> memref<632x128xf32, #tpu.memory_space<vmem_shared>>
        tpu.wait_dma2 semaphore(%run_scoped3A : memref<!tpu.dma_semaphore, #tpu.memory_space<semaphore_mem>>) src(%dma_wait3A_124 : memref<632x128xf32, #tpu.memory_space<vmem_shared>>) dst(%dma_wait3A_122 : memref<632x128xf32, #tpu.memory_space<hbm>>)
        tpu.yield
      }) : () -> ()
    } else {
    }
    return
  }
}

module attributes {stable_mosaic.version = 14 : i64} {
  func.func @_gru_cat_body(%arg0: i32, %arg1: memref<1000x128xf32, #tpu.memory_space<vmem>>, %arg2: memref<1000x128xf32, #tpu.memory_space<vmem>>, %arg3: memref<1000x128xf32, #tpu.memory_space<vmem>>, %arg4: memref<1000x128xf32, #tpu.memory_space<vmem>>, %arg5: memref<128x128xf32, #tpu.memory_space<vmem>>, %arg6: memref<128x128xf32, #tpu.memory_space<vmem>>, %arg7: memref<128x128xf32, #tpu.memory_space<vmem>>, %arg8: memref<128x128xf32, #tpu.memory_space<vmem>>, %arg9: memref<128x128xf32, #tpu.memory_space<vmem>>, %arg10: memref<128x128xf32, #tpu.memory_space<vmem>>, %arg11: memref<128x128xf32, #tpu.memory_space<vmem>>, %arg12: memref<1000x256xf32, #tpu.memory_space<vmem>>) attributes {dimension_semantics = [#tpu.dimension_semantics<arbitrary>], iteration_bounds = array<i64: 10>, scalar_prefetch = 0 : i64, scratch_operands = 0 : i64, tpu.core_type = #tpu.core_type<tc>, window_params = [{transform_indices = @transform_0, window_bounds = array<i64: 1000, 128>}, {transform_indices = @transform_1, window_bounds = array<i64: 1000, 128>}, {transform_indices = @transform_2, window_bounds = array<i64: 1000, 128>}, {transform_indices = @transform_3, window_bounds = array<i64: 1000, 128>}, {pipeline_mode = #tpu.pipeline_mode<synchronous>, transform_indices = @transform_4, window_bounds = array<i64: 128, 128>}, {pipeline_mode = #tpu.pipeline_mode<synchronous>, transform_indices = @transform_5, window_bounds = array<i64: 128, 128>}, {pipeline_mode = #tpu.pipeline_mode<synchronous>, transform_indices = @transform_6, window_bounds = array<i64: 128, 128>}, {pipeline_mode = #tpu.pipeline_mode<synchronous>, transform_indices = @transform_7, window_bounds = array<i64: 128, 128>}, {pipeline_mode = #tpu.pipeline_mode<synchronous>, transform_indices = @transform_8, window_bounds = array<i64: 128, 128>}, {pipeline_mode = #tpu.pipeline_mode<synchronous>, transform_indices = @transform_9, window_bounds = array<i64: 128, 128>}, {pipeline_mode = #tpu.pipeline_mode<synchronous>, transform_indices = @transform_10, window_bounds = array<i64: 128, 128>}, {transform_indices = @transform_11, window_bounds = array<i64: 1000, 256>}]} {
    %get3A = arith.constant 0 : index
    %get3A_0 = arith.constant 0 : index
    %get3A_1 = vector.load %arg2[%get3A, %get3A_0] : memref<1000x128xf32, #tpu.memory_space<vmem>>, vector<1000x128xf32>
    %get3A_2 = arith.constant 0 : index
    %get3A_3 = arith.constant 0 : index
    %get3A_4 = vector.load %arg3[%get3A_2, %get3A_3] : memref<1000x128xf32, #tpu.memory_space<vmem>>, vector<1000x128xf32>
    %add3A = arith.addf %get3A_1, %get3A_4 : vector<1000x128xf32>
    %get3A_5 = arith.constant 0 : index
    %get3A_6 = arith.constant 0 : index
    %get3A_7 = vector.load %arg4[%get3A_5, %get3A_6] : memref<1000x128xf32, #tpu.memory_space<vmem>>, vector<1000x128xf32>
    %get3A_8 = arith.constant 0 : index
    %get3A_9 = arith.constant 0 : index
    %get3A_10 = vector.load %arg5[%get3A_8, %get3A_9] : memref<128x128xf32, #tpu.memory_space<vmem>>, vector<128x128xf32>
    %dot_general3A = arith.constant dense<0.000000e+00> : vector<1000x128xf32>
    %dot_general3A_11 = tpu.matmul %add3A, %get3A_10, %dot_general3A {dimension_numbers = #tpu.dot_dimension_numbers<[1], [0], [0], [1], [0, 0, 1, 1], [], []>, transpose_lhs_hint = false} : vector<1000x128xf32>, vector<128x128xf32>, vector<1000x128xf32> -> vector<1000x128xf32>
    %get3A_12 = arith.constant 0 : index
    %get3A_13 = arith.constant 0 : index
    %get3A_14 = vector.load %arg6[%get3A_12, %get3A_13] : memref<128x128xf32, #tpu.memory_space<vmem>>, vector<128x128xf32>
    %dot_general3A_15 = arith.constant dense<0.000000e+00> : vector<1000x128xf32>
    %dot_general3A_16 = tpu.matmul %dot_general3A_11, %get3A_14, %dot_general3A_15 {dimension_numbers = #tpu.dot_dimension_numbers<[1], [0], [0], [1], [0, 0, 1, 1], [], []>, transpose_lhs_hint = false} : vector<1000x128xf32>, vector<128x128xf32>, vector<1000x128xf32> -> vector<1000x128xf32>
    %get3A_17 = arith.constant 0 : index
    %get3A_18 = arith.constant 0 : index
    %get3A_19 = vector.load %arg7[%get3A_17, %get3A_18] : memref<128x128xf32, #tpu.memory_space<vmem>>, vector<128x128xf32>
    %dot_general3A_20 = arith.constant dense<0.000000e+00> : vector<1000x128xf32>
    %dot_general3A_21 = tpu.matmul %get3A_7, %get3A_19, %dot_general3A_20 {dimension_numbers = #tpu.dot_dimension_numbers<[1], [0], [0], [1], [0, 0, 1, 1], [], []>, transpose_lhs_hint = false} : vector<1000x128xf32>, vector<128x128xf32>, vector<1000x128xf32> -> vector<1000x128xf32>
    %add3A_22 = arith.addf %dot_general3A_16, %dot_general3A_21 : vector<1000x128xf32>
    %logistic3A = arith.negf %add3A_22 : vector<1000x128xf32>
    %logistic3A_23 = math.exp %logistic3A : vector<1000x128xf32>
    %logistic3A_24 = arith.constant 1.000000e+00 : f32
    %logistic3A_25 = vector.broadcast %logistic3A_24 : f32 to vector<1000x128xf32>
    %logistic3A_26 = arith.addf %logistic3A_25, %logistic3A_23 : vector<1000x128xf32>
    %logistic3A_27 = arith.divf %logistic3A_25, %logistic3A_26 : vector<1000x128xf32>
    %get3A_28 = arith.constant 0 : index
    %get3A_29 = arith.constant 0 : index
    %get3A_30 = vector.load %arg8[%get3A_28, %get3A_29] : memref<128x128xf32, #tpu.memory_space<vmem>>, vector<128x128xf32>
    %dot_general3A_31 = arith.constant dense<0.000000e+00> : vector<1000x128xf32>
    %dot_general3A_32 = tpu.matmul %dot_general3A_11, %get3A_30, %dot_general3A_31 {dimension_numbers = #tpu.dot_dimension_numbers<[1], [0], [0], [1], [0, 0, 1, 1], [], []>, transpose_lhs_hint = false} : vector<1000x128xf32>, vector<128x128xf32>, vector<1000x128xf32> -> vector<1000x128xf32>
    %get3A_33 = arith.constant 0 : index
    %get3A_34 = arith.constant 0 : index
    %get3A_35 = vector.load %arg9[%get3A_33, %get3A_34] : memref<128x128xf32, #tpu.memory_space<vmem>>, vector<128x128xf32>
    %dot_general3A_36 = arith.constant dense<0.000000e+00> : vector<1000x128xf32>
    %dot_general3A_37 = tpu.matmul %get3A_7, %get3A_35, %dot_general3A_36 {dimension_numbers = #tpu.dot_dimension_numbers<[1], [0], [0], [1], [0, 0, 1, 1], [], []>, transpose_lhs_hint = false} : vector<1000x128xf32>, vector<128x128xf32>, vector<1000x128xf32> -> vector<1000x128xf32>
    %add3A_38 = arith.addf %dot_general3A_32, %dot_general3A_37 : vector<1000x128xf32>
    %logistic3A_39 = arith.negf %add3A_38 : vector<1000x128xf32>
    %logistic3A_40 = math.exp %logistic3A_39 : vector<1000x128xf32>
    %logistic3A_41 = arith.constant 1.000000e+00 : f32
    %logistic3A_42 = vector.broadcast %logistic3A_41 : f32 to vector<1000x128xf32>
    %logistic3A_43 = arith.addf %logistic3A_42, %logistic3A_40 : vector<1000x128xf32>
    %logistic3A_44 = arith.divf %logistic3A_42, %logistic3A_43 : vector<1000x128xf32>
    %get3A_45 = arith.constant 0 : index
    %get3A_46 = arith.constant 0 : index
    %get3A_47 = vector.load %arg10[%get3A_45, %get3A_46] : memref<128x128xf32, #tpu.memory_space<vmem>>, vector<128x128xf32>
    %dot_general3A_48 = arith.constant dense<0.000000e+00> : vector<1000x128xf32>
    %dot_general3A_49 = tpu.matmul %dot_general3A_11, %get3A_47, %dot_general3A_48 {dimension_numbers = #tpu.dot_dimension_numbers<[1], [0], [0], [1], [0, 0, 1, 1], [], []>, transpose_lhs_hint = false} : vector<1000x128xf32>, vector<128x128xf32>, vector<1000x128xf32> -> vector<1000x128xf32>
    %mul3A = arith.mulf %logistic3A_44, %get3A_7 : vector<1000x128xf32>
    %get3A_50 = arith.constant 0 : index
    %get3A_51 = arith.constant 0 : index
    %get3A_52 = vector.load %arg11[%get3A_50, %get3A_51] : memref<128x128xf32, #tpu.memory_space<vmem>>, vector<128x128xf32>
    %dot_general3A_53 = arith.constant dense<0.000000e+00> : vector<1000x128xf32>
    %dot_general3A_54 = tpu.matmul %mul3A, %get3A_52, %dot_general3A_53 {dimension_numbers = #tpu.dot_dimension_numbers<[1], [0], [0], [1], [0, 0, 1, 1], [], []>, transpose_lhs_hint = false} : vector<1000x128xf32>, vector<128x128xf32>, vector<1000x128xf32> -> vector<1000x128xf32>
    %add3A_55 = arith.addf %dot_general3A_49, %dot_general3A_54 : vector<1000x128xf32>
    %tanh3A = math.tanh %add3A_55 : vector<1000x128xf32>
    %sub3A = arith.constant 1.000000e+00 : f32
    %sub3A_56 = vector.broadcast %sub3A : f32 to vector<1000x128xf32>
    %sub3A_57 = arith.subf %sub3A_56, %logistic3A_27 : vector<1000x128xf32>
    %mul3A_58 = arith.mulf %sub3A_57, %get3A_7 : vector<1000x128xf32>
    %mul3A_59 = arith.mulf %logistic3A_27, %tanh3A : vector<1000x128xf32>
    %add3A_60 = arith.addf %mul3A_58, %mul3A_59 : vector<1000x128xf32>
    %get3A_61 = arith.constant 0 : index
    %get3A_62 = arith.constant 0 : index
    %get3A_63 = vector.load %arg1[%get3A_61, %get3A_62] : memref<1000x128xf32, #tpu.memory_space<vmem>>, vector<1000x128xf32>
    %concatenate3A = tpu.concatenate %get3A_63, %add3A_60 in 1 : vector<1000x128xf32>, vector<1000x128xf32> -> vector<1000x256xf32>
    %swap3A = arith.constant 0 : index
    %swap3A_64 = arith.constant 0 : index
    %swap3A_65 = vector.load %arg12[%swap3A, %swap3A_64] : memref<1000x256xf32, #tpu.memory_space<vmem>>, vector<1000x256xf32>
    tpu.vector_store %arg12[%swap3A, %swap3A_64], %concatenate3A {strides = array<i32>} : memref<1000x256xf32, #tpu.memory_space<vmem>>, vector<1000x256xf32>,
    return
  }
  func.func @transform_0(%arg0: i32) -> (i32, i32) {
    %c0_i32 = arith.constant 0 : i32
    %c0_i32_0 = arith.constant 0 : i32
    return %arg0, %c0_i32 : i32, i32
  }
  func.func @transform_1(%arg0: i32) -> (i32, i32) {
    %c0_i32 = arith.constant 0 : i32
    %c0_i32_0 = arith.constant 0 : i32
    return %arg0, %c0_i32 : i32, i32
  }
  func.func @transform_2(%arg0: i32) -> (i32, i32) {
    %c0_i32 = arith.constant 0 : i32
    %c0_i32_0 = arith.constant 0 : i32
    return %arg0, %c0_i32 : i32, i32
  }
  func.func @transform_3(%arg0: i32) -> (i32, i32) {
    %c0_i32 = arith.constant 0 : i32
    %c0_i32_0 = arith.constant 0 : i32
    return %arg0, %c0_i32 : i32, i32
  }
  func.func @transform_4(%arg0: i32) -> (i32, i32) {
    %c0_i32 = arith.constant 0 : i32
    %c0_i32_0 = arith.constant 0 : i32
    %c0_i32_1 = arith.constant 0 : i32
    return %c0_i32, %c0_i32_0 : i32, i32
  }
  func.func @transform_5(%arg0: i32) -> (i32, i32) {
    %c0_i32 = arith.constant 0 : i32
    %c0_i32_0 = arith.constant 0 : i32
    %c0_i32_1 = arith.constant 0 : i32
    return %c0_i32, %c0_i32_0 : i32, i32
  }
  func.func @transform_6(%arg0: i32) -> (i32, i32) {
    %c0_i32 = arith.constant 0 : i32
    %c0_i32_0 = arith.constant 0 : i32
    %c0_i32_1 = arith.constant 0 : i32
    return %c0_i32, %c0_i32_0 : i32, i32
  }
  func.func @transform_7(%arg0: i32) -> (i32, i32) {
    %c0_i32 = arith.constant 0 : i32
    %c0_i32_0 = arith.constant 0 : i32
    %c0_i32_1 = arith.constant 0 : i32
    return %c0_i32, %c0_i32_0 : i32, i32
  }
  func.func @transform_8(%arg0: i32) -> (i32, i32) {
    %c0_i32 = arith.constant 0 : i32
    %c0_i32_0 = arith.constant 0 : i32
    %c0_i32_1 = arith.constant 0 : i32
    return %c0_i32, %c0_i32_0 : i32, i32
  }
  func.func @transform_9(%arg0: i32) -> (i32, i32) {
    %c0_i32 = arith.constant 0 : i32
    %c0_i32_0 = arith.constant 0 : i32
    %c0_i32_1 = arith.constant 0 : i32
    return %c0_i32, %c0_i32_0 : i32, i32
  }
  func.func @transform_10(%arg0: i32) -> (i32, i32) {
    %c0_i32 = arith.constant 0 : i32
    %c0_i32_0 = arith.constant 0 : i32
    %c0_i32_1 = arith.constant 0 : i32
    return %c0_i32, %c0_i32_0 : i32, i32
  }
  func.func @transform_11(%arg0: i32) -> (i32, i32) {
    %c0_i32 = arith.constant 0 : i32
    %c0_i32_0 = arith.constant 0 : i32
    return %arg0, %c0_i32 : i32, i32
  }
}

module attributes {stable_mosaic.version = 14 : i64} {
  func.func @_gru_body(%arg0: i32, %arg1: memref<1264x128xf32, #tpu.memory_space<vmem>>, %arg2: memref<1264x128xf32, #tpu.memory_space<vmem>>, %arg3: memref<1264x128xf32, #tpu.memory_space<vmem>>, %arg4: memref<128x128xf32, #tpu.memory_space<vmem>>, %arg5: memref<128x128xf32, #tpu.memory_space<vmem>>, %arg6: memref<128x128xf32, #tpu.memory_space<vmem>>, %arg7: memref<128x128xf32, #tpu.memory_space<vmem>>, %arg8: memref<128x128xf32, #tpu.memory_space<vmem>>, %arg9: memref<128x128xf32, #tpu.memory_space<vmem>>, %arg10: memref<128x128xf32, #tpu.memory_space<vmem>>, %arg11: memref<1264x128xf32, #tpu.memory_space<vmem>>) attributes {dimension_semantics = [#tpu.dimension_semantics<arbitrary>], iteration_bounds = array<i64: 8>, scalar_prefetch = 0 : i64, scratch_operands = 0 : i64, tpu.core_type = #tpu.core_type<tc>, window_params = [{transform_indices = @transform_0, window_bounds = array<i64: 1264, 128>}, {transform_indices = @transform_1, window_bounds = array<i64: 1264, 128>}, {transform_indices = @transform_2, window_bounds = array<i64: 1264, 128>}, {pipeline_mode = #tpu.pipeline_mode<synchronous>, transform_indices = @transform_3, window_bounds = array<i64: 128, 128>}, {pipeline_mode = #tpu.pipeline_mode<synchronous>, transform_indices = @transform_4, window_bounds = array<i64: 128, 128>}, {pipeline_mode = #tpu.pipeline_mode<synchronous>, transform_indices = @transform_5, window_bounds = array<i64: 128, 128>}, {pipeline_mode = #tpu.pipeline_mode<synchronous>, transform_indices = @transform_6, window_bounds = array<i64: 128, 128>}, {pipeline_mode = #tpu.pipeline_mode<synchronous>, transform_indices = @transform_7, window_bounds = array<i64: 128, 128>}, {pipeline_mode = #tpu.pipeline_mode<synchronous>, transform_indices = @transform_8, window_bounds = array<i64: 128, 128>}, {pipeline_mode = #tpu.pipeline_mode<synchronous>, transform_indices = @transform_9, window_bounds = array<i64: 128, 128>}, {transform_indices = @transform_10, window_bounds = array<i64: 1264, 128>}]} {
    %get3A = arith.constant 0 : index
    %get3A_0 = arith.constant 0 : index
    %get3A_1 = vector.load %arg1[%get3A, %get3A_0] : memref<1264x128xf32, #tpu.memory_space<vmem>>, vector<1264x128xf32>
    %get3A_2 = arith.constant 0 : index
    %get3A_3 = arith.constant 0 : index
    %get3A_4 = vector.load %arg2[%get3A_2, %get3A_3] : memref<1264x128xf32, #tpu.memory_space<vmem>>, vector<1264x128xf32>
    %add3A = arith.addf %get3A_1, %get3A_4 : vector<1264x128xf32>
    %get3A_5 = arith.constant 0 : index
    %get3A_6 = arith.constant 0 : index
    %get3A_7 = vector.load %arg3[%get3A_5, %get3A_6] : memref<1264x128xf32, #tpu.memory_space<vmem>>, vector<1264x128xf32>
    %get3A_8 = arith.constant 0 : index
    %get3A_9 = arith.constant 0 : index
    %get3A_10 = vector.load %arg4[%get3A_8, %get3A_9] : memref<128x128xf32, #tpu.memory_space<vmem>>, vector<128x128xf32>
    %dot_general3A = arith.constant dense<0.000000e+00> : vector<1264x128xf32>
    %dot_general3A_11 = tpu.matmul %add3A, %get3A_10, %dot_general3A {dimension_numbers = #tpu.dot_dimension_numbers<[1], [0], [0], [1], [0, 0, 1, 1], [], []>, transpose_lhs_hint = false} : vector<1264x128xf32>, vector<128x128xf32>, vector<1264x128xf32> -> vector<1264x128xf32>
    %get3A_12 = arith.constant 0 : index
    %get3A_13 = arith.constant 0 : index
    %get3A_14 = vector.load %arg5[%get3A_12, %get3A_13] : memref<128x128xf32, #tpu.memory_space<vmem>>, vector<128x128xf32>
    %dot_general3A_15 = arith.constant dense<0.000000e+00> : vector<1264x128xf32>
    %dot_general3A_16 = tpu.matmul %dot_general3A_11, %get3A_14, %dot_general3A_15 {dimension_numbers = #tpu.dot_dimension_numbers<[1], [0], [0], [1], [0, 0, 1, 1], [], []>, transpose_lhs_hint = false} : vector<1264x128xf32>, vector<128x128xf32>, vector<1264x128xf32> -> vector<1264x128xf32>
    %get3A_17 = arith.constant 0 : index
    %get3A_18 = arith.constant 0 : index
    %get3A_19 = vector.load %arg6[%get3A_17, %get3A_18] : memref<128x128xf32, #tpu.memory_space<vmem>>, vector<128x128xf32>
    %dot_general3A_20 = arith.constant dense<0.000000e+00> : vector<1264x128xf32>
    %dot_general3A_21 = tpu.matmul %get3A_7, %get3A_19, %dot_general3A_20 {dimension_numbers = #tpu.dot_dimension_numbers<[1], [0], [0], [1], [0, 0, 1, 1], [], []>, transpose_lhs_hint = false} : vector<1264x128xf32>, vector<128x128xf32>, vector<1264x128xf32> -> vector<1264x128xf32>
    %add3A_22 = arith.addf %dot_general3A_16, %dot_general3A_21 : vector<1264x128xf32>
    %logistic3A = arith.negf %add3A_22 : vector<1264x128xf32>
    %logistic3A_23 = math.exp %logistic3A : vector<1264x128xf32>
    %logistic3A_24 = arith.constant 1.000000e+00 : f32
    %logistic3A_25 = vector.broadcast %logistic3A_24 : f32 to vector<1264x128xf32>
    %logistic3A_26 = arith.addf %logistic3A_25, %logistic3A_23 : vector<1264x128xf32>
    %logistic3A_27 = arith.divf %logistic3A_25, %logistic3A_26 : vector<1264x128xf32>
    %get3A_28 = arith.constant 0 : index
    %get3A_29 = arith.constant 0 : index
    %get3A_30 = vector.load %arg7[%get3A_28, %get3A_29] : memref<128x128xf32, #tpu.memory_space<vmem>>, vector<128x128xf32>
    %dot_general3A_31 = arith.constant dense<0.000000e+00> : vector<1264x128xf32>
    %dot_general3A_32 = tpu.matmul %dot_general3A_11, %get3A_30, %dot_general3A_31 {dimension_numbers = #tpu.dot_dimension_numbers<[1], [0], [0], [1], [0, 0, 1, 1], [], []>, transpose_lhs_hint = false} : vector<1264x128xf32>, vector<128x128xf32>, vector<1264x128xf32> -> vector<1264x128xf32>
    %get3A_33 = arith.constant 0 : index
    %get3A_34 = arith.constant 0 : index
    %get3A_35 = vector.load %arg8[%get3A_33, %get3A_34] : memref<128x128xf32, #tpu.memory_space<vmem>>, vector<128x128xf32>
    %dot_general3A_36 = arith.constant dense<0.000000e+00> : vector<1264x128xf32>
    %dot_general3A_37 = tpu.matmul %get3A_7, %get3A_35, %dot_general3A_36 {dimension_numbers = #tpu.dot_dimension_numbers<[1], [0], [0], [1], [0, 0, 1, 1], [], []>, transpose_lhs_hint = false} : vector<1264x128xf32>, vector<128x128xf32>, vector<1264x128xf32> -> vector<1264x128xf32>
    %add3A_38 = arith.addf %dot_general3A_32, %dot_general3A_37 : vector<1264x128xf32>
    %logistic3A_39 = arith.negf %add3A_38 : vector<1264x128xf32>
    %logistic3A_40 = math.exp %logistic3A_39 : vector<1264x128xf32>
    %logistic3A_41 = arith.constant 1.000000e+00 : f32
    %logistic3A_42 = vector.broadcast %logistic3A_41 : f32 to vector<1264x128xf32>
    %logistic3A_43 = arith.addf %logistic3A_42, %logistic3A_40 : vector<1264x128xf32>
    %logistic3A_44 = arith.divf %logistic3A_42, %logistic3A_43 : vector<1264x128xf32>
    %get3A_45 = arith.constant 0 : index
    %get3A_46 = arith.constant 0 : index
    %get3A_47 = vector.load %arg9[%get3A_45, %get3A_46] : memref<128x128xf32, #tpu.memory_space<vmem>>, vector<128x128xf32>
    %dot_general3A_48 = arith.constant dense<0.000000e+00> : vector<1264x128xf32>
    %dot_general3A_49 = tpu.matmul %dot_general3A_11, %get3A_47, %dot_general3A_48 {dimension_numbers = #tpu.dot_dimension_numbers<[1], [0], [0], [1], [0, 0, 1, 1], [], []>, transpose_lhs_hint = false} : vector<1264x128xf32>, vector<128x128xf32>, vector<1264x128xf32> -> vector<1264x128xf32>
    %mul3A = arith.mulf %logistic3A_44, %get3A_7 : vector<1264x128xf32>
    %get3A_50 = arith.constant 0 : index
    %get3A_51 = arith.constant 0 : index
    %get3A_52 = vector.load %arg10[%get3A_50, %get3A_51] : memref<128x128xf32, #tpu.memory_space<vmem>>, vector<128x128xf32>
    %dot_general3A_53 = arith.constant dense<0.000000e+00> : vector<1264x128xf32>
    %dot_general3A_54 = tpu.matmul %mul3A, %get3A_52, %dot_general3A_53 {dimension_numbers = #tpu.dot_dimension_numbers<[1], [0], [0], [1], [0, 0, 1, 1], [], []>, transpose_lhs_hint = false} : vector<1264x128xf32>, vector<128x128xf32>, vector<1264x128xf32> -> vector<1264x128xf32>
    %add3A_55 = arith.addf %dot_general3A_49, %dot_general3A_54 : vector<1264x128xf32>
    %tanh3A = math.tanh %add3A_55 : vector<1264x128xf32>
    %sub3A = arith.constant 1.000000e+00 : f32
    %sub3A_56 = vector.broadcast %sub3A : f32 to vector<1264x128xf32>
    %sub3A_57 = arith.subf %sub3A_56, %logistic3A_27 : vector<1264x128xf32>
    %mul3A_58 = arith.mulf %sub3A_57, %get3A_7 : vector<1264x128xf32>
    %mul3A_59 = arith.mulf %logistic3A_27, %tanh3A : vector<1264x128xf32>
    %add3A_60 = arith.addf %mul3A_58, %mul3A_59 : vector<1264x128xf32>
    %swap3A = arith.constant 0 : index
    %swap3A_61 = arith.constant 0 : index
    %swap3A_62 = vector.load %arg11[%swap3A, %swap3A_61] : memref<1264x128xf32, #tpu.memory_space<vmem>>, vector<1264x128xf32>
    tpu.vector_store %arg11[%swap3A, %swap3A_61], %add3A_60 {strides = array<i32>} : memref<1264x128xf32, #tpu.memory_space<vmem>>, vector<1264x128xf32>,
    return
  }
  func.func @transform_0(%arg0: i32) -> (i32, i32) {
    %c0_i32 = arith.constant 0 : i32
    %c0_i32_0 = arith.constant 0 : i32
    return %arg0, %c0_i32 : i32, i32
  }
  func.func @transform_1(%arg0: i32) -> (i32, i32) {
    %c0_i32 = arith.constant 0 : i32
    %c0_i32_0 = arith.constant 0 : i32
    return %arg0, %c0_i32 : i32, i32
  }
  func.func @transform_2(%arg0: i32) -> (i32, i32) {
    %c0_i32 = arith.constant 0 : i32
    %c0_i32_0 = arith.constant 0 : i32
    return %arg0, %c0_i32 : i32, i32
  }
  func.func @transform_3(%arg0: i32) -> (i32, i32) {
    %c0_i32 = arith.constant 0 : i32
    %c0_i32_0 = arith.constant 0 : i32
    %c0_i32_1 = arith.constant 0 : i32
    return %c0_i32, %c0_i32_0 : i32, i32
  }
  func.func @transform_4(%arg0: i32) -> (i32, i32) {
    %c0_i32 = arith.constant 0 : i32
    %c0_i32_0 = arith.constant 0 : i32
    %c0_i32_1 = arith.constant 0 : i32
    return %c0_i32, %c0_i32_0 : i32, i32
  }
  func.func @transform_5(%arg0: i32) -> (i32, i32) {
    %c0_i32 = arith.constant 0 : i32
    %c0_i32_0 = arith.constant 0 : i32
    %c0_i32_1 = arith.constant 0 : i32
    return %c0_i32, %c0_i32_0 : i32, i32
  }
  func.func @transform_6(%arg0: i32) -> (i32, i32) {
    %c0_i32 = arith.constant 0 : i32
    %c0_i32_0 = arith.constant 0 : i32
    %c0_i32_1 = arith.constant 0 : i32
    return %c0_i32, %c0_i32_0 : i32, i32
  }
  func.func @transform_7(%arg0: i32) -> (i32, i32) {
    %c0_i32 = arith.constant 0 : i32
    %c0_i32_0 = arith.constant 0 : i32
    %c0_i32_1 = arith.constant 0 : i32
    return %c0_i32, %c0_i32_0 : i32, i32
  }
  func.func @transform_8(%arg0: i32) -> (i32, i32) {
    %c0_i32 = arith.constant 0 : i32
    %c0_i32_0 = arith.constant 0 : i32
    %c0_i32_1 = arith.constant 0 : i32
    return %c0_i32, %c0_i32_0 : i32, i32
  }
  func.func @transform_9(%arg0: i32) -> (i32, i32) {
    %c0_i32 = arith.constant 0 : i32
    %c0_i32_0 = arith.constant 0 : i32
    %c0_i32_1 = arith.constant 0 : i32
    return %c0_i32, %c0_i32_0 : i32, i32
  }
  func.func @transform_10(%arg0: i32) -> (i32, i32) {
    %c0_i32 = arith.constant 0 : i32
    %c0_i32_0 = arith.constant 0 : i32
    return %arg0, %c0_i32 : i32, i32
  }
}

</mosaic_0001>

<sc_bundles>
// kernel: kernel.11.cloned.1.call-start
scs
__scs_entry_jumppad:
0x0: {  	(pc) =	sbr.rel $0x88, $3  }
0x1: {  	(tag) =	ssettag $0x0;
	lr =	simm.s32 $0x1  }
0x2: {  	[smem:$0x3F98] =	sst lr;
	_ =	strace $0xD0000000  }
0x3: {  	_ = 	snop  }
0x4: {  	_ = 	snop  }
0x5: {  	_ = 	snop  }
0x6: {  	_ = 	snop  }
0x7: {  	_ = 	snop  }
__scs_overlays_trampoline_lowered:
0x8: {  	[smem:$0x3FA7] =	sst s0  }
0x9: {  	[smem:$0x3FA8] =	sst s1  }
0xa: {  	[smem:$0x3FA9] =	sst s2  }
0xb: {  	[smem:$0x3FAA] =	sst s3  }
0xc: {  	[smem:$0x3FAB] =	sst s4  }
0xd: {  	[smem:$0x3FAC] =	sst s5  }
0xe: {  	[smem:$0x3FAD] =	sst s6  }
0xf: {  	[smem:$0x3FAE] =	sst s7  }
0x10: {  	[smem:$0x3FAF] =	sst s8  }
0x11: {  	[smem:$0x3FB0] =	sst s9;
	s0 =	simm.s32 @!p0 $0x0  }
0x12: {  	s1 =	sld [smem:$0x3F96];
	s0 =	simm.s32 @p0 $0x1  }
0x13: {  	[smem:$0x3FB1] =	sst s0;
	s0 =	simm.s32 @!p1 $0x0  }
0x14: {  	s2 =	sld [smem:$0x3F95];
	s0 =	simm.s32 @p1 $0x1  }
0x15: {  	[smem:$0x3FB2] =	sst s0;
	s0 =	simm.s32 @!p2 $0x0  }
0x16: {  	s3 =	sld [smem:$0x3FDB];
	s0 =	simm.s32 @p2 $0x1  }
0x17: {  	s4 =	simm.s32 $0x1BF5;
	[smem:$0x3FB4] =	sst s0  }
0x18: {  	s0 =	sld [smem:$0x3F97];
	_ =	swait.ge [sflag:s4], $0x0  }
0x19: {  	s7 =	sld [smem:$0x3F98]  }
0x1a: {  	s8 =	sadd.s32 $0xFFFFE003, lr  }
0x1b: {  	s9 =	sadd.s32 $0xFFFFFEF7, lr;
	s5 =	simm.s32 $0xFFFFFFFF;
	p2 =	slt.u32 s8, $0xFFFFF086  }
0x1c: {  	p1 =	slt.u32 s9, $0xF7A;
	s5 =	simm.s32 @!p2 $0x0  }
0x1d: {  	s5 =	simm.s32 @p1 $0x1;
	p0 =	seq.s32 s7, s2  }
0x1e: {  	s7 =	smul.u32 @!p0 $0xF7A, s2;
	p2 =	seq.s32 @!p0 s5, $0x0  }
0x1f: {  	s9 =	smul.u32 $0xF7A, s1;
	s8 =	simm.s32 @!p0 $0x1BF5;
	p2 =	por !p2, p0  }
0x20: {  	[sflag:s8] =	ssyncset.s32 @!p0 $0xFFFFF086;
	s6 =	sadd.s32 @!p0 s3, s7;
	s7 =	simm.s32 @!p0 $0x108  }
0x21: {  	s3 =	sadd.s32 s3, s9;
	s6 =	sadd.s32 @!p0 $0x88, s6;
	s7 =	simm.s32 @p2 $0x1082  }
0x22: {  	[simem:s7], [sflag:s8] =	dma.local @!p0 [hbm:s6], $0xF7A  }
0x23: {  	s9 =	sor.u32 $0xD0000000, s2;
	s6 =	simm.s32 $0x108;
	_ =	swait.ge @!p0 [sflag:s8], $0x0  }
0x24: {  	s3 =	sadd.s32 $0x88, s3;
	s6 =	simm.s32 @!p1 $0x1082;
	[sflag:s4] =	ssyncset.s32 $0xFFFFF086  }
0x25: {  	[simem:s6], [sflag:s4] =	dma.local [hbm:s3], $0xF7A  }
0x26: {  	[smem:$0x3F98] =	sst s1;
	(tag) =	ssettag s2;
	_ =	strace s9  }
0x27: {  	s1 =	sld [smem:$0x3FA8]  }
0x28: {  	s2 =	sld [smem:$0x3FA9]  }
0x29: {  	s4 =	sld [smem:$0x3FAB]  }
0x2a: {  	p0 =	seq.s32 s5, $0x0;
	s5 =	sld [smem:$0x3FAC]  }
0x2b: {  	s6 =	sld [smem:$0x3FAD]  }
0x2c: {  	s7 =	sld [smem:$0x3FAE]  }
0x2d: {  	s3 =	simm.s32 $0x108;
	s8 =	sld [smem:$0x3FAF]  }
0x2e: {  	s3 =	simm.s32 @!p0 $0x1082;
	s9 =	sld [smem:$0x3FB0]  }
0x2f: {  	lr =	sadd.s32 s0, s3;
	s0 =	sld [smem:$0x3FA7]  }
0x30: {  	s3 =	sld [smem:$0x3FAA]  }
0x31: {  	[smem:$0x3FB3] =	sst s10  }
0x32: {  	s10 =	sld [smem:$0x3FB1];
	_ =	sdelay $0x3  }
0x33: {  	p0 =	seq.s32 s10, $0x1;
	s10 =	sld [smem:$0x3FB3];
	_ =	sdelay $0x3  }
0x34: {  	[smem:$0x3FB3] =	sst s10  }
0x35: {  	s10 =	sld [smem:$0x3FB2];
	_ =	sdelay $0x3  }
0x36: {  	p1 =	seq.s32 s10, $0x1;
	s10 =	sld [smem:$0x3FB3];
	_ =	sdelay $0x3  }
0x37: {  	[smem:$0x3FB3] =	sst s10  }
0x38: {  	s10 =	sld [smem:$0x3FB4]  }
0x39: {  	_ = 	snop;
	(pc) =	sbr.ind lr, $3  }
0x3a: {  	_ = 	snop  }
0x3b: {  	_ = 	snop  }
0x3c: {  	p2 =	seq.s32 s10, $0x1;
	s10 =	sld [smem:$0x3FB3]  }
0x3d: {  	_ =	shalt  }
0x3e: {  	_ =	shalt  }
0x3f: {  	_ =	shalt  }
0x40: {  	_ =	shalt  }
0x41: {  	_ =	shalt  }
0x42: {  	_ =	shalt  }
0x43: {  	_ =	shalt  }
0x44: {  	_ =	shalt  }
0x45: {  	_ =	shalt  }
0x46: {  	_ =	shalt  }
0x47: {  	_ =	shalt  }
0x48: {  	_ =	shalt  }
0x49: {  	_ =	shalt  }
0x4a: {  	_ =	shalt  }
0x4b: {  	_ =	shalt  }
0x4c: {  	_ =	shalt  }
0x4d: {  	_ =	shalt  }
0x4e: {  	_ =	shalt  }
0x4f: {  	_ =	shalt  }
0x50: {  	_ =	shalt  }
0x51: {  	_ =	shalt  }
0x52: {  	_ =	shalt  }
0x53: {  	_ =	shalt  }
0x54: {  	_ =	shalt  }
0x55: {  	_ =	shalt  }
0x56: {  	_ =	shalt  }
0x57: {  	_ =	shalt  }
0x58: {  	_ =	shalt  }
0x59: {  	_ =	shalt  }
0x5a: {  	_ =	shalt  }
0x5b: {  	_ =	shalt  }
0x5c: {  	_ =	shalt  }
0x5d: {  	_ =	shalt  }
0x5e: {  	_ =	shalt  }
0x5f: {  	_ =	shalt  }
0x60: {  	_ =	shalt  }
0x61: {  	_ =	shalt  }
0x62: {  	_ =	shalt  }
0x63: {  	_ =	shalt  }
0x64: {  	_ =	shalt  }
0x65: {  	_ =	shalt  }
0x66: {  	_ =	shalt  }
0x67: {  	_ =	shalt  }
0x68: {  	_ =	shalt  }
0x69: {  	_ =	shalt  }
0x6a: {  	_ =	shalt  }
0x6b: {  	_ =	shalt  }
0x6c: {  	_ =	shalt  }
0x6d: {  	_ =	shalt  }
0x6e: {  	_ =	shalt  }
0x6f: {  	_ =	shalt  }
0x70: {  	_ =	shalt  }
0x71: {  	_ =	shalt  }
0x72: {  	_ =	shalt  }
0x73: {  	_ =	shalt  }
0x74: {  	_ =	shalt  }
0x75: {  	_ =	shalt  }
0x76: {  	_ =	shalt  }
0x77: {  	_ =	shalt  }
0x78: {  	_ =	shalt  }
0x79: {  	_ =	shalt  }
0x7a: {  	_ =	shalt  }
0x7b: {  	_ =	shalt  }
0x7c: {  	_ =	shalt  }
0x7d: {  	_ =	shalt  }
0x7e: {  	_ =	shalt  }
0x7f: {  	_ =	shalt  }
0x80: {  	_ =	shalt  }
0x81: {  	_ =	shalt  }
0x82: {  	_ =	shalt  }
0x83: {  	_ =	shalt  }
0x84: {  	_ =	shalt  }
0x85: {  	_ =	shalt  }
0x86: {  	_ =	shalt  }
0x87: {  	_ =	shalt  }
.Lfunc_end0:
.L_simem_size_0:
called_computation.1_lowered:
.L_overlay_start_0:
0x88: {  	s2 =	sld [smem:$0x3FD9]  }
0x89: {  	s3 =	sld [smem:$0x3FFE];
	_ =	sdelay $0x1  }
0x8a: {  	s1 =	srdreg.scid  }
0x8b: {  	s0 =	sand.u32 $0x1, s1  }
0x8c: {  	s17 =	sshll.u32 s0, $0xA;
	s2 =	sadd.s32 s3, s2  }
0x8d: {  	s2 =	sadd.s32 s2, s17  }
0x8e: {  	[smem:$0x3FBF] =	sst s2  }
0x8f: {  	_ = 	snop  }
0x90: {  	s2 =	sld [smem:$0x3FD0];
	(tm) =	ssettm $0x1  }
0x91: {  	s18 =	sld [smem:$0x3FFB];
	_ =	sdelay $0x3  }
0x92: {  	_ =	strace s18  }
0x93: {  	s3 =	sld [smem:$0x3FFC];
	_ =	sdelay $0x3  }
0x94: {  	_ =	strace s3  }
0x95: {  	s3 =	sld [smem:$0x3FFD];
	_ =	sdelay $0x3  }
0x96: {  	_ =	strace s3  }
0x97: {  	_ =	strace $0x8FFFFFFF  }
0x98: {  	s19 =	sld [smem:$0x3FDB];
	_ =	sdelay $0x1  }
0x99: {  	s4 =	simm.s32 $_scs_section_size  }
0x9a: {  	s5 =	simm.s32 $_size__tile_overlayer_lowered;
	s6 =	simm.s32 $_tile_overlayer_lowered  }
0x9b: {  	s22 =	simm.s32 $0x1BFF;
	s21 =	sshll.u32 s6, $0x1;
	s3 =	sadd.s32 s4, s19  }
0x9c: {  	s7 =	simm.s32 $0x0;
	s20 =	sshll.u32 s5, $0x1;
	s5 =	sadd.s32 s21, s3  }
0x9d: {  	[timem:s7], [sflag:s22] =	dma.local [hbm:s5], s20  }
0x9e: {  	_ =	swait.ge [sflag:s22], s20  }
0x9f: {  	s4 =	ssub.s32 $0x0, s20;
	[sflag:s22] =	ssyncset.done $0x0  }
0xa0: {  	[sflag:s22] =	ssyncadd.s32 s4;
	_ =	sdelay $0x1  }
0xa1: {  	s23 =	simm.s32 $0x1B8B  }
0xa2: {  	_ =	swait.ge [sflag:s23], $0x1  }
0xa3: {  	[sflag:s23] =	ssyncset.done $0x0  }
0xa4: {  	s25 =	simm.s32 $0x1B8E;
	s24 =	sld [smem:$0x3FFE];
	[sflag:s23] =	ssyncadd.s32 $0xFFFFFFFF  }
0xa5: {  	s26 =	simm.s32 $execute0_lowered;
	[smem:$0x3FD2] =	sst s25  }
0xa6: {  	s5 =	sshll.u32 s26, $0x1;
	_ =	strace $0x80000049;
	[dreg:$0x1] =	wrdreg $0xFFFFFFFF  }
0xa7: {  	s28 =	simm.s32 $_size_execute0_lowered;
	s3 =	sadd.s32 s3, s5;
	[dreg:$0x0] =	wrdreg $0x0  }
0xa8: {  	s5 =	sshll.u32 s28, $0x1;
	[dreg:$0x2] =	wrdreg s3  }
0xa9: {  	[dreg:$0x3] =	wrdreg s5  }
0xaa: {  	[dreg:$0x4] =	wrdreg $0xC0  }
0xab: {  	_ =	task [dreg:s7], $0x5FFFF  }
0xac: {  	[dreg:$0x1] =	wrdreg $0xFFFFFFFF  }
0xad: {  	[dreg:$0x0] =	wrdreg $0x60  }
0xae: {  	[dreg:$0x2] =	wrdreg s2  }
0xaf: {  	[dreg:$0x3] =	wrdreg s24  }
0xb0: {  	[dreg:$0x4] =	wrdreg $0x0  }
0xb1: {  	[dreg:$0x5] =	wrdreg $0x9  }
0xb2: {  	_ =	task.clear_ibuf [dreg:s7], $0x6FFFF;
	_ =	strace $0x90000049  }
0xb3: {  	s29 =	simm.s32 $0x9;
	_ =	strace $0x8000004B  }
0xb4: {  	_ =	swait.ge [sflag:s29], $0x1  }
0xb5: {  	[sflag:s29] =	ssyncadd.s32 $0xFFFFFFFF  }
0xb6: {  	_ =	strace $0x9000004B  }
0xb7: {  	_ =	sfence  }
0xb8: {  	s30 =	sld [smem:$0x0];
	_ =	sdelay $0x2  }
0xb9: {  	s31 =	sshll.u32 s1, $0xD;
	s1 =	sshrl.u32 s1, $0x2  }
0xba: {  	s3 =	sand.u32 $0x4000, s31;
	s1 =	sadd.s32 s1, s30  }
0xbb: {  	s0 =	sor.u32 s3, s0;
	s1 =	sshll.u32 s1, $0x11  }
0xbc: {  	s0 =	sor.u32 s1, s0  }
0xbd: {  	s0 =	sadd.s32 $0x8F2B, s0  }
0xbe: {  	[sflag:s0] =	ssyncadd.remote.s32 $0x1  }
0xbf: {  	_ =	sfence.sel $0xFFFF  }
0xc0: {  	[dreg:$0x0] =	wrdreg $0xFFFFFFFF;
	(pc) =	sbr.abs _section_cstart, $3  }
0xc1: {  	[dreg:$0x1] =	wrdreg $0xFFFFFFFF  }
0xc2: {  	_ =	task.clear_ibuf [dreg:s7], $0x2FFFF;
	_ =	strace $0x9FFFFFFF  }
0xc3: {  	(tm) =	ssettm $0x7FFFFFFF  }
tec
execute0_lowered:
.L_overlay_start_1:
0x0: {  	(tag) =	ssettag $0x1  }
0x1: {  	s1 =	rddreg [dreg:$0x0]  }
0x2: {  	s0 =	rddreg [dreg:$0x1]  }
0x3: {  	s2 =	rddreg [dreg:$0x2]  }
0x4: {  	s4 =	simm.s32 $0x0;
	s3 =	srdreg.scid;
	s11 =	stileid.u32  }
0x5: {  	s30 =	simm.s32 $0x13E80;
	s28 =	simm.s32 $0x15;
	s29 =	simm.s32 $0x2  }
0x6: {  	s31 =	simm.s32 $0x18100;
	[smem:$0x7FF] =	sst s4;
	s7 =	smul.u32 $0x2780, s11  }
0x7: {  	s3 =	sand.u32 $0x1, s3;
	s5 =	sadd.s32 $0x4600, s0;
	s23 =	smul.u32 $0xA00, s11  }
0x8: {  	s25 =	sshll.u32 s11, $0x6;
	s26 =	smul.u32 $0x5000, s11;
	_ =	strace $0x8000004A  }
0x9: {  	s6 =	sshll.u32 s3, $0x4;
	s8 =	ssub.s32 $0x2, s3;
	s22 =	smul.u32 $0xA000, s3  }
0xa: {  	p0 =	seq.s32 s3, $0x1;
	s3 =	smul.u32 $0x50000, s3;
	s4 =	sor.u32 s11, s6  }
0xb: {  	s9 =	sshrl.u32 s8, $0x1;
	s6 =	sadd.s32 $0x18600, s0;
	s0 =	sadd.s32 s7, s0  }
0xc: {  	s4 =	smul.u32 $0xA00, s4;
	s7 =	ssub.s32 s8, s9;
	s24 =	sadd.s32 $0x2C600, s0  }
0xd: {  	s22 =	sadd.s32 s23, s22;
	s23 =	sadd.s32 s26, s3;
	s26 =	simm.s32 $0x14080  }
0xe: {  	[dreg:$0xf] =	wrdreg s24;
	s7 =	smax.u32 s7, $0x1;
	s24 =	simm.s32 $0x13E00  }
0xf: {  	s9 =	sadd.s32 s5, s4;
	s10 =	sadd.s32 s6, s4;
	[dreg:$0x12] =	wrdreg s7  }
0x10: {  	s12 =	sor.u32 $0x10, s4;
	s14 =	sor.u32 $0x20, s4;
	[dreg:$0x4] =	wrdreg s9  }
0x11: {  	s16 =	sor.u32 $0x30, s4;
	[dreg:$0x5] =	wrdreg s10;
	s13 =	sadd.s32 s5, s12  }
0x12: {  	s4 =	sor.u32 $0x40, s4;
	s8 =	sadd.s32 s6, s12;
	[dreg:$0x6] =	wrdreg s13  }
0x13: {  	s7 =	simm.s32 $0x0;
	s15 =	sadd.s32 s5, s14;
	[dreg:$0x7] =	wrdreg s8  }
0x14: {  	s10 =	smul.u32 $0x4F000, s11;
	s17 =	sadd.s32 s5, s16;
	[dreg:$0x8] =	wrdreg s15  }
0x15: {  	s18 =	sadd.s32 s6, s16;
	s19 =	sadd.s32 s5, s4;
	[dreg:$0xa] =	wrdreg s17  }
0x16: {  	s4 =	sadd.s32 s6, s4;
	s9 =	simm.s32 $0x13C80;
	[dreg:$0xb] =	wrdreg s18  }
0x17: {  	s11 =	simm.s32 $0x1C100;
	s12 =	simm.s32 $0xB;
	[dreg:$0xc] =	wrdreg s19  }
0x18: {  	s16 =	simm.s32 $0x8;
	s8 =	sadd.s32 s6, s14;
	[dreg:$0xd] =	wrdreg s4  }
0x19: {  	s4 =	simm.s32 $0x13D80;
	s13 =	simm.s32 $0x6;
	s15 =	simm.s32 $0xD  }
0x1a: {  	s18 =	simm.s32 $0xF;
	s19 =	simm.s32 $0xA;
	s14 =	simm.s32 $0x16100  }
0x1b: {  	s17 =	simm.s32 $0x1A100;
	[dreg:$0x9] =	wrdreg s8;
	s20 =	sshrl.u32 s10, $0x2  }
0x1c: {  	s8 =	simm.s32 $0x7B600;
	s10 =	simm.s32 $0x5;
	s21 =	sadd.s32 s20, s2  }
0x1d: {  	s8 =	simm.s32 @!p0 $0x53E00;
	s20 =	sor.u32 $0x1C15, s25;
	[dreg:$0xe] =	wrdreg s21  }
0x1e: {  	s25 =	simm.s32 $0x13F80;
	s0 =	sadd.s32 s8, s0;
	[dreg:$0x11] =	wrdreg s20  }
0x1f: {  	s8 =	simm.s32 $0x4;
	[dreg:$0x10] =	wrdreg s0;
	s0 =	simm.s32 $0x40  }
.LBB2_1:
0x20: {  	[dreg:$0x13] =	wrdreg s7  }
0x21: {  	s3 =	simm.s32 $0x0;
	s7 =	rddreg [dreg:$0x4];
	s21 =	simm.s32 $0x13C00  }
0x22: {  	[tilespmem:s21], [sflag:$0x1] =	stream.linear.gather [hbm4b:s7+s3], $0x80, $0x38;
	[tilespmem:$0x1E100] =	vst v63  }
0x23: {  	s21 =	rddreg [dreg:$0x5]  }
0x24: {  	[tilespmem:s30], [sflag:$0x6] =	stream.linear.gather [hbm4b:s21+s3], $0x80, $0x38;
	[tilespmem:$0x1E100] =	vst v63  }
0x25: {  	s30 =	rddreg [dreg:$0x6]  }
0x26: {  	[tilespmem:s9], [sflag:$0x2] =	stream.linear.gather [hbm4b:s30+s3], $0x80, $0x38;
	[tilespmem:$0x1E100] =	vst v63  }
0x27: {  	s21 =	rddreg [dreg:$0x7];
	s30 =	simm.s32 $0x13F00  }
0x28: {  	[tilespmem:s30], [sflag:$0x7] =	stream.linear.gather [hbm4b:s21+s3], $0x80, $0x38;
	[tilespmem:$0x1E100] =	vst v63  }
0x29: {  	s21 =	rddreg [dreg:$0x8];
	s30 =	simm.s32 $0x13D00  }
0x2a: {  	[tilespmem:s30], [sflag:$0x3] =	stream.linear.gather [hbm4b:s21+s3], $0x80, $0x38;
	[tilespmem:$0x1E100] =	vst v63  }
0x2b: {  	s21 =	rddreg [dreg:$0x9]  }
0x2c: {  	s30 =	rddreg [dreg:$0xa]  }
0x2d: {  	[tilespmem:s25], [sflag:$0x8] =	stream.linear.gather [hbm4b:s21+s3], $0x80, $0x38;
	[tilespmem:$0x1E100] =	vst v63  }
0x2e: {  	s21 =	rddreg [dreg:$0xc]  }
0x2f: {  	[tilespmem:s4], [sflag:$0x4] =	stream.linear.gather [hbm4b:s30+s3], $0x80, $0x38;
	[tilespmem:$0x1E100] =	vst v63  }
0x30: {  	s9 =	simm.s32 $0x14000;
	s4 =	rddreg [dreg:$0xb]  }
0x31: {  	[tilespmem:s9], [sflag:$0x9] =	stream.linear.gather [hbm4b:s4+s3], $0x80, $0x38;
	[tilespmem:$0x1E100] =	vst v63  }
0x32: {  	s25 =	rddreg [dreg:$0xe]  }
0x33: {  	[tilespmem:s24], [sflag:$0x5] =	stream.linear.gather [hbm4b:s21+s3], $0x80, $0x38;
	[tilespmem:$0x1E100] =	vst v63  }
0x34: {  	s24 =	rddreg [dreg:$0xd]  }
0x35: {  	[tilespmem:s26], [sflag:$0xA] =	stream.linear.gather [hbm4b:s24+s3], $0x80, $0x38;
	[tilespmem:$0x1E100] =	vst v63  }
0x36: {  	s30 =	rddreg [dreg:$0xf];
	s26 =	sshrl.u32 s25, $0x3  }
0x37: {  	[dreg:$0x14] =	wrdreg s26  }
0x38: {  	[spmem:s26], [sflag:s20] =	dma.local [hbm:s30], $0x2780  }
0x39: {  	_ =	swait.ge [sflag:s28], $0x2780  }
0x3a: {  	s4 =	simm.s32 $0x13D80;
	[sflag:s28] =	ssyncset.done $0x0  }
0x3b: {  	s9 =	simm.s32 $0x14100;
	s24 =	simm.s32 $0x13E00;
	[sflag:s28] =	ssyncadd.s32 $0xFFFFD880  }
0x3c: {  	s20 =	simm.s32 $0x0;
	s28 =	simm.s32 $0x90;
	[bflag:$0x0] =	sbarrier.arrive $0xFFFF  }
.LBB2_2:
0x3d: {  	p0 =	seq.s32 s28, $0x90  }
0x3e: {  	s3 =	simm.s32 @p0 $0x1  }
0x3f: {  	_ =	swait.ge @p0 [sflag:s3], $0x80  }
0x40: {  	s21 =	simm.s32 @p0 $0x40;
	[sflag:s3] =	ssyncset.done @p0 $0x0  }
0x41: {  	s25 =	simm.s32 @p0 $0x14100;
	[sflag:s3] =	ssyncadd.s32 @p0 $0xFFFFFF80;
	s3 =	simm.s32 @p0 $0x13C00  }
0x42: {  	[tilespmem:s25], [sflag:$0xB] =	stream.indirect.gather @p0 [hbm4b:s1+s21], $0x80, s3, s21, $0xb8;
	[tilespmem:$0x1E100] =	vst v63  }
0x43: {  	s3 =	simm.s32 @!p0 $0x10;
	s25 =	sadd.s32 @!p0 s20, s23  }
0x44: {  	s26 =	sand.u32 @!p0 $0x380, s20;
	_ =	swait.ge @!p0 [sflag:s3], $0x2000;
	s25 =	sand.u32 @!p0 $0x7FFFFC00, s25  }
0x45: {  	[sflag:s3] =	ssyncset.done @!p0 $0x0;
	s25 =	sor.u32 @!p0 s26, s25  }
0x46: {  	[sflag:s3] =	ssyncadd.s32 @!p0 $0xFFFFE000;
	s3 =	sshrl.u32 @!p0 s25, $0x3  }
0x47: {  	s26 =	simm.s32 @!p0 $0x13E80;
	s25 =	sadd.s32 @!p0 s6, s3;
	s3 =	simm.s32 @!p0 $0x0  }
0x48: {  	[tilespmem:s26], [sflag:$0x6] =	stream.linear.gather @!p0 [hbm4b:s25+s3], $0x80, $0x38;
	[tilespmem:$0x1E100] =	vst v63  }
0x49: {  	s25 =	simm.s32 @!p0 $0x1  }
0x4a: {  	_ =	swait.ge @!p0 [sflag:s25], $0x80  }
0x4b: {  	s7 =	simm.s32 @!p0 $0x14100;
	[sflag:s25] =	ssyncset.done @!p0 $0x0  }
0x4c: {  	s26 =	simm.s32 @!p0 $0x13C00;
	[sflag:s25] =	ssyncadd.s32 @!p0 $0xFFFFFF80;
	s25 =	simm.s32 @!p0 $0x40  }
0x4d: {  	[tilespmem:s7], [sflag:$0xB] =	stream.indirect.gather @!p0 [hbm4b:s1+s25], $0x80, s26, s25, $0xb8;
	[tilespmem:$0x1E100] =	vst v63  }
0x4e: {  	s7 =	simm.s32 @!p0 $0x11;
	s26 =	sadd.s32 @!p0 $0xFFFFFF80, s28  }
0x4f: {  	_ =	swait.ge @!p0 [sflag:s7], $0x2000;
	s30 =	sadd.s32 @!p0 s22, s26;
	s26 =	sand.u32 @!p0 $0x70, s26  }
0x50: {  	[sflag:s7] =	ssyncset.done @!p0 $0x0;
	s30 =	sand.u32 @!p0 $0xFFFFF80, s30;
	s26 =	sadd.s32 @!p0 s6, s26  }
0x51: {  	[sflag:s7] =	ssyncadd.s32 @!p0 $0xFFFFE000;
	s7 =	sadd.s32 @!p0 s30, s26;
	s26 =	simm.s32 @!p0 $0x13F00  }
0x52: {  	[tilespmem:s26], [sflag:$0x7] =	stream.linear.gather @!p0 [hbm4b:s7+s3], $0x80, $0x38;
	[tilespmem:$0x1E100] =	vst v63  }
0x53: {  	_ =	swait.ge [sflag:s29], $0x80  }
0x54: {  	[sflag:s29] =	ssyncset.done $0x0  }
0x55: {  	s26 =	simm.s32 $0x13C80;
	s7 =	simm.s32 @p0 $0x3;
	[sflag:s29] =	ssyncadd.s32 $0xFFFFFF80  }
0x56: {  	[tilespmem:s14], [sflag:$0xC] =	stream.indirect.gather [hbm4b:s1+s0], $0x80, s26, s0, $0xb8;
	[tilespmem:$0x1E100] =	vst v63  }
0x57: {  	_ =	swait.ge @p0 [sflag:s7], $0x80  }
0x58: {  	[sflag:s7] =	ssyncset.done @p0 $0x0  }
0x59: {  	s26 =	simm.s32 @p0 $0x18100;
	[sflag:s7] =	ssyncadd.s32 @p0 $0xFFFFFF80;
	s7 =	simm.s32 @p0 $0x13D00  }
0x5a: {  	[tilespmem:s26], [sflag:$0xD] =	stream.indirect.gather @p0 [hbm4b:s1+s21], $0x80, s7, s21, $0xb8;
	[tilespmem:$0x1E100] =	vst v63  }
0x5b: {  	s7 =	simm.s32 @!p0 $0x12;
	s21 =	sadd.s32 @!p0 s28, s22;
	s26 =	sadd.s32 @!p0 $0xFFFFFF90, s28  }
0x5c: {  	_ =	swait.ge @!p0 [sflag:s7], $0x2000;
	s30 =	sadd.s32 @!p0 $0xFFFFFF90, s21;
	s26 =	sand.u32 @!p0 $0x70, s26  }
0x5d: {  	[sflag:s7] =	ssyncset.done @!p0 $0x0;
	s30 =	sand.u32 @!p0 $0xFFFFF80, s30;
	s26 =	sadd.s32 @!p0 s6, s26  }
0x5e: {  	[sflag:s7] =	ssyncadd.s32 @!p0 $0xFFFFE000;
	s7 =	sadd.s32 @!p0 s30, s26;
	s26 =	simm.s32 @!p0 $0x13F80  }
0x5f: {  	[tilespmem:s26], [sflag:$0x8] =	stream.linear.gather @!p0 [hbm4b:s7+s3], $0x80, $0x38;
	[tilespmem:$0x1E100] =	vst v63  }
0x60: {  	s7 =	simm.s32 @!p0 $0x3  }
0x61: {  	_ =	swait.ge @!p0 [sflag:s7], $0x80  }
0x62: {  	[sflag:s7] =	ssyncset.done @!p0 $0x0  }
0x63: {  	s26 =	simm.s32 @!p0 $0x18100;
	[sflag:s7] =	ssyncadd.s32 @!p0 $0xFFFFFF80;
	s7 =	simm.s32 @!p0 $0x13D00  }
0x64: {  	[tilespmem:s26], [sflag:$0xD] =	stream.indirect.gather @!p0 [hbm4b:s1+s25], $0x80, s7, s25, $0xb8;
	[tilespmem:$0x1E100] =	vst v63  }
0x65: {  	s7 =	simm.s32 @!p0 $0x13;
	s25 =	sadd.s32 @!p0 $0xFFFFFFA0, s28  }
0x66: {  	s21 =	sadd.s32 @!p0 $0xFFFFFFA0, s21;
	_ =	swait.ge @!p0 [sflag:s7], $0x2000;
	s25 =	sand.u32 @!p0 $0x70, s25  }
0x67: {  	s21 =	sand.u32 @!p0 $0xFFFFF80, s21;
	[sflag:s7] =	ssyncset.done @!p0 $0x0;
	s25 =	sadd.s32 @!p0 s6, s25  }
0x68: {  	[sflag:s7] =	ssyncadd.s32 @!p0 $0xFFFFE000;
	s7 =	sadd.s32 @!p0 s21, s25;
	s21 =	simm.s32 @!p0 $0x14000  }
0x69: {  	[tilespmem:s21], [sflag:$0x9] =	stream.linear.gather @!p0 [hbm4b:s7+s3], $0x80, $0x38;
	[tilespmem:$0x1E100] =	vst v63  }
0x6a: {  	_ =	swait.ge [sflag:s8], $0x80  }
0x6b: {  	[sflag:s8] =	ssyncset.done $0x0  }
0x6c: {  	s7 =	simm.s32 @!p0 $0x14;
	s21 =	sadd.s32 @!p0 $0xFFFFFFB0, s28;
	[sflag:s8] =	ssyncadd.s32 $0xFFFFFF80  }
0x6d: {  	[tilespmem:s17], [sflag:$0xE] =	stream.indirect.gather [hbm4b:s1+s0], $0x80, s4, s0, $0xb8;
	[tilespmem:$0x1E100] =	vst v63  }
0x6e: {  	s25 =	sadd.s32 @!p0 s22, s21;
	s21 =	sand.u32 @!p0 $0x70, s21;
	_ =	swait.ge @!p0 [sflag:s7], $0x2000  }
0x6f: {  	s25 =	sand.u32 @!p0 $0xFFFFF80, s25;
	s21 =	sadd.s32 @!p0 s6, s21;
	[sflag:s7] =	ssyncset.done @!p0 $0x0  }
0x70: {  	[sflag:s7] =	ssyncadd.s32 @!p0 $0xFFFFE000;
	s7 =	sadd.s32 @!p0 s25, s21;
	s21 =	simm.s32 @!p0 $0x14080  }
0x71: {  	[tilespmem:s21], [sflag:$0xA] =	stream.linear.gather @!p0 [hbm4b:s7+s3], $0x80, $0x38;
	[tilespmem:$0x1E100] =	vst v63  }
0x72: {  	_ =	swait.ge [sflag:s10], $0x80  }
0x73: {  	[sflag:s10] =	ssyncset.done $0x0  }
0x74: {  	[sflag:s10] =	ssyncadd.s32 $0xFFFFFF80  }
0x75: {  	[tilespmem:s11], [sflag:$0xF] =	stream.indirect.gather [hbm4b:s1+s0], $0x80, s24, s0, $0xb8;
	[tilespmem:$0x1E100] =	vst v63  }
0x76: {  	_ =	swait.ge [sflag:s12], $0x2000  }
0x77: {  	[sflag:s12] =	ssyncset.done $0x0  }
0x78: {  	[sflag:s12] =	ssyncadd.s32 $0xFFFFE000  }
0x79: {  	_ =	swait.ge [sflag:s13], $0x80  }
0x7a: {  	p0 =	seq.s32 s28, $0xA40;
	[sflag:s13] =	ssyncset.done $0x0  }
0x7b: {  	s30 =	simm.s32 $0x13E80;
	s3 =	simm.s32 @p0 $0xC;
	[sflag:s13] =	ssyncadd.s32 $0xFFFFFF80  }
0x7c: {  	[spmem:s2] =	stream.indirect.scatter.add.f32 [tilespmem:s9], [sflag:$0x10], $0x80, s30, s0, $0xb8;
	[tilespmem:$0x1E100] =	vst v63  }
0x7d: {  	_ =	swait.ge @p0 [sflag:s3], $0x2000  }
0x7e: {  	[sflag:s3] =	ssyncset.done @p0 $0x0  }
0x7f: {  	[sflag:s3] =	ssyncadd.s32 @p0 $0xFFFFE000;
	s3 =	simm.s32 @p0 $0x7  }
0x80: {  	_ =	swait.ge @p0 [sflag:s3], $0x80  }
0x81: {  	s7 =	simm.s32 @p0 $0x40;
	s21 =	simm.s32 @p0 $0x16100;
	[sflag:s3] =	ssyncset.done @p0 $0x0  }
0x82: {  	s20 =	sadd.s32 @!p0 $0x280, s20;
	[sflag:s3] =	ssyncadd.s32 @p0 $0xFFFFFF80;
	s3 =	simm.s32 @p0 $0x13F00  }
0x83: {  	[spmem:s2] =	stream.indirect.scatter.add.f32 @p0 [tilespmem:s21], [sflag:$0x11], $0x80, s3, s7, $0xb8;
	[tilespmem:$0x1E100] =	vst v63  }
0x84: {  	s3 =	sadd.s32 @!p0 s23, s20  }
0x85: {  	s21 =	sand.u32 @!p0 $0x380, s20;
	s3 =	sand.u32 @!p0 $0x7FFFFC00, s3  }
0x86: {  	s3 =	sor.u32 @!p0 s21, s3  }
0x87: {  	s3 =	sshrl.u32 @!p0 s3, $0x3  }
0x88: {  	s25 =	simm.s32 @!p0 $0x13C00;
	s21 =	sadd.s32 @!p0 s5, s3;
	s3 =	simm.s32 @!p0 $0x0  }
0x89: {  	[tilespmem:s25], [sflag:$0x1] =	stream.linear.gather @!p0 [hbm4b:s21+s3], $0x80, $0x38;
	[tilespmem:$0x1E100] =	vst v63  }
0x8a: {  	s21 =	simm.s32 @!p0 $0xC  }
0x8b: {  	_ =	swait.ge @!p0 [sflag:s21], $0x2000  }
0x8c: {  	[sflag:s21] =	ssyncset.done @!p0 $0x0  }
0x8d: {  	[sflag:s21] =	ssyncadd.s32 @!p0 $0xFFFFE000;
	s21 =	simm.s32 @!p0 $0x7  }
0x8e: {  	_ =	swait.ge @!p0 [sflag:s21], $0x80  }
0x8f: {  	s26 =	simm.s32 @!p0 $0x16100;
	[sflag:s21] =	ssyncset.done @!p0 $0x0  }
0x90: {  	s25 =	simm.s32 @!p0 $0x13F00;
	[sflag:s21] =	ssyncadd.s32 @!p0 $0xFFFFFF80;
	s21 =	simm.s32 @!p0 $0x40  }
0x91: {  	[spmem:s2] =	stream.indirect.scatter.add.f32 @!p0 [tilespmem:s26], [sflag:$0x11], $0x80, s25, s21, $0xb8;
	[tilespmem:$0x1E100] =	vst v63  }
0x92: {  	s25 =	sadd.s32 @!p0 $0xFFFFFFD0, s28  }
0x93: {  	s26 =	sadd.s32 @!p0 s22, s25;
	s25 =	sand.u32 @!p0 $0x70, s25  }
0x94: {  	s26 =	sand.u32 @!p0 $0xFFFFF80, s26;
	s25 =	sadd.s32 @!p0 s5, s25  }
0x95: {  	s25 =	sadd.s32 @!p0 s26, s25;
	s26 =	simm.s32 @!p0 $0x13C80  }
0x96: {  	[tilespmem:s26], [sflag:$0x2] =	stream.linear.gather @!p0 [hbm4b:s25+s3], $0x80, $0x38;
	[tilespmem:$0x1E100] =	vst v63  }
0x97: {  	_ =	swait.ge [sflag:s15], $0x2000  }
0x98: {  	[sflag:s15] =	ssyncset.done $0x0  }
0x99: {  	[sflag:s15] =	ssyncadd.s32 $0xFFFFE000  }
0x9a: {  	_ =	swait.ge [sflag:s16], $0x80  }
0x9b: {  	[sflag:s16] =	ssyncset.done $0x0  }
0x9c: {  	s26 =	simm.s32 $0x13F80;
	s25 =	simm.s32 @p0 $0xE;
	[sflag:s16] =	ssyncadd.s32 $0xFFFFFF80  }
0x9d: {  	[spmem:s2] =	stream.indirect.scatter.add.f32 [tilespmem:s31], [sflag:$0x12], $0x80, s26, s0, $0xb8;
	[tilespmem:$0x1E100] =	vst v63  }
0x9e: {  	_ =	swait.ge @p0 [sflag:s25], $0x2000  }
0x9f: {  	[sflag:s25] =	ssyncset.done @p0 $0x0  }
0xa0: {  	[sflag:s25] =	ssyncadd.s32 @p0 $0xFFFFE000;
	s25 =	simm.s32 @p0 $0x9  }
0xa1: {  	_ =	swait.ge @p0 [sflag:s25], $0x80  }
0xa2: {  	[sflag:s25] =	ssyncset.done @p0 $0x0  }
0xa3: {  	s26 =	simm.s32 @p0 $0x1A100;
	[sflag:s25] =	ssyncadd.s32 @p0 $0xFFFFFF80;
	s25 =	simm.s32 @p0 $0x14000  }
0xa4: {  	[spmem:s2] =	stream.indirect.scatter.add.f32 @p0 [tilespmem:s26], [sflag:$0x13], $0x80, s25, s7, $0xb8;
	[tilespmem:$0x1E100] =	vst v63  }
0xa5: {  	s7 =	sadd.s32 @!p0 s28, s22;
	s25 =	sadd.s32 @!p0 $0xFFFFFFE0, s28  }
0xa6: {  	s26 =	sadd.s32 @!p0 $0xFFFFFFE0, s7;
	s25 =	sand.u32 @!p0 $0x70, s25  }
0xa7: {  	s26 =	sand.u32 @!p0 $0xFFFFF80, s26;
	s25 =	sadd.s32 @!p0 s5, s25  }
0xa8: {  	s25 =	sadd.s32 @!p0 s26, s25;
	s26 =	simm.s32 @!p0 $0x13D00  }
0xa9: {  	[tilespmem:s26], [sflag:$0x3] =	stream.linear.gather @!p0 [hbm4b:s25+s3], $0x80, $0x38;
	[tilespmem:$0x1E100] =	vst v63  }
0xaa: {  	s25 =	simm.s32 @!p0 $0xE  }
0xab: {  	_ =	swait.ge @!p0 [sflag:s25], $0x2000  }
0xac: {  	[sflag:s25] =	ssyncset.done @!p0 $0x0  }
0xad: {  	[sflag:s25] =	ssyncadd.s32 @!p0 $0xFFFFE000;
	s25 =	simm.s32 @!p0 $0x9  }
0xae: {  	_ =	swait.ge @!p0 [sflag:s25], $0x80  }
0xaf: {  	[sflag:s25] =	ssyncset.done @!p0 $0x0  }
0xb0: {  	s26 =	simm.s32 @!p0 $0x1A100;
	[sflag:s25] =	ssyncadd.s32 @!p0 $0xFFFFFF80;
	s25 =	simm.s32 @!p0 $0x14000  }
0xb1: {  	[spmem:s2] =	stream.indirect.scatter.add.f32 @!p0 [tilespmem:s26], [sflag:$0x13], $0x80, s25, s21, $0xb8;
	[tilespmem:$0x1E100] =	vst v63  }
0xb2: {  	s21 =	sadd.s32 @!p0 $0xFFFFFFF0, s28  }
0xb3: {  	s25 =	sadd.s32 @!p0 $0xFFFFFFF0, s7;
	s21 =	sand.u32 @!p0 $0x70, s21  }
0xb4: {  	s25 =	sand.u32 @!p0 $0xFFFFF80, s25;
	s21 =	sadd.s32 @!p0 s5, s21  }
0xb5: {  	s21 =	sadd.s32 @!p0 s25, s21;
	s25 =	simm.s32 @!p0 $0x13D80  }
0xb6: {  	[tilespmem:s25], [sflag:$0x4] =	stream.linear.gather @!p0 [hbm4b:s21+s3], $0x80, $0x38;
	[tilespmem:$0x1E100] =	vst v63  }
0xb7: {  	_ =	swait.ge [sflag:s18], $0x2000  }
0xb8: {  	[sflag:s18] =	ssyncset.done $0x0  }
0xb9: {  	[sflag:s18] =	ssyncadd.s32 $0xFFFFE000  }
0xba: {  	s26 =	simm.s32 $0x14080;
	_ =	swait.ge [sflag:s19], $0x80  }
0xbb: {  	s7 =	sand.u32 @!p0 $0xFFFFF80, s7;
	s21 =	sand.u32 @!p0 $0x70, s28;
	[sflag:s19] =	ssyncset.done $0x0  }
0xbc: {  	s28 =	sadd.s32 @!p0 $0x50, s28;
	s21 =	sadd.s32 @!p0 s5, s21;
	[sflag:s19] =	ssyncadd.s32 $0xFFFFFF80  }
0xbd: {  	[spmem:s2] =	stream.indirect.scatter.add.f32 [tilespmem:s11], [sflag:$0x14], $0x80, s26, s0, $0xb8;
	[tilespmem:$0x1E100] =	vst v63  }
0xbe: {  	p1 =	sne.s32 @!p0 s28, $0xA90;
	s7 =	sadd.s32 @!p0 s7, s21;
	s21 =	simm.s32 @!p0 $0x13E00  }
0xbf: {  	[tilespmem:s21], [sflag:$0x5] =	stream.linear.gather @!p0 [hbm4b:s7+s3], $0x80, $0x38;
	[tilespmem:$0x1E100] =	vst v63  }
0xc0: {  	p0 =	por p0, !p1  }
.Ltmp0:
0xc1: {  	_ = 	snop;
	(pc) =	sbr.rel @!p0 .LBB2_2-.Ltmp0, $1  }
0xc2: {  	_ =	sdelay $0x3  }
0xc3: {  	s3 =	simm.s32 $0x10  }
0xc4: {  	_ =	swait.ge [sflag:s3], $0x2000  }
0xc5: {  	[sflag:s3] =	ssyncset.done $0x0  }
0xc6: {  	s7 =	simm.s32 $0x11;
	[sflag:s3] =	ssyncadd.s32 $0xFFFFE000  }
0xc7: {  	_ =	swait.ge [sflag:s7], $0x2000  }
0xc8: {  	[sflag:s7] =	ssyncset.done $0x0  }
0xc9: {  	s9 =	simm.s32 $0x12;
	[sflag:s7] =	ssyncadd.s32 $0xFFFFE000  }
0xca: {  	_ =	swait.ge [sflag:s9], $0x2000  }
0xcb: {  	[sflag:s9] =	ssyncset.done $0x0  }
0xcc: {  	s20 =	simm.s32 $0x13;
	[sflag:s9] =	ssyncadd.s32 $0xFFFFE000  }
0xcd: {  	_ =	swait.ge [sflag:s20], $0x2000  }
0xce: {  	[sflag:s20] =	ssyncset.done $0x0  }
0xcf: {  	s21 =	simm.s32 $0x14;
	[sflag:s20] =	ssyncadd.s32 $0xFFFFE000  }
0xd0: {  	_ =	swait.ge [sflag:s21], $0x2000  }
0xd1: {  	[sflag:s21] =	ssyncset.done $0x0  }
0xd2: {  	[sflag:s21] =	ssyncadd.s32 $0xFFFFE000  }
0xd3: {  	[bflag:$0x0] =	sbarrier.arrive $0xFFFF  }
0xd4: {  	s24 =	rddreg [dreg:$0x10]  }
0xd5: {  	s20 =	rddreg [dreg:$0x11]  }
0xd6: {  	s28 =	simm.s32 $0x15;
	s4 =	rddreg [dreg:$0x14]  }
0xd7: {  	[hbm:s24], [sflag:s20] =	dma.local [spmem:s4], $0x2780  }
0xd8: {  	_ =	swait.ge [sflag:s28], $0x2780  }
0xd9: {  	s7 =	rddreg [dreg:$0x13]  }
0xda: {  	s25 =	rddreg [dreg:$0x12];
	s7 =	sadd.s32 $0x1, s7  }
0xdb: {  	p0 =	sne.s32 s7, s25  }
.Ltmp1:
0xdc: {  	_ = 	snop;
	(pc) =	sbr.rel @p0 .LBB2_1-.Ltmp1, $3  }
0xdd: {  	_ =	sdelay $0x1  }
0xde: {  	s9 =	simm.s32 $0x13C80;
	s4 =	simm.s32 $0x13D80;
	[sflag:s28] =	ssyncset.done $0x0  }
0xdf: {  	s24 =	simm.s32 $0x13E00;
	[sflag:s28] =	ssyncadd.s32 $0xFFFFD880;
	s25 =	simm.s32 $0x13F80  }
0xe0: {  	_ =	sfence.sel $0x180000  }
0xe1: {  	[bflag:$0x0] =	sbarrier.arrive $0xFFFF  }
0xe2: {  	_ =	strace $0x9000004A  }
0xe3: {  	s0 =	stileid.u32;
	[bflag:$0x2] =	sbarrier.arrive $0xFFFF  }
0xe4: {  	p0 =	sne.s32 s0, $0x0;
	s0 =	rddreg [dreg:$0x3]  }
0xe5: {  	s0 =	sadd.s32 @!p0 $0x100000, s0  }
0xe6: {  	[sflag:s0] =	ssyncadd.tile.s32 @!p0 $0x1;
	_ =	shalt  }
.Lfunc_end2:
_tile_overlayer_lowered:
.L_overlay_start_2:
0xe7: {  	(tag) =	ssettag $0x2  }
0xe8: {  	s0 =	rddreg [dreg:$0x0];
	s2 =	stileid.u32  }
0xe9: {  	s1 =	rddreg [dreg:$0x1];
	p0 =	sne.s32 s2, $0x0  }
0xea: {  	s3 =	rddreg [dreg:$0x2];
	[bflag:$0x3] =	sbarrier.arrive $0xFFFF;
	s2 =	simm.s32 @!p0 $0x1C15  }
0xeb: {  	[timem:s3], [sflag:s2] =	dma.local @!p0 [hbm:s0], s1  }
0xec: {  	s0 =	simm.s32 @!p0 $0x15  }
0xed: {  	_ =	swait.ge @!p0 [sflag:s0], s1  }
0xee: {  	s1 =	ssub.s32 @!p0 $0x0, s1;
	[sflag:s0] =	ssyncset.done @!p0 $0x0  }
0xef: {  	[sflag:s0] =	ssyncadd.s32 @!p0 s1  }
0xf0: {  	[bflag:$0x3] =	sbarrier.arrive $0xFFFF  }
0xf1: {  	_ =	shalt  }

// kernel: kernel.14.cloned.1.call-start
scs
__scs_entry_jumppad:
0x0: {  	(pc) =	sbr.rel $0x88, $3  }
0x1: {  	(tag) =	ssettag $0x0;
	lr =	simm.s32 $0x1  }
0x2: {  	[smem:$0x3F98] =	sst lr;
	_ =	strace $0xD0000000  }
0x3: {  	_ = 	snop  }
0x4: {  	_ = 	snop  }
0x5: {  	_ = 	snop  }
0x6: {  	_ = 	snop  }
0x7: {  	_ = 	snop  }
__scs_overlays_trampoline_lowered:
0x8: {  	[smem:$0x3FA7] =	sst s0  }
0x9: {  	[smem:$0x3FA8] =	sst s1  }
0xa: {  	[smem:$0x3FA9] =	sst s2  }
0xb: {  	[smem:$0x3FAA] =	sst s3  }
0xc: {  	[smem:$0x3FAB] =	sst s4  }
0xd: {  	[smem:$0x3FAC] =	sst s5  }
0xe: {  	[smem:$0x3FAD] =	sst s6  }
0xf: {  	[smem:$0x3FAE] =	sst s7  }
0x10: {  	[smem:$0x3FAF] =	sst s8  }
0x11: {  	[smem:$0x3FB0] =	sst s9;
	s0 =	simm.s32 @!p0 $0x0  }
0x12: {  	s1 =	sld [smem:$0x3F96];
	s0 =	simm.s32 @p0 $0x1  }
0x13: {  	[smem:$0x3FB1] =	sst s0;
	s0 =	simm.s32 @!p1 $0x0  }
0x14: {  	s2 =	sld [smem:$0x3F95];
	s0 =	simm.s32 @p1 $0x1  }
0x15: {  	[smem:$0x3FB2] =	sst s0;
	s0 =	simm.s32 @!p2 $0x0  }
0x16: {  	s3 =	sld [smem:$0x3FDB];
	s0 =	simm.s32 @p2 $0x1  }
0x17: {  	s4 =	simm.s32 $0x1BF5;
	[smem:$0x3FB4] =	sst s0  }
0x18: {  	s0 =	sld [smem:$0x3F97];
	_ =	swait.ge [sflag:s4], $0x0  }
0x19: {  	s7 =	sld [smem:$0x3F98]  }
0x1a: {  	s8 =	sadd.s32 $0xFFFFE003, lr  }
0x1b: {  	s9 =	sadd.s32 $0xFFFFFEF7, lr;
	s5 =	simm.s32 $0xFFFFFFFF;
	p2 =	slt.u32 s8, $0xFFFFF086  }
0x1c: {  	p1 =	slt.u32 s9, $0xF7A;
	s5 =	simm.s32 @!p2 $0x0  }
0x1d: {  	s5 =	simm.s32 @p1 $0x1;
	p0 =	seq.s32 s7, s2  }
0x1e: {  	s7 =	smul.u32 @!p0 $0xF7A, s2;
	p2 =	seq.s32 @!p0 s5, $0x0  }
0x1f: {  	s9 =	smul.u32 $0xF7A, s1;
	s8 =	simm.s32 @!p0 $0x1BF5;
	p2 =	por !p2, p0  }
0x20: {  	[sflag:s8] =	ssyncset.s32 @!p0 $0xFFFFF086;
	s6 =	sadd.s32 @!p0 s3, s7;
	s7 =	simm.s32 @!p0 $0x108  }
0x21: {  	s3 =	sadd.s32 s3, s9;
	s6 =	sadd.s32 @!p0 $0x88, s6;
	s7 =	simm.s32 @p2 $0x1082  }
0x22: {  	[simem:s7], [sflag:s8] =	dma.local @!p0 [hbm:s6], $0xF7A  }
0x23: {  	s9 =	sor.u32 $0xD0000000, s2;
	s6 =	simm.s32 $0x108;
	_ =	swait.ge @!p0 [sflag:s8], $0x0  }
0x24: {  	s3 =	sadd.s32 $0x88, s3;
	s6 =	simm.s32 @!p1 $0x1082;
	[sflag:s4] =	ssyncset.s32 $0xFFFFF086  }
0x25: {  	[simem:s6], [sflag:s4] =	dma.local [hbm:s3], $0xF7A  }
0x26: {  	[smem:$0x3F98] =	sst s1;
	(tag) =	ssettag s2;
	_ =	strace s9  }
0x27: {  	s1 =	sld [smem:$0x3FA8]  }
0x28: {  	s2 =	sld [smem:$0x3FA9]  }
0x29: {  	s4 =	sld [smem:$0x3FAB]  }
0x2a: {  	p0 =	seq.s32 s5, $0x0;
	s5 =	sld [smem:$0x3FAC]  }
0x2b: {  	s6 =	sld [smem:$0x3FAD]  }
0x2c: {  	s7 =	sld [smem:$0x3FAE]  }
0x2d: {  	s3 =	simm.s32 $0x108;
	s8 =	sld [smem:$0x3FAF]  }
0x2e: {  	s3 =	simm.s32 @!p0 $0x1082;
	s9 =	sld [smem:$0x3FB0]  }
0x2f: {  	lr =	sadd.s32 s0, s3;
	s0 =	sld [smem:$0x3FA7]  }
0x30: {  	s3 =	sld [smem:$0x3FAA]  }
0x31: {  	[smem:$0x3FB3] =	sst s10  }
0x32: {  	s10 =	sld [smem:$0x3FB1];
	_ =	sdelay $0x3  }
0x33: {  	p0 =	seq.s32 s10, $0x1;
	s10 =	sld [smem:$0x3FB3];
	_ =	sdelay $0x3  }
0x34: {  	[smem:$0x3FB3] =	sst s10  }
0x35: {  	s10 =	sld [smem:$0x3FB2];
	_ =	sdelay $0x3  }
0x36: {  	p1 =	seq.s32 s10, $0x1;
	s10 =	sld [smem:$0x3FB3];
	_ =	sdelay $0x3  }
0x37: {  	[smem:$0x3FB3] =	sst s10  }
0x38: {  	s10 =	sld [smem:$0x3FB4]  }
0x39: {  	_ = 	snop;
	(pc) =	sbr.ind lr, $3  }
0x3a: {  	_ = 	snop  }
0x3b: {  	_ = 	snop  }
0x3c: {  	p2 =	seq.s32 s10, $0x1;
	s10 =	sld [smem:$0x3FB3]  }
0x3d: {  	_ =	shalt  }
0x3e: {  	_ =	shalt  }
0x3f: {  	_ =	shalt  }
0x40: {  	_ =	shalt  }
0x41: {  	_ =	shalt  }
0x42: {  	_ =	shalt  }
0x43: {  	_ =	shalt  }
0x44: {  	_ =	shalt  }
0x45: {  	_ =	shalt  }
0x46: {  	_ =	shalt  }
0x47: {  	_ =	shalt  }
0x48: {  	_ =	shalt  }
0x49: {  	_ =	shalt  }
0x4a: {  	_ =	shalt  }
0x4b: {  	_ =	shalt  }
0x4c: {  	_ =	shalt  }
0x4d: {  	_ =	shalt  }
0x4e: {  	_ =	shalt  }
0x4f: {  	_ =	shalt  }
0x50: {  	_ =	shalt  }
0x51: {  	_ =	shalt  }
0x52: {  	_ =	shalt  }
0x53: {  	_ =	shalt  }
0x54: {  	_ =	shalt  }
0x55: {  	_ =	shalt  }
0x56: {  	_ =	shalt  }
0x57: {  	_ =	shalt  }
0x58: {  	_ =	shalt  }
0x59: {  	_ =	shalt  }
0x5a: {  	_ =	shalt  }
0x5b: {  	_ =	shalt  }
0x5c: {  	_ =	shalt  }
0x5d: {  	_ =	shalt  }
0x5e: {  	_ =	shalt  }
0x5f: {  	_ =	shalt  }
0x60: {  	_ =	shalt  }
0x61: {  	_ =	shalt  }
0x62: {  	_ =	shalt  }
0x63: {  	_ =	shalt  }
0x64: {  	_ =	shalt  }
0x65: {  	_ =	shalt  }
0x66: {  	_ =	shalt  }
0x67: {  	_ =	shalt  }
0x68: {  	_ =	shalt  }
0x69: {  	_ =	shalt  }
0x6a: {  	_ =	shalt  }
0x6b: {  	_ =	shalt  }
0x6c: {  	_ =	shalt  }
0x6d: {  	_ =	shalt  }
0x6e: {  	_ =	shalt  }
0x6f: {  	_ =	shalt  }
0x70: {  	_ =	shalt  }
0x71: {  	_ =	shalt  }
0x72: {  	_ =	shalt  }
0x73: {  	_ =	shalt  }
0x74: {  	_ =	shalt  }
0x75: {  	_ =	shalt  }
0x76: {  	_ =	shalt  }
0x77: {  	_ =	shalt  }
0x78: {  	_ =	shalt  }
0x79: {  	_ =	shalt  }
0x7a: {  	_ =	shalt  }
0x7b: {  	_ =	shalt  }
0x7c: {  	_ =	shalt  }
0x7d: {  	_ =	shalt  }
0x7e: {  	_ =	shalt  }
0x7f: {  	_ =	shalt  }
0x80: {  	_ =	shalt  }
0x81: {  	_ =	shalt  }
0x82: {  	_ =	shalt  }
0x83: {  	_ =	shalt  }
0x84: {  	_ =	shalt  }
0x85: {  	_ =	shalt  }
0x86: {  	_ =	shalt  }
0x87: {  	_ =	shalt  }
.Lfunc_end0:
.L_simem_size_0:
called_computation.2_lowered:
.L_overlay_start_0:
0x88: {  	s2 =	sld [smem:$0x3FD9]  }
0x89: {  	s3 =	sld [smem:$0x3FFE];
	_ =	sdelay $0x1  }
0x8a: {  	s1 =	srdreg.scid  }
0x8b: {  	s0 =	sand.u32 $0x1, s1  }
0x8c: {  	s17 =	sshll.u32 s0, $0xA;
	s2 =	sadd.s32 s3, s2  }
0x8d: {  	s2 =	sadd.s32 s2, s17  }
0x8e: {  	[smem:$0x3FBF] =	sst s2  }
0x8f: {  	_ = 	snop  }
0x90: {  	s2 =	sld [smem:$0x3FD0];
	(tm) =	ssettm $0x1  }
0x91: {  	s18 =	sld [smem:$0x3FFB];
	_ =	sdelay $0x3  }
0x92: {  	_ =	strace s18  }
0x93: {  	s3 =	sld [smem:$0x3FFC];
	_ =	sdelay $0x3  }
0x94: {  	_ =	strace s3  }
0x95: {  	s3 =	sld [smem:$0x3FFD];
	_ =	sdelay $0x3  }
0x96: {  	_ =	strace s3  }
0x97: {  	_ =	strace $0x8FFFFFFF  }
0x98: {  	s19 =	sld [smem:$0x3FDB];
	_ =	sdelay $0x1  }
0x99: {  	s4 =	simm.s32 $_scs_section_size  }
0x9a: {  	s5 =	simm.s32 $_size__tile_overlayer_lowered;
	s6 =	simm.s32 $_tile_overlayer_lowered  }
0x9b: {  	s22 =	simm.s32 $0x1BFF;
	s21 =	sshll.u32 s6, $0x1;
	s3 =	sadd.s32 s4, s19  }
0x9c: {  	s7 =	simm.s32 $0x0;
	s20 =	sshll.u32 s5, $0x1;
	s5 =	sadd.s32 s21, s3  }
0x9d: {  	[timem:s7], [sflag:s22] =	dma.local [hbm:s5], s20  }
0x9e: {  	_ =	swait.ge [sflag:s22], s20  }
0x9f: {  	s4 =	ssub.s32 $0x0, s20;
	[sflag:s22] =	ssyncset.done $0x0  }
0xa0: {  	[sflag:s22] =	ssyncadd.s32 s4;
	_ =	sdelay $0x1  }
0xa1: {  	s23 =	simm.s32 $0x1B8B  }
0xa2: {  	_ =	swait.ge [sflag:s23], $0x1  }
0xa3: {  	[sflag:s23] =	ssyncset.done $0x0  }
0xa4: {  	s25 =	simm.s32 $0x1B8E;
	s24 =	sld [smem:$0x3FFE];
	[sflag:s23] =	ssyncadd.s32 $0xFFFFFFFF  }
0xa5: {  	s26 =	simm.s32 $execute0_lowered;
	[smem:$0x3FD2] =	sst s25  }
0xa6: {  	s5 =	sshll.u32 s26, $0x1;
	_ =	strace $0x8000004C;
	[dreg:$0x1] =	wrdreg $0xFFFFFFFF  }
0xa7: {  	s28 =	simm.s32 $_size_execute0_lowered;
	s3 =	sadd.s32 s3, s5;
	[dreg:$0x0] =	wrdreg $0x0  }
0xa8: {  	s5 =	sshll.u32 s28, $0x1;
	[dreg:$0x2] =	wrdreg s3  }
0xa9: {  	[dreg:$0x3] =	wrdreg s5  }
0xaa: {  	[dreg:$0x4] =	wrdreg $0xC0  }
0xab: {  	_ =	task [dreg:s7], $0x5FFFF  }
0xac: {  	[dreg:$0x1] =	wrdreg $0xFFFFFFFF  }
0xad: {  	[dreg:$0x0] =	wrdreg $0x60  }
0xae: {  	[dreg:$0x2] =	wrdreg s2  }
0xaf: {  	[dreg:$0x3] =	wrdreg s24  }
0xb0: {  	[dreg:$0x4] =	wrdreg $0x0  }
0xb1: {  	[dreg:$0x5] =	wrdreg $0x9  }
0xb2: {  	_ =	task.clear_ibuf [dreg:s7], $0x6FFFF;
	_ =	strace $0x9000004C  }
0xb3: {  	s29 =	simm.s32 $0x9;
	_ =	strace $0x8000004E  }
0xb4: {  	_ =	swait.ge [sflag:s29], $0x1  }
0xb5: {  	[sflag:s29] =	ssyncadd.s32 $0xFFFFFFFF  }
0xb6: {  	_ =	strace $0x9000004E  }
0xb7: {  	_ =	sfence  }
0xb8: {  	s30 =	sld [smem:$0x0];
	_ =	sdelay $0x2  }
0xb9: {  	s31 =	sshll.u32 s1, $0xD;
	s1 =	sshrl.u32 s1, $0x2  }
0xba: {  	s3 =	sand.u32 $0x4000, s31;
	s1 =	sadd.s32 s1, s30  }
0xbb: {  	s0 =	sor.u32 s3, s0;
	s1 =	sshll.u32 s1, $0x11  }
0xbc: {  	s0 =	sor.u32 s1, s0  }
0xbd: {  	s0 =	sadd.s32 $0x8F2B, s0  }
0xbe: {  	[sflag:s0] =	ssyncadd.remote.s32 $0x1  }
0xbf: {  	_ =	sfence.sel $0xFFFF  }
0xc0: {  	[dreg:$0x0] =	wrdreg $0xFFFFFFFF;
	(pc) =	sbr.abs _section_cstart, $3  }
0xc1: {  	[dreg:$0x1] =	wrdreg $0xFFFFFFFF  }
0xc2: {  	_ =	task.clear_ibuf [dreg:s7], $0x2FFFF;
	_ =	strace $0x9FFFFFFF  }
0xc3: {  	(tm) =	ssettm $0x7FFFFFFF  }
tec
execute0_lowered:
.L_overlay_start_1:
0x0: {  	(tag) =	ssettag $0x1  }
0x1: {  	s1 =	rddreg [dreg:$0x0]  }
0x2: {  	s0 =	rddreg [dreg:$0x1]  }
0x3: {  	s2 =	rddreg [dreg:$0x2]  }
0x4: {  	s4 =	simm.s32 $0x0;
	s3 =	srdreg.scid;
	s11 =	stileid.u32  }
0x5: {  	s30 =	simm.s32 $0x13E80;
	s28 =	simm.s32 $0x15;
	s29 =	simm.s32 $0x2  }
0x6: {  	s31 =	simm.s32 $0x18100;
	[smem:$0x7FF] =	sst s4;
	s7 =	smul.u32 $0x2780, s11  }
0x7: {  	s3 =	sand.u32 $0x1, s3;
	s5 =	sadd.s32 $0x4600, s0;
	s23 =	smul.u32 $0xA00, s11  }
0x8: {  	s25 =	sshll.u32 s11, $0x6;
	s26 =	smul.u32 $0x5000, s11;
	_ =	strace $0x8000004D  }
0x9: {  	s6 =	sshll.u32 s3, $0x4;
	s8 =	ssub.s32 $0x2, s3;
	s22 =	smul.u32 $0xA000, s3  }
0xa: {  	p0 =	seq.s32 s3, $0x1;
	s3 =	smul.u32 $0x50000, s3;
	s4 =	sor.u32 s11, s6  }
0xb: {  	s9 =	sshrl.u32 s8, $0x1;
	s6 =	sadd.s32 $0x18600, s0;
	s0 =	sadd.s32 s7, s0  }
0xc: {  	s4 =	smul.u32 $0xA00, s4;
	s7 =	ssub.s32 s8, s9;
	s24 =	sadd.s32 $0x2C600, s0  }
0xd: {  	s22 =	sadd.s32 s23, s22;
	s23 =	sadd.s32 s26, s3;
	s26 =	simm.s32 $0x14080  }
0xe: {  	[dreg:$0xf] =	wrdreg s24;
	s7 =	smax.u32 s7, $0x1;
	s24 =	simm.s32 $0x13E00  }
0xf: {  	s9 =	sadd.s32 s5, s4;
	s10 =	sadd.s32 s6, s4;
	[dreg:$0x12] =	wrdreg s7  }
0x10: {  	s12 =	sor.u32 $0x10, s4;
	s14 =	sor.u32 $0x20, s4;
	[dreg:$0x4] =	wrdreg s9  }
0x11: {  	s16 =	sor.u32 $0x30, s4;
	[dreg:$0x5] =	wrdreg s10;
	s13 =	sadd.s32 s5, s12  }
0x12: {  	s4 =	sor.u32 $0x40, s4;
	s8 =	sadd.s32 s6, s12;
	[dreg:$0x6] =	wrdreg s13  }
0x13: {  	s7 =	simm.s32 $0x0;
	s15 =	sadd.s32 s5, s14;
	[dreg:$0x7] =	wrdreg s8  }
0x14: {  	s10 =	smul.u32 $0x4F000, s11;
	s17 =	sadd.s32 s5, s16;
	[dreg:$0x8] =	wrdreg s15  }
0x15: {  	s18 =	sadd.s32 s6, s16;
	s19 =	sadd.s32 s5, s4;
	[dreg:$0xa] =	wrdreg s17  }
0x16: {  	s4 =	sadd.s32 s6, s4;
	s9 =	simm.s32 $0x13C80;
	[dreg:$0xb] =	wrdreg s18  }
0x17: {  	s11 =	simm.s32 $0x1C100;
	s12 =	simm.s32 $0xB;
	[dreg:$0xc] =	wrdreg s19  }
0x18: {  	s16 =	simm.s32 $0x8;
	s8 =	sadd.s32 s6, s14;
	[dreg:$0xd] =	wrdreg s4  }
0x19: {  	s4 =	simm.s32 $0x13D80;
	s13 =	simm.s32 $0x6;
	s15 =	simm.s32 $0xD  }
0x1a: {  	s18 =	simm.s32 $0xF;
	s19 =	simm.s32 $0xA;
	s14 =	simm.s32 $0x16100  }
0x1b: {  	s17 =	simm.s32 $0x1A100;
	[dreg:$0x9] =	wrdreg s8;
	s20 =	sshrl.u32 s10, $0x2  }
0x1c: {  	s8 =	simm.s32 $0x7B600;
	s10 =	simm.s32 $0x5;
	s21 =	sadd.s32 s20, s2  }
0x1d: {  	s8 =	simm.s32 @!p0 $0x53E00;
	s20 =	sor.u32 $0x1C15, s25;
	[dreg:$0xe] =	wrdreg s21  }
0x1e: {  	s25 =	simm.s32 $0x13F80;
	s0 =	sadd.s32 s8, s0;
	[dreg:$0x11] =	wrdreg s20  }
0x1f: {  	s8 =	simm.s32 $0x4;
	[dreg:$0x10] =	wrdreg s0;
	s0 =	simm.s32 $0x40  }
.LBB2_1:
0x20: {  	[dreg:$0x13] =	wrdreg s7  }
0x21: {  	s3 =	simm.s32 $0x0;
	s7 =	rddreg [dreg:$0x4];
	s21 =	simm.s32 $0x13C00  }
0x22: {  	[tilespmem:s21], [sflag:$0x1] =	stream.linear.gather [hbm4b:s7+s3], $0x80, $0x38;
	[tilespmem:$0x1E100] =	vst v63  }
0x23: {  	s21 =	rddreg [dreg:$0x5]  }
0x24: {  	[tilespmem:s30], [sflag:$0x6] =	stream.linear.gather [hbm4b:s21+s3], $0x80, $0x38;
	[tilespmem:$0x1E100] =	vst v63  }
0x25: {  	s30 =	rddreg [dreg:$0x6]  }
0x26: {  	[tilespmem:s9], [sflag:$0x2] =	stream.linear.gather [hbm4b:s30+s3], $0x80, $0x38;
	[tilespmem:$0x1E100] =	vst v63  }
0x27: {  	s21 =	rddreg [dreg:$0x7];
	s30 =	simm.s32 $0x13F00  }
0x28: {  	[tilespmem:s30], [sflag:$0x7] =	stream.linear.gather [hbm4b:s21+s3], $0x80, $0x38;
	[tilespmem:$0x1E100] =	vst v63  }
0x29: {  	s21 =	rddreg [dreg:$0x8];
	s30 =	simm.s32 $0x13D00  }
0x2a: {  	[tilespmem:s30], [sflag:$0x3] =	stream.linear.gather [hbm4b:s21+s3], $0x80, $0x38;
	[tilespmem:$0x1E100] =	vst v63  }
0x2b: {  	s21 =	rddreg [dreg:$0x9]  }
0x2c: {  	s30 =	rddreg [dreg:$0xa]  }
0x2d: {  	[tilespmem:s25], [sflag:$0x8] =	stream.linear.gather [hbm4b:s21+s3], $0x80, $0x38;
	[tilespmem:$0x1E100] =	vst v63  }
0x2e: {  	s21 =	rddreg [dreg:$0xc]  }
0x2f: {  	[tilespmem:s4], [sflag:$0x4] =	stream.linear.gather [hbm4b:s30+s3], $0x80, $0x38;
	[tilespmem:$0x1E100] =	vst v63  }
0x30: {  	s9 =	simm.s32 $0x14000;
	s4 =	rddreg [dreg:$0xb]  }
0x31: {  	[tilespmem:s9], [sflag:$0x9] =	stream.linear.gather [hbm4b:s4+s3], $0x80, $0x38;
	[tilespmem:$0x1E100] =	vst v63  }
0x32: {  	s25 =	rddreg [dreg:$0xe]  }
0x33: {  	[tilespmem:s24], [sflag:$0x5] =	stream.linear.gather [hbm4b:s21+s3], $0x80, $0x38;
	[tilespmem:$0x1E100] =	vst v63  }
0x34: {  	s24 =	rddreg [dreg:$0xd]  }
0x35: {  	[tilespmem:s26], [sflag:$0xA] =	stream.linear.gather [hbm4b:s24+s3], $0x80, $0x38;
	[tilespmem:$0x1E100] =	vst v63  }
0x36: {  	s30 =	rddreg [dreg:$0xf];
	s26 =	sshrl.u32 s25, $0x3  }
0x37: {  	[dreg:$0x14] =	wrdreg s26  }
0x38: {  	[spmem:s26], [sflag:s20] =	dma.local [hbm:s30], $0x2780  }
0x39: {  	_ =	swait.ge [sflag:s28], $0x2780  }
0x3a: {  	s4 =	simm.s32 $0x13D80;
	[sflag:s28] =	ssyncset.done $0x0  }
0x3b: {  	s9 =	simm.s32 $0x14100;
	s24 =	simm.s32 $0x13E00;
	[sflag:s28] =	ssyncadd.s32 $0xFFFFD880  }
0x3c: {  	s20 =	simm.s32 $0x0;
	s28 =	simm.s32 $0x90;
	[bflag:$0x0] =	sbarrier.arrive $0xFFFF  }
.LBB2_2:
0x3d: {  	p0 =	seq.s32 s28, $0x90  }
0x3e: {  	s3 =	simm.s32 @p0 $0x1  }
0x3f: {  	_ =	swait.ge @p0 [sflag:s3], $0x80  }
0x40: {  	s21 =	simm.s32 @p0 $0x40;
	[sflag:s3] =	ssyncset.done @p0 $0x0  }
0x41: {  	s25 =	simm.s32 @p0 $0x14100;
	[sflag:s3] =	ssyncadd.s32 @p0 $0xFFFFFF80;
	s3 =	simm.s32 @p0 $0x13C00  }
0x42: {  	[tilespmem:s25], [sflag:$0xB] =	stream.indirect.gather @p0 [hbm4b:s1+s21], $0x80, s3, s21, $0xb8;
	[tilespmem:$0x1E100] =	vst v63  }
0x43: {  	s3 =	simm.s32 @!p0 $0x10;
	s25 =	sadd.s32 @!p0 s20, s23  }
0x44: {  	s26 =	sand.u32 @!p0 $0x380, s20;
	_ =	swait.ge @!p0 [sflag:s3], $0x2000;
	s25 =	sand.u32 @!p0 $0x7FFFFC00, s25  }
0x45: {  	[sflag:s3] =	ssyncset.done @!p0 $0x0;
	s25 =	sor.u32 @!p0 s26, s25  }
0x46: {  	[sflag:s3] =	ssyncadd.s32 @!p0 $0xFFFFE000;
	s3 =	sshrl.u32 @!p0 s25, $0x3  }
0x47: {  	s26 =	simm.s32 @!p0 $0x13E80;
	s25 =	sadd.s32 @!p0 s6, s3;
	s3 =	simm.s32 @!p0 $0x0  }
0x48: {  	[tilespmem:s26], [sflag:$0x6] =	stream.linear.gather @!p0 [hbm4b:s25+s3], $0x80, $0x38;
	[tilespmem:$0x1E100] =	vst v63  }
0x49: {  	s25 =	simm.s32 @!p0 $0x1  }
0x4a: {  	_ =	swait.ge @!p0 [sflag:s25], $0x80  }
0x4b: {  	s7 =	simm.s32 @!p0 $0x14100;
	[sflag:s25] =	ssyncset.done @!p0 $0x0  }
0x4c: {  	s26 =	simm.s32 @!p0 $0x13C00;
	[sflag:s25] =	ssyncadd.s32 @!p0 $0xFFFFFF80;
	s25 =	simm.s32 @!p0 $0x40  }
0x4d: {  	[tilespmem:s7], [sflag:$0xB] =	stream.indirect.gather @!p0 [hbm4b:s1+s25], $0x80, s26, s25, $0xb8;
	[tilespmem:$0x1E100] =	vst v63  }
0x4e: {  	s7 =	simm.s32 @!p0 $0x11;
	s26 =	sadd.s32 @!p0 $0xFFFFFF80, s28  }
0x4f: {  	_ =	swait.ge @!p0 [sflag:s7], $0x2000;
	s30 =	sadd.s32 @!p0 s22, s26;
	s26 =	sand.u32 @!p0 $0x70, s26  }
0x50: {  	[sflag:s7] =	ssyncset.done @!p0 $0x0;
	s30 =	sand.u32 @!p0 $0xFFFFF80, s30;
	s26 =	sadd.s32 @!p0 s6, s26  }
0x51: {  	[sflag:s7] =	ssyncadd.s32 @!p0 $0xFFFFE000;
	s7 =	sadd.s32 @!p0 s30, s26;
	s26 =	simm.s32 @!p0 $0x13F00  }
0x52: {  	[tilespmem:s26], [sflag:$0x7] =	stream.linear.gather @!p0 [hbm4b:s7+s3], $0x80, $0x38;
	[tilespmem:$0x1E100] =	vst v63  }
0x53: {  	_ =	swait.ge [sflag:s29], $0x80  }
0x54: {  	[sflag:s29] =	ssyncset.done $0x0  }
0x55: {  	s26 =	simm.s32 $0x13C80;
	s7 =	simm.s32 @p0 $0x3;
	[sflag:s29] =	ssyncadd.s32 $0xFFFFFF80  }
0x56: {  	[tilespmem:s14], [sflag:$0xC] =	stream.indirect.gather [hbm4b:s1+s0], $0x80, s26, s0, $0xb8;
	[tilespmem:$0x1E100] =	vst v63  }
0x57: {  	_ =	swait.ge @p0 [sflag:s7], $0x80  }
0x58: {  	[sflag:s7] =	ssyncset.done @p0 $0x0  }
0x59: {  	s26 =	simm.s32 @p0 $0x18100;
	[sflag:s7] =	ssyncadd.s32 @p0 $0xFFFFFF80;
	s7 =	simm.s32 @p0 $0x13D00  }
0x5a: {  	[tilespmem:s26], [sflag:$0xD] =	stream.indirect.gather @p0 [hbm4b:s1+s21], $0x80, s7, s21, $0xb8;
	[tilespmem:$0x1E100] =	vst v63  }
0x5b: {  	s7 =	simm.s32 @!p0 $0x12;
	s21 =	sadd.s32 @!p0 s28, s22;
	s26 =	sadd.s32 @!p0 $0xFFFFFF90, s28  }
0x5c: {  	_ =	swait.ge @!p0 [sflag:s7], $0x2000;
	s30 =	sadd.s32 @!p0 $0xFFFFFF90, s21;
	s26 =	sand.u32 @!p0 $0x70, s26  }
0x5d: {  	[sflag:s7] =	ssyncset.done @!p0 $0x0;
	s30 =	sand.u32 @!p0 $0xFFFFF80, s30;
	s26 =	sadd.s32 @!p0 s6, s26  }
0x5e: {  	[sflag:s7] =	ssyncadd.s32 @!p0 $0xFFFFE000;
	s7 =	sadd.s32 @!p0 s30, s26;
	s26 =	simm.s32 @!p0 $0x13F80  }
0x5f: {  	[tilespmem:s26], [sflag:$0x8] =	stream.linear.gather @!p0 [hbm4b:s7+s3], $0x80, $0x38;
	[tilespmem:$0x1E100] =	vst v63  }
0x60: {  	s7 =	simm.s32 @!p0 $0x3  }
0x61: {  	_ =	swait.ge @!p0 [sflag:s7], $0x80  }
0x62: {  	[sflag:s7] =	ssyncset.done @!p0 $0x0  }
0x63: {  	s26 =	simm.s32 @!p0 $0x18100;
	[sflag:s7] =	ssyncadd.s32 @!p0 $0xFFFFFF80;
	s7 =	simm.s32 @!p0 $0x13D00  }
0x64: {  	[tilespmem:s26], [sflag:$0xD] =	stream.indirect.gather @!p0 [hbm4b:s1+s25], $0x80, s7, s25, $0xb8;
	[tilespmem:$0x1E100] =	vst v63  }
0x65: {  	s7 =	simm.s32 @!p0 $0x13;
	s25 =	sadd.s32 @!p0 $0xFFFFFFA0, s28  }
0x66: {  	s21 =	sadd.s32 @!p0 $0xFFFFFFA0, s21;
	_ =	swait.ge @!p0 [sflag:s7], $0x2000;
	s25 =	sand.u32 @!p0 $0x70, s25  }
0x67: {  	s21 =	sand.u32 @!p0 $0xFFFFF80, s21;
	[sflag:s7] =	ssyncset.done @!p0 $0x0;
	s25 =	sadd.s32 @!p0 s6, s25  }
0x68: {  	[sflag:s7] =	ssyncadd.s32 @!p0 $0xFFFFE000;
	s7 =	sadd.s32 @!p0 s21, s25;
	s21 =	simm.s32 @!p0 $0x14000  }
0x69: {  	[tilespmem:s21], [sflag:$0x9] =	stream.linear.gather @!p0 [hbm4b:s7+s3], $0x80, $0x38;
	[tilespmem:$0x1E100] =	vst v63  }
0x6a: {  	_ =	swait.ge [sflag:s8], $0x80  }
0x6b: {  	[sflag:s8] =	ssyncset.done $0x0  }
0x6c: {  	s7 =	simm.s32 @!p0 $0x14;
	s21 =	sadd.s32 @!p0 $0xFFFFFFB0, s28;
	[sflag:s8] =	ssyncadd.s32 $0xFFFFFF80  }
0x6d: {  	[tilespmem:s17], [sflag:$0xE] =	stream.indirect.gather [hbm4b:s1+s0], $0x80, s4, s0, $0xb8;
	[tilespmem:$0x1E100] =	vst v63  }
0x6e: {  	s25 =	sadd.s32 @!p0 s22, s21;
	s21 =	sand.u32 @!p0 $0x70, s21;
	_ =	swait.ge @!p0 [sflag:s7], $0x2000  }
0x6f: {  	s25 =	sand.u32 @!p0 $0xFFFFF80, s25;
	s21 =	sadd.s32 @!p0 s6, s21;
	[sflag:s7] =	ssyncset.done @!p0 $0x0  }
0x70: {  	[sflag:s7] =	ssyncadd.s32 @!p0 $0xFFFFE000;
	s7 =	sadd.s32 @!p0 s25, s21;
	s21 =	simm.s32 @!p0 $0x14080  }
0x71: {  	[tilespmem:s21], [sflag:$0xA] =	stream.linear.gather @!p0 [hbm4b:s7+s3], $0x80, $0x38;
	[tilespmem:$0x1E100] =	vst v63  }
0x72: {  	_ =	swait.ge [sflag:s10], $0x80  }
0x73: {  	[sflag:s10] =	ssyncset.done $0x0  }
0x74: {  	[sflag:s10] =	ssyncadd.s32 $0xFFFFFF80  }
0x75: {  	[tilespmem:s11], [sflag:$0xF] =	stream.indirect.gather [hbm4b:s1+s0], $0x80, s24, s0, $0xb8;
	[tilespmem:$0x1E100] =	vst v63  }
0x76: {  	_ =	swait.ge [sflag:s12], $0x2000  }
0x77: {  	[sflag:s12] =	ssyncset.done $0x0  }
0x78: {  	[sflag:s12] =	ssyncadd.s32 $0xFFFFE000  }
0x79: {  	_ =	swait.ge [sflag:s13], $0x80  }
0x7a: {  	p0 =	seq.s32 s28, $0xA40;
	[sflag:s13] =	ssyncset.done $0x0  }
0x7b: {  	s30 =	simm.s32 $0x13E80;
	s3 =	simm.s32 @p0 $0xC;
	[sflag:s13] =	ssyncadd.s32 $0xFFFFFF80  }
0x7c: {  	[spmem:s2] =	stream.indirect.scatter.add.f32 [tilespmem:s9], [sflag:$0x10], $0x80, s30, s0, $0xb8;
	[tilespmem:$0x1E100] =	vst v63  }
0x7d: {  	_ =	swait.ge @p0 [sflag:s3], $0x2000  }
0x7e: {  	[sflag:s3] =	ssyncset.done @p0 $0x0  }
0x7f: {  	[sflag:s3] =	ssyncadd.s32 @p0 $0xFFFFE000;
	s3 =	simm.s32 @p0 $0x7  }
0x80: {  	_ =	swait.ge @p0 [sflag:s3], $0x80  }
0x81: {  	s7 =	simm.s32 @p0 $0x40;
	s21 =	simm.s32 @p0 $0x16100;
	[sflag:s3] =	ssyncset.done @p0 $0x0  }
0x82: {  	s20 =	sadd.s32 @!p0 $0x280, s20;
	[sflag:s3] =	ssyncadd.s32 @p0 $0xFFFFFF80;
	s3 =	simm.s32 @p0 $0x13F00  }
0x83: {  	[spmem:s2] =	stream.indirect.scatter.add.f32 @p0 [tilespmem:s21], [sflag:$0x11], $0x80, s3, s7, $0xb8;
	[tilespmem:$0x1E100] =	vst v63  }
0x84: {  	s3 =	sadd.s32 @!p0 s23, s20  }
0x85: {  	s21 =	sand.u32 @!p0 $0x380, s20;
	s3 =	sand.u32 @!p0 $0x7FFFFC00, s3  }
0x86: {  	s3 =	sor.u32 @!p0 s21, s3  }
0x87: {  	s3 =	sshrl.u32 @!p0 s3, $0x3  }
0x88: {  	s25 =	simm.s32 @!p0 $0x13C00;
	s21 =	sadd.s32 @!p0 s5, s3;
	s3 =	simm.s32 @!p0 $0x0  }
0x89: {  	[tilespmem:s25], [sflag:$0x1] =	stream.linear.gather @!p0 [hbm4b:s21+s3], $0x80, $0x38;
	[tilespmem:$0x1E100] =	vst v63  }
0x8a: {  	s21 =	simm.s32 @!p0 $0xC  }
0x8b: {  	_ =	swait.ge @!p0 [sflag:s21], $0x2000  }
0x8c: {  	[sflag:s21] =	ssyncset.done @!p0 $0x0  }
0x8d: {  	[sflag:s21] =	ssyncadd.s32 @!p0 $0xFFFFE000;
	s21 =	simm.s32 @!p0 $0x7  }
0x8e: {  	_ =	swait.ge @!p0 [sflag:s21], $0x80  }
0x8f: {  	s26 =	simm.s32 @!p0 $0x16100;
	[sflag:s21] =	ssyncset.done @!p0 $0x0  }
0x90: {  	s25 =	simm.s32 @!p0 $0x13F00;
	[sflag:s21] =	ssyncadd.s32 @!p0 $0xFFFFFF80;
	s21 =	simm.s32 @!p0 $0x40  }
0x91: {  	[spmem:s2] =	stream.indirect.scatter.add.f32 @!p0 [tilespmem:s26], [sflag:$0x11], $0x80, s25, s21, $0xb8;
	[tilespmem:$0x1E100] =	vst v63  }
0x92: {  	s25 =	sadd.s32 @!p0 $0xFFFFFFD0, s28  }
0x93: {  	s26 =	sadd.s32 @!p0 s22, s25;
	s25 =	sand.u32 @!p0 $0x70, s25  }
0x94: {  	s26 =	sand.u32 @!p0 $0xFFFFF80, s26;
	s25 =	sadd.s32 @!p0 s5, s25  }
0x95: {  	s25 =	sadd.s32 @!p0 s26, s25;
	s26 =	simm.s32 @!p0 $0x13C80  }
0x96: {  	[tilespmem:s26], [sflag:$0x2] =	stream.linear.gather @!p0 [hbm4b:s25+s3], $0x80, $0x38;
	[tilespmem:$0x1E100] =	vst v63  }
0x97: {  	_ =	swait.ge [sflag:s15], $0x2000  }
0x98: {  	[sflag:s15] =	ssyncset.done $0x0  }
0x99: {  	[sflag:s15] =	ssyncadd.s32 $0xFFFFE000  }
0x9a: {  	_ =	swait.ge [sflag:s16], $0x80  }
0x9b: {  	[sflag:s16] =	ssyncset.done $0x0  }
0x9c: {  	s26 =	simm.s32 $0x13F80;
	s25 =	simm.s32 @p0 $0xE;
	[sflag:s16] =	ssyncadd.s32 $0xFFFFFF80  }
0x9d: {  	[spmem:s2] =	stream.indirect.scatter.add.f32 [tilespmem:s31], [sflag:$0x12], $0x80, s26, s0, $0xb8;
	[tilespmem:$0x1E100] =	vst v63  }
0x9e: {  	_ =	swait.ge @p0 [sflag:s25], $0x2000  }
0x9f: {  	[sflag:s25] =	ssyncset.done @p0 $0x0  }
0xa0: {  	[sflag:s25] =	ssyncadd.s32 @p0 $0xFFFFE000;
	s25 =	simm.s32 @p0 $0x9  }
0xa1: {  	_ =	swait.ge @p0 [sflag:s25], $0x80  }
0xa2: {  	[sflag:s25] =	ssyncset.done @p0 $0x0  }
0xa3: {  	s26 =	simm.s32 @p0 $0x1A100;
	[sflag:s25] =	ssyncadd.s32 @p0 $0xFFFFFF80;
	s25 =	simm.s32 @p0 $0x14000  }
0xa4: {  	[spmem:s2] =	stream.indirect.scatter.add.f32 @p0 [tilespmem:s26], [sflag:$0x13], $0x80, s25, s7, $0xb8;
	[tilespmem:$0x1E100] =	vst v63  }
0xa5: {  	s7 =	sadd.s32 @!p0 s28, s22;
	s25 =	sadd.s32 @!p0 $0xFFFFFFE0, s28  }
0xa6: {  	s26 =	sadd.s32 @!p0 $0xFFFFFFE0, s7;
	s25 =	sand.u32 @!p0 $0x70, s25  }
0xa7: {  	s26 =	sand.u32 @!p0 $0xFFFFF80, s26;
	s25 =	sadd.s32 @!p0 s5, s25  }
0xa8: {  	s25 =	sadd.s32 @!p0 s26, s25;
	s26 =	simm.s32 @!p0 $0x13D00  }
0xa9: {  	[tilespmem:s26], [sflag:$0x3] =	stream.linear.gather @!p0 [hbm4b:s25+s3], $0x80, $0x38;
	[tilespmem:$0x1E100] =	vst v63  }
0xaa: {  	s25 =	simm.s32 @!p0 $0xE  }
0xab: {  	_ =	swait.ge @!p0 [sflag:s25], $0x2000  }
0xac: {  	[sflag:s25] =	ssyncset.done @!p0 $0x0  }
0xad: {  	[sflag:s25] =	ssyncadd.s32 @!p0 $0xFFFFE000;
	s25 =	simm.s32 @!p0 $0x9  }
0xae: {  	_ =	swait.ge @!p0 [sflag:s25], $0x80  }
0xaf: {  	[sflag:s25] =	ssyncset.done @!p0 $0x0  }
0xb0: {  	s26 =	simm.s32 @!p0 $0x1A100;
	[sflag:s25] =	ssyncadd.s32 @!p0 $0xFFFFFF80;
	s25 =	simm.s32 @!p0 $0x14000  }
0xb1: {  	[spmem:s2] =	stream.indirect.scatter.add.f32 @!p0 [tilespmem:s26], [sflag:$0x13], $0x80, s25, s21, $0xb8;
	[tilespmem:$0x1E100] =	vst v63  }
0xb2: {  	s21 =	sadd.s32 @!p0 $0xFFFFFFF0, s28  }
0xb3: {  	s25 =	sadd.s32 @!p0 $0xFFFFFFF0, s7;
	s21 =	sand.u32 @!p0 $0x70, s21  }
0xb4: {  	s25 =	sand.u32 @!p0 $0xFFFFF80, s25;
	s21 =	sadd.s32 @!p0 s5, s21  }
0xb5: {  	s21 =	sadd.s32 @!p0 s25, s21;
	s25 =	simm.s32 @!p0 $0x13D80  }
0xb6: {  	[tilespmem:s25], [sflag:$0x4] =	stream.linear.gather @!p0 [hbm4b:s21+s3], $0x80, $0x38;
	[tilespmem:$0x1E100] =	vst v63  }
0xb7: {  	_ =	swait.ge [sflag:s18], $0x2000  }
0xb8: {  	[sflag:s18] =	ssyncset.done $0x0  }
0xb9: {  	[sflag:s18] =	ssyncadd.s32 $0xFFFFE000  }
0xba: {  	s26 =	simm.s32 $0x14080;
	_ =	swait.ge [sflag:s19], $0x80  }
0xbb: {  	s7 =	sand.u32 @!p0 $0xFFFFF80, s7;
	s21 =	sand.u32 @!p0 $0x70, s28;
	[sflag:s19] =	ssyncset.done $0x0  }
0xbc: {  	s28 =	sadd.s32 @!p0 $0x50, s28;
	s21 =	sadd.s32 @!p0 s5, s21;
	[sflag:s19] =	ssyncadd.s32 $0xFFFFFF80  }
0xbd: {  	[spmem:s2] =	stream.indirect.scatter.add.f32 [tilespmem:s11], [sflag:$0x14], $0x80, s26, s0, $0xb8;
	[tilespmem:$0x1E100] =	vst v63  }
0xbe: {  	p1 =	sne.s32 @!p0 s28, $0xA90;
	s7 =	sadd.s32 @!p0 s7, s21;
	s21 =	simm.s32 @!p0 $0x13E00  }
0xbf: {  	[tilespmem:s21], [sflag:$0x5] =	stream.linear.gather @!p0 [hbm4b:s7+s3], $0x80, $0x38;
	[tilespmem:$0x1E100] =	vst v63  }
0xc0: {  	p0 =	por p0, !p1  }
.Ltmp0:
0xc1: {  	_ = 	snop;
	(pc) =	sbr.rel @!p0 .LBB2_2-.Ltmp0, $1  }
0xc2: {  	_ =	sdelay $0x3  }
0xc3: {  	s3 =	simm.s32 $0x10  }
0xc4: {  	_ =	swait.ge [sflag:s3], $0x2000  }
0xc5: {  	[sflag:s3] =	ssyncset.done $0x0  }
0xc6: {  	s7 =	simm.s32 $0x11;
	[sflag:s3] =	ssyncadd.s32 $0xFFFFE000  }
0xc7: {  	_ =	swait.ge [sflag:s7], $0x2000  }
0xc8: {  	[sflag:s7] =	ssyncset.done $0x0  }
0xc9: {  	s9 =	simm.s32 $0x12;
	[sflag:s7] =	ssyncadd.s32 $0xFFFFE000  }
0xca: {  	_ =	swait.ge [sflag:s9], $0x2000  }
0xcb: {  	[sflag:s9] =	ssyncset.done $0x0  }
0xcc: {  	s20 =	simm.s32 $0x13;
	[sflag:s9] =	ssyncadd.s32 $0xFFFFE000  }
0xcd: {  	_ =	swait.ge [sflag:s20], $0x2000  }
0xce: {  	[sflag:s20] =	ssyncset.done $0x0  }
0xcf: {  	s21 =	simm.s32 $0x14;
	[sflag:s20] =	ssyncadd.s32 $0xFFFFE000  }
0xd0: {  	_ =	swait.ge [sflag:s21], $0x2000  }
0xd1: {  	[sflag:s21] =	ssyncset.done $0x0  }
0xd2: {  	[sflag:s21] =	ssyncadd.s32 $0xFFFFE000  }
0xd3: {  	[bflag:$0x0] =	sbarrier.arrive $0xFFFF  }
0xd4: {  	s24 =	rddreg [dreg:$0x10]  }
0xd5: {  	s20 =	rddreg [dreg:$0x11]  }
0xd6: {  	s28 =	simm.s32 $0x15;
	s4 =	rddreg [dreg:$0x14]  }
0xd7: {  	[hbm:s24], [sflag:s20] =	dma.local [spmem:s4], $0x2780  }
0xd8: {  	_ =	swait.ge [sflag:s28], $0x2780  }
0xd9: {  	s7 =	rddreg [dreg:$0x13]  }
0xda: {  	s25 =	rddreg [dreg:$0x12];
	s7 =	sadd.s32 $0x1, s7  }
0xdb: {  	p0 =	sne.s32 s7, s25  }
.Ltmp1:
0xdc: {  	_ = 	snop;
	(pc) =	sbr.rel @p0 .LBB2_1-.Ltmp1, $3  }
0xdd: {  	_ =	sdelay $0x1  }
0xde: {  	s9 =	simm.s32 $0x13C80;
	s4 =	simm.s32 $0x13D80;
	[sflag:s28] =	ssyncset.done $0x0  }
0xdf: {  	s24 =	simm.s32 $0x13E00;
	[sflag:s28] =	ssyncadd.s32 $0xFFFFD880;
	s25 =	simm.s32 $0x13F80  }
0xe0: {  	_ =	sfence.sel $0x180000  }
0xe1: {  	[bflag:$0x0] =	sbarrier.arrive $0xFFFF  }
0xe2: {  	_ =	strace $0x9000004D  }
0xe3: {  	s0 =	stileid.u32;
	[bflag:$0x2] =	sbarrier.arrive $0xFFFF  }
0xe4: {  	p0 =	sne.s32 s0, $0x0;
	s0 =	rddreg [dreg:$0x3]  }
0xe5: {  	s0 =	sadd.s32 @!p0 $0x100000, s0  }
0xe6: {  	[sflag:s0] =	ssyncadd.tile.s32 @!p0 $0x1;
	_ =	shalt  }
.Lfunc_end2:
_tile_overlayer_lowered:
.L_overlay_start_2:
0xe7: {  	(tag) =	ssettag $0x2  }
0xe8: {  	s0 =	rddreg [dreg:$0x0];
	s2 =	stileid.u32  }
0xe9: {  	s1 =	rddreg [dreg:$0x1];
	p0 =	sne.s32 s2, $0x0  }
0xea: {  	s3 =	rddreg [dreg:$0x2];
	[bflag:$0x3] =	sbarrier.arrive $0xFFFF;
	s2 =	simm.s32 @!p0 $0x1C15  }
0xeb: {  	[timem:s3], [sflag:s2] =	dma.local @!p0 [hbm:s0], s1  }
0xec: {  	s0 =	simm.s32 @!p0 $0x15  }
0xed: {  	_ =	swait.ge @!p0 [sflag:s0], s1  }
0xee: {  	s1 =	ssub.s32 @!p0 $0x0, s1;
	[sflag:s0] =	ssyncset.done @!p0 $0x0  }
0xef: {  	[sflag:s0] =	ssyncadd.s32 @!p0 s1  }
0xf0: {  	[bflag:$0x3] =	sbarrier.arrive $0xFFFF  }
0xf1: {  	_ =	shalt  }

// kernel: kernel.8.cloned.1.call-start
scs
__scs_entry_jumppad:
0x0: {  	(pc) =	sbr.rel $0x88, $3  }
0x1: {  	(tag) =	ssettag $0x0;
	lr =	simm.s32 $0x1  }
0x2: {  	[smem:$0x3F98] =	sst lr;
	_ =	strace $0xD0000000  }
0x3: {  	_ = 	snop  }
0x4: {  	_ = 	snop  }
0x5: {  	_ = 	snop  }
0x6: {  	_ = 	snop  }
0x7: {  	_ = 	snop  }
__scs_overlays_trampoline_lowered:
0x8: {  	[smem:$0x3FA7] =	sst s0  }
0x9: {  	[smem:$0x3FA8] =	sst s1  }
0xa: {  	[smem:$0x3FA9] =	sst s2  }
0xb: {  	[smem:$0x3FAA] =	sst s3  }
0xc: {  	[smem:$0x3FAB] =	sst s4  }
0xd: {  	[smem:$0x3FAC] =	sst s5  }
0xe: {  	[smem:$0x3FAD] =	sst s6  }
0xf: {  	[smem:$0x3FAE] =	sst s7  }
0x10: {  	[smem:$0x3FAF] =	sst s8  }
0x11: {  	[smem:$0x3FB0] =	sst s9;
	s0 =	simm.s32 @!p0 $0x0  }
0x12: {  	s1 =	sld [smem:$0x3F96];
	s0 =	simm.s32 @p0 $0x1  }
0x13: {  	[smem:$0x3FB1] =	sst s0;
	s0 =	simm.s32 @!p1 $0x0  }
0x14: {  	s2 =	sld [smem:$0x3F95];
	s0 =	simm.s32 @p1 $0x1  }
0x15: {  	[smem:$0x3FB2] =	sst s0;
	s0 =	simm.s32 @!p2 $0x0  }
0x16: {  	s3 =	sld [smem:$0x3FDB];
	s0 =	simm.s32 @p2 $0x1  }
0x17: {  	s4 =	simm.s32 $0x1BF5;
	[smem:$0x3FB4] =	sst s0  }
0x18: {  	s0 =	sld [smem:$0x3F97];
	_ =	swait.ge [sflag:s4], $0x0  }
0x19: {  	s7 =	sld [smem:$0x3F98]  }
0x1a: {  	s8 =	sadd.s32 $0xFFFFE003, lr  }
0x1b: {  	s9 =	sadd.s32 $0xFFFFFEF7, lr;
	s5 =	simm.s32 $0xFFFFFFFF;
	p2 =	slt.u32 s8, $0xFFFFF086  }
0x1c: {  	p1 =	slt.u32 s9, $0xF7A;
	s5 =	simm.s32 @!p2 $0x0  }
0x1d: {  	s5 =	simm.s32 @p1 $0x1;
	p0 =	seq.s32 s7, s2  }
0x1e: {  	s7 =	smul.u32 @!p0 $0xF7A, s2;
	p2 =	seq.s32 @!p0 s5, $0x0  }
0x1f: {  	s9 =	smul.u32 $0xF7A, s1;
	s8 =	simm.s32 @!p0 $0x1BF5;
	p2 =	por !p2, p0  }
0x20: {  	[sflag:s8] =	ssyncset.s32 @!p0 $0xFFFFF086;
	s6 =	sadd.s32 @!p0 s3, s7;
	s7 =	simm.s32 @!p0 $0x108  }
0x21: {  	s3 =	sadd.s32 s3, s9;
	s6 =	sadd.s32 @!p0 $0x88, s6;
	s7 =	simm.s32 @p2 $0x1082  }
0x22: {  	[simem:s7], [sflag:s8] =	dma.local @!p0 [hbm:s6], $0xF7A  }
0x23: {  	s9 =	sor.u32 $0xD0000000, s2;
	s6 =	simm.s32 $0x108;
	_ =	swait.ge @!p0 [sflag:s8], $0x0  }
0x24: {  	s3 =	sadd.s32 $0x88, s3;
	s6 =	simm.s32 @!p1 $0x1082;
	[sflag:s4] =	ssyncset.s32 $0xFFFFF086  }
0x25: {  	[simem:s6], [sflag:s4] =	dma.local [hbm:s3], $0xF7A  }
0x26: {  	[smem:$0x3F98] =	sst s1;
	(tag) =	ssettag s2;
	_ =	strace s9  }
0x27: {  	s1 =	sld [smem:$0x3FA8]  }
0x28: {  	s2 =	sld [smem:$0x3FA9]  }
0x29: {  	s4 =	sld [smem:$0x3FAB]  }
0x2a: {  	p0 =	seq.s32 s5, $0x0;
	s5 =	sld [smem:$0x3FAC]  }
0x2b: {  	s6 =	sld [smem:$0x3FAD]  }
0x2c: {  	s7 =	sld [smem:$0x3FAE]  }
0x2d: {  	s3 =	simm.s32 $0x108;
	s8 =	sld [smem:$0x3FAF]  }
0x2e: {  	s3 =	simm.s32 @!p0 $0x1082;
	s9 =	sld [smem:$0x3FB0]  }
0x2f: {  	lr =	sadd.s32 s0, s3;
	s0 =	sld [smem:$0x3FA7]  }
0x30: {  	s3 =	sld [smem:$0x3FAA]  }
0x31: {  	[smem:$0x3FB3] =	sst s10  }
0x32: {  	s10 =	sld [smem:$0x3FB1];
	_ =	sdelay $0x3  }
0x33: {  	p0 =	seq.s32 s10, $0x1;
	s10 =	sld [smem:$0x3FB3];
	_ =	sdelay $0x3  }
0x34: {  	[smem:$0x3FB3] =	sst s10  }
0x35: {  	s10 =	sld [smem:$0x3FB2];
	_ =	sdelay $0x3  }
0x36: {  	p1 =	seq.s32 s10, $0x1;
	s10 =	sld [smem:$0x3FB3];
	_ =	sdelay $0x3  }
0x37: {  	[smem:$0x3FB3] =	sst s10  }
0x38: {  	s10 =	sld [smem:$0x3FB4]  }
0x39: {  	_ = 	snop;
	(pc) =	sbr.ind lr, $3  }
0x3a: {  	_ = 	snop  }
0x3b: {  	_ = 	snop  }
0x3c: {  	p2 =	seq.s32 s10, $0x1;
	s10 =	sld [smem:$0x3FB3]  }
0x3d: {  	_ =	shalt  }
0x3e: {  	_ =	shalt  }
0x3f: {  	_ =	shalt  }
0x40: {  	_ =	shalt  }
0x41: {  	_ =	shalt  }
0x42: {  	_ =	shalt  }
0x43: {  	_ =	shalt  }
0x44: {  	_ =	shalt  }
0x45: {  	_ =	shalt  }
0x46: {  	_ =	shalt  }
0x47: {  	_ =	shalt  }
0x48: {  	_ =	shalt  }
0x49: {  	_ =	shalt  }
0x4a: {  	_ =	shalt  }
0x4b: {  	_ =	shalt  }
0x4c: {  	_ =	shalt  }
0x4d: {  	_ =	shalt  }
0x4e: {  	_ =	shalt  }
0x4f: {  	_ =	shalt  }
0x50: {  	_ =	shalt  }
0x51: {  	_ =	shalt  }
0x52: {  	_ =	shalt  }
0x53: {  	_ =	shalt  }
0x54: {  	_ =	shalt  }
0x55: {  	_ =	shalt  }
0x56: {  	_ =	shalt  }
0x57: {  	_ =	shalt  }
0x58: {  	_ =	shalt  }
0x59: {  	_ =	shalt  }
0x5a: {  	_ =	shalt  }
0x5b: {  	_ =	shalt  }
0x5c: {  	_ =	shalt  }
0x5d: {  	_ =	shalt  }
0x5e: {  	_ =	shalt  }
0x5f: {  	_ =	shalt  }
0x60: {  	_ =	shalt  }
0x61: {  	_ =	shalt  }
0x62: {  	_ =	shalt  }
0x63: {  	_ =	shalt  }
0x64: {  	_ =	shalt  }
0x65: {  	_ =	shalt  }
0x66: {  	_ =	shalt  }
0x67: {  	_ =	shalt  }
0x68: {  	_ =	shalt  }
0x69: {  	_ =	shalt  }
0x6a: {  	_ =	shalt  }
0x6b: {  	_ =	shalt  }
0x6c: {  	_ =	shalt  }
0x6d: {  	_ =	shalt  }
0x6e: {  	_ =	shalt  }
0x6f: {  	_ =	shalt  }
0x70: {  	_ =	shalt  }
0x71: {  	_ =	shalt  }
0x72: {  	_ =	shalt  }
0x73: {  	_ =	shalt  }
0x74: {  	_ =	shalt  }
0x75: {  	_ =	shalt  }
0x76: {  	_ =	shalt  }
0x77: {  	_ =	shalt  }
0x78: {  	_ =	shalt  }
0x79: {  	_ =	shalt  }
0x7a: {  	_ =	shalt  }
0x7b: {  	_ =	shalt  }
0x7c: {  	_ =	shalt  }
0x7d: {  	_ =	shalt  }
0x7e: {  	_ =	shalt  }
0x7f: {  	_ =	shalt  }
0x80: {  	_ =	shalt  }
0x81: {  	_ =	shalt  }
0x82: {  	_ =	shalt  }
0x83: {  	_ =	shalt  }
0x84: {  	_ =	shalt  }
0x85: {  	_ =	shalt  }
0x86: {  	_ =	shalt  }
0x87: {  	_ =	shalt  }
.Lfunc_end0:
.L_simem_size_0:
called_computation_lowered:
.L_overlay_start_0:
0x88: {  	s2 =	sld [smem:$0x3FD9]  }
0x89: {  	s3 =	sld [smem:$0x3FFE];
	_ =	sdelay $0x1  }
0x8a: {  	s1 =	srdreg.scid  }
0x8b: {  	s0 =	sand.u32 $0x1, s1  }
0x8c: {  	s17 =	sshll.u32 s0, $0xA;
	s2 =	sadd.s32 s3, s2  }
0x8d: {  	s2 =	sadd.s32 s2, s17  }
0x8e: {  	[smem:$0x3FBF] =	sst s2  }
0x8f: {  	_ = 	snop  }
0x90: {  	s2 =	sld [smem:$0x3FD0];
	(tm) =	ssettm $0x1  }
0x91: {  	s18 =	sld [smem:$0x3FFB];
	_ =	sdelay $0x3  }
0x92: {  	_ =	strace s18  }
0x93: {  	s3 =	sld [smem:$0x3FFC];
	_ =	sdelay $0x3  }
0x94: {  	_ =	strace s3  }
0x95: {  	s3 =	sld [smem:$0x3FFD];
	_ =	sdelay $0x3  }
0x96: {  	_ =	strace s3  }
0x97: {  	_ =	strace $0x8FFFFFFF  }
0x98: {  	s19 =	sld [smem:$0x3FDB];
	_ =	sdelay $0x1  }
0x99: {  	s4 =	simm.s32 $_scs_section_size  }
0x9a: {  	s5 =	simm.s32 $_size__tile_overlayer_lowered;
	s6 =	simm.s32 $_tile_overlayer_lowered  }
0x9b: {  	s22 =	simm.s32 $0x1BFF;
	s21 =	sshll.u32 s6, $0x1;
	s3 =	sadd.s32 s4, s19  }
0x9c: {  	s7 =	simm.s32 $0x0;
	s20 =	sshll.u32 s5, $0x1;
	s5 =	sadd.s32 s21, s3  }
0x9d: {  	[timem:s7], [sflag:s22] =	dma.local [hbm:s5], s20  }
0x9e: {  	_ =	swait.ge [sflag:s22], s20  }
0x9f: {  	s4 =	ssub.s32 $0x0, s20;
	[sflag:s22] =	ssyncset.done $0x0  }
0xa0: {  	[sflag:s22] =	ssyncadd.s32 s4;
	_ =	sdelay $0x1  }
0xa1: {  	s23 =	simm.s32 $0x1B8B  }
0xa2: {  	_ =	swait.ge [sflag:s23], $0x1  }
0xa3: {  	[sflag:s23] =	ssyncset.done $0x0  }
0xa4: {  	s25 =	simm.s32 $0x1B8E;
	s24 =	sld [smem:$0x3FFE];
	[sflag:s23] =	ssyncadd.s32 $0xFFFFFFFF  }
0xa5: {  	s26 =	simm.s32 $execute0_lowered;
	[smem:$0x3FD2] =	sst s25  }
0xa6: {  	s5 =	sshll.u32 s26, $0x1;
	_ =	strace $0x80000046;
	[dreg:$0x1] =	wrdreg $0xFFFFFFFF  }
0xa7: {  	s28 =	simm.s32 $_size_execute0_lowered;
	s3 =	sadd.s32 s3, s5;
	[dreg:$0x0] =	wrdreg $0x0  }
0xa8: {  	s5 =	sshll.u32 s28, $0x1;
	[dreg:$0x2] =	wrdreg s3  }
0xa9: {  	[dreg:$0x3] =	wrdreg s5  }
0xaa: {  	[dreg:$0x4] =	wrdreg $0xC0  }
0xab: {  	_ =	task [dreg:s7], $0x5FFFF  }
0xac: {  	[dreg:$0x1] =	wrdreg $0xFFFFFFFF  }
0xad: {  	[dreg:$0x0] =	wrdreg $0x60  }
0xae: {  	[dreg:$0x2] =	wrdreg s2  }
0xaf: {  	[dreg:$0x3] =	wrdreg s24  }
0xb0: {  	[dreg:$0x4] =	wrdreg $0x0  }
0xb1: {  	[dreg:$0x5] =	wrdreg $0x9  }
0xb2: {  	_ =	task.clear_ibuf [dreg:s7], $0x6FFFF;
	_ =	strace $0x90000046  }
0xb3: {  	s29 =	simm.s32 $0x9;
	_ =	strace $0x80000048  }
0xb4: {  	_ =	swait.ge [sflag:s29], $0x1  }
0xb5: {  	[sflag:s29] =	ssyncadd.s32 $0xFFFFFFFF  }
0xb6: {  	_ =	strace $0x90000048  }
0xb7: {  	_ =	sfence  }
0xb8: {  	s30 =	sld [smem:$0x0];
	_ =	sdelay $0x2  }
0xb9: {  	s31 =	sshll.u32 s1, $0xD;
	s1 =	sshrl.u32 s1, $0x2  }
0xba: {  	s3 =	sand.u32 $0x4000, s31;
	s1 =	sadd.s32 s1, s30  }
0xbb: {  	s0 =	sor.u32 s3, s0;
	s1 =	sshll.u32 s1, $0x11  }
0xbc: {  	s0 =	sor.u32 s1, s0  }
0xbd: {  	s0 =	sadd.s32 $0x8F2B, s0  }
0xbe: {  	[sflag:s0] =	ssyncadd.remote.s32 $0x1  }
0xbf: {  	_ =	sfence.sel $0xFFFF  }
0xc0: {  	[dreg:$0x0] =	wrdreg $0xFFFFFFFF;
	(pc) =	sbr.abs _section_cstart, $3  }
0xc1: {  	[dreg:$0x1] =	wrdreg $0xFFFFFFFF  }
0xc2: {  	_ =	task.clear_ibuf [dreg:s7], $0x2FFFF;
	_ =	strace $0x9FFFFFFF  }
0xc3: {  	(tm) =	ssettm $0x7FFFFFFF  }
tec
execute0_lowered:
.L_overlay_start_1:
0x0: {  	(tag) =	ssettag $0x1  }
0x1: {  	s1 =	rddreg [dreg:$0x0]  }
0x2: {  	s0 =	rddreg [dreg:$0x1]  }
0x3: {  	s2 =	rddreg [dreg:$0x2]  }
0x4: {  	s4 =	simm.s32 $0x0;
	s3 =	srdreg.scid;
	s11 =	stileid.u32  }
0x5: {  	s30 =	simm.s32 $0x13E80;
	s28 =	simm.s32 $0x15;
	s29 =	simm.s32 $0x2  }
0x6: {  	s31 =	simm.s32 $0x18100;
	[smem:$0x7FF] =	sst s4;
	s7 =	smul.u32 $0x2780, s11  }
0x7: {  	s3 =	sand.u32 $0x1, s3;
	s5 =	sadd.s32 $0x4600, s0;
	s23 =	smul.u32 $0xA00, s11  }
0x8: {  	s25 =	sshll.u32 s11, $0x6;
	s26 =	smul.u32 $0x5000, s11;
	_ =	strace $0x80000047  }
0x9: {  	s6 =	sshll.u32 s3, $0x4;
	s8 =	ssub.s32 $0x2, s3;
	s22 =	smul.u32 $0xA000, s3  }
0xa: {  	p0 =	seq.s32 s3, $0x1;
	s3 =	smul.u32 $0x50000, s3;
	s4 =	sor.u32 s11, s6  }
0xb: {  	s9 =	sshrl.u32 s8, $0x1;
	s6 =	sadd.s32 $0x18600, s0;
	s0 =	sadd.s32 s7, s0  }
0xc: {  	s4 =	smul.u32 $0xA00, s4;
	s7 =	ssub.s32 s8, s9;
	s24 =	sadd.s32 $0x2C600, s0  }
0xd: {  	s22 =	sadd.s32 s23, s22;
	s23 =	sadd.s32 s26, s3;
	s26 =	simm.s32 $0x14080  }
0xe: {  	[dreg:$0xf] =	wrdreg s24;
	s7 =	smax.u32 s7, $0x1;
	s24 =	simm.s32 $0x13E00  }
0xf: {  	s9 =	sadd.s32 s5, s4;
	s10 =	sadd.s32 s6, s4;
	[dreg:$0x12] =	wrdreg s7  }
0x10: {  	s12 =	sor.u32 $0x10, s4;
	s14 =	sor.u32 $0x20, s4;
	[dreg:$0x4] =	wrdreg s9  }
0x11: {  	s16 =	sor.u32 $0x30, s4;
	[dreg:$0x5] =	wrdreg s10;
	s13 =	sadd.s32 s5, s12  }
0x12: {  	s4 =	sor.u32 $0x40, s4;
	s8 =	sadd.s32 s6, s12;
	[dreg:$0x6] =	wrdreg s13  }
0x13: {  	s7 =	simm.s32 $0x0;
	s15 =	sadd.s32 s5, s14;
	[dreg:$0x7] =	wrdreg s8  }
0x14: {  	s10 =	smul.u32 $0x4F000, s11;
	s17 =	sadd.s32 s5, s16;
	[dreg:$0x8] =	wrdreg s15  }
0x15: {  	s18 =	sadd.s32 s6, s16;
	s19 =	sadd.s32 s5, s4;
	[dreg:$0xa] =	wrdreg s17  }
0x16: {  	s4 =	sadd.s32 s6, s4;
	s9 =	simm.s32 $0x13C80;
	[dreg:$0xb] =	wrdreg s18  }
0x17: {  	s11 =	simm.s32 $0x1C100;
	s12 =	simm.s32 $0xB;
	[dreg:$0xc] =	wrdreg s19  }
0x18: {  	s16 =	simm.s32 $0x8;
	s8 =	sadd.s32 s6, s14;
	[dreg:$0xd] =	wrdreg s4  }
0x19: {  	s4 =	simm.s32 $0x13D80;
	s13 =	simm.s32 $0x6;
	s15 =	simm.s32 $0xD  }
0x1a: {  	s18 =	simm.s32 $0xF;
	s19 =	simm.s32 $0xA;
	s14 =	simm.s32 $0x16100  }
0x1b: {  	s17 =	simm.s32 $0x1A100;
	[dreg:$0x9] =	wrdreg s8;
	s20 =	sshrl.u32 s10, $0x2  }
0x1c: {  	s8 =	simm.s32 $0x7B600;
	s10 =	simm.s32 $0x5;
	s21 =	sadd.s32 s20, s2  }
0x1d: {  	s8 =	simm.s32 @!p0 $0x53E00;
	s20 =	sor.u32 $0x1C15, s25;
	[dreg:$0xe] =	wrdreg s21  }
0x1e: {  	s25 =	simm.s32 $0x13F80;
	s0 =	sadd.s32 s8, s0;
	[dreg:$0x11] =	wrdreg s20  }
0x1f: {  	s8 =	simm.s32 $0x4;
	[dreg:$0x10] =	wrdreg s0;
	s0 =	simm.s32 $0x40  }
.LBB2_1:
0x20: {  	[dreg:$0x13] =	wrdreg s7  }
0x21: {  	s3 =	simm.s32 $0x0;
	s7 =	rddreg [dreg:$0x4];
	s21 =	simm.s32 $0x13C00  }
0x22: {  	[tilespmem:s21], [sflag:$0x1] =	stream.linear.gather [hbm4b:s7+s3], $0x80, $0x38;
	[tilespmem:$0x1E100] =	vst v63  }
0x23: {  	s21 =	rddreg [dreg:$0x5]  }
0x24: {  	[tilespmem:s30], [sflag:$0x6] =	stream.linear.gather [hbm4b:s21+s3], $0x80, $0x38;
	[tilespmem:$0x1E100] =	vst v63  }
0x25: {  	s30 =	rddreg [dreg:$0x6]  }
0x26: {  	[tilespmem:s9], [sflag:$0x2] =	stream.linear.gather [hbm4b:s30+s3], $0x80, $0x38;
	[tilespmem:$0x1E100] =	vst v63  }
0x27: {  	s21 =	rddreg [dreg:$0x7];
	s30 =	simm.s32 $0x13F00  }
0x28: {  	[tilespmem:s30], [sflag:$0x7] =	stream.linear.gather [hbm4b:s21+s3], $0x80, $0x38;
	[tilespmem:$0x1E100] =	vst v63  }
0x29: {  	s21 =	rddreg [dreg:$0x8];
	s30 =	simm.s32 $0x13D00  }
0x2a: {  	[tilespmem:s30], [sflag:$0x3] =	stream.linear.gather [hbm4b:s21+s3], $0x80, $0x38;
	[tilespmem:$0x1E100] =	vst v63  }
0x2b: {  	s21 =	rddreg [dreg:$0x9]  }
0x2c: {  	s30 =	rddreg [dreg:$0xa]  }
0x2d: {  	[tilespmem:s25], [sflag:$0x8] =	stream.linear.gather [hbm4b:s21+s3], $0x80, $0x38;
	[tilespmem:$0x1E100] =	vst v63  }
0x2e: {  	s21 =	rddreg [dreg:$0xc]  }
0x2f: {  	[tilespmem:s4], [sflag:$0x4] =	stream.linear.gather [hbm4b:s30+s3], $0x80, $0x38;
	[tilespmem:$0x1E100] =	vst v63  }
0x30: {  	s9 =	simm.s32 $0x14000;
	s4 =	rddreg [dreg:$0xb]  }
0x31: {  	[tilespmem:s9], [sflag:$0x9] =	stream.linear.gather [hbm4b:s4+s3], $0x80, $0x38;
	[tilespmem:$0x1E100] =	vst v63  }
0x32: {  	s25 =	rddreg [dreg:$0xe]  }
0x33: {  	[tilespmem:s24], [sflag:$0x5] =	stream.linear.gather [hbm4b:s21+s3], $0x80, $0x38;
	[tilespmem:$0x1E100] =	vst v63  }
0x34: {  	s24 =	rddreg [dreg:$0xd]  }
0x35: {  	[tilespmem:s26], [sflag:$0xA] =	stream.linear.gather [hbm4b:s24+s3], $0x80, $0x38;
	[tilespmem:$0x1E100] =	vst v63  }
0x36: {  	s30 =	rddreg [dreg:$0xf];
	s26 =	sshrl.u32 s25, $0x3  }
0x37: {  	[dreg:$0x14] =	wrdreg s26  }
0x38: {  	[spmem:s26], [sflag:s20] =	dma.local [hbm:s30], $0x2780  }
0x39: {  	_ =	swait.ge [sflag:s28], $0x2780  }
0x3a: {  	s4 =	simm.s32 $0x13D80;
	[sflag:s28] =	ssyncset.done $0x0  }
0x3b: {  	s9 =	simm.s32 $0x14100;
	s24 =	simm.s32 $0x13E00;
	[sflag:s28] =	ssyncadd.s32 $0xFFFFD880  }
0x3c: {  	s20 =	simm.s32 $0x0;
	s28 =	simm.s32 $0x90;
	[bflag:$0x0] =	sbarrier.arrive $0xFFFF  }
.LBB2_2:
0x3d: {  	p0 =	seq.s32 s28, $0x90  }
0x3e: {  	s3 =	simm.s32 @p0 $0x1  }
0x3f: {  	_ =	swait.ge @p0 [sflag:s3], $0x80  }
0x40: {  	s21 =	simm.s32 @p0 $0x40;
	[sflag:s3] =	ssyncset.done @p0 $0x0  }
0x41: {  	s25 =	simm.s32 @p0 $0x14100;
	[sflag:s3] =	ssyncadd.s32 @p0 $0xFFFFFF80;
	s3 =	simm.s32 @p0 $0x13C00  }
0x42: {  	[tilespmem:s25], [sflag:$0xB] =	stream.indirect.gather @p0 [hbm4b:s1+s21], $0x80, s3, s21, $0xb8;
	[tilespmem:$0x1E100] =	vst v63  }
0x43: {  	s3 =	simm.s32 @!p0 $0x10;
	s25 =	sadd.s32 @!p0 s20, s23  }
0x44: {  	s26 =	sand.u32 @!p0 $0x380, s20;
	_ =	swait.ge @!p0 [sflag:s3], $0x2000;
	s25 =	sand.u32 @!p0 $0x7FFFFC00, s25  }
0x45: {  	[sflag:s3] =	ssyncset.done @!p0 $0x0;
	s25 =	sor.u32 @!p0 s26, s25  }
0x46: {  	[sflag:s3] =	ssyncadd.s32 @!p0 $0xFFFFE000;
	s3 =	sshrl.u32 @!p0 s25, $0x3  }
0x47: {  	s26 =	simm.s32 @!p0 $0x13E80;
	s25 =	sadd.s32 @!p0 s6, s3;
	s3 =	simm.s32 @!p0 $0x0  }
0x48: {  	[tilespmem:s26], [sflag:$0x6] =	stream.linear.gather @!p0 [hbm4b:s25+s3], $0x80, $0x38;
	[tilespmem:$0x1E100] =	vst v63  }
0x49: {  	s25 =	simm.s32 @!p0 $0x1  }
0x4a: {  	_ =	swait.ge @!p0 [sflag:s25], $0x80  }
0x4b: {  	s7 =	simm.s32 @!p0 $0x14100;
	[sflag:s25] =	ssyncset.done @!p0 $0x0  }
0x4c: {  	s26 =	simm.s32 @!p0 $0x13C00;
	[sflag:s25] =	ssyncadd.s32 @!p0 $0xFFFFFF80;
	s25 =	simm.s32 @!p0 $0x40  }
0x4d: {  	[tilespmem:s7], [sflag:$0xB] =	stream.indirect.gather @!p0 [hbm4b:s1+s25], $0x80, s26, s25, $0xb8;
	[tilespmem:$0x1E100] =	vst v63  }
0x4e: {  	s7 =	simm.s32 @!p0 $0x11;
	s26 =	sadd.s32 @!p0 $0xFFFFFF80, s28  }
0x4f: {  	_ =	swait.ge @!p0 [sflag:s7], $0x2000;
	s30 =	sadd.s32 @!p0 s22, s26;
	s26 =	sand.u32 @!p0 $0x70, s26  }
0x50: {  	[sflag:s7] =	ssyncset.done @!p0 $0x0;
	s30 =	sand.u32 @!p0 $0xFFFFF80, s30;
	s26 =	sadd.s32 @!p0 s6, s26  }
0x51: {  	[sflag:s7] =	ssyncadd.s32 @!p0 $0xFFFFE000;
	s7 =	sadd.s32 @!p0 s30, s26;
	s26 =	simm.s32 @!p0 $0x13F00  }
0x52: {  	[tilespmem:s26], [sflag:$0x7] =	stream.linear.gather @!p0 [hbm4b:s7+s3], $0x80, $0x38;
	[tilespmem:$0x1E100] =	vst v63  }
0x53: {  	_ =	swait.ge [sflag:s29], $0x80  }
0x54: {  	[sflag:s29] =	ssyncset.done $0x0  }
0x55: {  	s26 =	simm.s32 $0x13C80;
	s7 =	simm.s32 @p0 $0x3;
	[sflag:s29] =	ssyncadd.s32 $0xFFFFFF80  }
0x56: {  	[tilespmem:s14], [sflag:$0xC] =	stream.indirect.gather [hbm4b:s1+s0], $0x80, s26, s0, $0xb8;
	[tilespmem:$0x1E100] =	vst v63  }
0x57: {  	_ =	swait.ge @p0 [sflag:s7], $0x80  }
0x58: {  	[sflag:s7] =	ssyncset.done @p0 $0x0  }
0x59: {  	s26 =	simm.s32 @p0 $0x18100;
	[sflag:s7] =	ssyncadd.s32 @p0 $0xFFFFFF80;
	s7 =	simm.s32 @p0 $0x13D00  }
0x5a: {  	[tilespmem:s26], [sflag:$0xD] =	stream.indirect.gather @p0 [hbm4b:s1+s21], $0x80, s7, s21, $0xb8;
	[tilespmem:$0x1E100] =	vst v63  }
0x5b: {  	s7 =	simm.s32 @!p0 $0x12;
	s21 =	sadd.s32 @!p0 s28, s22;
	s26 =	sadd.s32 @!p0 $0xFFFFFF90, s28  }
0x5c: {  	_ =	swait.ge @!p0 [sflag:s7], $0x2000;
	s30 =	sadd.s32 @!p0 $0xFFFFFF90, s21;
	s26 =	sand.u32 @!p0 $0x70, s26  }
0x5d: {  	[sflag:s7] =	ssyncset.done @!p0 $0x0;
	s30 =	sand.u32 @!p0 $0xFFFFF80, s30;
	s26 =	sadd.s32 @!p0 s6, s26  }
0x5e: {  	[sflag:s7] =	ssyncadd.s32 @!p0 $0xFFFFE000;
	s7 =	sadd.s32 @!p0 s30, s26;
	s26 =	simm.s32 @!p0 $0x13F80  }
0x5f: {  	[tilespmem:s26], [sflag:$0x8] =	stream.linear.gather @!p0 [hbm4b:s7+s3], $0x80, $0x38;
	[tilespmem:$0x1E100] =	vst v63  }
0x60: {  	s7 =	simm.s32 @!p0 $0x3  }
0x61: {  	_ =	swait.ge @!p0 [sflag:s7], $0x80  }
0x62: {  	[sflag:s7] =	ssyncset.done @!p0 $0x0  }
0x63: {  	s26 =	simm.s32 @!p0 $0x18100;
	[sflag:s7] =	ssyncadd.s32 @!p0 $0xFFFFFF80;
	s7 =	simm.s32 @!p0 $0x13D00  }
0x64: {  	[tilespmem:s26], [sflag:$0xD] =	stream.indirect.gather @!p0 [hbm4b:s1+s25], $0x80, s7, s25, $0xb8;
	[tilespmem:$0x1E100] =	vst v63  }
0x65: {  	s7 =	simm.s32 @!p0 $0x13;
	s25 =	sadd.s32 @!p0 $0xFFFFFFA0, s28  }
0x66: {  	s21 =	sadd.s32 @!p0 $0xFFFFFFA0, s21;
	_ =	swait.ge @!p0 [sflag:s7], $0x2000;
	s25 =	sand.u32 @!p0 $0x70, s25  }
0x67: {  	s21 =	sand.u32 @!p0 $0xFFFFF80, s21;
	[sflag:s7] =	ssyncset.done @!p0 $0x0;
	s25 =	sadd.s32 @!p0 s6, s25  }
0x68: {  	[sflag:s7] =	ssyncadd.s32 @!p0 $0xFFFFE000;
	s7 =	sadd.s32 @!p0 s21, s25;
	s21 =	simm.s32 @!p0 $0x14000  }
0x69: {  	[tilespmem:s21], [sflag:$0x9] =	stream.linear.gather @!p0 [hbm4b:s7+s3], $0x80, $0x38;
	[tilespmem:$0x1E100] =	vst v63  }
0x6a: {  	_ =	swait.ge [sflag:s8], $0x80  }
0x6b: {  	[sflag:s8] =	ssyncset.done $0x0  }
0x6c: {  	s7 =	simm.s32 @!p0 $0x14;
	s21 =	sadd.s32 @!p0 $0xFFFFFFB0, s28;
	[sflag:s8] =	ssyncadd.s32 $0xFFFFFF80  }
0x6d: {  	[tilespmem:s17], [sflag:$0xE] =	stream.indirect.gather [hbm4b:s1+s0], $0x80, s4, s0, $0xb8;
	[tilespmem:$0x1E100] =	vst v63  }
0x6e: {  	s25 =	sadd.s32 @!p0 s22, s21;
	s21 =	sand.u32 @!p0 $0x70, s21;
	_ =	swait.ge @!p0 [sflag:s7], $0x2000  }
0x6f: {  	s25 =	sand.u32 @!p0 $0xFFFFF80, s25;
	s21 =	sadd.s32 @!p0 s6, s21;
	[sflag:s7] =	ssyncset.done @!p0 $0x0  }
0x70: {  	[sflag:s7] =	ssyncadd.s32 @!p0 $0xFFFFE000;
	s7 =	sadd.s32 @!p0 s25, s21;
	s21 =	simm.s32 @!p0 $0x14080  }
0x71: {  	[tilespmem:s21], [sflag:$0xA] =	stream.linear.gather @!p0 [hbm4b:s7+s3], $0x80, $0x38;
	[tilespmem:$0x1E100] =	vst v63  }
0x72: {  	_ =	swait.ge [sflag:s10], $0x80  }
0x73: {  	[sflag:s10] =	ssyncset.done $0x0  }
0x74: {  	[sflag:s10] =	ssyncadd.s32 $0xFFFFFF80  }
0x75: {  	[tilespmem:s11], [sflag:$0xF] =	stream.indirect.gather [hbm4b:s1+s0], $0x80, s24, s0, $0xb8;
	[tilespmem:$0x1E100] =	vst v63  }
0x76: {  	_ =	swait.ge [sflag:s12], $0x2000  }
0x77: {  	[sflag:s12] =	ssyncset.done $0x0  }
0x78: {  	[sflag:s12] =	ssyncadd.s32 $0xFFFFE000  }
0x79: {  	_ =	swait.ge [sflag:s13], $0x80  }
0x7a: {  	p0 =	seq.s32 s28, $0xA40;
	[sflag:s13] =	ssyncset.done $0x0  }
0x7b: {  	s30 =	simm.s32 $0x13E80;
	s3 =	simm.s32 @p0 $0xC;
	[sflag:s13] =	ssyncadd.s32 $0xFFFFFF80  }
0x7c: {  	[spmem:s2] =	stream.indirect.scatter.add.f32 [tilespmem:s9], [sflag:$0x10], $0x80, s30, s0, $0xb8;
	[tilespmem:$0x1E100] =	vst v63  }
0x7d: {  	_ =	swait.ge @p0 [sflag:s3], $0x2000  }
0x7e: {  	[sflag:s3] =	ssyncset.done @p0 $0x0  }
0x7f: {  	[sflag:s3] =	ssyncadd.s32 @p0 $0xFFFFE000;
	s3 =	simm.s32 @p0 $0x7  }
0x80: {  	_ =	swait.ge @p0 [sflag:s3], $0x80  }
0x81: {  	s7 =	simm.s32 @p0 $0x40;
	s21 =	simm.s32 @p0 $0x16100;
	[sflag:s3] =	ssyncset.done @p0 $0x0  }
0x82: {  	s20 =	sadd.s32 @!p0 $0x280, s20;
	[sflag:s3] =	ssyncadd.s32 @p0 $0xFFFFFF80;
	s3 =	simm.s32 @p0 $0x13F00  }
0x83: {  	[spmem:s2] =	stream.indirect.scatter.add.f32 @p0 [tilespmem:s21], [sflag:$0x11], $0x80, s3, s7, $0xb8;
	[tilespmem:$0x1E100] =	vst v63  }
0x84: {  	s3 =	sadd.s32 @!p0 s23, s20  }
0x85: {  	s21 =	sand.u32 @!p0 $0x380, s20;
	s3 =	sand.u32 @!p0 $0x7FFFFC00, s3  }
0x86: {  	s3 =	sor.u32 @!p0 s21, s3  }
0x87: {  	s3 =	sshrl.u32 @!p0 s3, $0x3  }
0x88: {  	s25 =	simm.s32 @!p0 $0x13C00;
	s21 =	sadd.s32 @!p0 s5, s3;
	s3 =	simm.s32 @!p0 $0x0  }
0x89: {  	[tilespmem:s25], [sflag:$0x1] =	stream.linear.gather @!p0 [hbm4b:s21+s3], $0x80, $0x38;
	[tilespmem:$0x1E100] =	vst v63  }
0x8a: {  	s21 =	simm.s32 @!p0 $0xC  }
0x8b: {  	_ =	swait.ge @!p0 [sflag:s21], $0x2000  }
0x8c: {  	[sflag:s21] =	ssyncset.done @!p0 $0x0  }
0x8d: {  	[sflag:s21] =	ssyncadd.s32 @!p0 $0xFFFFE000;
	s21 =	simm.s32 @!p0 $0x7  }
0x8e: {  	_ =	swait.ge @!p0 [sflag:s21], $0x80  }
0x8f: {  	s26 =	simm.s32 @!p0 $0x16100;
	[sflag:s21] =	ssyncset.done @!p0 $0x0  }
0x90: {  	s25 =	simm.s32 @!p0 $0x13F00;
	[sflag:s21] =	ssyncadd.s32 @!p0 $0xFFFFFF80;
	s21 =	simm.s32 @!p0 $0x40  }
0x91: {  	[spmem:s2] =	stream.indirect.scatter.add.f32 @!p0 [tilespmem:s26], [sflag:$0x11], $0x80, s25, s21, $0xb8;
	[tilespmem:$0x1E100] =	vst v63  }
0x92: {  	s25 =	sadd.s32 @!p0 $0xFFFFFFD0, s28  }
0x93: {  	s26 =	sadd.s32 @!p0 s22, s25;
	s25 =	sand.u32 @!p0 $0x70, s25  }
0x94: {  	s26 =	sand.u32 @!p0 $0xFFFFF80, s26;
	s25 =	sadd.s32 @!p0 s5, s25  }
0x95: {  	s25 =	sadd.s32 @!p0 s26, s25;
	s26 =	simm.s32 @!p0 $0x13C80  }
0x96: {  	[tilespmem:s26], [sflag:$0x2] =	stream.linear.gather @!p0 [hbm4b:s25+s3], $0x80, $0x38;
	[tilespmem:$0x1E100] =	vst v63  }
0x97: {  	_ =	swait.ge [sflag:s15], $0x2000  }
0x98: {  	[sflag:s15] =	ssyncset.done $0x0  }
0x99: {  	[sflag:s15] =	ssyncadd.s32 $0xFFFFE000  }
0x9a: {  	_ =	swait.ge [sflag:s16], $0x80  }
0x9b: {  	[sflag:s16] =	ssyncset.done $0x0  }
0x9c: {  	s26 =	simm.s32 $0x13F80;
	s25 =	simm.s32 @p0 $0xE;
	[sflag:s16] =	ssyncadd.s32 $0xFFFFFF80  }
0x9d: {  	[spmem:s2] =	stream.indirect.scatter.add.f32 [tilespmem:s31], [sflag:$0x12], $0x80, s26, s0, $0xb8;
	[tilespmem:$0x1E100] =	vst v63  }
0x9e: {  	_ =	swait.ge @p0 [sflag:s25], $0x2000  }
0x9f: {  	[sflag:s25] =	ssyncset.done @p0 $0x0  }
0xa0: {  	[sflag:s25] =	ssyncadd.s32 @p0 $0xFFFFE000;
	s25 =	simm.s32 @p0 $0x9  }
0xa1: {  	_ =	swait.ge @p0 [sflag:s25], $0x80  }
0xa2: {  	[sflag:s25] =	ssyncset.done @p0 $0x0  }
0xa3: {  	s26 =	simm.s32 @p0 $0x1A100;
	[sflag:s25] =	ssyncadd.s32 @p0 $0xFFFFFF80;
	s25 =	simm.s32 @p0 $0x14000  }
0xa4: {  	[spmem:s2] =	stream.indirect.scatter.add.f32 @p0 [tilespmem:s26], [sflag:$0x13], $0x80, s25, s7, $0xb8;
	[tilespmem:$0x1E100] =	vst v63  }
0xa5: {  	s7 =	sadd.s32 @!p0 s28, s22;
	s25 =	sadd.s32 @!p0 $0xFFFFFFE0, s28  }
0xa6: {  	s26 =	sadd.s32 @!p0 $0xFFFFFFE0, s7;
	s25 =	sand.u32 @!p0 $0x70, s25  }
0xa7: {  	s26 =	sand.u32 @!p0 $0xFFFFF80, s26;
	s25 =	sadd.s32 @!p0 s5, s25  }
0xa8: {  	s25 =	sadd.s32 @!p0 s26, s25;
	s26 =	simm.s32 @!p0 $0x13D00  }
0xa9: {  	[tilespmem:s26], [sflag:$0x3] =	stream.linear.gather @!p0 [hbm4b:s25+s3], $0x80, $0x38;
	[tilespmem:$0x1E100] =	vst v63  }
0xaa: {  	s25 =	simm.s32 @!p0 $0xE  }
0xab: {  	_ =	swait.ge @!p0 [sflag:s25], $0x2000  }
0xac: {  	[sflag:s25] =	ssyncset.done @!p0 $0x0  }
0xad: {  	[sflag:s25] =	ssyncadd.s32 @!p0 $0xFFFFE000;
	s25 =	simm.s32 @!p0 $0x9  }
0xae: {  	_ =	swait.ge @!p0 [sflag:s25], $0x80  }
0xaf: {  	[sflag:s25] =	ssyncset.done @!p0 $0x0  }
0xb0: {  	s26 =	simm.s32 @!p0 $0x1A100;
	[sflag:s25] =	ssyncadd.s32 @!p0 $0xFFFFFF80;
	s25 =	simm.s32 @!p0 $0x14000  }
0xb1: {  	[spmem:s2] =	stream.indirect.scatter.add.f32 @!p0 [tilespmem:s26], [sflag:$0x13], $0x80, s25, s21, $0xb8;
	[tilespmem:$0x1E100] =	vst v63  }
0xb2: {  	s21 =	sadd.s32 @!p0 $0xFFFFFFF0, s28  }
0xb3: {  	s25 =	sadd.s32 @!p0 $0xFFFFFFF0, s7;
	s21 =	sand.u32 @!p0 $0x70, s21  }
0xb4: {  	s25 =	sand.u32 @!p0 $0xFFFFF80, s25;
	s21 =	sadd.s32 @!p0 s5, s21  }
0xb5: {  	s21 =	sadd.s32 @!p0 s25, s21;
	s25 =	simm.s32 @!p0 $0x13D80  }
0xb6: {  	[tilespmem:s25], [sflag:$0x4] =	stream.linear.gather @!p0 [hbm4b:s21+s3], $0x80, $0x38;
	[tilespmem:$0x1E100] =	vst v63  }
0xb7: {  	_ =	swait.ge [sflag:s18], $0x2000  }
0xb8: {  	[sflag:s18] =	ssyncset.done $0x0  }
0xb9: {  	[sflag:s18] =	ssyncadd.s32 $0xFFFFE000  }
0xba: {  	s26 =	simm.s32 $0x14080;
	_ =	swait.ge [sflag:s19], $0x80  }
0xbb: {  	s7 =	sand.u32 @!p0 $0xFFFFF80, s7;
	s21 =	sand.u32 @!p0 $0x70, s28;
	[sflag:s19] =	ssyncset.done $0x0  }
0xbc: {  	s28 =	sadd.s32 @!p0 $0x50, s28;
	s21 =	sadd.s32 @!p0 s5, s21;
	[sflag:s19] =	ssyncadd.s32 $0xFFFFFF80  }
0xbd: {  	[spmem:s2] =	stream.indirect.scatter.add.f32 [tilespmem:s11], [sflag:$0x14], $0x80, s26, s0, $0xb8;
	[tilespmem:$0x1E100] =	vst v63  }
0xbe: {  	p1 =	sne.s32 @!p0 s28, $0xA90;
	s7 =	sadd.s32 @!p0 s7, s21;
	s21 =	simm.s32 @!p0 $0x13E00  }
0xbf: {  	[tilespmem:s21], [sflag:$0x5] =	stream.linear.gather @!p0 [hbm4b:s7+s3], $0x80, $0x38;
	[tilespmem:$0x1E100] =	vst v63  }
0xc0: {  	p0 =	por p0, !p1  }
.Ltmp0:
0xc1: {  	_ = 	snop;
	(pc) =	sbr.rel @!p0 .LBB2_2-.Ltmp0, $1  }
0xc2: {  	_ =	sdelay $0x3  }
0xc3: {  	s3 =	simm.s32 $0x10  }
0xc4: {  	_ =	swait.ge [sflag:s3], $0x2000  }
0xc5: {  	[sflag:s3] =	ssyncset.done $0x0  }
0xc6: {  	s7 =	simm.s32 $0x11;
	[sflag:s3] =	ssyncadd.s32 $0xFFFFE000  }
0xc7: {  	_ =	swait.ge [sflag:s7], $0x2000  }
0xc8: {  	[sflag:s7] =	ssyncset.done $0x0  }
0xc9: {  	s9 =	simm.s32 $0x12;
	[sflag:s7] =	ssyncadd.s32 $0xFFFFE000  }
0xca: {  	_ =	swait.ge [sflag:s9], $0x2000  }
0xcb: {  	[sflag:s9] =	ssyncset.done $0x0  }
0xcc: {  	s20 =	simm.s32 $0x13;
	[sflag:s9] =	ssyncadd.s32 $0xFFFFE000  }
0xcd: {  	_ =	swait.ge [sflag:s20], $0x2000  }
0xce: {  	[sflag:s20] =	ssyncset.done $0x0  }
0xcf: {  	s21 =	simm.s32 $0x14;
	[sflag:s20] =	ssyncadd.s32 $0xFFFFE000  }
0xd0: {  	_ =	swait.ge [sflag:s21], $0x2000  }
0xd1: {  	[sflag:s21] =	ssyncset.done $0x0  }
0xd2: {  	[sflag:s21] =	ssyncadd.s32 $0xFFFFE000  }
0xd3: {  	[bflag:$0x0] =	sbarrier.arrive $0xFFFF  }
0xd4: {  	s24 =	rddreg [dreg:$0x10]  }
0xd5: {  	s20 =	rddreg [dreg:$0x11]  }
0xd6: {  	s28 =	simm.s32 $0x15;
	s4 =	rddreg [dreg:$0x14]  }
0xd7: {  	[hbm:s24], [sflag:s20] =	dma.local [spmem:s4], $0x2780  }
0xd8: {  	_ =	swait.ge [sflag:s28], $0x2780  }
0xd9: {  	s7 =	rddreg [dreg:$0x13]  }
0xda: {  	s25 =	rddreg [dreg:$0x12];
	s7 =	sadd.s32 $0x1, s7  }
0xdb: {  	p0 =	sne.s32 s7, s25  }
.Ltmp1:
0xdc: {  	_ = 	snop;
	(pc) =	sbr.rel @p0 .LBB2_1-.Ltmp1, $3  }
0xdd: {  	_ =	sdelay $0x1  }
0xde: {  	s9 =	simm.s32 $0x13C80;
	s4 =	simm.s32 $0x13D80;
	[sflag:s28] =	ssyncset.done $0x0  }
0xdf: {  	s24 =	simm.s32 $0x13E00;
	[sflag:s28] =	ssyncadd.s32 $0xFFFFD880;
	s25 =	simm.s32 $0x13F80  }
0xe0: {  	_ =	sfence.sel $0x180000  }
0xe1: {  	[bflag:$0x0] =	sbarrier.arrive $0xFFFF  }
0xe2: {  	_ =	strace $0x90000047  }
0xe3: {  	s0 =	stileid.u32;
	[bflag:$0x2] =	sbarrier.arrive $0xFFFF  }
0xe4: {  	p0 =	sne.s32 s0, $0x0;
	s0 =	rddreg [dreg:$0x3]  }
0xe5: {  	s0 =	sadd.s32 @!p0 $0x100000, s0  }
0xe6: {  	[sflag:s0] =	ssyncadd.tile.s32 @!p0 $0x1;
	_ =	shalt  }
.Lfunc_end2:
_tile_overlayer_lowered:
.L_overlay_start_2:
0xe7: {  	(tag) =	ssettag $0x2  }
0xe8: {  	s0 =	rddreg [dreg:$0x0];
	s2 =	stileid.u32  }
0xe9: {  	s1 =	rddreg [dreg:$0x1];
	p0 =	sne.s32 s2, $0x0  }
0xea: {  	s3 =	rddreg [dreg:$0x2];
	[bflag:$0x3] =	sbarrier.arrive $0xFFFF;
	s2 =	simm.s32 @!p0 $0x1C15  }
0xeb: {  	[timem:s3], [sflag:s2] =	dma.local @!p0 [hbm:s0], s1  }
0xec: {  	s0 =	simm.s32 @!p0 $0x15  }
0xed: {  	_ =	swait.ge @!p0 [sflag:s0], s1  }
0xee: {  	s1 =	ssub.s32 @!p0 $0x0, s1;
	[sflag:s0] =	ssyncset.done @!p0 $0x0  }
0xef: {  	[sflag:s0] =	ssyncadd.s32 @!p0 s1  }
0xf0: {  	[bflag:$0x3] =	sbarrier.arrive $0xFFFF  }
0xf1: {  	_ =	shalt  }

</sc_bundles>
